<compile_context>
chip_gen: v7x
topology: tpu7x:2x2x1
jax: 0.10.2.dev20260603
libtpu: 0.0.44.dev20260713+nightly
codegen_flags: <defaults>
</compile_context>

<pallas_src>
import dataclasses
import functools

import jax
import jax.numpy as jnp
from jax import lax
from jax.experimental import pallas as pl
from jax.experimental.pallas import tpu as pltpu
from jax.experimental.pallas import tpu_sc as plsc

N = 10000
E = 160000
DIM = 128
EP = 163840
GW = 128
BN = 1024
BE = 4096
NHALF = N // 2
N2 = 10240
ACC_R = 5120
TRASH = 5100
CH = 128


def _silu(v):
    return v * jax.nn.sigmoid(v)


def _sc_compiler_params():
    cp = pltpu.CompilerParams()
    if "needs_layout_passes" in pltpu.CompilerParams.__dataclass_fields__:
        cp = dataclasses.replace(cp, needs_layout_passes=False)
    return cp



def _ab_body(xh_ref, w1a_ref, w1b_ref, b1_ref, a_ref, b_ref):
    xh = xh_ref[...]
    a_ref[...] = jnp.dot(xh, w1a_ref[...], preferred_element_type=jnp.float32)
    b_ref[...] = (jnp.dot(xh, w1b_ref[...], preferred_element_type=jnp.float32)
                  + b1_ref[...])


def _stage_ab(xh2p, w1a, w1b, b1):
    bt = 1024
    return pl.pallas_call(
        _ab_body,
        grid=(N2 // bt,),
        in_specs=[
            pl.BlockSpec((bt, DIM), lambda i: (i, 0)),
            pl.BlockSpec((DIM, DIM), lambda i: (0, 0)),
            pl.BlockSpec((DIM, DIM), lambda i: (0, 0)),
            pl.BlockSpec((1, DIM), lambda i: (0, 0)),
        ],
        out_specs=[
            pl.BlockSpec((bt, DIM), lambda i: (i, 0)),
            pl.BlockSpec((bt, DIM), lambda i: (i, 0)),
        ],
        out_shape=[
            jax.ShapeDtypeStruct((N2, DIM), jnp.float32),
            jax.ShapeDtypeStruct((N2, DIM), jnp.float32),
        ],
    )(xh2p, w1a, w1b, b1)



XT_R = 235


def _stage_gather(a, b, xflat, idx0, idx1):
    mesh = plsc.VectorSubcoreMesh(core_axis_name="core",
                                  subcore_axis_name="subcore")

    @functools.partial(
        pl.kernel,
        out_type=[
            jax.ShapeDtypeStruct((EP, DIM), jnp.float32),
            jax.ShapeDtypeStruct((EP, 16), jnp.float32),
        ],
        mesh=mesh,
        scratch_types=[
            pltpu.VMEM((GW // 2, DIM), jnp.float32),
            pltpu.VMEM((GW // 2, DIM), jnp.float32),
            pltpu.VMEM((GW // 2, DIM), jnp.float32),
            pltpu.VMEM((GW // 2, DIM), jnp.float32),
            pltpu.VMEM((XT_R, 128), jnp.float32),
            pltpu.SemaphoreType.DMA,
            pltpu.SemaphoreType.DMA,
        ],
        compiler_params=_sc_compiler_params(),
    )
    def k(a_hbm, b_hbm, x_hbm, i0_hbm, i1_hbm, z_hbm, rd_hbm,
          ga0, gb0, ga1, gb1, xt, sga, sgb):
        pltpu.sync_copy(x_hbm, xt)

        def body(i0_v, i1_v, z_v, rd_v):
            def gissue(hs, ga, gb):
                pltpu.async_copy(
                    a_hbm.at[i0_v.at[0, pl.ds(hs, GW // 2)]], ga, sga)
                pltpu.async_copy(
                    b_hbm.at[i1_v.at[0, pl.ds(hs, GW // 2)]], gb, sgb)

            def gdrain(hs, ga, gb):
                pltpu.make_async_copy(
                    a_hbm.at[i0_v.at[0, pl.ds(hs, GW // 2)]], ga, sga).wait()
                pltpu.make_async_copy(
                    b_hbm.at[i1_v.at[0, pl.ds(hs, GW // 2)]], gb, sgb).wait()

            def rdcomp(hs):
                @pl.loop(0, GW // 32)
                def _(g):
                    e0 = hs + g * 16
                    i0 = i0_v[0, pl.ds(e0, 16)]
                    i1 = i1_v[0, pl.ds(e0, 16)]
                    rows = lax.iota(jnp.int32, 16) + e0
                    d = []
                    for c in range(3):
                        f0 = i0 * 3 + c
                        f1 = i1 * 3 + c
                        v0 = plsc.load_gather(xt, [f0 >> 7, f0 & 127])
                        v1 = plsc.load_gather(xt, [f1 >> 7, f1 & 127])
                        d.append(v0 - v1)
                    qsq = d[0] * d[0] + d[1] * d[1] + d[2] * d[2]
                    i32 = jnp.int32(0x5f3759df) - (plsc.bitcast(qsq, jnp.int32) >> 1)
                    y = plsc.bitcast(i32, jnp.float32)
                    for _ in range(3):
                        y = y * (1.5 - 0.5 * qsq * y * y)
                    for c in range(3):
                        dn = d[c] * y
                        plsc.store_scatter(
                            rd_v, [rows, jnp.full((16,), c, jnp.int32)], dn)
                    plsc.store_scatter(
                        rd_v, [rows, jnp.full((16,), 3, jnp.int32)], qsq)

            def zadd(hs, ga, gb):
                @pl.loop(0, GW // 2)
                def _(r):
                    for c in range(DIM // 16):
                        sl = pl.ds(c * 16, 16)
                        z_v[hs + r, sl] = ga[r, sl] + gb[r, sl]

            h1 = GW // 2
            gissue(0, ga0, gb0)
            rdcomp(0)
            gdrain(0, ga0, gb0)
            gissue(h1, ga1, gb1)
            rdcomp(h1)
            zadd(0, ga0, gb0)
            gdrain(h1, ga1, gb1)
            zadd(h1, ga1, gb1)

        pltpu.emit_pipeline(
            body,
            grid=(EP // GW,),
            in_specs=[
                pl.BlockSpec((1, GW), lambda i: (0, i)),
                pl.BlockSpec((1, GW), lambda i: (0, i)),
            ],
            out_specs=[
                pl.BlockSpec((GW, DIM), lambda i: (i, 0)),
                pl.BlockSpec((GW, 16), lambda i: (i, 0)),
            ],
            core_axis_name=("core", "subcore"),
            dimension_semantics=(pltpu.PARALLEL,),
        )(i0_hbm, i1_hbm, z_hbm, rd_hbm)

    return k(a, b, xflat, idx0, idx1)



def _edge_body(z_ref, rd_ref, w0_ref, idx_ref, p0_ref, p1_ref, p2_ref,
               ie_ref):
    z = z_ref[...]
    rd = rd_ref[...]
    d = rd[:, 0:3]
    qsq = rd[:, 3:4]
    zz = z + qsq * w0_ref[...]
    h = _silu(zz)
    p0_ref[...] = h * d[:, 0:1]
    p1_ref[...] = h * d[:, 1:2]
    p2_ref[...] = h * d[:, 2:3]
    idx = idx_ref[...]
    in0 = (idx >= 0) & (idx < NHALF)
    in1 = (idx >= NHALF) & (idx < N)
    ie_ref[0] = jnp.where(in0, idx, TRASH)
    ie_ref[1] = jnp.where(in1, idx - NHALF, TRASH)


def _stage_edge(z, rd, w0, idx0s):
    ieb = pl.BlockSpec((2, BE // 128, 128), lambda i: (0, i, 0))
    ies = jax.ShapeDtypeStruct((2, EP // 128, 128), jnp.int32)
    return pl.pallas_call(
        _edge_body,
        grid=(EP // BE,),
        in_specs=[
            pl.BlockSpec((BE, DIM), lambda i: (i, 0)),
            pl.BlockSpec((BE, 16), lambda i: (i, 0)),
            pl.BlockSpec((1, DIM), lambda i: (0, 0)),
            pl.BlockSpec((BE // 128, 128), lambda i: (i, 0)),
        ],
        out_specs=[
            pl.BlockSpec((BE, DIM), lambda i: (i, 0)),
            pl.BlockSpec((BE, DIM), lambda i: (i, 0)),
            pl.BlockSpec((BE, DIM), lambda i: (i, 0)),
            ieb,
        ],
        out_shape=[
            jax.ShapeDtypeStruct((EP, DIM), jnp.float32),
            jax.ShapeDtypeStruct((EP, DIM), jnp.float32),
            jax.ShapeDtypeStruct((EP, DIM), jnp.float32),
            ies,
        ],
    )(z, rd, w0, idx0s)



def _stage_scatter(p0, p1, p2, rd, ie):
    mesh = plsc.VectorSubcoreMesh(core_axis_name="core",
                                  subcore_axis_name="subcore")
    ck = CH
    n_chunks = EP // (16 * ck)

    @functools.partial(
        pl.kernel,
        out_type=[
            jax.ShapeDtypeStruct((N2, DIM), jnp.float32),
            jax.ShapeDtypeStruct((N2, DIM), jnp.float32),
            jax.ShapeDtypeStruct((N2, DIM), jnp.float32),
            jax.ShapeDtypeStruct((2, 64, ACC_R), jnp.float32),
        ],
        mesh=mesh,
        scratch_types=[
            pltpu.VMEM((CH, DIM), jnp.float32),
            pltpu.VMEM((CH, DIM), jnp.float32),
            pltpu.VMEM((CH, 16), jnp.float32),
            pltpu.VMEM((1, CH), jnp.int32),
            pltpu.VMEM((1, CH), jnp.int32),
            pltpu.VMEM((4, ACC_R), jnp.float32),
            pltpu.VMEM((16, DIM), jnp.float32),
            pltpu.VMEM((40, DIM), jnp.float32),
            pltpu.VMEM_SHARED((ACC_R, DIM), jnp.float32),
            pltpu.SemaphoreType.DMA,
            pltpu.SemaphoreType.DMA,
        ],
        compiler_params=_sc_compiler_params(),
    )
    def k(p0_h, p1_h, p2_h, rd_h, ie_h, s0_h, s1_h, s2_h, dsp_h,
          pba, pbb, rdb, iba, ibb, priv, zb, db, acc, sema, semb):
        c = lax.axis_index("core")
        s = lax.axis_index("subcore")

        @pl.loop(0, 16)
        def _(r):
            for cc in range(DIM // 16):
                zb[r, pl.ds(cc * 16, 16)] = jnp.zeros((16,), jnp.float32)

        @pl.loop(0, 4)
        def _(r):
            @pl.loop(0, ACC_R // 16)
            def _(j):
                priv[r, pl.ds(j * 16, 16)] = jnp.zeros((16,), jnp.float32)

        for kpass, (p_h, s_h) in enumerate(
                ((p0_h, s0_h), (p1_h, s1_h), (p2_h, s2_h))):

            @pl.loop(0, 20)
            def _(t):
                ro = s * 320 + t * 16
                pltpu.sync_copy(zb, acc.at[pl.ds(ro, 16)])

            plsc.subcore_barrier()

            def issue(t, pb_, ib_, sem):
                base = (s * n_chunks + t) * ck
                pltpu.async_copy(ie_h.at[c, pl.ds(base, CH)], ib_.at[0], sem)
                pltpu.async_copy(p_h.at[pl.ds(base, ck)], pb_, sem)

            def drain(t, pb_, ib_, sem):
                base = (s * n_chunks + t) * ck
                pltpu.make_async_copy(ie_h.at[c, pl.ds(base, CH)], ib_.at[0],
                                      sem).wait()
                pltpu.make_async_copy(p_h.at[pl.ds(base, ck)], pb_, sem).wait()

            def scat(pb_, ib_):
                pltpu.sync_copy(pb_, acc.at[ib_.at[0]], add=True)

            def accum_d(t, ib_):
                if kpass != 0:
                    return
                base = (s * n_chunks + t) * ck
                pltpu.sync_copy(rd_h.at[pl.ds(base, ck)], rdb)

                @pl.loop(0, ck // 16)
                def _(g):
                    iloc = ib_[0, pl.ds(g * 16, 16)]
                    rows = lax.iota(jnp.int32, 16) + g * 16
                    for cc in range(3):
                        dc = plsc.load_gather(
                            rdb, [rows, jnp.full((16,), cc, jnp.int32)])
                        plsc.addupdate_scatter(
                            priv, [jnp.full((16,), cc, jnp.int32), iloc], dc)
                    plsc.addupdate_scatter(
                        priv, [jnp.full((16,), 3, jnp.int32), iloc],
                        jnp.full((16,), 1.0, jnp.float32))

            issue(0, pba, iba, sema)

            @pl.loop(0, n_chunks, step=2)
            def _(t):
                issue(t + 1, pbb, ibb, semb)
                drain(t, pba, iba, sema)
                scat(pba, iba)
                accum_d(t, iba)

                @pl.when(t + 2 < n_chunks)
                def _():
                    issue(t + 2, pba, iba, sema)

                drain(t + 1, pbb, ibb, semb)
                scat(pbb, ibb)
                accum_d(t + 1, ibb)

            plsc.subcore_barrier()

            @pl.loop(0, 8)
            def _(t):
                cidx = s + t * 16

                @pl.when(cidx < NHALF // 40)
                def _():
                    ro = cidx * 40
                    pltpu.sync_copy(acc.at[pl.ds(ro, 40)], db)
                    pltpu.sync_copy(db, s_h.at[pl.ds(c * NHALF + ro, 40)])

            plsc.subcore_barrier()

        pltpu.sync_copy(priv, dsp_h.at[c, pl.ds(s * 4, 4)])

    return k(p0, p1, p2, rd, ie.reshape(2, EP))



def _final_body(xh_ref, s0_ref, s1_ref, s2_ref, dsp_ref, sel_ref, w2_ref,
                b2_ref,
                n1w1_ref, n1b1_ref, n1w2_ref, n1b2_ref,
                n2w1_ref, n2b1_ref, n2w2_ref, n2b2_ref,
                n3w1a_ref, n3w1b_ref, n3b1_ref, n3w2_ref, n3b2_ref,
                xo_ref, nh_ref, nrm_ref):
    xh = xh_ref[...]
    sd = lax.dot_general(dsp_ref[...], sel_ref[...],
                         (((0,), (0,)), ((), ())),
                         preferred_element_type=jnp.float32)
    deg = sd[:, 3:4]
    inv = 1.0 / jnp.maximum(deg, 1.0)
    w2 = w2_ref[...]
    b2 = b2_ref[...]
    means = []
    for k, s_ref in enumerate((s0_ref, s1_ref, s2_ref)):
        sk = s_ref[...]
        mk = (jnp.dot(sk, w2, preferred_element_type=jnp.float32)
              + b2 * sd[:, k:k+1]) * inv
        means.append(mk)
    nrm = jnp.sqrt(means[0] * means[0] + means[1] * means[1]
                   + means[2] * means[2])
    nrm_ref[...] = nrm
    t1 = _silu(jnp.dot(xh, n1w1_ref[...], preferred_element_type=jnp.float32)
               + n1b1_ref[...])
    o1 = jnp.dot(t1, n1w2_ref[...], preferred_element_type=jnp.float32) + n1b2_ref[...]
    cols = []
    for k in range(3):
        u = _silu(jnp.dot(means[k], n2w1_ref[...],
                          preferred_element_type=jnp.float32) + n2b1_ref[...])
        cols.append(jnp.dot(u, n2w2_ref[...],
                            preferred_element_type=jnp.float32) + n2b2_ref[...])
    xo_ref[...] = o1 + jnp.concatenate(cols, axis=1)
    g = _silu(jnp.dot(xh, n3w1a_ref[...], preferred_element_type=jnp.float32)
              + jnp.dot(nrm, n3w1b_ref[...], preferred_element_type=jnp.float32)
              + n3b1_ref[...])
    nh_ref[...] = (jnp.dot(g, n3w2_ref[...], preferred_element_type=jnp.float32)
                   + n3b2_ref[...])


def _stage_final(xh2, s0, s1, s2, dsp, sel, w2, b2, n1w1, n1b1, n1w2, n1b2,
                 n2w1, n2b1, n2w2, n2b2, n3w1a, n3w1b, n3b1, n3w2, n3b2):
    full = lambda r, c: pl.BlockSpec((r, c), lambda i: (0, 0))
    blk = lambda c: pl.BlockSpec((BN, c), lambda i: (i, 0))
    return pl.pallas_call(
        _final_body,
        grid=(N2 // BN,),
        in_specs=[
            blk(DIM), blk(DIM), blk(DIM), blk(DIM),
            pl.BlockSpec((64, BN), lambda i: (0, i)),
            full(64, 4),
            full(DIM, DIM), full(1, DIM),
            full(DIM, DIM), full(1, DIM), full(DIM, 3), full(1, 3),
            full(DIM, DIM), full(1, DIM), full(DIM, 1), full(1, 1),
            full(DIM, DIM), full(DIM, DIM), full(1, DIM), full(DIM, DIM),
            full(1, DIM),
        ],
        out_specs=[blk(3), blk(DIM), blk(DIM)],
        out_shape=[
            jax.ShapeDtypeStruct((N2, 3), jnp.float32),
            jax.ShapeDtypeStruct((N2, DIM), jnp.float32),
            jax.ShapeDtypeStruct((N2, DIM), jnp.float32),
        ],
    )(xh2, s0, s1, s2, dsp, sel, w2, b2, n1w1, n1b1, n1w2, n1b2,
      n2w1, n2b1, n2w2, n2b2, n3w1a, n3w1b, n3b1, n3w2, n3b2)



def kernel(x, xh, e, sc_W1, sc_b1, sc_W2, sc_b2, n1_W1, n1_b1, n1_W2, n1_b2,
           n2_W1, n2_b1, n2_W2, n2_b2, n3_W1, n3_b1, n3_W2, n3_b2):
    x2 = x[0]
    xh2 = xh[0]
    w0 = sc_W1[0:1]
    w1a = sc_W1[1:1+DIM]
    w1b = sc_W1[1+DIM:]
    b1 = sc_b1.reshape(1, DIM)

    xh2p = jnp.pad(xh2, ((0, N2 - N), (0, 0)))
    a, b = _stage_ab(xh2p, w1a, w1b, b1)

    xflat = jnp.pad(x2.reshape(3 * N), (0, XT_R * 128 - 3 * N)).reshape(XT_R, 128)
    pad = EP - E
    idx0 = e[0]
    idx1 = e[1]
    idx0g = jnp.pad(idx0, (0, pad), constant_values=N).reshape(1, EP)
    idx1g = jnp.pad(idx1, (0, pad), constant_values=N).reshape(1, EP)
    idx0s = jnp.pad(idx0, (0, pad), constant_values=-1).reshape(EP // 128, 128)
    sel = jnp.tile(jnp.eye(4, dtype=jnp.float32), (16, 1))

    z, rd = _stage_gather(a, b, xflat, idx0g, idx1g)
    p0, p1, p2, ie = _stage_edge(z, rd, w0, idx0s)
    s0, s1, s2, dsp = _stage_scatter(p0, p1, p2, rd, ie)
    dspp = jnp.pad(
        jnp.concatenate([dsp[0, :, :NHALF], dsp[1, :, :NHALF]], axis=1),
        ((0, 0), (0, N2 - N)))

    xo, nh, nrm = _stage_final(
        xh2p, s0, s1, s2, dspp, sel, sc_W2, sc_b2.reshape(1, DIM),
        n1_W1, n1_b1.reshape(1, DIM), n1_W2, n1_b2.reshape(1, 3),
        n2_W1, n2_b1.reshape(1, DIM), n2_W2, n2_b2.reshape(1, 1),
        n3_W1[:DIM], n3_W1[DIM:], n3_b1.reshape(1, DIM),
        n3_W2, n3_b2.reshape(1, DIM))

    return (xo[:N][None], nh[:N][None], nrm[:N][None])

# --- scband reference (transcript-rebuilt; emitter-appended) ---
"""Pipeline reference for scband-local-update-layer-32822140076359 (READ-ONLY COPY).

The authoritative reference and input builder live on the scoring server;
editing this copy changes nothing except your own understanding.
"""

import jax, jax.numpy as jnp
import numpy as np

C, N, E, DIM = 1, 10000, 160000, 128

def _init_linear(key, fan_in, fan_out):
    kw, kb = jax.random.split(key)
    bound = 1.0 / np.sqrt(fan_in)
    W = jax.random.uniform(kw, (fan_in, fan_out), jnp.float32, -bound, bound)
    b = jax.random.uniform(kb, (fan_out,), jnp.float32, -bound, bound)
    return W, b

def _mlp(x, W1, b1, W2, b2):
    h = jax.nn.silu(x @ W1 + b1)
    return h @ W2 + b2

def setup_inputs(seed: int = 0):
    key = jax.random.key(seed)
    ks = jax.random.split(key, 12)
    x = jax.random.normal(ks[0], (C, N, 3), jnp.float32)
    xh = jax.random.normal(ks[1], (C, N, DIM), jnp.float32)
    idx0 = jax.random.randint(ks[2], (E,), 0, N)
    off = jax.random.randint(ks[3], (E,), 1, N)
    idx1 = (idx0 + off) % N  # avoid self-loops (zero rij -> NaN in dir normalization)
    e = jnp.stack([idx0, idx1]).astype(jnp.int32)
    sc_W1, sc_b1 = _init_linear(ks[4], 2 * DIM + 1, DIM)
    sc_W2, sc_b2 = _init_linear(ks[5], DIM, DIM)
    n1_W1, n1_b1 = _init_linear(ks[6], DIM, DIM)
    n1_W2, n1_b2 = _init_linear(ks[7], DIM, 3)
    n2_W1, n2_b1 = _init_linear(ks[8], DIM, DIM)
    n2_W2, n2_b2 = _init_linear(ks[9], DIM, 1)
    n3_W1, n3_b1 = _init_linear(ks[10], 2 * DIM, DIM)
    n3_W2, n3_b2 = _init_linear(ks[11], DIM, DIM)
    return {"x": x, "xh": xh, "e": e,
            "sc_W1": sc_W1, "sc_b1": sc_b1, "sc_W2": sc_W2, "sc_b2": sc_b2,
            "n1_W1": n1_W1, "n1_b1": n1_b1, "n1_W2": n1_W2, "n1_b2": n1_b2,
            "n2_W1": n2_W1, "n2_b1": n2_b1, "n2_W2": n2_W2, "n2_b2": n2_b2,
            "n3_W1": n3_W1, "n3_b1": n3_b1, "n3_W2": n3_W2, "n3_b2": n3_b2}

def reference(x, xh, e, sc_W1, sc_b1, sc_W2, sc_b2, n1_W1, n1_b1, n1_W2, n1_b2, n2_W1, n2_b1, n2_W2, n2_b2, n3_W1, n3_b1, n3_W2, n3_b2):
    idx0 = e[0]
    idx1 = e[1]
    rij = x[:, idx0, :] - x[:, idx1, :]                              # [C,E,3]
    hij = jnp.concatenate([xh[:, idx0, :], xh[:, idx1, :]], axis=-1)  # [C,E,2*DIM]
    dirv = rij / jnp.linalg.norm(rij, axis=-1, keepdims=True)
    scalar = jnp.concatenate([jnp.sum(rij ** 2, axis=-1, keepdims=True), hij], axis=-1)  # [C,E,2*DIM+1]
    mij = _mlp(scalar, sc_W1, sc_b1, sc_W2, sc_b2)                    # [C,E,DIM]
    mij = mij[..., :, None] * dirv[..., None, :]                      # [C,E,DIM,3]
    summed = jnp.zeros((C, N, DIM, 3), mij.dtype).at[:, idx0].add(mij)
    count = jnp.zeros((C, N, DIM, 3), mij.dtype).at[:, idx0].add(jnp.ones_like(mij))
    new_xh_nb = summed / jnp.maximum(count, 1.0)                      # mean aggregation
    new_xh_nb_norm = jnp.linalg.norm(new_xh_nb, axis=-1)              # [C,N,DIM]
    x_out = _mlp(xh, n1_W1, n1_b1, n1_W2, n1_b2) + jnp.squeeze(_mlp(jnp.swapaxes(new_xh_nb, -2, -1), n2_W1, n2_b1, n2_W2, n2_b2))
    new_h = _mlp(jnp.concatenate([xh, new_xh_nb_norm], axis=-1), n3_W1, n3_b1, n3_W2, n3_b2)
    return (x_out, new_h, new_xh_nb_norm)

if __name__ == "__main__":
    import jax
    _d = setup_inputs()
    print(jax.jit(kernel)(*tuple(_d.values())))

</pallas_src>

<mosaic_0001>
#map = affine_map<(d0, d1) -> (0, 0)>
module attributes {stable_mosaic.version = 14 : i64} {
  func.func @k(%arg0: i32, %arg1: i32, %arg2: memref<10240x128xf32, #tpu.memory_space<hbm>>, %arg3: memref<10240x128xf32, #tpu.memory_space<hbm>>, %arg4: memref<235x128xf32, #tpu.memory_space<hbm>>, %arg5: memref<1x163840xi32, #tpu.memory_space<hbm>>, %arg6: memref<1x163840xi32, #tpu.memory_space<hbm>>, %arg7: memref<163840x128xf32, #tpu.memory_space<hbm>>, %arg8: memref<163840x16xf32, #tpu.memory_space<hbm>>, %arg9: memref<64x128xf32, #tpu.memory_space<vmem>>, %arg10: memref<64x128xf32, #tpu.memory_space<vmem>>, %arg11: memref<64x128xf32, #tpu.memory_space<vmem>>, %arg12: memref<64x128xf32, #tpu.memory_space<vmem>>, %arg13: memref<235x128xf32, #tpu.memory_space<vmem>>, %arg14: memref<!tpu.dma_semaphore, #tpu.memory_space<semaphore_mem>>, %arg15: memref<!tpu.dma_semaphore, #tpu.memory_space<semaphore_mem>>) attributes {dimension_semantics = [#tpu.dimension_semantics<core_parallel>, #tpu.dimension_semantics<subcore_parallel>], iteration_bounds = array<i64: 2, 16>, scalar_prefetch = 0 : i64, scratch_operands = 7 : i64, tpu.core_type = #tpu.core_type<sc_vector_subcore>, window_params = [{transform_indices = #map}, {transform_indices = #map}, {transform_indices = #map}, {transform_indices = #map}, {transform_indices = #map}, {transform_indices = #map}, {transform_indices = #map}]} {
    "tpu.region"() ({
      %run_scoped3A = tpu.sem_alloc : memref<!tpu.dma_semaphore, #tpu.memory_space<semaphore_mem>>
      tpu.enqueue_dma source(%arg4 : memref<235x128xf32, #tpu.memory_space<hbm>>) target(%arg13 : memref<235x128xf32, #tpu.memory_space<vmem>>) target_semaphore(%run_scoped3A : memref<!tpu.dma_semaphore, #tpu.memory_space<semaphore_mem>>)
      tpu.wait_dma2 semaphore(%run_scoped3A : memref<!tpu.dma_semaphore, #tpu.memory_space<semaphore_mem>>) src(%arg4 : memref<235x128xf32, #tpu.memory_space<hbm>>) dst(%arg13 : memref<235x128xf32, #tpu.memory_space<vmem>>)
      tpu.yield
    }) : () -> ()
    %mul3A = arith.constant 1 : i32
    %mul3A_0 = arith.muli %arg1, %mul3A : i32
    %add3A = arith.constant 0 : i32
    %add3A_1 = arith.addi %add3A, %mul3A_0 : i32
    %mul3A_2 = arith.constant 16 : i32
    %mul3A_3 = arith.muli %arg0, %mul3A_2 : i32
    %add3A_4 = arith.addi %add3A_1, %mul3A_3 : i32
    %mul3A_5 = arith.constant 40 : i32
    %mul3A_6 = arith.muli %add3A_4, %mul3A_5 : i32
    "tpu.region"() ({
      %run_scoped3A = memref.alloca() : memref<2x1x128xi32, #tpu.memory_space<vmem>>
      %run_scoped3A_7 = tpu.sem_alloc : memref<2x!tpu.dma_semaphore, #tpu.memory_space<semaphore_mem>>
      %run_scoped3A_8 = memref.alloca() : memref<2x1x128xi32, #tpu.memory_space<vmem>>
      %run_scoped3A_9 = tpu.sem_alloc : memref<2x!tpu.dma_semaphore, #tpu.memory_space<semaphore_mem>>
      %run_scoped3A_10 = memref.alloca() : memref<2x128x128xf32, #tpu.memory_space<vmem>>
      %run_scoped3A_11 = tpu.sem_alloc : memref<2x!tpu.dma_semaphore, #tpu.memory_space<semaphore_mem>>
      %run_scoped3A_12 = memref.alloca() : memref<2x128x16xf32, #tpu.memory_space<vmem>>
      %run_scoped3A_13 = tpu.sem_alloc : memref<2x!tpu.dma_semaphore, #tpu.memory_space<semaphore_mem>>
      %add3A_14 = arith.constant 0 : i32
      %add3A_15 = arith.addi %add3A_14, %mul3A_6 : i32
      %select_n3A = arith.constant true
      %select_n3A_16 = arith.constant 0 : i32
      %select_n3A_17 = arith.constant -1 : i32
      %select_n3A_18 = arith.select %select_n3A, %select_n3A_17, %select_n3A_16 : i32
      %eq3A = arith.constant -1 : i32
      %eq3A_19 = arith.cmpi eq, %select_n3A_18, %eq3A : i32
      %select_n3A_20 = arith.constant 39 : i32
      %select_n3A_21 = arith.select %eq3A_19, %select_n3A_20, %select_n3A_18 : i32
      %add3A_22 = arith.addi %select_n3A_21, %mul3A_6 : i32
      %select_n3A_23 = arith.constant true
      %select_n3A_24 = arith.constant 0 : i32
      %select_n3A_25 = arith.constant 1 : i32
      %select_n3A_26 = arith.select %select_n3A_23, %select_n3A_25, %select_n3A_24 : i32
      %eq3A_27 = arith.constant 40 : i32
      %eq3A_28 = arith.cmpi eq, %select_n3A_26, %eq3A_27 : i32
      %select_n3A_29 = arith.constant 0 : i32
      %select_n3A_30 = arith.select %eq3A_28, %select_n3A_29, %select_n3A_26 : i32
      %add3A_31 = arith.addi %select_n3A_30, %mul3A_6 : i32
      %add3A_32 = arith.constant 1 : i32
      %add3A_33 = arith.addi %select_n3A_30, %add3A_32 : i32
      %select_n3A_34 = arith.constant true
      %select_n3A_35 = arith.select %select_n3A_34, %add3A_33, %select_n3A_30 : i32
      %eq3A_36 = arith.constant 40 : i32
      %eq3A_37 = arith.cmpi eq, %select_n3A_35, %eq3A_36 : i32
      %select_n3A_38 = arith.constant 0 : i32
      %select_n3A_39 = arith.select %eq3A_37, %select_n3A_38, %select_n3A_35 : i32
      %add3A_40 = arith.addi %select_n3A_39, %mul3A_6 : i32
      "tpu.trace_start"() <{level = 10 : i32, message = "ep_initialize_0"}> : () -> ()
      %rem3A = arith.constant 0 : i32
      %rem3A_41 = arith.constant 2 : i32
      %rem3A_42 = arith.remui %rem3A, %rem3A_41 : i32
      %mul3A_43 = arith.constant 128 : i32
      %mul3A_44 = arith.muli %mul3A_43, %add3A_15 : i32
      %dma_start3A = arith.constant 0 : i32
      %dma_start3A_45 = arith.constant 0 : i32
      %dma_start3A_46 = tpu.memref_slice %run_scoped3A[%rem3A_42, %dma_start3A, %dma_start3A_45] : memref<2x1x128xi32, #tpu.memory_space<vmem>> -> memref<1x1x128xi32, #tpu.memory_space<vmem>>
      %dma_start3A_47 = tpu.memref_squeeze %dma_start3A_46 : memref<1x1x128xi32, #tpu.memory_space<vmem>> -> memref<1x128xi32, #tpu.memory_space<vmem>>
      %dma_start3A_48 = arith.constant 0 : i32
      %dma_start3A_49 = tpu.memref_slice %arg5[%dma_start3A_48, %mul3A_44] : memref<1x163840xi32, #tpu.memory_space<hbm>> -> memref<1x128xi32, #tpu.memory_space<hbm>>
      %dma_start3A_50 = tpu.memref_slice %run_scoped3A_7[%rem3A_42] : memref<2x!tpu.dma_semaphore, #tpu.memory_space<semaphore_mem>> -> memref<1x!tpu.dma_semaphore, #tpu.memory_space<semaphore_mem>>
      %dma_start3A_51 = tpu.memref_squeeze %dma_start3A_50 : memref<1x!tpu.dma_semaphore, #tpu.memory_space<semaphore_mem>> -> memref<!tpu.dma_semaphore, #tpu.memory_space<semaphore_mem>>
      %dma_start3A_52 = arith.constant 0 : i32
      %dma_start3A_53 = arith.constant 0 : i32
      %dma_start3A_54 = tpu.memref_slice %run_scoped3A[%rem3A_42, %dma_start3A_52, %dma_start3A_53] : memref<2x1x128xi32, #tpu.memory_space<vmem>> -> memref<1x1x128xi32, #tpu.memory_space<vmem>>
      %dma_start3A_55 = tpu.memref_squeeze %dma_start3A_54 : memref<1x1x128xi32, #tpu.memory_space<vmem>> -> memref<1x128xi32, #tpu.memory_space<vmem>>
      %dma_start3A_56 = arith.constant 0 : i32
      %dma_start3A_57 = tpu.memref_slice %arg5[%dma_start3A_56, %mul3A_44] : memref<1x163840xi32, #tpu.memory_space<hbm>> -> memref<1x128xi32, #tpu.memory_space<hbm>>
      tpu.enqueue_dma source(%dma_start3A_57 : memref<1x128xi32, #tpu.memory_space<hbm>>) target(%dma_start3A_55 : memref<1x128xi32, #tpu.memory_space<vmem>>) target_semaphore(%dma_start3A_51 : memref<!tpu.dma_semaphore, #tpu.memory_space<semaphore_mem>>)
      %add3A_58 = arith.constant 0 : i32
      %add3A_59 = arith.constant 1 : i32
      %add3A_60 = arith.addi %add3A_58, %add3A_59 : i32
      %select_n3A_61 = arith.constant true
      %select_n3A_62 = arith.constant 0 : i32
      %select_n3A_63 = arith.select %select_n3A_61, %add3A_60, %select_n3A_62 : i32
      %rem3A_64 = arith.constant 0 : i32
      %rem3A_65 = arith.constant 2 : i32
      %rem3A_66 = arith.remui %rem3A_64, %rem3A_65 : i32
      %mul3A_67 = arith.constant 128 : i32
      %mul3A_68 = arith.muli %mul3A_67, %add3A_15 : i32
      %dma_start3A_69 = arith.constant 0 : i32
      %dma_start3A_70 = arith.constant 0 : i32
      %dma_start3A_71 = tpu.memref_slice %run_scoped3A_8[%rem3A_66, %dma_start3A_69, %dma_start3A_70] : memref<2x1x128xi32, #tpu.memory_space<vmem>> -> memref<1x1x128xi32, #tpu.memory_space<vmem>>
      %dma_start3A_72 = tpu.memref_squeeze %dma_start3A_71 : memref<1x1x128xi32, #tpu.memory_space<vmem>> -> memref<1x128xi32, #tpu.memory_space<vmem>>
      %dma_start3A_73 = arith.constant 0 : i32
      %dma_start3A_74 = tpu.memref_slice %arg6[%dma_start3A_73, %mul3A_68] : memref<1x163840xi32, #tpu.memory_space<hbm>> -> memref<1x128xi32, #tpu.memory_space<hbm>>
      %dma_start3A_75 = tpu.memref_slice %run_scoped3A_9[%rem3A_66] : memref<2x!tpu.dma_semaphore, #tpu.memory_space<semaphore_mem>> -> memref<1x!tpu.dma_semaphore, #tpu.memory_space<semaphore_mem>>
      %dma_start3A_76 = tpu.memref_squeeze %dma_start3A_75 : memref<1x!tpu.dma_semaphore, #tpu.memory_space<semaphore_mem>> -> memref<!tpu.dma_semaphore, #tpu.memory_space<semaphore_mem>>
      %dma_start3A_77 = arith.constant 0 : i32
      %dma_start3A_78 = arith.constant 0 : i32
      %dma_start3A_79 = tpu.memref_slice %run_scoped3A_8[%rem3A_66, %dma_start3A_77, %dma_start3A_78] : memref<2x1x128xi32, #tpu.memory_space<vmem>> -> memref<1x1x128xi32, #tpu.memory_space<vmem>>
      %dma_start3A_80 = tpu.memref_squeeze %dma_start3A_79 : memref<1x1x128xi32, #tpu.memory_space<vmem>> -> memref<1x128xi32, #tpu.memory_space<vmem>>
      %dma_start3A_81 = arith.constant 0 : i32
      %dma_start3A_82 = tpu.memref_slice %arg6[%dma_start3A_81, %mul3A_68] : memref<1x163840xi32, #tpu.memory_space<hbm>> -> memref<1x128xi32, #tpu.memory_space<hbm>>
      tpu.enqueue_dma source(%dma_start3A_82 : memref<1x128xi32, #tpu.memory_space<hbm>>) target(%dma_start3A_80 : memref<1x128xi32, #tpu.memory_space<vmem>>) target_semaphore(%dma_start3A_76 : memref<!tpu.dma_semaphore, #tpu.memory_space<semaphore_mem>>)
      %add3A_83 = arith.constant 0 : i32
      %add3A_84 = arith.constant 1 : i32
      %add3A_85 = arith.addi %add3A_83, %add3A_84 : i32
      %select_n3A_86 = arith.constant true
      %select_n3A_87 = arith.constant 0 : i32
      %select_n3A_88 = arith.select %select_n3A_86, %add3A_85, %select_n3A_87 : i32
      "tpu.trace_stop"() : () -> ()
      %scan3A = arith.constant 0 : i32
      %scan3A_89 = arith.constant 0 : i32
      %scan3A_90 = arith.constant 0 : i32
      %scan3A_91 = arith.constant 0 : i32
      %scan3A_92 = arith.constant 0 : i32
      %scan3A_93 = arith.constant 0 : i32
      %scan3A_94 = arith.constant 0 : i32
      %scan3A_95 = arith.constant 0 : i32
      %scan3A_96 = arith.constant 40 : i32
      %scan3A_97 = arith.addi %scan3A_95, %scan3A_96 : i32
      %scan3A_98 = arith.constant 1 : i32
      %scan3A_99:9 = scf.for %scan3A_171 = %scan3A_95 to %scan3A_97 step %scan3A_98 iter_args(%scan3A_172 = %select_n3A_63, %scan3A_173 = %scan3A, %scan3A_174 = %select_n3A_88, %scan3A_175 = %scan3A_89, %scan3A_176 = %scan3A_90, %scan3A_177 = %scan3A_91, %scan3A_178 = %scan3A_92, %scan3A_179 = %scan3A_93, %scan3A_180 = %scan3A_94) -> (i32, i32, i32, i32, i32, i32, i32, i32, i32)  : i32 {
        %eq3A_181 = arith.constant 0 : i32
        %eq3A_182 = arith.cmpi eq, %scan3A_171, %eq3A_181 : i32
        %eq3A_183 = arith.constant 39 : i32
        %eq3A_184 = arith.cmpi eq, %scan3A_171, %eq3A_183 : i32
        %add3A_185 = arith.addi %scan3A_180, %mul3A_6 : i32
        %sub3A_186 = arith.constant 1 : i32
        %sub3A_187 = arith.subi %scan3A_180, %sub3A_186 : i32
        %select_n3A_188 = arith.constant true
        %select_n3A_189 = arith.select %select_n3A_188, %sub3A_187, %scan3A_180 : i32
        %eq3A_190 = arith.constant -1 : i32
        %eq3A_191 = arith.cmpi eq, %select_n3A_189, %eq3A_190 : i32
        %select_n3A_192 = arith.constant 39 : i32
        %select_n3A_193 = arith.select %eq3A_191, %select_n3A_192, %select_n3A_189 : i32
        %add3A_194 = arith.addi %select_n3A_193, %mul3A_6 : i32
        %add3A_195 = arith.constant 1 : i32
        %add3A_196 = arith.addi %scan3A_180, %add3A_195 : i32
        %select_n3A_197 = arith.constant true
        %select_n3A_198 = arith.select %select_n3A_197, %add3A_196, %scan3A_180 : i32
        %eq3A_199 = arith.constant 40 : i32
        %eq3A_200 = arith.cmpi eq, %select_n3A_198, %eq3A_199 : i32
        %select_n3A_201 = arith.constant 0 : i32
        %select_n3A_202 = arith.select %eq3A_200, %select_n3A_201, %select_n3A_198 : i32
        %add3A_203 = arith.addi %select_n3A_202, %mul3A_6 : i32
        %add3A_204 = arith.constant 1 : i32
        %add3A_205 = arith.addi %select_n3A_202, %add3A_204 : i32
        %select_n3A_206 = arith.constant true
        %select_n3A_207 = arith.select %select_n3A_206, %add3A_205, %select_n3A_202 : i32
        %eq3A_208 = arith.constant 40 : i32
        %eq3A_209 = arith.cmpi eq, %select_n3A_207, %eq3A_208 : i32
        %select_n3A_210 = arith.constant 0 : i32
        %select_n3A_211 = arith.select %eq3A_209, %select_n3A_210, %select_n3A_207 : i32
        %add3A_212 = arith.addi %select_n3A_211, %mul3A_6 : i32
        %ne3A = arith.cmpi ne, %add3A_185, %add3A_203 : i32
        %or3A = arith.constant false
        %or3A_213 = arith.ori %or3A, %ne3A : i1
        %ge3A = arith.constant 39 : i32
        %ge3A_214 = arith.cmpi sge, %scan3A_171, %ge3A : i32
        %not3A = arith.constant true
        %not3A_215 = arith.xori %ge3A_214, %not3A : i1
        %and3A = arith.andi %or3A_213, %not3A_215 : i1
        %convert_element_type3A = arith.extui %and3A : i1 to i32
        %cond3A = arith.constant 0 : i32
        %cond3A_216 = arith.cmpi ne, %convert_element_type3A, %cond3A : i32
        scf.if %cond3A_216 {
          "tpu.trace_start"() <{level = 10 : i32, message = "ep_copy_in"}> : () -> ()
          %rem3A_528 = arith.constant 2 : i32
          %rem3A_529 = arith.remui %scan3A_172, %rem3A_528 : i32
          %mul3A_530 = arith.constant 128 : i32
          %mul3A_531 = arith.muli %mul3A_530, %add3A_203 : i32
          %dma_start3A_532 = arith.constant 0 : i32
          %dma_start3A_533 = arith.constant 0 : i32
          %dma_start3A_534 = tpu.memref_slice %run_scoped3A[%rem3A_529, %dma_start3A_532, %dma_start3A_533] : memref<2x1x128xi32, #tpu.memory_space<vmem>> -> memref<1x1x128xi32, #tpu.memory_space<vmem>>
          %dma_start3A_535 = tpu.memref_squeeze %dma_start3A_534 : memref<1x1x128xi32, #tpu.memory_space<vmem>> -> memref<1x128xi32, #tpu.memory_space<vmem>>
          %dma_start3A_536 = arith.constant 0 : i32
          %dma_start3A_537 = tpu.memref_slice %arg5[%dma_start3A_536, %mul3A_531] : memref<1x163840xi32, #tpu.memory_space<hbm>> -> memref<1x128xi32, #tpu.memory_space<hbm>>
          %dma_start3A_538 = tpu.memref_slice %run_scoped3A_7[%rem3A_529] : memref<2x!tpu.dma_semaphore, #tpu.memory_space<semaphore_mem>> -> memref<1x!tpu.dma_semaphore, #tpu.memory_space<semaphore_mem>>
          %dma_start3A_539 = tpu.memref_squeeze %dma_start3A_538 : memref<1x!tpu.dma_semaphore, #tpu.memory_space<semaphore_mem>> -> memref<!tpu.dma_semaphore, #tpu.memory_space<semaphore_mem>>
          %dma_start3A_540 = arith.constant 0 : i32
          %dma_start3A_541 = arith.constant 0 : i32
          %dma_start3A_542 = tpu.memref_slice %run_scoped3A[%rem3A_529, %dma_start3A_540, %dma_start3A_541] : memref<2x1x128xi32, #tpu.memory_space<vmem>> -> memref<1x1x128xi32, #tpu.memory_space<vmem>>
          %dma_start3A_543 = tpu.memref_squeeze %dma_start3A_542 : memref<1x1x128xi32, #tpu.memory_space<vmem>> -> memref<1x128xi32, #tpu.memory_space<vmem>>
          %dma_start3A_544 = arith.constant 0 : i32
          %dma_start3A_545 = tpu.memref_slice %arg5[%dma_start3A_544, %mul3A_531] : memref<1x163840xi32, #tpu.memory_space<hbm>> -> memref<1x128xi32, #tpu.memory_space<hbm>>
          tpu.enqueue_dma source(%dma_start3A_545 : memref<1x128xi32, #tpu.memory_space<hbm>>) target(%dma_start3A_543 : memref<1x128xi32, #tpu.memory_space<vmem>>) target_semaphore(%dma_start3A_539 : memref<!tpu.dma_semaphore, #tpu.memory_space<semaphore_mem>>)
          "tpu.trace_stop"() : () -> ()
        } else {
        }
        %and3A_217 = arith.constant true
        %and3A_218 = arith.andi %and3A, %and3A_217 : i1
        %add3A_219 = arith.constant 1 : i32
        %add3A_220 = arith.addi %scan3A_172, %add3A_219 : i32
        %select_n3A_221 = arith.select %and3A_218, %add3A_220, %scan3A_172 : i32
        %ne3A_222 = arith.cmpi ne, %add3A_185, %add3A_203 : i32
        %or3A_223 = arith.constant false
        %or3A_224 = arith.ori %or3A_223, %ne3A_222 : i1
        %ge3A_225 = arith.constant 39 : i32
        %ge3A_226 = arith.cmpi sge, %scan3A_171, %ge3A_225 : i32
        %not3A_227 = arith.constant true
        %not3A_228 = arith.xori %ge3A_226, %not3A_227 : i1
        %and3A_229 = arith.andi %or3A_224, %not3A_228 : i1
        %convert_element_type3A_230 = arith.extui %and3A_229 : i1 to i32
        %cond3A_231 = arith.constant 0 : i32
        %cond3A_232 = arith.cmpi ne, %convert_element_type3A_230, %cond3A_231 : i32
        scf.if %cond3A_232 {
          "tpu.trace_start"() <{level = 10 : i32, message = "ep_copy_in"}> : () -> ()
          %rem3A_528 = arith.constant 2 : i32
          %rem3A_529 = arith.remui %scan3A_174, %rem3A_528 : i32
          %mul3A_530 = arith.constant 128 : i32
          %mul3A_531 = arith.muli %mul3A_530, %add3A_203 : i32
          %dma_start3A_532 = arith.constant 0 : i32
          %dma_start3A_533 = arith.constant 0 : i32
          %dma_start3A_534 = tpu.memref_slice %run_scoped3A_8[%rem3A_529, %dma_start3A_532, %dma_start3A_533] : memref<2x1x128xi32, #tpu.memory_space<vmem>> -> memref<1x1x128xi32, #tpu.memory_space<vmem>>
          %dma_start3A_535 = tpu.memref_squeeze %dma_start3A_534 : memref<1x1x128xi32, #tpu.memory_space<vmem>> -> memref<1x128xi32, #tpu.memory_space<vmem>>
          %dma_start3A_536 = arith.constant 0 : i32
          %dma_start3A_537 = tpu.memref_slice %arg6[%dma_start3A_536, %mul3A_531] : memref<1x163840xi32, #tpu.memory_space<hbm>> -> memref<1x128xi32, #tpu.memory_space<hbm>>
          %dma_start3A_538 = tpu.memref_slice %run_scoped3A_9[%rem3A_529] : memref<2x!tpu.dma_semaphore, #tpu.memory_space<semaphore_mem>> -> memref<1x!tpu.dma_semaphore, #tpu.memory_space<semaphore_mem>>
          %dma_start3A_539 = tpu.memref_squeeze %dma_start3A_538 : memref<1x!tpu.dma_semaphore, #tpu.memory_space<semaphore_mem>> -> memref<!tpu.dma_semaphore, #tpu.memory_space<semaphore_mem>>
          %dma_start3A_540 = arith.constant 0 : i32
          %dma_start3A_541 = arith.constant 0 : i32
          %dma_start3A_542 = tpu.memref_slice %run_scoped3A_8[%rem3A_529, %dma_start3A_540, %dma_start3A_541] : memref<2x1x128xi32, #tpu.memory_space<vmem>> -> memref<1x1x128xi32, #tpu.memory_space<vmem>>
          %dma_start3A_543 = tpu.memref_squeeze %dma_start3A_542 : memref<1x1x128xi32, #tpu.memory_space<vmem>> -> memref<1x128xi32, #tpu.memory_space<vmem>>
          %dma_start3A_544 = arith.constant 0 : i32
          %dma_start3A_545 = tpu.memref_slice %arg6[%dma_start3A_544, %mul3A_531] : memref<1x163840xi32, #tpu.memory_space<hbm>> -> memref<1x128xi32, #tpu.memory_space<hbm>>
          tpu.enqueue_dma source(%dma_start3A_545 : memref<1x128xi32, #tpu.memory_space<hbm>>) target(%dma_start3A_543 : memref<1x128xi32, #tpu.memory_space<vmem>>) target_semaphore(%dma_start3A_539 : memref<!tpu.dma_semaphore, #tpu.memory_space<semaphore_mem>>)
          "tpu.trace_stop"() : () -> ()
        } else {
        }
        %and3A_233 = arith.constant true
        %and3A_234 = arith.andi %and3A_229, %and3A_233 : i1
        %add3A_235 = arith.constant 1 : i32
        %add3A_236 = arith.addi %scan3A_174, %add3A_235 : i32
        %select_n3A_237 = arith.select %and3A_234, %add3A_236, %scan3A_174 : i32
        %ne3A_238 = arith.cmpi ne, %add3A_185, %add3A_203 : i32
        %or3A_239 = arith.constant false
        %or3A_240 = arith.ori %or3A_239, %ne3A_238 : i1
        %or3A_241 = arith.constant false
        %or3A_242 = arith.ori %or3A_240, %or3A_241 : i1
        %ge3A_243 = arith.constant 39 : i32
        %ge3A_244 = arith.cmpi sge, %scan3A_171, %ge3A_243 : i32
        %not3A_245 = arith.constant true
        %not3A_246 = arith.xori %ge3A_244, %not3A_245 : i1
        %and3A_247 = arith.andi %or3A_242, %not3A_246 : i1
        %ne3A_248 = arith.cmpi ne, %add3A_185, %add3A_203 : i32
        %or3A_249 = arith.constant false
        %or3A_250 = arith.ori %or3A_249, %ne3A_248 : i1
        %or3A_251 = arith.constant false
        %or3A_252 = arith.ori %or3A_250, %or3A_251 : i1
        %ge3A_253 = arith.constant 39 : i32
        %ge3A_254 = arith.cmpi sge, %scan3A_171, %ge3A_253 : i32
        %not3A_255 = arith.constant true
        %not3A_256 = arith.xori %ge3A_254, %not3A_255 : i1
        %and3A_257 = arith.andi %or3A_252, %not3A_256 : i1
        %ne3A_258 = arith.cmpi ne, %add3A_185, %add3A_194 : i32
        %or3A_259 = arith.constant false
        %or3A_260 = arith.ori %or3A_259, %ne3A_258 : i1
        %or3A_261 = arith.ori %or3A_260, %eq3A_182 : i1
        %convert_element_type3A_262 = arith.extui %or3A_261 : i1 to i32
        %cond3A_263 = arith.constant 0 : i32
        %cond3A_264 = arith.cmpi ne, %convert_element_type3A_262, %cond3A_263 : i32
        scf.if %cond3A_264 {
          "tpu.trace_start"() <{level = 10 : i32, message = "ep_wait_in"}> : () -> ()
          %mul3A_528 = arith.constant 128 : i32
          %mul3A_529 = arith.muli %mul3A_528, %add3A_185 : i32
          %rem3A_530 = arith.constant 2 : i32
          %rem3A_531 = arith.remui %scan3A_173, %rem3A_530 : i32
          %dma_wait3A_532 = arith.constant 0 : i32
          %dma_wait3A_533 = arith.constant 0 : i32
          %dma_wait3A_534 = tpu.memref_slice %run_scoped3A[%rem3A_531, %dma_wait3A_532, %dma_wait3A_533] : memref<2x1x128xi32, #tpu.memory_space<vmem>> -> memref<1x1x128xi32, #tpu.memory_space<vmem>>
          %dma_wait3A_535 = tpu.memref_squeeze %dma_wait3A_534 : memref<1x1x128xi32, #tpu.memory_space<vmem>> -> memref<1x128xi32, #tpu.memory_space<vmem>>
          %dma_wait3A_536 = arith.constant 0 : i32
          %dma_wait3A_537 = tpu.memref_slice %arg5[%dma_wait3A_536, %mul3A_529] : memref<1x163840xi32, #tpu.memory_space<hbm>> -> memref<1x128xi32, #tpu.memory_space<hbm>>
          %dma_wait3A_538 = tpu.memref_slice %run_scoped3A_7[%rem3A_531] : memref<2x!tpu.dma_semaphore, #tpu.memory_space<semaphore_mem>> -> memref<1x!tpu.dma_semaphore, #tpu.memory_space<semaphore_mem>>
          %dma_wait3A_539 = tpu.memref_squeeze %dma_wait3A_538 : memref<1x!tpu.dma_semaphore, #tpu.memory_space<semaphore_mem>> -> memref<!tpu.dma_semaphore, #tpu.memory_space<semaphore_mem>>
          %dma_wait3A_540 = arith.constant 0 : i32
          %dma_wait3A_541 = arith.constant 0 : i32
          %dma_wait3A_542 = tpu.memref_slice %run_scoped3A[%rem3A_531, %dma_wait3A_540, %dma_wait3A_541] : memref<2x1x128xi32, #tpu.memory_space<vmem>> -> memref<1x1x128xi32, #tpu.memory_space<vmem>>
          %dma_wait3A_543 = tpu.memref_squeeze %dma_wait3A_542 : memref<1x1x128xi32, #tpu.memory_space<vmem>> -> memref<1x128xi32, #tpu.memory_space<vmem>>
          %dma_wait3A_544 = arith.constant 0 : i32
          %dma_wait3A_545 = tpu.memref_slice %arg5[%dma_wait3A_544, %mul3A_529] : memref<1x163840xi32, #tpu.memory_space<hbm>> -> memref<1x128xi32, #tpu.memory_space<hbm>>
          tpu.wait_dma2 semaphore(%dma_wait3A_539 : memref<!tpu.dma_semaphore, #tpu.memory_space<semaphore_mem>>) src(%dma_wait3A_545 : memref<1x128xi32, #tpu.memory_space<hbm>>) dst(%dma_wait3A_543 : memref<1x128xi32, #tpu.memory_space<vmem>>)
          "tpu.trace_stop"() : () -> ()
        } else {
        }
        %ne3A_265 = arith.cmpi ne, %add3A_185, %add3A_194 : i32
        %or3A_266 = arith.constant false
        %or3A_267 = arith.ori %or3A_266, %ne3A_265 : i1
        %or3A_268 = arith.ori %or3A_267, %eq3A_182 : i1
        %convert_element_type3A_269 = arith.extui %or3A_268 : i1 to i32
        %cond3A_270 = arith.constant 0 : i32
        %cond3A_271 = arith.cmpi ne, %convert_element_type3A_269, %cond3A_270 : i32
        scf.if %cond3A_271 {
          "tpu.trace_start"() <{level = 10 : i32, message = "ep_wait_in"}> : () -> ()
          %mul3A_528 = arith.constant 128 : i32
          %mul3A_529 = arith.muli %mul3A_528, %add3A_185 : i32
          %rem3A_530 = arith.constant 2 : i32
          %rem3A_531 = arith.remui %scan3A_175, %rem3A_530 : i32
          %dma_wait3A_532 = arith.constant 0 : i32
          %dma_wait3A_533 = arith.constant 0 : i32
          %dma_wait3A_534 = tpu.memref_slice %run_scoped3A_8[%rem3A_531, %dma_wait3A_532, %dma_wait3A_533] : memref<2x1x128xi32, #tpu.memory_space<vmem>> -> memref<1x1x128xi32, #tpu.memory_space<vmem>>
          %dma_wait3A_535 = tpu.memref_squeeze %dma_wait3A_534 : memref<1x1x128xi32, #tpu.memory_space<vmem>> -> memref<1x128xi32, #tpu.memory_space<vmem>>
          %dma_wait3A_536 = arith.constant 0 : i32
          %dma_wait3A_537 = tpu.memref_slice %arg6[%dma_wait3A_536, %mul3A_529] : memref<1x163840xi32, #tpu.memory_space<hbm>> -> memref<1x128xi32, #tpu.memory_space<hbm>>
          %dma_wait3A_538 = tpu.memref_slice %run_scoped3A_9[%rem3A_531] : memref<2x!tpu.dma_semaphore, #tpu.memory_space<semaphore_mem>> -> memref<1x!tpu.dma_semaphore, #tpu.memory_space<semaphore_mem>>
          %dma_wait3A_539 = tpu.memref_squeeze %dma_wait3A_538 : memref<1x!tpu.dma_semaphore, #tpu.memory_space<semaphore_mem>> -> memref<!tpu.dma_semaphore, #tpu.memory_space<semaphore_mem>>
          %dma_wait3A_540 = arith.constant 0 : i32
          %dma_wait3A_541 = arith.constant 0 : i32
          %dma_wait3A_542 = tpu.memref_slice %run_scoped3A_8[%rem3A_531, %dma_wait3A_540, %dma_wait3A_541] : memref<2x1x128xi32, #tpu.memory_space<vmem>> -> memref<1x1x128xi32, #tpu.memory_space<vmem>>
          %dma_wait3A_543 = tpu.memref_squeeze %dma_wait3A_542 : memref<1x1x128xi32, #tpu.memory_space<vmem>> -> memref<1x128xi32, #tpu.memory_space<vmem>>
          %dma_wait3A_544 = arith.constant 0 : i32
          %dma_wait3A_545 = tpu.memref_slice %arg6[%dma_wait3A_544, %mul3A_529] : memref<1x163840xi32, #tpu.memory_space<hbm>> -> memref<1x128xi32, #tpu.memory_space<hbm>>
          tpu.wait_dma2 semaphore(%dma_wait3A_539 : memref<!tpu.dma_semaphore, #tpu.memory_space<semaphore_mem>>) src(%dma_wait3A_545 : memref<1x128xi32, #tpu.memory_space<hbm>>) dst(%dma_wait3A_543 : memref<1x128xi32, #tpu.memory_space<vmem>>)
          "tpu.trace_stop"() : () -> ()
        } else {
        }
        %ne3A_272 = arith.cmpi ne, %add3A_185, %add3A_194 : i32
        %or3A_273 = arith.constant false
        %or3A_274 = arith.ori %or3A_273, %ne3A_272 : i1
        %or3A_275 = arith.constant false
        %or3A_276 = arith.ori %or3A_274, %or3A_275 : i1
        %or3A_277 = arith.ori %or3A_276, %eq3A_182 : i1
        %convert_element_type3A_278 = arith.extui %or3A_277 : i1 to i32
        %cond3A_279 = arith.constant 0 : i32
        %cond3A_280 = arith.cmpi ne, %convert_element_type3A_278, %cond3A_279 : i32
        scf.if %cond3A_280 {
        } else {
        }
        %ne3A_281 = arith.cmpi ne, %add3A_185, %add3A_194 : i32
        %or3A_282 = arith.constant false
        %or3A_283 = arith.ori %or3A_282, %ne3A_281 : i1
        %or3A_284 = arith.constant false
        %or3A_285 = arith.ori %or3A_283, %or3A_284 : i1
        %or3A_286 = arith.ori %or3A_285, %eq3A_182 : i1
        %convert_element_type3A_287 = arith.extui %or3A_286 : i1 to i32
        %cond3A_288 = arith.constant 0 : i32
        %cond3A_289 = arith.cmpi ne, %convert_element_type3A_287, %cond3A_288 : i32
        scf.if %cond3A_289 {
        } else {
        }
        %rem3A_290 = arith.constant 2 : i32
        %rem3A_291 = arith.remui %scan3A_173, %rem3A_290 : i32
        %rem3A_292 = arith.constant 2 : i32
        %rem3A_293 = arith.remui %scan3A_175, %rem3A_292 : i32
        %rem3A_294 = arith.constant 2 : i32
        %rem3A_295 = arith.remui %scan3A_176, %rem3A_294 : i32
        %rem3A_296 = arith.constant 2 : i32
        %rem3A_297 = arith.remui %scan3A_178, %rem3A_296 : i32
        %dma_start3A_298 = arith.constant 0 : i32
        "tpu.trace_start"() <{level = 10 : i32, message = "ep_run_kernel"}> : () -> ()
        %dma_start3A_299 = arith.constant 0 : i32
        %dma_start3A_300 = arith.constant 0 : i32
        %dma_start3A_301 = tpu.memref_slice %run_scoped3A[%rem3A_291, %dma_start3A_299, %dma_start3A_300] : memref<2x1x128xi32, #tpu.memory_space<vmem>> -> memref<1x1x128xi32, #tpu.memory_space<vmem>>
        %dma_start3A_302 = tpu.memref_squeeze %dma_start3A_301 : memref<1x1x128xi32, #tpu.memory_space<vmem>> -> memref<1x128xi32, #tpu.memory_space<vmem>>
        %dma_start3A_303 = arith.constant 0 : i32
        %dma_start3A_304 = tpu.memref_slice %dma_start3A_302[%dma_start3A_298, %dma_start3A_303] : memref<1x128xi32, #tpu.memory_space<vmem>> -> memref<1x64xi32, #tpu.memory_space<vmem>>
        %dma_start3A_305 = tpu.memref_squeeze %dma_start3A_304 : memref<1x64xi32, #tpu.memory_space<vmem>> -> memref<64xi32, #tpu.memory_space<vmem>>
        %dma_start3A_306 = arith.constant 0 : i32
        %dma_start3A_307 = arith.constant 0 : i32
        %dma_start3A_308 = tpu.memref_slice %arg2[%dma_start3A_306, %dma_start3A_307] : memref<10240x128xf32, #tpu.memory_space<hbm>> -> memref<10240x128xf32, #tpu.memory_space<hbm>>
        tpu.enqueue_indirect_dma source(%dma_start3A_308 : memref<10240x128xf32, #tpu.memory_space<hbm>>) target(%arg9 : memref<64x128xf32, #tpu.memory_space<vmem>>) offsets(%dma_start3A_305 : memref<64xi32, #tpu.memory_space<vmem>>) semaphore(%arg14 : memref<!tpu.dma_semaphore, #tpu.memory_space<semaphore_mem>>)
        %dma_start3A_309 = arith.constant 0 : i32
        %dma_start3A_310 = arith.constant 0 : i32
        %dma_start3A_311 = arith.constant 0 : i32
        %dma_start3A_312 = tpu.memref_slice %run_scoped3A_8[%rem3A_293, %dma_start3A_310, %dma_start3A_311] : memref<2x1x128xi32, #tpu.memory_space<vmem>> -> memref<1x1x128xi32, #tpu.memory_space<vmem>>
        %dma_start3A_313 = tpu.memref_squeeze %dma_start3A_312 : memref<1x1x128xi32, #tpu.memory_space<vmem>> -> memref<1x128xi32, #tpu.memory_space<vmem>>
        %dma_start3A_314 = arith.constant 0 : i32
        %dma_start3A_315 = tpu.memref_slice %dma_start3A_313[%dma_start3A_309, %dma_start3A_314] : memref<1x128xi32, #tpu.memory_space<vmem>> -> memref<1x64xi32, #tpu.memory_space<vmem>>
        %dma_start3A_316 = tpu.memref_squeeze %dma_start3A_315 : memref<1x64xi32, #tpu.memory_space<vmem>> -> memref<64xi32, #tpu.memory_space<vmem>>
        %dma_start3A_317 = arith.constant 0 : i32
        %dma_start3A_318 = arith.constant 0 : i32
        %dma_start3A_319 = tpu.memref_slice %arg3[%dma_start3A_317, %dma_start3A_318] : memref<10240x128xf32, #tpu.memory_space<hbm>> -> memref<10240x128xf32, #tpu.memory_space<hbm>>
        tpu.enqueue_indirect_dma source(%dma_start3A_319 : memref<10240x128xf32, #tpu.memory_space<hbm>>) target(%arg10 : memref<64x128xf32, #tpu.memory_space<vmem>>) offsets(%dma_start3A_316 : memref<64xi32, #tpu.memory_space<vmem>>) semaphore(%arg15 : memref<!tpu.dma_semaphore, #tpu.memory_space<semaphore_mem>>)
        %scan3A_320 = arith.constant 0 : i32
        %scan3A_321 = arith.constant 4 : i32
        %scan3A_322 = arith.addi %scan3A_320, %scan3A_321 : i32
        %scan3A_323 = arith.constant 1 : i32
        scf.for %scan3A_528 = %scan3A_320 to %scan3A_322 step %scan3A_323  : i32 {
          %mul3A_529 = arith.constant 1 : i32
          %mul3A_530 = arith.muli %scan3A_528, %mul3A_529 : i32
          %add3A_531 = arith.constant 0 : i32
          %add3A_532 = arith.addi %add3A_531, %mul3A_530 : i32
          %mul3A_533 = arith.constant 16 : i32
          %mul3A_534 = arith.muli %add3A_532, %mul3A_533 : i32
          %add3A_535 = arith.constant 0 : i32
          %add3A_536 = arith.addi %add3A_535, %mul3A_534 : i32
          %get3A = arith.constant 0 : i32
          %get3A_537 = arith.constant 0 : i32
          %get3A_538 = arith.constant 0 : i32
          %get3A_539 = tpu.memref_slice %run_scoped3A[%rem3A_291, %get3A_537, %get3A_538] : memref<2x1x128xi32, #tpu.memory_space<vmem>> -> memref<1x1x128xi32, #tpu.memory_space<vmem>>
          %get3A_540 = tpu.memref_squeeze %get3A_539 : memref<1x1x128xi32, #tpu.memory_space<vmem>> -> memref<1x128xi32, #tpu.memory_space<vmem>>
          %get3A_541 = arith.index_cast %get3A : i32 to index
          %get3A_542 = arith.index_cast %add3A_536 : i32 to index
          %get3A_543 = tpu.vector_load %get3A_540[%get3A_541, %get3A_542] {strides = array<i32>} : memref<1x128xi32, #tpu.memory_space<vmem>>, vector<16xi32>,
          %get3A_544 = arith.constant 0 : i32
          %get3A_545 = arith.constant 0 : i32
          %get3A_546 = arith.constant 0 : i32
          %get3A_547 = tpu.memref_slice %run_scoped3A_8[%rem3A_293, %get3A_545, %get3A_546] : memref<2x1x128xi32, #tpu.memory_space<vmem>> -> memref<1x1x128xi32, #tpu.memory_space<vmem>>
          %get3A_548 = tpu.memref_squeeze %get3A_547 : memref<1x1x128xi32, #tpu.memory_space<vmem>> -> memref<1x128xi32, #tpu.memory_space<vmem>>
          %get3A_549 = arith.index_cast %get3A_544 : i32 to index
          %get3A_550 = arith.index_cast %add3A_536 : i32 to index
          %get3A_551 = tpu.vector_load %get3A_548[%get3A_549, %get3A_550] {strides = array<i32>} : memref<1x128xi32, #tpu.memory_space<vmem>>, vector<16xi32>,
          %iota3A = tpu.iota {dimensions = array<i32: 0>} : vector<16xi32>
          %add3A_552 = vector.broadcast %add3A_536 : i32 to vector<16xi32>
          %add3A_553 = arith.addi %iota3A, %add3A_552 : vector<16xi32>
          %mul3A_554 = arith.constant 3 : i32
          %mul3A_555 = vector.broadcast %mul3A_554 : i32 to vector<16xi32>
          %mul3A_556 = arith.muli %get3A_543, %mul3A_555 : vector<16xi32>
          %add3A_557 = arith.constant 0 : i32
          %add3A_558 = vector.broadcast %add3A_557 : i32 to vector<16xi32>
          %add3A_559 = arith.addi %mul3A_556, %add3A_558 : vector<16xi32>
          %mul3A_560 = arith.constant 3 : i32
          %mul3A_561 = vector.broadcast %mul3A_560 : i32 to vector<16xi32>
          %mul3A_562 = arith.muli %get3A_551, %mul3A_561 : vector<16xi32>
          %add3A_563 = arith.constant 0 : i32
          %add3A_564 = vector.broadcast %add3A_563 : i32 to vector<16xi32>
          %add3A_565 = arith.addi %mul3A_562, %add3A_564 : vector<16xi32>
          %shift_right_arithmetic3A = arith.constant 7 : i32
          %shift_right_arithmetic3A_566 = vector.broadcast %shift_right_arithmetic3A : i32 to vector<16xi32>
          %shift_right_arithmetic3A_567 = arith.shrsi %add3A_559, %shift_right_arithmetic3A_566 : vector<16xi32>
          %and3A_568 = arith.constant 127 : i32
          %and3A_569 = vector.broadcast %and3A_568 : i32 to vector<16xi32>
          %and3A_570 = arith.andi %add3A_559, %and3A_569 : vector<16xi32>
          %gather3A = tpu.vector_load_idx %arg13[%shift_right_arithmetic3A_567, %and3A_570] : memref<235x128xf32, #tpu.memory_space<vmem>>[vector<16xi32>, vector<16xi32>], vector<16xf32>,
          %shift_right_arithmetic3A_571 = arith.constant 7 : i32
          %shift_right_arithmetic3A_572 = vector.broadcast %shift_right_arithmetic3A_571 : i32 to vector<16xi32>
          %shift_right_arithmetic3A_573 = arith.shrsi %add3A_565, %shift_right_arithmetic3A_572 : vector<16xi32>
          %and3A_574 = arith.constant 127 : i32
          %and3A_575 = vector.broadcast %and3A_574 : i32 to vector<16xi32>
          %and3A_576 = arith.andi %add3A_565, %and3A_575 : vector<16xi32>
          %gather3A_577 = tpu.vector_load_idx %arg13[%shift_right_arithmetic3A_573, %and3A_576] : memref<235x128xf32, #tpu.memory_space<vmem>>[vector<16xi32>, vector<16xi32>], vector<16xf32>,
          %sub3A_578 = arith.subf %gather3A, %gather3A_577 : vector<16xf32>
          %mul3A_579 = arith.constant 3 : i32
          %mul3A_580 = vector.broadcast %mul3A_579 : i32 to vector<16xi32>
          %mul3A_581 = arith.muli %get3A_543, %mul3A_580 : vector<16xi32>
          %add3A_582 = arith.constant 1 : i32
          %add3A_583 = vector.broadcast %add3A_582 : i32 to vector<16xi32>
          %add3A_584 = arith.addi %mul3A_581, %add3A_583 : vector<16xi32>
          %mul3A_585 = arith.constant 3 : i32
          %mul3A_586 = vector.broadcast %mul3A_585 : i32 to vector<16xi32>
          %mul3A_587 = arith.muli %get3A_551, %mul3A_586 : vector<16xi32>
          %add3A_588 = arith.constant 1 : i32
          %add3A_589 = vector.broadcast %add3A_588 : i32 to vector<16xi32>
          %add3A_590 = arith.addi %mul3A_587, %add3A_589 : vector<16xi32>
          %shift_right_arithmetic3A_591 = arith.constant 7 : i32
          %shift_right_arithmetic3A_592 = vector.broadcast %shift_right_arithmetic3A_591 : i32 to vector<16xi32>
          %shift_right_arithmetic3A_593 = arith.shrsi %add3A_584, %shift_right_arithmetic3A_592 : vector<16xi32>
          %and3A_594 = arith.constant 127 : i32
          %and3A_595 = vector.broadcast %and3A_594 : i32 to vector<16xi32>
          %and3A_596 = arith.andi %add3A_584, %and3A_595 : vector<16xi32>
          %gather3A_597 = tpu.vector_load_idx %arg13[%shift_right_arithmetic3A_593, %and3A_596] : memref<235x128xf32, #tpu.memory_space<vmem>>[vector<16xi32>, vector<16xi32>], vector<16xf32>,
          %shift_right_arithmetic3A_598 = arith.constant 7 : i32
          %shift_right_arithmetic3A_599 = vector.broadcast %shift_right_arithmetic3A_598 : i32 to vector<16xi32>
          %shift_right_arithmetic3A_600 = arith.shrsi %add3A_590, %shift_right_arithmetic3A_599 : vector<16xi32>
          %and3A_601 = arith.constant 127 : i32
          %and3A_602 = vector.broadcast %and3A_601 : i32 to vector<16xi32>
          %and3A_603 = arith.andi %add3A_590, %and3A_602 : vector<16xi32>
          %gather3A_604 = tpu.vector_load_idx %arg13[%shift_right_arithmetic3A_600, %and3A_603] : memref<235x128xf32, #tpu.memory_space<vmem>>[vector<16xi32>, vector<16xi32>], vector<16xf32>,
          %sub3A_605 = arith.subf %gather3A_597, %gather3A_604 : vector<16xf32>
          %mul3A_606 = arith.constant 3 : i32
          %mul3A_607 = vector.broadcast %mul3A_606 : i32 to vector<16xi32>
          %mul3A_608 = arith.muli %get3A_543, %mul3A_607 : vector<16xi32>
          %add3A_609 = arith.constant 2 : i32
          %add3A_610 = vector.broadcast %add3A_609 : i32 to vector<16xi32>
          %add3A_611 = arith.addi %mul3A_608, %add3A_610 : vector<16xi32>
          %mul3A_612 = arith.constant 3 : i32
          %mul3A_613 = vector.broadcast %mul3A_612 : i32 to vector<16xi32>
          %mul3A_614 = arith.muli %get3A_551, %mul3A_613 : vector<16xi32>
          %add3A_615 = arith.constant 2 : i32
          %add3A_616 = vector.broadcast %add3A_615 : i32 to vector<16xi32>
          %add3A_617 = arith.addi %mul3A_614, %add3A_616 : vector<16xi32>
          %shift_right_arithmetic3A_618 = arith.constant 7 : i32
          %shift_right_arithmetic3A_619 = vector.broadcast %shift_right_arithmetic3A_618 : i32 to vector<16xi32>
          %shift_right_arithmetic3A_620 = arith.shrsi %add3A_611, %shift_right_arithmetic3A_619 : vector<16xi32>
          %and3A_621 = arith.constant 127 : i32
          %and3A_622 = vector.broadcast %and3A_621 : i32 to vector<16xi32>
          %and3A_623 = arith.andi %add3A_611, %and3A_622 : vector<16xi32>
          %gather3A_624 = tpu.vector_load_idx %arg13[%shift_right_arithmetic3A_620, %and3A_623] : memref<235x128xf32, #tpu.memory_space<vmem>>[vector<16xi32>, vector<16xi32>], vector<16xf32>,
          %shift_right_arithmetic3A_625 = arith.constant 7 : i32
          %shift_right_arithmetic3A_626 = vector.broadcast %shift_right_arithmetic3A_625 : i32 to vector<16xi32>
          %shift_right_arithmetic3A_627 = arith.shrsi %add3A_617, %shift_right_arithmetic3A_626 : vector<16xi32>
          %and3A_628 = arith.constant 127 : i32
          %and3A_629 = vector.broadcast %and3A_628 : i32 to vector<16xi32>
          %and3A_630 = arith.andi %add3A_617, %and3A_629 : vector<16xi32>
          %gather3A_631 = tpu.vector_load_idx %arg13[%shift_right_arithmetic3A_627, %and3A_630] : memref<235x128xf32, #tpu.memory_space<vmem>>[vector<16xi32>, vector<16xi32>], vector<16xf32>,
          %sub3A_632 = arith.subf %gather3A_624, %gather3A_631 : vector<16xf32>
          %mul3A_633 = arith.mulf %sub3A_578, %sub3A_578 : vector<16xf32>
          %mul3A_634 = arith.mulf %sub3A_605, %sub3A_605 : vector<16xf32>
          %add3A_635 = arith.addf %mul3A_633, %mul3A_634 : vector<16xf32>
          %mul3A_636 = arith.mulf %sub3A_632, %sub3A_632 : vector<16xf32>
          %add3A_637 = arith.addf %add3A_635, %mul3A_636 : vector<16xf32>
          %bitcast3A = vector.bitcast %add3A_637 : vector<16xf32> to vector<16xi32>
          %shift_right_arithmetic3A_638 = arith.constant 1 : i32
          %shift_right_arithmetic3A_639 = vector.broadcast %shift_right_arithmetic3A_638 : i32 to vector<16xi32>
          %shift_right_arithmetic3A_640 = arith.shrsi %bitcast3A, %shift_right_arithmetic3A_639 : vector<16xi32>
          %sub3A_641 = arith.constant 1597463007 : i32
          %sub3A_642 = vector.broadcast %sub3A_641 : i32 to vector<16xi32>
          %sub3A_643 = arith.subi %sub3A_642, %shift_right_arithmetic3A_640 : vector<16xi32>
          %bitcast3A_644 = vector.bitcast %sub3A_643 : vector<16xi32> to vector<16xf32>
          %mul3A_645 = arith.constant 5.000000e-01 : f32
          %mul3A_646 = vector.broadcast %mul3A_645 : f32 to vector<16xf32>
          %mul3A_647 = arith.mulf %mul3A_646, %add3A_637 : vector<16xf32>
          %mul3A_648 = arith.mulf %mul3A_647, %bitcast3A_644 : vector<16xf32>
          %mul3A_649 = arith.mulf %mul3A_648, %bitcast3A_644 : vector<16xf32>
          %sub3A_650 = arith.constant 1.500000e+00 : f32
          %sub3A_651 = vector.broadcast %sub3A_650 : f32 to vector<16xf32>
          %sub3A_652 = arith.subf %sub3A_651, %mul3A_649 : vector<16xf32>
          %mul3A_653 = arith.mulf %bitcast3A_644, %sub3A_652 : vector<16xf32>
          %mul3A_654 = arith.constant 5.000000e-01 : f32
          %mul3A_655 = vector.broadcast %mul3A_654 : f32 to vector<16xf32>
          %mul3A_656 = arith.mulf %mul3A_655, %add3A_637 : vector<16xf32>
          %mul3A_657 = arith.mulf %mul3A_656, %mul3A_653 : vector<16xf32>
          %mul3A_658 = arith.mulf %mul3A_657, %mul3A_653 : vector<16xf32>
          %sub3A_659 = arith.constant 1.500000e+00 : f32
          %sub3A_660 = vector.broadcast %sub3A_659 : f32 to vector<16xf32>
          %sub3A_661 = arith.subf %sub3A_660, %mul3A_658 : vector<16xf32>
          %mul3A_662 = arith.mulf %mul3A_653, %sub3A_661 : vector<16xf32>
          %mul3A_663 = arith.constant 5.000000e-01 : f32
          %mul3A_664 = vector.broadcast %mul3A_663 : f32 to vector<16xf32>
          %mul3A_665 = arith.mulf %mul3A_664, %add3A_637 : vector<16xf32>
          %mul3A_666 = arith.mulf %mul3A_665, %mul3A_662 : vector<16xf32>
          %mul3A_667 = arith.mulf %mul3A_666, %mul3A_662 : vector<16xf32>
          %sub3A_668 = arith.constant 1.500000e+00 : f32
          %sub3A_669 = vector.broadcast %sub3A_668 : f32 to vector<16xf32>
          %sub3A_670 = arith.subf %sub3A_669, %mul3A_667 : vector<16xf32>
          %mul3A_671 = arith.mulf %mul3A_662, %sub3A_670 : vector<16xf32>
          %mul3A_672 = arith.mulf %sub3A_578, %mul3A_671 : vector<16xf32>
          %broadcast_in_dim3A = arith.constant 0 : i32
          %broadcast_in_dim3A_673 = vector.broadcast %broadcast_in_dim3A : i32 to vector<16xi32>
          %scatter3A = arith.constant 0 : i32
          %scatter3A_674 = arith.constant 0 : i32
          %scatter3A_675 = tpu.memref_slice %run_scoped3A_12[%rem3A_297, %scatter3A, %scatter3A_674] : memref<2x128x16xf32, #tpu.memory_space<vmem>> -> memref<1x128x16xf32, #tpu.memory_space<vmem>>
          %scatter3A_676 = tpu.memref_squeeze %scatter3A_675 : memref<1x128x16xf32, #tpu.memory_space<vmem>> -> memref<128x16xf32, #tpu.memory_space<vmem>>
          tpu.vector_store_idx %scatter3A_676[%add3A_553, %broadcast_in_dim3A_673], %mul3A_672 : memref<128x16xf32, #tpu.memory_space<vmem>>[vector<16xi32>, vector<16xi32>], vector<16xf32>,
          %mul3A_677 = arith.mulf %sub3A_605, %mul3A_671 : vector<16xf32>
          %broadcast_in_dim3A_678 = arith.constant 1 : i32
          %broadcast_in_dim3A_679 = vector.broadcast %broadcast_in_dim3A_678 : i32 to vector<16xi32>
          %scatter3A_680 = arith.constant 0 : i32
          %scatter3A_681 = arith.constant 0 : i32
          %scatter3A_682 = tpu.memref_slice %run_scoped3A_12[%rem3A_297, %scatter3A_680, %scatter3A_681] : memref<2x128x16xf32, #tpu.memory_space<vmem>> -> memref<1x128x16xf32, #tpu.memory_space<vmem>>
          %scatter3A_683 = tpu.memref_squeeze %scatter3A_682 : memref<1x128x16xf32, #tpu.memory_space<vmem>> -> memref<128x16xf32, #tpu.memory_space<vmem>>
          tpu.vector_store_idx %scatter3A_683[%add3A_553, %broadcast_in_dim3A_679], %mul3A_677 : memref<128x16xf32, #tpu.memory_space<vmem>>[vector<16xi32>, vector<16xi32>], vector<16xf32>,
          %mul3A_684 = arith.mulf %sub3A_632, %mul3A_671 : vector<16xf32>
          %broadcast_in_dim3A_685 = arith.constant 2 : i32
          %broadcast_in_dim3A_686 = vector.broadcast %broadcast_in_dim3A_685 : i32 to vector<16xi32>
          %scatter3A_687 = arith.constant 0 : i32
          %scatter3A_688 = arith.constant 0 : i32
          %scatter3A_689 = tpu.memref_slice %run_scoped3A_12[%rem3A_297, %scatter3A_687, %scatter3A_688] : memref<2x128x16xf32, #tpu.memory_space<vmem>> -> memref<1x128x16xf32, #tpu.memory_space<vmem>>
          %scatter3A_690 = tpu.memref_squeeze %scatter3A_689 : memref<1x128x16xf32, #tpu.memory_space<vmem>> -> memref<128x16xf32, #tpu.memory_space<vmem>>
          tpu.vector_store_idx %scatter3A_690[%add3A_553, %broadcast_in_dim3A_686], %mul3A_684 : memref<128x16xf32, #tpu.memory_space<vmem>>[vector<16xi32>, vector<16xi32>], vector<16xf32>,
          %broadcast_in_dim3A_691 = arith.constant 3 : i32
          %broadcast_in_dim3A_692 = vector.broadcast %broadcast_in_dim3A_691 : i32 to vector<16xi32>
          %scatter3A_693 = arith.constant 0 : i32
          %scatter3A_694 = arith.constant 0 : i32
          %scatter3A_695 = tpu.memref_slice %run_scoped3A_12[%rem3A_297, %scatter3A_693, %scatter3A_694] : memref<2x128x16xf32, #tpu.memory_space<vmem>> -> memref<1x128x16xf32, #tpu.memory_space<vmem>>
          %scatter3A_696 = tpu.memref_squeeze %scatter3A_695 : memref<1x128x16xf32, #tpu.memory_space<vmem>> -> memref<128x16xf32, #tpu.memory_space<vmem>>
          tpu.vector_store_idx %scatter3A_696[%add3A_553, %broadcast_in_dim3A_692], %add3A_637 : memref<128x16xf32, #tpu.memory_space<vmem>>[vector<16xi32>, vector<16xi32>], vector<16xf32>,
        }
        %scan3A_324 = arith.constant 4 : i32
        %dma_wait3A_325 = arith.constant 0 : i32
        %dma_wait3A_326 = arith.constant 0 : i32
        %dma_wait3A_327 = arith.constant 0 : i32
        %dma_wait3A_328 = tpu.memref_slice %run_scoped3A[%rem3A_291, %dma_wait3A_326, %dma_wait3A_327] : memref<2x1x128xi32, #tpu.memory_space<vmem>> -> memref<1x1x128xi32, #tpu.memory_space<vmem>>
        %dma_wait3A_329 = tpu.memref_squeeze %dma_wait3A_328 : memref<1x1x128xi32, #tpu.memory_space<vmem>> -> memref<1x128xi32, #tpu.memory_space<vmem>>
        %dma_wait3A_330 = arith.constant 0 : i32
        %dma_wait3A_331 = tpu.memref_slice %dma_wait3A_329[%dma_wait3A_325, %dma_wait3A_330] : memref<1x128xi32, #tpu.memory_space<vmem>> -> memref<1x64xi32, #tpu.memory_space<vmem>>
        %dma_wait3A_332 = tpu.memref_squeeze %dma_wait3A_331 : memref<1x64xi32, #tpu.memory_space<vmem>> -> memref<64xi32, #tpu.memory_space<vmem>>
        %dma_wait3A_333 = arith.constant 0 : i32
        %dma_wait3A_334 = arith.constant 0 : i32
        %dma_wait3A_335 = tpu.memref_slice %arg2[%dma_wait3A_333, %dma_wait3A_334] : memref<10240x128xf32, #tpu.memory_space<hbm>> -> memref<10240x128xf32, #tpu.memory_space<hbm>>
        tpu.wait_indirect_dma semaphore(%arg14 : memref<!tpu.dma_semaphore, #tpu.memory_space<semaphore_mem>>) src(%dma_wait3A_335 : memref<10240x128xf32, #tpu.memory_space<hbm>>) dst(%arg9 : memref<64x128xf32, #tpu.memory_space<vmem>>)
        %dma_wait3A_336 = arith.constant 0 : i32
        %dma_wait3A_337 = arith.constant 0 : i32
        %dma_wait3A_338 = arith.constant 0 : i32
        %dma_wait3A_339 = tpu.memref_slice %run_scoped3A_8[%rem3A_293, %dma_wait3A_337, %dma_wait3A_338] : memref<2x1x128xi32, #tpu.memory_space<vmem>> -> memref<1x1x128xi32, #tpu.memory_space<vmem>>
        %dma_wait3A_340 = tpu.memref_squeeze %dma_wait3A_339 : memref<1x1x128xi32, #tpu.memory_space<vmem>> -> memref<1x128xi32, #tpu.memory_space<vmem>>
        %dma_wait3A_341 = arith.constant 0 : i32
        %dma_wait3A_342 = tpu.memref_slice %dma_wait3A_340[%dma_wait3A_336, %dma_wait3A_341] : memref<1x128xi32, #tpu.memory_space<vmem>> -> memref<1x64xi32, #tpu.memory_space<vmem>>
        %dma_wait3A_343 = tpu.memref_squeeze %dma_wait3A_342 : memref<1x64xi32, #tpu.memory_space<vmem>> -> memref<64xi32, #tpu.memory_space<vmem>>
        %dma_wait3A_344 = arith.constant 0 : i32
        %dma_wait3A_345 = arith.constant 0 : i32
        %dma_wait3A_346 = tpu.memref_slice %arg3[%dma_wait3A_344, %dma_wait3A_345] : memref<10240x128xf32, #tpu.memory_space<hbm>> -> memref<10240x128xf32, #tpu.memory_space<hbm>>
        tpu.wait_indirect_dma semaphore(%arg15 : memref<!tpu.dma_semaphore, #tpu.memory_space<semaphore_mem>>) src(%dma_wait3A_346 : memref<10240x128xf32, #tpu.memory_space<hbm>>) dst(%arg10 : memref<64x128xf32, #tpu.memory_space<vmem>>)
        %dma_start3A_347 = arith.constant 0 : i32
        %dma_start3A_348 = arith.constant 0 : i32
        %dma_start3A_349 = arith.constant 0 : i32
        %dma_start3A_350 = tpu.memref_slice %run_scoped3A[%rem3A_291, %dma_start3A_348, %dma_start3A_349] : memref<2x1x128xi32, #tpu.memory_space<vmem>> -> memref<1x1x128xi32, #tpu.memory_space<vmem>>
        %dma_start3A_351 = tpu.memref_squeeze %dma_start3A_350 : memref<1x1x128xi32, #tpu.memory_space<vmem>> -> memref<1x128xi32, #tpu.memory_space<vmem>>
        %dma_start3A_352 = arith.constant 64 : i32
        %dma_start3A_353 = tpu.memref_slice %dma_start3A_351[%dma_start3A_347, %dma_start3A_352] : memref<1x128xi32, #tpu.memory_space<vmem>> -> memref<1x64xi32, #tpu.memory_space<vmem>>
        %dma_start3A_354 = tpu.memref_squeeze %dma_start3A_353 : memref<1x64xi32, #tpu.memory_space<vmem>> -> memref<64xi32, #tpu.memory_space<vmem>>
        %dma_start3A_355 = arith.constant 0 : i32
        %dma_start3A_356 = arith.constant 0 : i32
        %dma_start3A_357 = tpu.memref_slice %arg2[%dma_start3A_355, %dma_start3A_356] : memref<10240x128xf32, #tpu.memory_space<hbm>> -> memref<10240x128xf32, #tpu.memory_space<hbm>>
        tpu.enqueue_indirect_dma source(%dma_start3A_357 : memref<10240x128xf32, #tpu.memory_space<hbm>>) target(%arg11 : memref<64x128xf32, #tpu.memory_space<vmem>>) offsets(%dma_start3A_354 : memref<64xi32, #tpu.memory_space<vmem>>) semaphore(%arg14 : memref<!tpu.dma_semaphore, #tpu.memory_space<semaphore_mem>>)
        %dma_start3A_358 = arith.constant 0 : i32
        %dma_start3A_359 = arith.constant 0 : i32
        %dma_start3A_360 = arith.constant 0 : i32
        %dma_start3A_361 = tpu.memref_slice %run_scoped3A_8[%rem3A_293, %dma_start3A_359, %dma_start3A_360] : memref<2x1x128xi32, #tpu.memory_space<vmem>> -> memref<1x1x128xi32, #tpu.memory_space<vmem>>
        %dma_start3A_362 = tpu.memref_squeeze %dma_start3A_361 : memref<1x1x128xi32, #tpu.memory_space<vmem>> -> memref<1x128xi32, #tpu.memory_space<vmem>>
        %dma_start3A_363 = arith.constant 64 : i32
        %dma_start3A_364 = tpu.memref_slice %dma_start3A_362[%dma_start3A_358, %dma_start3A_363] : memref<1x128xi32, #tpu.memory_space<vmem>> -> memref<1x64xi32, #tpu.memory_space<vmem>>
        %dma_start3A_365 = tpu.memref_squeeze %dma_start3A_364 : memref<1x64xi32, #tpu.memory_space<vmem>> -> memref<64xi32, #tpu.memory_space<vmem>>
        %dma_start3A_366 = arith.constant 0 : i32
        %dma_start3A_367 = arith.constant 0 : i32
        %dma_start3A_368 = tpu.memref_slice %arg3[%dma_start3A_366, %dma_start3A_367] : memref<10240x128xf32, #tpu.memory_space<hbm>> -> memref<10240x128xf32, #tpu.memory_space<hbm>>
        tpu.enqueue_indirect_dma source(%dma_start3A_368 : memref<10240x128xf32, #tpu.memory_space<hbm>>) target(%arg12 : memref<64x128xf32, #tpu.memory_space<vmem>>) offsets(%dma_start3A_365 : memref<64xi32, #tpu.memory_space<vmem>>) semaphore(%arg15 : memref<!tpu.dma_semaphore, #tpu.memory_space<semaphore_mem>>)
        %scan3A_369 = arith.constant 0 : i32
        %scan3A_370 = arith.constant 4 : i32
        %scan3A_371 = arith.addi %scan3A_369, %scan3A_370 : i32
        %scan3A_372 = arith.constant 1 : i32
        scf.for %scan3A_528 = %scan3A_369 to %scan3A_371 step %scan3A_372  : i32 {
          %mul3A_529 = arith.constant 1 : i32
          %mul3A_530 = arith.muli %scan3A_528, %mul3A_529 : i32
          %add3A_531 = arith.constant 0 : i32
          %add3A_532 = arith.addi %add3A_531, %mul3A_530 : i32
          %mul3A_533 = arith.constant 16 : i32
          %mul3A_534 = arith.muli %add3A_532, %mul3A_533 : i32
          %add3A_535 = arith.constant 64 : i32
          %add3A_536 = arith.addi %add3A_535, %mul3A_534 : i32
          %get3A = arith.constant 0 : i32
          %get3A_537 = arith.constant 0 : i32
          %get3A_538 = arith.constant 0 : i32
          %get3A_539 = tpu.memref_slice %run_scoped3A[%rem3A_291, %get3A_537, %get3A_538] : memref<2x1x128xi32, #tpu.memory_space<vmem>> -> memref<1x1x128xi32, #tpu.memory_space<vmem>>
          %get3A_540 = tpu.memref_squeeze %get3A_539 : memref<1x1x128xi32, #tpu.memory_space<vmem>> -> memref<1x128xi32, #tpu.memory_space<vmem>>
          %get3A_541 = arith.index_cast %get3A : i32 to index
          %get3A_542 = arith.index_cast %add3A_536 : i32 to index
          %get3A_543 = tpu.vector_load %get3A_540[%get3A_541, %get3A_542] {strides = array<i32>} : memref<1x128xi32, #tpu.memory_space<vmem>>, vector<16xi32>,
          %get3A_544 = arith.constant 0 : i32
          %get3A_545 = arith.constant 0 : i32
          %get3A_546 = arith.constant 0 : i32
          %get3A_547 = tpu.memref_slice %run_scoped3A_8[%rem3A_293, %get3A_545, %get3A_546] : memref<2x1x128xi32, #tpu.memory_space<vmem>> -> memref<1x1x128xi32, #tpu.memory_space<vmem>>
          %get3A_548 = tpu.memref_squeeze %get3A_547 : memref<1x1x128xi32, #tpu.memory_space<vmem>> -> memref<1x128xi32, #tpu.memory_space<vmem>>
          %get3A_549 = arith.index_cast %get3A_544 : i32 to index
          %get3A_550 = arith.index_cast %add3A_536 : i32 to index
          %get3A_551 = tpu.vector_load %get3A_548[%get3A_549, %get3A_550] {strides = array<i32>} : memref<1x128xi32, #tpu.memory_space<vmem>>, vector<16xi32>,
          %iota3A = tpu.iota {dimensions = array<i32: 0>} : vector<16xi32>
          %add3A_552 = vector.broadcast %add3A_536 : i32 to vector<16xi32>
          %add3A_553 = arith.addi %iota3A, %add3A_552 : vector<16xi32>
          %mul3A_554 = arith.constant 3 : i32
          %mul3A_555 = vector.broadcast %mul3A_554 : i32 to vector<16xi32>
          %mul3A_556 = arith.muli %get3A_543, %mul3A_555 : vector<16xi32>
          %add3A_557 = arith.constant 0 : i32
          %add3A_558 = vector.broadcast %add3A_557 : i32 to vector<16xi32>
          %add3A_559 = arith.addi %mul3A_556, %add3A_558 : vector<16xi32>
          %mul3A_560 = arith.constant 3 : i32
          %mul3A_561 = vector.broadcast %mul3A_560 : i32 to vector<16xi32>
          %mul3A_562 = arith.muli %get3A_551, %mul3A_561 : vector<16xi32>
          %add3A_563 = arith.constant 0 : i32
          %add3A_564 = vector.broadcast %add3A_563 : i32 to vector<16xi32>
          %add3A_565 = arith.addi %mul3A_562, %add3A_564 : vector<16xi32>
          %shift_right_arithmetic3A = arith.constant 7 : i32
          %shift_right_arithmetic3A_566 = vector.broadcast %shift_right_arithmetic3A : i32 to vector<16xi32>
          %shift_right_arithmetic3A_567 = arith.shrsi %add3A_559, %shift_right_arithmetic3A_566 : vector<16xi32>
          %and3A_568 = arith.constant 127 : i32
          %and3A_569 = vector.broadcast %and3A_568 : i32 to vector<16xi32>
          %and3A_570 = arith.andi %add3A_559, %and3A_569 : vector<16xi32>
          %gather3A = tpu.vector_load_idx %arg13[%shift_right_arithmetic3A_567, %and3A_570] : memref<235x128xf32, #tpu.memory_space<vmem>>[vector<16xi32>, vector<16xi32>], vector<16xf32>,
          %shift_right_arithmetic3A_571 = arith.constant 7 : i32
          %shift_right_arithmetic3A_572 = vector.broadcast %shift_right_arithmetic3A_571 : i32 to vector<16xi32>
          %shift_right_arithmetic3A_573 = arith.shrsi %add3A_565, %shift_right_arithmetic3A_572 : vector<16xi32>
          %and3A_574 = arith.constant 127 : i32
          %and3A_575 = vector.broadcast %and3A_574 : i32 to vector<16xi32>
          %and3A_576 = arith.andi %add3A_565, %and3A_575 : vector<16xi32>
          %gather3A_577 = tpu.vector_load_idx %arg13[%shift_right_arithmetic3A_573, %and3A_576] : memref<235x128xf32, #tpu.memory_space<vmem>>[vector<16xi32>, vector<16xi32>], vector<16xf32>,
          %sub3A_578 = arith.subf %gather3A, %gather3A_577 : vector<16xf32>
          %mul3A_579 = arith.constant 3 : i32
          %mul3A_580 = vector.broadcast %mul3A_579 : i32 to vector<16xi32>
          %mul3A_581 = arith.muli %get3A_543, %mul3A_580 : vector<16xi32>
          %add3A_582 = arith.constant 1 : i32
          %add3A_583 = vector.broadcast %add3A_582 : i32 to vector<16xi32>
          %add3A_584 = arith.addi %mul3A_581, %add3A_583 : vector<16xi32>
          %mul3A_585 = arith.constant 3 : i32
          %mul3A_586 = vector.broadcast %mul3A_585 : i32 to vector<16xi32>
          %mul3A_587 = arith.muli %get3A_551, %mul3A_586 : vector<16xi32>
          %add3A_588 = arith.constant 1 : i32
          %add3A_589 = vector.broadcast %add3A_588 : i32 to vector<16xi32>
          %add3A_590 = arith.addi %mul3A_587, %add3A_589 : vector<16xi32>
          %shift_right_arithmetic3A_591 = arith.constant 7 : i32
          %shift_right_arithmetic3A_592 = vector.broadcast %shift_right_arithmetic3A_591 : i32 to vector<16xi32>
          %shift_right_arithmetic3A_593 = arith.shrsi %add3A_584, %shift_right_arithmetic3A_592 : vector<16xi32>
          %and3A_594 = arith.constant 127 : i32
          %and3A_595 = vector.broadcast %and3A_594 : i32 to vector<16xi32>
          %and3A_596 = arith.andi %add3A_584, %and3A_595 : vector<16xi32>
          %gather3A_597 = tpu.vector_load_idx %arg13[%shift_right_arithmetic3A_593, %and3A_596] : memref<235x128xf32, #tpu.memory_space<vmem>>[vector<16xi32>, vector<16xi32>], vector<16xf32>,
          %shift_right_arithmetic3A_598 = arith.constant 7 : i32
          %shift_right_arithmetic3A_599 = vector.broadcast %shift_right_arithmetic3A_598 : i32 to vector<16xi32>
          %shift_right_arithmetic3A_600 = arith.shrsi %add3A_590, %shift_right_arithmetic3A_599 : vector<16xi32>
          %and3A_601 = arith.constant 127 : i32
          %and3A_602 = vector.broadcast %and3A_601 : i32 to vector<16xi32>
          %and3A_603 = arith.andi %add3A_590, %and3A_602 : vector<16xi32>
          %gather3A_604 = tpu.vector_load_idx %arg13[%shift_right_arithmetic3A_600, %and3A_603] : memref<235x128xf32, #tpu.memory_space<vmem>>[vector<16xi32>, vector<16xi32>], vector<16xf32>,
          %sub3A_605 = arith.subf %gather3A_597, %gather3A_604 : vector<16xf32>
          %mul3A_606 = arith.constant 3 : i32
          %mul3A_607 = vector.broadcast %mul3A_606 : i32 to vector<16xi32>
          %mul3A_608 = arith.muli %get3A_543, %mul3A_607 : vector<16xi32>
          %add3A_609 = arith.constant 2 : i32
          %add3A_610 = vector.broadcast %add3A_609 : i32 to vector<16xi32>
          %add3A_611 = arith.addi %mul3A_608, %add3A_610 : vector<16xi32>
          %mul3A_612 = arith.constant 3 : i32
          %mul3A_613 = vector.broadcast %mul3A_612 : i32 to vector<16xi32>
          %mul3A_614 = arith.muli %get3A_551, %mul3A_613 : vector<16xi32>
          %add3A_615 = arith.constant 2 : i32
          %add3A_616 = vector.broadcast %add3A_615 : i32 to vector<16xi32>
          %add3A_617 = arith.addi %mul3A_614, %add3A_616 : vector<16xi32>
          %shift_right_arithmetic3A_618 = arith.constant 7 : i32
          %shift_right_arithmetic3A_619 = vector.broadcast %shift_right_arithmetic3A_618 : i32 to vector<16xi32>
          %shift_right_arithmetic3A_620 = arith.shrsi %add3A_611, %shift_right_arithmetic3A_619 : vector<16xi32>
          %and3A_621 = arith.constant 127 : i32
          %and3A_622 = vector.broadcast %and3A_621 : i32 to vector<16xi32>
          %and3A_623 = arith.andi %add3A_611, %and3A_622 : vector<16xi32>
          %gather3A_624 = tpu.vector_load_idx %arg13[%shift_right_arithmetic3A_620, %and3A_623] : memref<235x128xf32, #tpu.memory_space<vmem>>[vector<16xi32>, vector<16xi32>], vector<16xf32>,
          %shift_right_arithmetic3A_625 = arith.constant 7 : i32
          %shift_right_arithmetic3A_626 = vector.broadcast %shift_right_arithmetic3A_625 : i32 to vector<16xi32>
          %shift_right_arithmetic3A_627 = arith.shrsi %add3A_617, %shift_right_arithmetic3A_626 : vector<16xi32>
          %and3A_628 = arith.constant 127 : i32
          %and3A_629 = vector.broadcast %and3A_628 : i32 to vector<16xi32>
          %and3A_630 = arith.andi %add3A_617, %and3A_629 : vector<16xi32>
          %gather3A_631 = tpu.vector_load_idx %arg13[%shift_right_arithmetic3A_627, %and3A_630] : memref<235x128xf32, #tpu.memory_space<vmem>>[vector<16xi32>, vector<16xi32>], vector<16xf32>,
          %sub3A_632 = arith.subf %gather3A_624, %gather3A_631 : vector<16xf32>
          %mul3A_633 = arith.mulf %sub3A_578, %sub3A_578 : vector<16xf32>
          %mul3A_634 = arith.mulf %sub3A_605, %sub3A_605 : vector<16xf32>
          %add3A_635 = arith.addf %mul3A_633, %mul3A_634 : vector<16xf32>
          %mul3A_636 = arith.mulf %sub3A_632, %sub3A_632 : vector<16xf32>
          %add3A_637 = arith.addf %add3A_635, %mul3A_636 : vector<16xf32>
          %bitcast3A = vector.bitcast %add3A_637 : vector<16xf32> to vector<16xi32>
          %shift_right_arithmetic3A_638 = arith.constant 1 : i32
          %shift_right_arithmetic3A_639 = vector.broadcast %shift_right_arithmetic3A_638 : i32 to vector<16xi32>
          %shift_right_arithmetic3A_640 = arith.shrsi %bitcast3A, %shift_right_arithmetic3A_639 : vector<16xi32>
          %sub3A_641 = arith.constant 1597463007 : i32
          %sub3A_642 = vector.broadcast %sub3A_641 : i32 to vector<16xi32>
          %sub3A_643 = arith.subi %sub3A_642, %shift_right_arithmetic3A_640 : vector<16xi32>
          %bitcast3A_644 = vector.bitcast %sub3A_643 : vector<16xi32> to vector<16xf32>
          %mul3A_645 = arith.constant 5.000000e-01 : f32
          %mul3A_646 = vector.broadcast %mul3A_645 : f32 to vector<16xf32>
          %mul3A_647 = arith.mulf %mul3A_646, %add3A_637 : vector<16xf32>
          %mul3A_648 = arith.mulf %mul3A_647, %bitcast3A_644 : vector<16xf32>
          %mul3A_649 = arith.mulf %mul3A_648, %bitcast3A_644 : vector<16xf32>
          %sub3A_650 = arith.constant 1.500000e+00 : f32
          %sub3A_651 = vector.broadcast %sub3A_650 : f32 to vector<16xf32>
          %sub3A_652 = arith.subf %sub3A_651, %mul3A_649 : vector<16xf32>
          %mul3A_653 = arith.mulf %bitcast3A_644, %sub3A_652 : vector<16xf32>
          %mul3A_654 = arith.constant 5.000000e-01 : f32
          %mul3A_655 = vector.broadcast %mul3A_654 : f32 to vector<16xf32>
          %mul3A_656 = arith.mulf %mul3A_655, %add3A_637 : vector<16xf32>
          %mul3A_657 = arith.mulf %mul3A_656, %mul3A_653 : vector<16xf32>
          %mul3A_658 = arith.mulf %mul3A_657, %mul3A_653 : vector<16xf32>
          %sub3A_659 = arith.constant 1.500000e+00 : f32
          %sub3A_660 = vector.broadcast %sub3A_659 : f32 to vector<16xf32>
          %sub3A_661 = arith.subf %sub3A_660, %mul3A_658 : vector<16xf32>
          %mul3A_662 = arith.mulf %mul3A_653, %sub3A_661 : vector<16xf32>
          %mul3A_663 = arith.constant 5.000000e-01 : f32
          %mul3A_664 = vector.broadcast %mul3A_663 : f32 to vector<16xf32>
          %mul3A_665 = arith.mulf %mul3A_664, %add3A_637 : vector<16xf32>
          %mul3A_666 = arith.mulf %mul3A_665, %mul3A_662 : vector<16xf32>
          %mul3A_667 = arith.mulf %mul3A_666, %mul3A_662 : vector<16xf32>
          %sub3A_668 = arith.constant 1.500000e+00 : f32
          %sub3A_669 = vector.broadcast %sub3A_668 : f32 to vector<16xf32>
          %sub3A_670 = arith.subf %sub3A_669, %mul3A_667 : vector<16xf32>
          %mul3A_671 = arith.mulf %mul3A_662, %sub3A_670 : vector<16xf32>
          %mul3A_672 = arith.mulf %sub3A_578, %mul3A_671 : vector<16xf32>
          %broadcast_in_dim3A = arith.constant 0 : i32
          %broadcast_in_dim3A_673 = vector.broadcast %broadcast_in_dim3A : i32 to vector<16xi32>
          %scatter3A = arith.constant 0 : i32
          %scatter3A_674 = arith.constant 0 : i32
          %scatter3A_675 = tpu.memref_slice %run_scoped3A_12[%rem3A_297, %scatter3A, %scatter3A_674] : memref<2x128x16xf32, #tpu.memory_space<vmem>> -> memref<1x128x16xf32, #tpu.memory_space<vmem>>
          %scatter3A_676 = tpu.memref_squeeze %scatter3A_675 : memref<1x128x16xf32, #tpu.memory_space<vmem>> -> memref<128x16xf32, #tpu.memory_space<vmem>>
          tpu.vector_store_idx %scatter3A_676[%add3A_553, %broadcast_in_dim3A_673], %mul3A_672 : memref<128x16xf32, #tpu.memory_space<vmem>>[vector<16xi32>, vector<16xi32>], vector<16xf32>,
          %mul3A_677 = arith.mulf %sub3A_605, %mul3A_671 : vector<16xf32>
          %broadcast_in_dim3A_678 = arith.constant 1 : i32
          %broadcast_in_dim3A_679 = vector.broadcast %broadcast_in_dim3A_678 : i32 to vector<16xi32>
          %scatter3A_680 = arith.constant 0 : i32
          %scatter3A_681 = arith.constant 0 : i32
          %scatter3A_682 = tpu.memref_slice %run_scoped3A_12[%rem3A_297, %scatter3A_680, %scatter3A_681] : memref<2x128x16xf32, #tpu.memory_space<vmem>> -> memref<1x128x16xf32, #tpu.memory_space<vmem>>
          %scatter3A_683 = tpu.memref_squeeze %scatter3A_682 : memref<1x128x16xf32, #tpu.memory_space<vmem>> -> memref<128x16xf32, #tpu.memory_space<vmem>>
          tpu.vector_store_idx %scatter3A_683[%add3A_553, %broadcast_in_dim3A_679], %mul3A_677 : memref<128x16xf32, #tpu.memory_space<vmem>>[vector<16xi32>, vector<16xi32>], vector<16xf32>,
          %mul3A_684 = arith.mulf %sub3A_632, %mul3A_671 : vector<16xf32>
          %broadcast_in_dim3A_685 = arith.constant 2 : i32
          %broadcast_in_dim3A_686 = vector.broadcast %broadcast_in_dim3A_685 : i32 to vector<16xi32>
          %scatter3A_687 = arith.constant 0 : i32
          %scatter3A_688 = arith.constant 0 : i32
          %scatter3A_689 = tpu.memref_slice %run_scoped3A_12[%rem3A_297, %scatter3A_687, %scatter3A_688] : memref<2x128x16xf32, #tpu.memory_space<vmem>> -> memref<1x128x16xf32, #tpu.memory_space<vmem>>
          %scatter3A_690 = tpu.memref_squeeze %scatter3A_689 : memref<1x128x16xf32, #tpu.memory_space<vmem>> -> memref<128x16xf32, #tpu.memory_space<vmem>>
          tpu.vector_store_idx %scatter3A_690[%add3A_553, %broadcast_in_dim3A_686], %mul3A_684 : memref<128x16xf32, #tpu.memory_space<vmem>>[vector<16xi32>, vector<16xi32>], vector<16xf32>,
          %broadcast_in_dim3A_691 = arith.constant 3 : i32
          %broadcast_in_dim3A_692 = vector.broadcast %broadcast_in_dim3A_691 : i32 to vector<16xi32>
          %scatter3A_693 = arith.constant 0 : i32
          %scatter3A_694 = arith.constant 0 : i32
          %scatter3A_695 = tpu.memref_slice %run_scoped3A_12[%rem3A_297, %scatter3A_693, %scatter3A_694] : memref<2x128x16xf32, #tpu.memory_space<vmem>> -> memref<1x128x16xf32, #tpu.memory_space<vmem>>
          %scatter3A_696 = tpu.memref_squeeze %scatter3A_695 : memref<1x128x16xf32, #tpu.memory_space<vmem>> -> memref<128x16xf32, #tpu.memory_space<vmem>>
          tpu.vector_store_idx %scatter3A_696[%add3A_553, %broadcast_in_dim3A_692], %add3A_637 : memref<128x16xf32, #tpu.memory_space<vmem>>[vector<16xi32>, vector<16xi32>], vector<16xf32>,
        }
        %scan3A_373 = arith.constant 4 : i32
        %scan3A_374 = arith.constant 0 : i32
        %scan3A_375 = arith.constant 64 : i32
        %scan3A_376 = arith.addi %scan3A_374, %scan3A_375 : i32
        %scan3A_377 = arith.constant 1 : i32
        scf.for %scan3A_528 = %scan3A_374 to %scan3A_376 step %scan3A_377  : i32 {
          %mul3A_529 = arith.constant 1 : i32
          %mul3A_530 = arith.muli %scan3A_528, %mul3A_529 : i32
          %add3A_531 = arith.constant 0 : i32
          %add3A_532 = arith.addi %add3A_531, %mul3A_530 : i32
          %get3A = arith.index_cast %add3A_532 : i32 to index
          %get3A_533 = arith.constant 0 : index
          %get3A_534 = tpu.vector_load %arg9[%get3A, %get3A_533] {strides = array<i32>} : memref<64x128xf32, #tpu.memory_space<vmem>>, vector<16xf32>,
          %get3A_535 = arith.index_cast %add3A_532 : i32 to index
          %get3A_536 = arith.constant 0 : index
          %get3A_537 = tpu.vector_load %arg10[%get3A_535, %get3A_536] {strides = array<i32>} : memref<64x128xf32, #tpu.memory_space<vmem>>, vector<16xf32>,
          %add3A_538 = arith.addf %get3A_534, %get3A_537 : vector<16xf32>
          %add3A_539 = arith.constant 0 : i32
          %add3A_540 = arith.addi %add3A_539, %add3A_532 : i32
          %swap3A = arith.constant 0 : i32
          %swap3A_541 = arith.constant 0 : i32
          %swap3A_542 = tpu.memref_slice %run_scoped3A_10[%rem3A_295, %swap3A, %swap3A_541] : memref<2x128x128xf32, #tpu.memory_space<vmem>> -> memref<1x128x128xf32, #tpu.memory_space<vmem>>
          %swap3A_543 = tpu.memref_squeeze %swap3A_542 : memref<1x128x128xf32, #tpu.memory_space<vmem>> -> memref<128x128xf32, #tpu.memory_space<vmem>>
          %swap3A_544 = arith.index_cast %add3A_540 : i32 to index
          %swap3A_545 = arith.constant 0 : index
          %swap3A_546 = tpu.vector_load %swap3A_543[%swap3A_544, %swap3A_545] {strides = array<i32>} : memref<128x128xf32, #tpu.memory_space<vmem>>, vector<16xf32>,
          tpu.vector_store %swap3A_543[%swap3A_544, %swap3A_545], %add3A_538 {strides = array<i32>} : memref<128x128xf32, #tpu.memory_space<vmem>>, vector<16xf32>,
          %get3A_547 = arith.index_cast %add3A_532 : i32 to index
          %get3A_548 = arith.constant 16 : index
          %get3A_549 = tpu.vector_load %arg9[%get3A_547, %get3A_548] {strides = array<i32>} : memref<64x128xf32, #tpu.memory_space<vmem>>, vector<16xf32>,
          %get3A_550 = arith.index_cast %add3A_532 : i32 to index
          %get3A_551 = arith.constant 16 : index
          %get3A_552 = tpu.vector_load %arg10[%get3A_550, %get3A_551] {strides = array<i32>} : memref<64x128xf32, #tpu.memory_space<vmem>>, vector<16xf32>,
          %add3A_553 = arith.addf %get3A_549, %get3A_552 : vector<16xf32>
          %add3A_554 = arith.constant 0 : i32
          %add3A_555 = arith.addi %add3A_554, %add3A_532 : i32
          %swap3A_556 = arith.constant 0 : i32
          %swap3A_557 = arith.constant 0 : i32
          %swap3A_558 = tpu.memref_slice %run_scoped3A_10[%rem3A_295, %swap3A_556, %swap3A_557] : memref<2x128x128xf32, #tpu.memory_space<vmem>> -> memref<1x128x128xf32, #tpu.memory_space<vmem>>
          %swap3A_559 = tpu.memref_squeeze %swap3A_558 : memref<1x128x128xf32, #tpu.memory_space<vmem>> -> memref<128x128xf32, #tpu.memory_space<vmem>>
          %swap3A_560 = arith.index_cast %add3A_555 : i32 to index
          %swap3A_561 = arith.constant 16 : index
          %swap3A_562 = tpu.vector_load %swap3A_559[%swap3A_560, %swap3A_561] {strides = array<i32>} : memref<128x128xf32, #tpu.memory_space<vmem>>, vector<16xf32>,
          tpu.vector_store %swap3A_559[%swap3A_560, %swap3A_561], %add3A_553 {strides = array<i32>} : memref<128x128xf32, #tpu.memory_space<vmem>>, vector<16xf32>,
          %get3A_563 = arith.index_cast %add3A_532 : i32 to index
          %get3A_564 = arith.constant 32 : index
          %get3A_565 = tpu.vector_load %arg9[%get3A_563, %get3A_564] {strides = array<i32>} : memref<64x128xf32, #tpu.memory_space<vmem>>, vector<16xf32>,
          %get3A_566 = arith.index_cast %add3A_532 : i32 to index
          %get3A_567 = arith.constant 32 : index
          %get3A_568 = tpu.vector_load %arg10[%get3A_566, %get3A_567] {strides = array<i32>} : memref<64x128xf32, #tpu.memory_space<vmem>>, vector<16xf32>,
          %add3A_569 = arith.addf %get3A_565, %get3A_568 : vector<16xf32>
          %add3A_570 = arith.constant 0 : i32
          %add3A_571 = arith.addi %add3A_570, %add3A_532 : i32
          %swap3A_572 = arith.constant 0 : i32
          %swap3A_573 = arith.constant 0 : i32
          %swap3A_574 = tpu.memref_slice %run_scoped3A_10[%rem3A_295, %swap3A_572, %swap3A_573] : memref<2x128x128xf32, #tpu.memory_space<vmem>> -> memref<1x128x128xf32, #tpu.memory_space<vmem>>
          %swap3A_575 = tpu.memref_squeeze %swap3A_574 : memref<1x128x128xf32, #tpu.memory_space<vmem>> -> memref<128x128xf32, #tpu.memory_space<vmem>>
          %swap3A_576 = arith.index_cast %add3A_571 : i32 to index
          %swap3A_577 = arith.constant 32 : index
          %swap3A_578 = tpu.vector_load %swap3A_575[%swap3A_576, %swap3A_577] {strides = array<i32>} : memref<128x128xf32, #tpu.memory_space<vmem>>, vector<16xf32>,
          tpu.vector_store %swap3A_575[%swap3A_576, %swap3A_577], %add3A_569 {strides = array<i32>} : memref<128x128xf32, #tpu.memory_space<vmem>>, vector<16xf32>,
          %get3A_579 = arith.index_cast %add3A_532 : i32 to index
          %get3A_580 = arith.constant 48 : index
          %get3A_581 = tpu.vector_load %arg9[%get3A_579, %get3A_580] {strides = array<i32>} : memref<64x128xf32, #tpu.memory_space<vmem>>, vector<16xf32>,
          %get3A_582 = arith.index_cast %add3A_532 : i32 to index
          %get3A_583 = arith.constant 48 : index
          %get3A_584 = tpu.vector_load %arg10[%get3A_582, %get3A_583] {strides = array<i32>} : memref<64x128xf32, #tpu.memory_space<vmem>>, vector<16xf32>,
          %add3A_585 = arith.addf %get3A_581, %get3A_584 : vector<16xf32>
          %add3A_586 = arith.constant 0 : i32
          %add3A_587 = arith.addi %add3A_586, %add3A_532 : i32
          %swap3A_588 = arith.constant 0 : i32
          %swap3A_589 = arith.constant 0 : i32
          %swap3A_590 = tpu.memref_slice %run_scoped3A_10[%rem3A_295, %swap3A_588, %swap3A_589] : memref<2x128x128xf32, #tpu.memory_space<vmem>> -> memref<1x128x128xf32, #tpu.memory_space<vmem>>
          %swap3A_591 = tpu.memref_squeeze %swap3A_590 : memref<1x128x128xf32, #tpu.memory_space<vmem>> -> memref<128x128xf32, #tpu.memory_space<vmem>>
          %swap3A_592 = arith.index_cast %add3A_587 : i32 to index
          %swap3A_593 = arith.constant 48 : index
          %swap3A_594 = tpu.vector_load %swap3A_591[%swap3A_592, %swap3A_593] {strides = array<i32>} : memref<128x128xf32, #tpu.memory_space<vmem>>, vector<16xf32>,
          tpu.vector_store %swap3A_591[%swap3A_592, %swap3A_593], %add3A_585 {strides = array<i32>} : memref<128x128xf32, #tpu.memory_space<vmem>>, vector<16xf32>,
          %get3A_595 = arith.index_cast %add3A_532 : i32 to index
          %get3A_596 = arith.constant 64 : index
          %get3A_597 = tpu.vector_load %arg9[%get3A_595, %get3A_596] {strides = array<i32>} : memref<64x128xf32, #tpu.memory_space<vmem>>, vector<16xf32>,
          %get3A_598 = arith.index_cast %add3A_532 : i32 to index
          %get3A_599 = arith.constant 64 : index
          %get3A_600 = tpu.vector_load %arg10[%get3A_598, %get3A_599] {strides = array<i32>} : memref<64x128xf32, #tpu.memory_space<vmem>>, vector<16xf32>,
          %add3A_601 = arith.addf %get3A_597, %get3A_600 : vector<16xf32>
          %add3A_602 = arith.constant 0 : i32
          %add3A_603 = arith.addi %add3A_602, %add3A_532 : i32
          %swap3A_604 = arith.constant 0 : i32
          %swap3A_605 = arith.constant 0 : i32
          %swap3A_606 = tpu.memref_slice %run_scoped3A_10[%rem3A_295, %swap3A_604, %swap3A_605] : memref<2x128x128xf32, #tpu.memory_space<vmem>> -> memref<1x128x128xf32, #tpu.memory_space<vmem>>
          %swap3A_607 = tpu.memref_squeeze %swap3A_606 : memref<1x128x128xf32, #tpu.memory_space<vmem>> -> memref<128x128xf32, #tpu.memory_space<vmem>>
          %swap3A_608 = arith.index_cast %add3A_603 : i32 to index
          %swap3A_609 = arith.constant 64 : index
          %swap3A_610 = tpu.vector_load %swap3A_607[%swap3A_608, %swap3A_609] {strides = array<i32>} : memref<128x128xf32, #tpu.memory_space<vmem>>, vector<16xf32>,
          tpu.vector_store %swap3A_607[%swap3A_608, %swap3A_609], %add3A_601 {strides = array<i32>} : memref<128x128xf32, #tpu.memory_space<vmem>>, vector<16xf32>,
          %get3A_611 = arith.index_cast %add3A_532 : i32 to index
          %get3A_612 = arith.constant 80 : index
          %get3A_613 = tpu.vector_load %arg9[%get3A_611, %get3A_612] {strides = array<i32>} : memref<64x128xf32, #tpu.memory_space<vmem>>, vector<16xf32>,
          %get3A_614 = arith.index_cast %add3A_532 : i32 to index
          %get3A_615 = arith.constant 80 : index
          %get3A_616 = tpu.vector_load %arg10[%get3A_614, %get3A_615] {strides = array<i32>} : memref<64x128xf32, #tpu.memory_space<vmem>>, vector<16xf32>,
          %add3A_617 = arith.addf %get3A_613, %get3A_616 : vector<16xf32>
          %add3A_618 = arith.constant 0 : i32
          %add3A_619 = arith.addi %add3A_618, %add3A_532 : i32
          %swap3A_620 = arith.constant 0 : i32
          %swap3A_621 = arith.constant 0 : i32
          %swap3A_622 = tpu.memref_slice %run_scoped3A_10[%rem3A_295, %swap3A_620, %swap3A_621] : memref<2x128x128xf32, #tpu.memory_space<vmem>> -> memref<1x128x128xf32, #tpu.memory_space<vmem>>
          %swap3A_623 = tpu.memref_squeeze %swap3A_622 : memref<1x128x128xf32, #tpu.memory_space<vmem>> -> memref<128x128xf32, #tpu.memory_space<vmem>>
          %swap3A_624 = arith.index_cast %add3A_619 : i32 to index
          %swap3A_625 = arith.constant 80 : index
          %swap3A_626 = tpu.vector_load %swap3A_623[%swap3A_624, %swap3A_625] {strides = array<i32>} : memref<128x128xf32, #tpu.memory_space<vmem>>, vector<16xf32>,
          tpu.vector_store %swap3A_623[%swap3A_624, %swap3A_625], %add3A_617 {strides = array<i32>} : memref<128x128xf32, #tpu.memory_space<vmem>>, vector<16xf32>,
          %get3A_627 = arith.index_cast %add3A_532 : i32 to index
          %get3A_628 = arith.constant 96 : index
          %get3A_629 = tpu.vector_load %arg9[%get3A_627, %get3A_628] {strides = array<i32>} : memref<64x128xf32, #tpu.memory_space<vmem>>, vector<16xf32>,
          %get3A_630 = arith.index_cast %add3A_532 : i32 to index
          %get3A_631 = arith.constant 96 : index
          %get3A_632 = tpu.vector_load %arg10[%get3A_630, %get3A_631] {strides = array<i32>} : memref<64x128xf32, #tpu.memory_space<vmem>>, vector<16xf32>,
          %add3A_633 = arith.addf %get3A_629, %get3A_632 : vector<16xf32>
          %add3A_634 = arith.constant 0 : i32
          %add3A_635 = arith.addi %add3A_634, %add3A_532 : i32
          %swap3A_636 = arith.constant 0 : i32
          %swap3A_637 = arith.constant 0 : i32
          %swap3A_638 = tpu.memref_slice %run_scoped3A_10[%rem3A_295, %swap3A_636, %swap3A_637] : memref<2x128x128xf32, #tpu.memory_space<vmem>> -> memref<1x128x128xf32, #tpu.memory_space<vmem>>
          %swap3A_639 = tpu.memref_squeeze %swap3A_638 : memref<1x128x128xf32, #tpu.memory_space<vmem>> -> memref<128x128xf32, #tpu.memory_space<vmem>>
          %swap3A_640 = arith.index_cast %add3A_635 : i32 to index
          %swap3A_641 = arith.constant 96 : index
          %swap3A_642 = tpu.vector_load %swap3A_639[%swap3A_640, %swap3A_641] {strides = array<i32>} : memref<128x128xf32, #tpu.memory_space<vmem>>, vector<16xf32>,
          tpu.vector_store %swap3A_639[%swap3A_640, %swap3A_641], %add3A_633 {strides = array<i32>} : memref<128x128xf32, #tpu.memory_space<vmem>>, vector<16xf32>,
          %get3A_643 = arith.index_cast %add3A_532 : i32 to index
          %get3A_644 = arith.constant 112 : index
          %get3A_645 = tpu.vector_load %arg9[%get3A_643, %get3A_644] {strides = array<i32>} : memref<64x128xf32, #tpu.memory_space<vmem>>, vector<16xf32>,
          %get3A_646 = arith.index_cast %add3A_532 : i32 to index
          %get3A_647 = arith.constant 112 : index
          %get3A_648 = tpu.vector_load %arg10[%get3A_646, %get3A_647] {strides = array<i32>} : memref<64x128xf32, #tpu.memory_space<vmem>>, vector<16xf32>,
          %add3A_649 = arith.addf %get3A_645, %get3A_648 : vector<16xf32>
          %add3A_650 = arith.constant 0 : i32
          %add3A_651 = arith.addi %add3A_650, %add3A_532 : i32
          %swap3A_652 = arith.constant 0 : i32
          %swap3A_653 = arith.constant 0 : i32
          %swap3A_654 = tpu.memref_slice %run_scoped3A_10[%rem3A_295, %swap3A_652, %swap3A_653] : memref<2x128x128xf32, #tpu.memory_space<vmem>> -> memref<1x128x128xf32, #tpu.memory_space<vmem>>
          %swap3A_655 = tpu.memref_squeeze %swap3A_654 : memref<1x128x128xf32, #tpu.memory_space<vmem>> -> memref<128x128xf32, #tpu.memory_space<vmem>>
          %swap3A_656 = arith.index_cast %add3A_651 : i32 to index
          %swap3A_657 = arith.constant 112 : index
          %swap3A_658 = tpu.vector_load %swap3A_655[%swap3A_656, %swap3A_657] {strides = array<i32>} : memref<128x128xf32, #tpu.memory_space<vmem>>, vector<16xf32>,
          tpu.vector_store %swap3A_655[%swap3A_656, %swap3A_657], %add3A_649 {strides = array<i32>} : memref<128x128xf32, #tpu.memory_space<vmem>>, vector<16xf32>,
        }
        %scan3A_378 = arith.constant 64 : i32
        %dma_wait3A_379 = arith.constant 0 : i32
        %dma_wait3A_380 = arith.constant 0 : i32
        %dma_wait3A_381 = arith.constant 0 : i32
        %dma_wait3A_382 = tpu.memref_slice %run_scoped3A[%rem3A_291, %dma_wait3A_380, %dma_wait3A_381] : memref<2x1x128xi32, #tpu.memory_space<vmem>> -> memref<1x1x128xi32, #tpu.memory_space<vmem>>
        %dma_wait3A_383 = tpu.memref_squeeze %dma_wait3A_382 : memref<1x1x128xi32, #tpu.memory_space<vmem>> -> memref<1x128xi32, #tpu.memory_space<vmem>>
        %dma_wait3A_384 = arith.constant 64 : i32
        %dma_wait3A_385 = tpu.memref_slice %dma_wait3A_383[%dma_wait3A_379, %dma_wait3A_384] : memref<1x128xi32, #tpu.memory_space<vmem>> -> memref<1x64xi32, #tpu.memory_space<vmem>>
        %dma_wait3A_386 = tpu.memref_squeeze %dma_wait3A_385 : memref<1x64xi32, #tpu.memory_space<vmem>> -> memref<64xi32, #tpu.memory_space<vmem>>
        %dma_wait3A_387 = arith.constant 0 : i32
        %dma_wait3A_388 = arith.constant 0 : i32
        %dma_wait3A_389 = tpu.memref_slice %arg2[%dma_wait3A_387, %dma_wait3A_388] : memref<10240x128xf32, #tpu.memory_space<hbm>> -> memref<10240x128xf32, #tpu.memory_space<hbm>>
        tpu.wait_indirect_dma semaphore(%arg14 : memref<!tpu.dma_semaphore, #tpu.memory_space<semaphore_mem>>) src(%dma_wait3A_389 : memref<10240x128xf32, #tpu.memory_space<hbm>>) dst(%arg11 : memref<64x128xf32, #tpu.memory_space<vmem>>)
        %dma_wait3A_390 = arith.constant 0 : i32
        %dma_wait3A_391 = arith.constant 0 : i32
        %dma_wait3A_392 = arith.constant 0 : i32
        %dma_wait3A_393 = tpu.memref_slice %run_scoped3A_8[%rem3A_293, %dma_wait3A_391, %dma_wait3A_392] : memref<2x1x128xi32, #tpu.memory_space<vmem>> -> memref<1x1x128xi32, #tpu.memory_space<vmem>>
        %dma_wait3A_394 = tpu.memref_squeeze %dma_wait3A_393 : memref<1x1x128xi32, #tpu.memory_space<vmem>> -> memref<1x128xi32, #tpu.memory_space<vmem>>
        %dma_wait3A_395 = arith.constant 64 : i32
        %dma_wait3A_396 = tpu.memref_slice %dma_wait3A_394[%dma_wait3A_390, %dma_wait3A_395] : memref<1x128xi32, #tpu.memory_space<vmem>> -> memref<1x64xi32, #tpu.memory_space<vmem>>
        %dma_wait3A_397 = tpu.memref_squeeze %dma_wait3A_396 : memref<1x64xi32, #tpu.memory_space<vmem>> -> memref<64xi32, #tpu.memory_space<vmem>>
        %dma_wait3A_398 = arith.constant 0 : i32
        %dma_wait3A_399 = arith.constant 0 : i32
        %dma_wait3A_400 = tpu.memref_slice %arg3[%dma_wait3A_398, %dma_wait3A_399] : memref<10240x128xf32, #tpu.memory_space<hbm>> -> memref<10240x128xf32, #tpu.memory_space<hbm>>
        tpu.wait_indirect_dma semaphore(%arg15 : memref<!tpu.dma_semaphore, #tpu.memory_space<semaphore_mem>>) src(%dma_wait3A_400 : memref<10240x128xf32, #tpu.memory_space<hbm>>) dst(%arg12 : memref<64x128xf32, #tpu.memory_space<vmem>>)
        %scan3A_401 = arith.constant 0 : i32
        %scan3A_402 = arith.constant 64 : i32
        %scan3A_403 = arith.addi %scan3A_401, %scan3A_402 : i32
        %scan3A_404 = arith.constant 1 : i32
        scf.for %scan3A_528 = %scan3A_401 to %scan3A_403 step %scan3A_404  : i32 {
          %mul3A_529 = arith.constant 1 : i32
          %mul3A_530 = arith.muli %scan3A_528, %mul3A_529 : i32
          %add3A_531 = arith.constant 0 : i32
          %add3A_532 = arith.addi %add3A_531, %mul3A_530 : i32
          %get3A = arith.index_cast %add3A_532 : i32 to index
          %get3A_533 = arith.constant 0 : index
          %get3A_534 = tpu.vector_load %arg11[%get3A, %get3A_533] {strides = array<i32>} : memref<64x128xf32, #tpu.memory_space<vmem>>, vector<16xf32>,
          %get3A_535 = arith.index_cast %add3A_532 : i32 to index
          %get3A_536 = arith.constant 0 : index
          %get3A_537 = tpu.vector_load %arg12[%get3A_535, %get3A_536] {strides = array<i32>} : memref<64x128xf32, #tpu.memory_space<vmem>>, vector<16xf32>,
          %add3A_538 = arith.addf %get3A_534, %get3A_537 : vector<16xf32>
          %add3A_539 = arith.constant 64 : i32
          %add3A_540 = arith.addi %add3A_539, %add3A_532 : i32
          %swap3A = arith.constant 0 : i32
          %swap3A_541 = arith.constant 0 : i32
          %swap3A_542 = tpu.memref_slice %run_scoped3A_10[%rem3A_295, %swap3A, %swap3A_541] : memref<2x128x128xf32, #tpu.memory_space<vmem>> -> memref<1x128x128xf32, #tpu.memory_space<vmem>>
          %swap3A_543 = tpu.memref_squeeze %swap3A_542 : memref<1x128x128xf32, #tpu.memory_space<vmem>> -> memref<128x128xf32, #tpu.memory_space<vmem>>
          %swap3A_544 = arith.index_cast %add3A_540 : i32 to index
          %swap3A_545 = arith.constant 0 : index
          %swap3A_546 = tpu.vector_load %swap3A_543[%swap3A_544, %swap3A_545] {strides = array<i32>} : memref<128x128xf32, #tpu.memory_space<vmem>>, vector<16xf32>,
          tpu.vector_store %swap3A_543[%swap3A_544, %swap3A_545], %add3A_538 {strides = array<i32>} : memref<128x128xf32, #tpu.memory_space<vmem>>, vector<16xf32>,
          %get3A_547 = arith.index_cast %add3A_532 : i32 to index
          %get3A_548 = arith.constant 16 : index
          %get3A_549 = tpu.vector_load %arg11[%get3A_547, %get3A_548] {strides = array<i32>} : memref<64x128xf32, #tpu.memory_space<vmem>>, vector<16xf32>,
          %get3A_550 = arith.index_cast %add3A_532 : i32 to index
          %get3A_551 = arith.constant 16 : index
          %get3A_552 = tpu.vector_load %arg12[%get3A_550, %get3A_551] {strides = array<i32>} : memref<64x128xf32, #tpu.memory_space<vmem>>, vector<16xf32>,
          %add3A_553 = arith.addf %get3A_549, %get3A_552 : vector<16xf32>
          %add3A_554 = arith.constant 64 : i32
          %add3A_555 = arith.addi %add3A_554, %add3A_532 : i32
          %swap3A_556 = arith.constant 0 : i32
          %swap3A_557 = arith.constant 0 : i32
          %swap3A_558 = tpu.memref_slice %run_scoped3A_10[%rem3A_295, %swap3A_556, %swap3A_557] : memref<2x128x128xf32, #tpu.memory_space<vmem>> -> memref<1x128x128xf32, #tpu.memory_space<vmem>>
          %swap3A_559 = tpu.memref_squeeze %swap3A_558 : memref<1x128x128xf32, #tpu.memory_space<vmem>> -> memref<128x128xf32, #tpu.memory_space<vmem>>
          %swap3A_560 = arith.index_cast %add3A_555 : i32 to index
          %swap3A_561 = arith.constant 16 : index
          %swap3A_562 = tpu.vector_load %swap3A_559[%swap3A_560, %swap3A_561] {strides = array<i32>} : memref<128x128xf32, #tpu.memory_space<vmem>>, vector<16xf32>,
          tpu.vector_store %swap3A_559[%swap3A_560, %swap3A_561], %add3A_553 {strides = array<i32>} : memref<128x128xf32, #tpu.memory_space<vmem>>, vector<16xf32>,
          %get3A_563 = arith.index_cast %add3A_532 : i32 to index
          %get3A_564 = arith.constant 32 : index
          %get3A_565 = tpu.vector_load %arg11[%get3A_563, %get3A_564] {strides = array<i32>} : memref<64x128xf32, #tpu.memory_space<vmem>>, vector<16xf32>,
          %get3A_566 = arith.index_cast %add3A_532 : i32 to index
          %get3A_567 = arith.constant 32 : index
          %get3A_568 = tpu.vector_load %arg12[%get3A_566, %get3A_567] {strides = array<i32>} : memref<64x128xf32, #tpu.memory_space<vmem>>, vector<16xf32>,
          %add3A_569 = arith.addf %get3A_565, %get3A_568 : vector<16xf32>
          %add3A_570 = arith.constant 64 : i32
          %add3A_571 = arith.addi %add3A_570, %add3A_532 : i32
          %swap3A_572 = arith.constant 0 : i32
          %swap3A_573 = arith.constant 0 : i32
          %swap3A_574 = tpu.memref_slice %run_scoped3A_10[%rem3A_295, %swap3A_572, %swap3A_573] : memref<2x128x128xf32, #tpu.memory_space<vmem>> -> memref<1x128x128xf32, #tpu.memory_space<vmem>>
          %swap3A_575 = tpu.memref_squeeze %swap3A_574 : memref<1x128x128xf32, #tpu.memory_space<vmem>> -> memref<128x128xf32, #tpu.memory_space<vmem>>
          %swap3A_576 = arith.index_cast %add3A_571 : i32 to index
          %swap3A_577 = arith.constant 32 : index
          %swap3A_578 = tpu.vector_load %swap3A_575[%swap3A_576, %swap3A_577] {strides = array<i32>} : memref<128x128xf32, #tpu.memory_space<vmem>>, vector<16xf32>,
          tpu.vector_store %swap3A_575[%swap3A_576, %swap3A_577], %add3A_569 {strides = array<i32>} : memref<128x128xf32, #tpu.memory_space<vmem>>, vector<16xf32>,
          %get3A_579 = arith.index_cast %add3A_532 : i32 to index
          %get3A_580 = arith.constant 48 : index
          %get3A_581 = tpu.vector_load %arg11[%get3A_579, %get3A_580] {strides = array<i32>} : memref<64x128xf32, #tpu.memory_space<vmem>>, vector<16xf32>,
          %get3A_582 = arith.index_cast %add3A_532 : i32 to index
          %get3A_583 = arith.constant 48 : index
          %get3A_584 = tpu.vector_load %arg12[%get3A_582, %get3A_583] {strides = array<i32>} : memref<64x128xf32, #tpu.memory_space<vmem>>, vector<16xf32>,
          %add3A_585 = arith.addf %get3A_581, %get3A_584 : vector<16xf32>
          %add3A_586 = arith.constant 64 : i32
          %add3A_587 = arith.addi %add3A_586, %add3A_532 : i32
          %swap3A_588 = arith.constant 0 : i32
          %swap3A_589 = arith.constant 0 : i32
          %swap3A_590 = tpu.memref_slice %run_scoped3A_10[%rem3A_295, %swap3A_588, %swap3A_589] : memref<2x128x128xf32, #tpu.memory_space<vmem>> -> memref<1x128x128xf32, #tpu.memory_space<vmem>>
          %swap3A_591 = tpu.memref_squeeze %swap3A_590 : memref<1x128x128xf32, #tpu.memory_space<vmem>> -> memref<128x128xf32, #tpu.memory_space<vmem>>
          %swap3A_592 = arith.index_cast %add3A_587 : i32 to index
          %swap3A_593 = arith.constant 48 : index
          %swap3A_594 = tpu.vector_load %swap3A_591[%swap3A_592, %swap3A_593] {strides = array<i32>} : memref<128x128xf32, #tpu.memory_space<vmem>>, vector<16xf32>,
          tpu.vector_store %swap3A_591[%swap3A_592, %swap3A_593], %add3A_585 {strides = array<i32>} : memref<128x128xf32, #tpu.memory_space<vmem>>, vector<16xf32>,
          %get3A_595 = arith.index_cast %add3A_532 : i32 to index
          %get3A_596 = arith.constant 64 : index
          %get3A_597 = tpu.vector_load %arg11[%get3A_595, %get3A_596] {strides = array<i32>} : memref<64x128xf32, #tpu.memory_space<vmem>>, vector<16xf32>,
          %get3A_598 = arith.index_cast %add3A_532 : i32 to index
          %get3A_599 = arith.constant 64 : index
          %get3A_600 = tpu.vector_load %arg12[%get3A_598, %get3A_599] {strides = array<i32>} : memref<64x128xf32, #tpu.memory_space<vmem>>, vector<16xf32>,
          %add3A_601 = arith.addf %get3A_597, %get3A_600 : vector<16xf32>
          %add3A_602 = arith.constant 64 : i32
          %add3A_603 = arith.addi %add3A_602, %add3A_532 : i32
          %swap3A_604 = arith.constant 0 : i32
          %swap3A_605 = arith.constant 0 : i32
          %swap3A_606 = tpu.memref_slice %run_scoped3A_10[%rem3A_295, %swap3A_604, %swap3A_605] : memref<2x128x128xf32, #tpu.memory_space<vmem>> -> memref<1x128x128xf32, #tpu.memory_space<vmem>>
          %swap3A_607 = tpu.memref_squeeze %swap3A_606 : memref<1x128x128xf32, #tpu.memory_space<vmem>> -> memref<128x128xf32, #tpu.memory_space<vmem>>
          %swap3A_608 = arith.index_cast %add3A_603 : i32 to index
          %swap3A_609 = arith.constant 64 : index
          %swap3A_610 = tpu.vector_load %swap3A_607[%swap3A_608, %swap3A_609] {strides = array<i32>} : memref<128x128xf32, #tpu.memory_space<vmem>>, vector<16xf32>,
          tpu.vector_store %swap3A_607[%swap3A_608, %swap3A_609], %add3A_601 {strides = array<i32>} : memref<128x128xf32, #tpu.memory_space<vmem>>, vector<16xf32>,
          %get3A_611 = arith.index_cast %add3A_532 : i32 to index
          %get3A_612 = arith.constant 80 : index
          %get3A_613 = tpu.vector_load %arg11[%get3A_611, %get3A_612] {strides = array<i32>} : memref<64x128xf32, #tpu.memory_space<vmem>>, vector<16xf32>,
          %get3A_614 = arith.index_cast %add3A_532 : i32 to index
          %get3A_615 = arith.constant 80 : index
          %get3A_616 = tpu.vector_load %arg12[%get3A_614, %get3A_615] {strides = array<i32>} : memref<64x128xf32, #tpu.memory_space<vmem>>, vector<16xf32>,
          %add3A_617 = arith.addf %get3A_613, %get3A_616 : vector<16xf32>
          %add3A_618 = arith.constant 64 : i32
          %add3A_619 = arith.addi %add3A_618, %add3A_532 : i32
          %swap3A_620 = arith.constant 0 : i32
          %swap3A_621 = arith.constant 0 : i32
          %swap3A_622 = tpu.memref_slice %run_scoped3A_10[%rem3A_295, %swap3A_620, %swap3A_621] : memref<2x128x128xf32, #tpu.memory_space<vmem>> -> memref<1x128x128xf32, #tpu.memory_space<vmem>>
          %swap3A_623 = tpu.memref_squeeze %swap3A_622 : memref<1x128x128xf32, #tpu.memory_space<vmem>> -> memref<128x128xf32, #tpu.memory_space<vmem>>
          %swap3A_624 = arith.index_cast %add3A_619 : i32 to index
          %swap3A_625 = arith.constant 80 : index
          %swap3A_626 = tpu.vector_load %swap3A_623[%swap3A_624, %swap3A_625] {strides = array<i32>} : memref<128x128xf32, #tpu.memory_space<vmem>>, vector<16xf32>,
          tpu.vector_store %swap3A_623[%swap3A_624, %swap3A_625], %add3A_617 {strides = array<i32>} : memref<128x128xf32, #tpu.memory_space<vmem>>, vector<16xf32>,
          %get3A_627 = arith.index_cast %add3A_532 : i32 to index
          %get3A_628 = arith.constant 96 : index
          %get3A_629 = tpu.vector_load %arg11[%get3A_627, %get3A_628] {strides = array<i32>} : memref<64x128xf32, #tpu.memory_space<vmem>>, vector<16xf32>,
          %get3A_630 = arith.index_cast %add3A_532 : i32 to index
          %get3A_631 = arith.constant 96 : index
          %get3A_632 = tpu.vector_load %arg12[%get3A_630, %get3A_631] {strides = array<i32>} : memref<64x128xf32, #tpu.memory_space<vmem>>, vector<16xf32>,
          %add3A_633 = arith.addf %get3A_629, %get3A_632 : vector<16xf32>
          %add3A_634 = arith.constant 64 : i32
          %add3A_635 = arith.addi %add3A_634, %add3A_532 : i32
          %swap3A_636 = arith.constant 0 : i32
          %swap3A_637 = arith.constant 0 : i32
          %swap3A_638 = tpu.memref_slice %run_scoped3A_10[%rem3A_295, %swap3A_636, %swap3A_637] : memref<2x128x128xf32, #tpu.memory_space<vmem>> -> memref<1x128x128xf32, #tpu.memory_space<vmem>>
          %swap3A_639 = tpu.memref_squeeze %swap3A_638 : memref<1x128x128xf32, #tpu.memory_space<vmem>> -> memref<128x128xf32, #tpu.memory_space<vmem>>
          %swap3A_640 = arith.index_cast %add3A_635 : i32 to index
          %swap3A_641 = arith.constant 96 : index
          %swap3A_642 = tpu.vector_load %swap3A_639[%swap3A_640, %swap3A_641] {strides = array<i32>} : memref<128x128xf32, #tpu.memory_space<vmem>>, vector<16xf32>,
          tpu.vector_store %swap3A_639[%swap3A_640, %swap3A_641], %add3A_633 {strides = array<i32>} : memref<128x128xf32, #tpu.memory_space<vmem>>, vector<16xf32>,
          %get3A_643 = arith.index_cast %add3A_532 : i32 to index
          %get3A_644 = arith.constant 112 : index
          %get3A_645 = tpu.vector_load %arg11[%get3A_643, %get3A_644] {strides = array<i32>} : memref<64x128xf32, #tpu.memory_space<vmem>>, vector<16xf32>,
          %get3A_646 = arith.index_cast %add3A_532 : i32 to index
          %get3A_647 = arith.constant 112 : index
          %get3A_648 = tpu.vector_load %arg12[%get3A_646, %get3A_647] {strides = array<i32>} : memref<64x128xf32, #tpu.memory_space<vmem>>, vector<16xf32>,
          %add3A_649 = arith.addf %get3A_645, %get3A_648 : vector<16xf32>
          %add3A_650 = arith.constant 64 : i32
          %add3A_651 = arith.addi %add3A_650, %add3A_532 : i32
          %swap3A_652 = arith.constant 0 : i32
          %swap3A_653 = arith.constant 0 : i32
          %swap3A_654 = tpu.memref_slice %run_scoped3A_10[%rem3A_295, %swap3A_652, %swap3A_653] : memref<2x128x128xf32, #tpu.memory_space<vmem>> -> memref<1x128x128xf32, #tpu.memory_space<vmem>>
          %swap3A_655 = tpu.memref_squeeze %swap3A_654 : memref<1x128x128xf32, #tpu.memory_space<vmem>> -> memref<128x128xf32, #tpu.memory_space<vmem>>
          %swap3A_656 = arith.index_cast %add3A_651 : i32 to index
          %swap3A_657 = arith.constant 112 : index
          %swap3A_658 = tpu.vector_load %swap3A_655[%swap3A_656, %swap3A_657] {strides = array<i32>} : memref<128x128xf32, #tpu.memory_space<vmem>>, vector<16xf32>,
          tpu.vector_store %swap3A_655[%swap3A_656, %swap3A_657], %add3A_649 {strides = array<i32>} : memref<128x128xf32, #tpu.memory_space<vmem>>, vector<16xf32>,
        }
        %scan3A_405 = arith.constant 64 : i32
        "tpu.trace_stop"() : () -> ()
        %ne3A_406 = arith.cmpi ne, %add3A_185, %add3A_203 : i32
        %or3A_407 = arith.constant false
        %or3A_408 = arith.ori %or3A_407, %ne3A_406 : i1
        %or3A_409 = arith.ori %or3A_408, %eq3A_184 : i1
        %convert_element_type3A_410 = arith.extui %or3A_409 : i1 to i32
        %cond3A_411 = arith.constant 0 : i32
        %cond3A_412 = arith.cmpi ne, %convert_element_type3A_410, %cond3A_411 : i32
        scf.if %cond3A_412 {
        } else {
        }
        %and3A_413 = arith.constant false
        %and3A_414 = arith.andi %or3A_409, %and3A_413 : i1
        %ne3A_415 = arith.cmpi ne, %add3A_185, %add3A_203 : i32
        %or3A_416 = arith.constant false
        %or3A_417 = arith.ori %or3A_416, %ne3A_415 : i1
        %or3A_418 = arith.ori %or3A_417, %eq3A_184 : i1
        %convert_element_type3A_419 = arith.extui %or3A_418 : i1 to i32
        %cond3A_420 = arith.constant 0 : i32
        %cond3A_421 = arith.cmpi ne, %convert_element_type3A_419, %cond3A_420 : i32
        scf.if %cond3A_421 {
        } else {
        }
        %and3A_422 = arith.constant false
        %and3A_423 = arith.andi %or3A_418, %and3A_422 : i1
        %ne3A_424 = arith.cmpi ne, %add3A_185, %add3A_203 : i32
        %or3A_425 = arith.constant false
        %or3A_426 = arith.ori %or3A_425, %ne3A_424 : i1
        %or3A_427 = arith.constant false
        %or3A_428 = arith.ori %or3A_426, %or3A_427 : i1
        %or3A_429 = arith.ori %or3A_428, %eq3A_184 : i1
        %convert_element_type3A_430 = arith.extui %or3A_429 : i1 to i32
        %cond3A_431 = arith.constant 0 : i32
        %cond3A_432 = arith.cmpi ne, %convert_element_type3A_430, %cond3A_431 : i32
        scf.if %cond3A_432 {
          "tpu.trace_start"() <{level = 10 : i32, message = "ep_copy_out"}> : () -> ()
          %rem3A_528 = arith.constant 2 : i32
          %rem3A_529 = arith.remui %scan3A_176, %rem3A_528 : i32
          %mul3A_530 = arith.constant 128 : i32
          %mul3A_531 = arith.muli %mul3A_530, %add3A_185 : i32
          %dma_start3A_532 = arith.constant 0 : i32
          %dma_start3A_533 = arith.constant 0 : i32
          %dma_start3A_534 = tpu.memref_slice %run_scoped3A_10[%rem3A_529, %dma_start3A_532, %dma_start3A_533] : memref<2x128x128xf32, #tpu.memory_space<vmem>> -> memref<1x128x128xf32, #tpu.memory_space<vmem>>
          %dma_start3A_535 = tpu.memref_squeeze %dma_start3A_534 : memref<1x128x128xf32, #tpu.memory_space<vmem>> -> memref<128x128xf32, #tpu.memory_space<vmem>>
          %dma_start3A_536 = arith.constant 0 : i32
          %dma_start3A_537 = tpu.memref_slice %arg7[%mul3A_531, %dma_start3A_536] : memref<163840x128xf32, #tpu.memory_space<hbm>> -> memref<128x128xf32, #tpu.memory_space<hbm>>
          %dma_start3A_538 = tpu.memref_slice %run_scoped3A_11[%rem3A_529] : memref<2x!tpu.dma_semaphore, #tpu.memory_space<semaphore_mem>> -> memref<1x!tpu.dma_semaphore, #tpu.memory_space<semaphore_mem>>
          %dma_start3A_539 = tpu.memref_squeeze %dma_start3A_538 : memref<1x!tpu.dma_semaphore, #tpu.memory_space<semaphore_mem>> -> memref<!tpu.dma_semaphore, #tpu.memory_space<semaphore_mem>>
          %dma_start3A_540 = arith.constant 0 : i32
          %dma_start3A_541 = tpu.memref_slice %arg7[%mul3A_531, %dma_start3A_540] : memref<163840x128xf32, #tpu.memory_space<hbm>> -> memref<128x128xf32, #tpu.memory_space<hbm>>
          %dma_start3A_542 = arith.constant 0 : i32
          %dma_start3A_543 = arith.constant 0 : i32
          %dma_start3A_544 = tpu.memref_slice %run_scoped3A_10[%rem3A_529, %dma_start3A_542, %dma_start3A_543] : memref<2x128x128xf32, #tpu.memory_space<vmem>> -> memref<1x128x128xf32, #tpu.memory_space<vmem>>
          %dma_start3A_545 = tpu.memref_squeeze %dma_start3A_544 : memref<1x128x128xf32, #tpu.memory_space<vmem>> -> memref<128x128xf32, #tpu.memory_space<vmem>>
          tpu.enqueue_dma source(%dma_start3A_545 : memref<128x128xf32, #tpu.memory_space<vmem>>) target(%dma_start3A_541 : memref<128x128xf32, #tpu.memory_space<hbm>>) target_semaphore(%dma_start3A_539 : memref<!tpu.dma_semaphore, #tpu.memory_space<semaphore_mem>>)
          "tpu.trace_stop"() : () -> ()
        } else {
        }
        %and3A_433 = arith.constant true
        %and3A_434 = arith.andi %or3A_429, %and3A_433 : i1
        %add3A_435 = arith.constant 1 : i32
        %add3A_436 = arith.addi %scan3A_176, %add3A_435 : i32
        %select_n3A_437 = arith.select %and3A_434, %add3A_436, %scan3A_176 : i32
        %ne3A_438 = arith.cmpi ne, %add3A_185, %add3A_203 : i32
        %or3A_439 = arith.constant false
        %or3A_440 = arith.ori %or3A_439, %ne3A_438 : i1
        %or3A_441 = arith.constant false
        %or3A_442 = arith.ori %or3A_440, %or3A_441 : i1
        %or3A_443 = arith.ori %or3A_442, %eq3A_184 : i1
        %convert_element_type3A_444 = arith.extui %or3A_443 : i1 to i32
        %cond3A_445 = arith.constant 0 : i32
        %cond3A_446 = arith.cmpi ne, %convert_element_type3A_444, %cond3A_445 : i32
        scf.if %cond3A_446 {
          "tpu.trace_start"() <{level = 10 : i32, message = "ep_copy_out"}> : () -> ()
          %rem3A_528 = arith.constant 2 : i32
          %rem3A_529 = arith.remui %scan3A_178, %rem3A_528 : i32
          %mul3A_530 = arith.constant 128 : i32
          %mul3A_531 = arith.muli %mul3A_530, %add3A_185 : i32
          %dma_start3A_532 = arith.constant 0 : i32
          %dma_start3A_533 = arith.constant 0 : i32
          %dma_start3A_534 = tpu.memref_slice %run_scoped3A_12[%rem3A_529, %dma_start3A_532, %dma_start3A_533] : memref<2x128x16xf32, #tpu.memory_space<vmem>> -> memref<1x128x16xf32, #tpu.memory_space<vmem>>
          %dma_start3A_535 = tpu.memref_squeeze %dma_start3A_534 : memref<1x128x16xf32, #tpu.memory_space<vmem>> -> memref<128x16xf32, #tpu.memory_space<vmem>>
          %dma_start3A_536 = arith.constant 0 : i32
          %dma_start3A_537 = tpu.memref_slice %arg8[%mul3A_531, %dma_start3A_536] : memref<163840x16xf32, #tpu.memory_space<hbm>> -> memref<128x16xf32, #tpu.memory_space<hbm>>
          %dma_start3A_538 = tpu.memref_slice %run_scoped3A_13[%rem3A_529] : memref<2x!tpu.dma_semaphore, #tpu.memory_space<semaphore_mem>> -> memref<1x!tpu.dma_semaphore, #tpu.memory_space<semaphore_mem>>
          %dma_start3A_539 = tpu.memref_squeeze %dma_start3A_538 : memref<1x!tpu.dma_semaphore, #tpu.memory_space<semaphore_mem>> -> memref<!tpu.dma_semaphore, #tpu.memory_space<semaphore_mem>>
          %dma_start3A_540 = arith.constant 0 : i32
          %dma_start3A_541 = tpu.memref_slice %arg8[%mul3A_531, %dma_start3A_540] : memref<163840x16xf32, #tpu.memory_space<hbm>> -> memref<128x16xf32, #tpu.memory_space<hbm>>
          %dma_start3A_542 = arith.constant 0 : i32
          %dma_start3A_543 = arith.constant 0 : i32
          %dma_start3A_544 = tpu.memref_slice %run_scoped3A_12[%rem3A_529, %dma_start3A_542, %dma_start3A_543] : memref<2x128x16xf32, #tpu.memory_space<vmem>> -> memref<1x128x16xf32, #tpu.memory_space<vmem>>
          %dma_start3A_545 = tpu.memref_squeeze %dma_start3A_544 : memref<1x128x16xf32, #tpu.memory_space<vmem>> -> memref<128x16xf32, #tpu.memory_space<vmem>>
          tpu.enqueue_dma source(%dma_start3A_545 : memref<128x16xf32, #tpu.memory_space<vmem>>) target(%dma_start3A_541 : memref<128x16xf32, #tpu.memory_space<hbm>>) target_semaphore(%dma_start3A_539 : memref<!tpu.dma_semaphore, #tpu.memory_space<semaphore_mem>>)
          "tpu.trace_stop"() : () -> ()
        } else {
        }
        %and3A_447 = arith.constant true
        %and3A_448 = arith.andi %or3A_443, %and3A_447 : i1
        %add3A_449 = arith.constant 1 : i32
        %add3A_450 = arith.addi %scan3A_178, %add3A_449 : i32
        %select_n3A_451 = arith.select %and3A_448, %add3A_450, %scan3A_178 : i32
        %ne3A_452 = arith.cmpi ne, %add3A_185, %add3A_194 : i32
        %or3A_453 = arith.constant false
        %or3A_454 = arith.ori %or3A_453, %ne3A_452 : i1
        %not3A_455 = arith.constant true
        %not3A_456 = arith.xori %eq3A_182, %not3A_455 : i1
        %and3A_457 = arith.andi %or3A_454, %not3A_456 : i1
        %convert_element_type3A_458 = arith.extui %and3A_457 : i1 to i32
        %cond3A_459 = arith.constant 0 : i32
        %cond3A_460 = arith.cmpi ne, %convert_element_type3A_458, %cond3A_459 : i32
        scf.if %cond3A_460 {
        } else {
        }
        %and3A_461 = arith.constant false
        %and3A_462 = arith.andi %and3A_457, %and3A_461 : i1
        %ne3A_463 = arith.cmpi ne, %add3A_185, %add3A_194 : i32
        %or3A_464 = arith.constant false
        %or3A_465 = arith.ori %or3A_464, %ne3A_463 : i1
        %not3A_466 = arith.constant true
        %not3A_467 = arith.xori %eq3A_182, %not3A_466 : i1
        %and3A_468 = arith.andi %or3A_465, %not3A_467 : i1
        %convert_element_type3A_469 = arith.extui %and3A_468 : i1 to i32
        %cond3A_470 = arith.constant 0 : i32
        %cond3A_471 = arith.cmpi ne, %convert_element_type3A_469, %cond3A_470 : i32
        scf.if %cond3A_471 {
        } else {
        }
        %and3A_472 = arith.constant false
        %and3A_473 = arith.andi %and3A_468, %and3A_472 : i1
        %ne3A_474 = arith.cmpi ne, %add3A_185, %add3A_194 : i32
        %or3A_475 = arith.constant false
        %or3A_476 = arith.ori %or3A_475, %ne3A_474 : i1
        %or3A_477 = arith.constant false
        %or3A_478 = arith.ori %or3A_476, %or3A_477 : i1
        %not3A_479 = arith.constant true
        %not3A_480 = arith.xori %eq3A_182, %not3A_479 : i1
        %and3A_481 = arith.andi %or3A_478, %not3A_480 : i1
        %convert_element_type3A_482 = arith.extui %and3A_481 : i1 to i32
        %cond3A_483 = arith.constant 0 : i32
        %cond3A_484 = arith.cmpi ne, %convert_element_type3A_482, %cond3A_483 : i32
        scf.if %cond3A_484 {
          "tpu.trace_start"() <{level = 10 : i32, message = "ep_wait_out"}> : () -> ()
          %rem3A_528 = arith.constant 2 : i32
          %rem3A_529 = arith.remui %scan3A_177, %rem3A_528 : i32
          %mul3A_530 = arith.constant 128 : i32
          %mul3A_531 = arith.muli %mul3A_530, %add3A_194 : i32
          %dma_wait3A_532 = arith.constant 0 : i32
          %dma_wait3A_533 = arith.constant 0 : i32
          %dma_wait3A_534 = tpu.memref_slice %run_scoped3A_10[%rem3A_529, %dma_wait3A_532, %dma_wait3A_533] : memref<2x128x128xf32, #tpu.memory_space<vmem>> -> memref<1x128x128xf32, #tpu.memory_space<vmem>>
          %dma_wait3A_535 = tpu.memref_squeeze %dma_wait3A_534 : memref<1x128x128xf32, #tpu.memory_space<vmem>> -> memref<128x128xf32, #tpu.memory_space<vmem>>
          %dma_wait3A_536 = arith.constant 0 : i32
          %dma_wait3A_537 = tpu.memref_slice %arg7[%mul3A_531, %dma_wait3A_536] : memref<163840x128xf32, #tpu.memory_space<hbm>> -> memref<128x128xf32, #tpu.memory_space<hbm>>
          %dma_wait3A_538 = tpu.memref_slice %run_scoped3A_11[%rem3A_529] : memref<2x!tpu.dma_semaphore, #tpu.memory_space<semaphore_mem>> -> memref<1x!tpu.dma_semaphore, #tpu.memory_space<semaphore_mem>>
          %dma_wait3A_539 = tpu.memref_squeeze %dma_wait3A_538 : memref<1x!tpu.dma_semaphore, #tpu.memory_space<semaphore_mem>> -> memref<!tpu.dma_semaphore, #tpu.memory_space<semaphore_mem>>
          %dma_wait3A_540 = arith.constant 0 : i32
          %dma_wait3A_541 = tpu.memref_slice %arg7[%mul3A_531, %dma_wait3A_540] : memref<163840x128xf32, #tpu.memory_space<hbm>> -> memref<128x128xf32, #tpu.memory_space<hbm>>
          %dma_wait3A_542 = arith.constant 0 : i32
          %dma_wait3A_543 = arith.constant 0 : i32
          %dma_wait3A_544 = tpu.memref_slice %run_scoped3A_10[%rem3A_529, %dma_wait3A_542, %dma_wait3A_543] : memref<2x128x128xf32, #tpu.memory_space<vmem>> -> memref<1x128x128xf32, #tpu.memory_space<vmem>>
          %dma_wait3A_545 = tpu.memref_squeeze %dma_wait3A_544 : memref<1x128x128xf32, #tpu.memory_space<vmem>> -> memref<128x128xf32, #tpu.memory_space<vmem>>
          tpu.wait_dma2 semaphore(%dma_wait3A_539 : memref<!tpu.dma_semaphore, #tpu.memory_space<semaphore_mem>>) src(%dma_wait3A_545 : memref<128x128xf32, #tpu.memory_space<vmem>>) dst(%dma_wait3A_541 : memref<128x128xf32, #tpu.memory_space<hbm>>)
          "tpu.trace_stop"() : () -> ()
        } else {
        }
        %and3A_485 = arith.constant true
        %and3A_486 = arith.andi %and3A_481, %and3A_485 : i1
        %add3A_487 = arith.constant 1 : i32
        %add3A_488 = arith.addi %scan3A_177, %add3A_487 : i32
        %select_n3A_489 = arith.select %and3A_486, %add3A_488, %scan3A_177 : i32
        %ne3A_490 = arith.cmpi ne, %add3A_185, %add3A_194 : i32
        %or3A_491 = arith.constant false
        %or3A_492 = arith.ori %or3A_491, %ne3A_490 : i1
        %or3A_493 = arith.constant false
        %or3A_494 = arith.ori %or3A_492, %or3A_493 : i1
        %not3A_495 = arith.constant true
        %not3A_496 = arith.xori %eq3A_182, %not3A_495 : i1
        %and3A_497 = arith.andi %or3A_494, %not3A_496 : i1
        %convert_element_type3A_498 = arith.extui %and3A_497 : i1 to i32
        %cond3A_499 = arith.constant 0 : i32
        %cond3A_500 = arith.cmpi ne, %convert_element_type3A_498, %cond3A_499 : i32
        scf.if %cond3A_500 {
          "tpu.trace_start"() <{level = 10 : i32, message = "ep_wait_out"}> : () -> ()
          %rem3A_528 = arith.constant 2 : i32
          %rem3A_529 = arith.remui %scan3A_179, %rem3A_528 : i32
          %mul3A_530 = arith.constant 128 : i32
          %mul3A_531 = arith.muli %mul3A_530, %add3A_194 : i32
          %dma_wait3A_532 = arith.constant 0 : i32
          %dma_wait3A_533 = arith.constant 0 : i32
          %dma_wait3A_534 = tpu.memref_slice %run_scoped3A_12[%rem3A_529, %dma_wait3A_532, %dma_wait3A_533] : memref<2x128x16xf32, #tpu.memory_space<vmem>> -> memref<1x128x16xf32, #tpu.memory_space<vmem>>
          %dma_wait3A_535 = tpu.memref_squeeze %dma_wait3A_534 : memref<1x128x16xf32, #tpu.memory_space<vmem>> -> memref<128x16xf32, #tpu.memory_space<vmem>>
          %dma_wait3A_536 = arith.constant 0 : i32
          %dma_wait3A_537 = tpu.memref_slice %arg8[%mul3A_531, %dma_wait3A_536] : memref<163840x16xf32, #tpu.memory_space<hbm>> -> memref<128x16xf32, #tpu.memory_space<hbm>>
          %dma_wait3A_538 = tpu.memref_slice %run_scoped3A_13[%rem3A_529] : memref<2x!tpu.dma_semaphore, #tpu.memory_space<semaphore_mem>> -> memref<1x!tpu.dma_semaphore, #tpu.memory_space<semaphore_mem>>
          %dma_wait3A_539 = tpu.memref_squeeze %dma_wait3A_538 : memref<1x!tpu.dma_semaphore, #tpu.memory_space<semaphore_mem>> -> memref<!tpu.dma_semaphore, #tpu.memory_space<semaphore_mem>>
          %dma_wait3A_540 = arith.constant 0 : i32
          %dma_wait3A_541 = tpu.memref_slice %arg8[%mul3A_531, %dma_wait3A_540] : memref<163840x16xf32, #tpu.memory_space<hbm>> -> memref<128x16xf32, #tpu.memory_space<hbm>>
          %dma_wait3A_542 = arith.constant 0 : i32
          %dma_wait3A_543 = arith.constant 0 : i32
          %dma_wait3A_544 = tpu.memref_slice %run_scoped3A_12[%rem3A_529, %dma_wait3A_542, %dma_wait3A_543] : memref<2x128x16xf32, #tpu.memory_space<vmem>> -> memref<1x128x16xf32, #tpu.memory_space<vmem>>
          %dma_wait3A_545 = tpu.memref_squeeze %dma_wait3A_544 : memref<1x128x16xf32, #tpu.memory_space<vmem>> -> memref<128x16xf32, #tpu.memory_space<vmem>>
          tpu.wait_dma2 semaphore(%dma_wait3A_539 : memref<!tpu.dma_semaphore, #tpu.memory_space<semaphore_mem>>) src(%dma_wait3A_545 : memref<128x16xf32, #tpu.memory_space<vmem>>) dst(%dma_wait3A_541 : memref<128x16xf32, #tpu.memory_space<hbm>>)
          "tpu.trace_stop"() : () -> ()
        } else {
        }
        %and3A_501 = arith.constant true
        %and3A_502 = arith.andi %and3A_497, %and3A_501 : i1
        %add3A_503 = arith.constant 1 : i32
        %add3A_504 = arith.addi %scan3A_179, %add3A_503 : i32
        %select_n3A_505 = arith.select %and3A_502, %add3A_504, %scan3A_179 : i32
        %ne3A_506 = arith.cmpi ne, %add3A_185, %add3A_203 : i32
        %or3A_507 = arith.constant false
        %or3A_508 = arith.ori %or3A_507, %ne3A_506 : i1
        %or3A_509 = arith.ori %or3A_508, %eq3A_184 : i1
        %add3A_510 = arith.constant 1 : i32
        %add3A_511 = arith.addi %scan3A_173, %add3A_510 : i32
        %select_n3A_512 = arith.select %or3A_509, %add3A_511, %scan3A_173 : i32
        %ne3A_513 = arith.cmpi ne, %add3A_185, %add3A_203 : i32
        %or3A_514 = arith.constant false
        %or3A_515 = arith.ori %or3A_514, %ne3A_513 : i1
        %or3A_516 = arith.ori %or3A_515, %eq3A_184 : i1
        %add3A_517 = arith.constant 1 : i32
        %add3A_518 = arith.addi %scan3A_175, %add3A_517 : i32
        %select_n3A_519 = arith.select %or3A_516, %add3A_518, %scan3A_175 : i32
        %add3A_520 = arith.constant 1 : i32
        %add3A_521 = arith.addi %scan3A_180, %add3A_520 : i32
        %select_n3A_522 = arith.constant true
        %select_n3A_523 = arith.select %select_n3A_522, %add3A_521, %scan3A_180 : i32
        %eq3A_524 = arith.constant 40 : i32
        %eq3A_525 = arith.cmpi eq, %select_n3A_523, %eq3A_524 : i32
        %select_n3A_526 = arith.constant 0 : i32
        %select_n3A_527 = arith.select %eq3A_525, %select_n3A_526, %select_n3A_523 : i32
        scf.yield %select_n3A_221, %select_n3A_512, %select_n3A_237, %select_n3A_519, %select_n3A_437, %select_n3A_489, %select_n3A_451, %select_n3A_505, %select_n3A_527 : i32, i32, i32, i32, i32, i32, i32, i32, i32
      }
      %scan3A_100 = arith.constant 40 : i32
      %sub3A = arith.constant 1 : i32
      %sub3A_101 = arith.subi %scan3A_99#8, %sub3A : i32
      %select_n3A_102 = arith.constant true
      %select_n3A_103 = arith.select %select_n3A_102, %sub3A_101, %scan3A_99#8 : i32
      %eq3A_104 = arith.constant -1 : i32
      %eq3A_105 = arith.cmpi eq, %select_n3A_103, %eq3A_104 : i32
      %select_n3A_106 = arith.constant 39 : i32
      %select_n3A_107 = arith.select %eq3A_105, %select_n3A_106, %select_n3A_103 : i32
      %add3A_108 = arith.addi %select_n3A_107, %mul3A_6 : i32
      %sub3A_109 = arith.constant 1 : i32
      %sub3A_110 = arith.subi %select_n3A_107, %sub3A_109 : i32
      %select_n3A_111 = arith.constant true
      %select_n3A_112 = arith.select %select_n3A_111, %sub3A_110, %select_n3A_107 : i32
      %eq3A_113 = arith.constant -1 : i32
      %eq3A_114 = arith.cmpi eq, %select_n3A_112, %eq3A_113 : i32
      %select_n3A_115 = arith.constant 39 : i32
      %select_n3A_116 = arith.select %eq3A_114, %select_n3A_115, %select_n3A_112 : i32
      %add3A_117 = arith.addi %select_n3A_116, %mul3A_6 : i32
      %add3A_118 = arith.constant 1 : i32
      %add3A_119 = arith.addi %select_n3A_107, %add3A_118 : i32
      %select_n3A_120 = arith.constant true
      %select_n3A_121 = arith.select %select_n3A_120, %add3A_119, %select_n3A_107 : i32
      %eq3A_122 = arith.constant 40 : i32
      %eq3A_123 = arith.cmpi eq, %select_n3A_121, %eq3A_122 : i32
      %select_n3A_124 = arith.constant 0 : i32
      %select_n3A_125 = arith.select %eq3A_123, %select_n3A_124, %select_n3A_121 : i32
      %add3A_126 = arith.addi %select_n3A_125, %mul3A_6 : i32
      %add3A_127 = arith.constant 1 : i32
      %add3A_128 = arith.addi %select_n3A_125, %add3A_127 : i32
      %select_n3A_129 = arith.constant true
      %select_n3A_130 = arith.select %select_n3A_129, %add3A_128, %select_n3A_125 : i32
      %eq3A_131 = arith.constant 40 : i32
      %eq3A_132 = arith.cmpi eq, %select_n3A_130, %eq3A_131 : i32
      %select_n3A_133 = arith.constant 0 : i32
      %select_n3A_134 = arith.select %eq3A_132, %select_n3A_133, %select_n3A_130 : i32
      %add3A_135 = arith.addi %select_n3A_134, %mul3A_6 : i32
      "tpu.trace_start"() <{level = 10 : i32, message = "ep_finalize"}> : () -> ()
      %rem3A_136 = arith.constant 2 : i32
      %rem3A_137 = arith.remui %scan3A_99#5, %rem3A_136 : i32
      %mul3A_138 = arith.constant 128 : i32
      %mul3A_139 = arith.muli %mul3A_138, %add3A_108 : i32
      %dma_wait3A = arith.constant 0 : i32
      %dma_wait3A_140 = arith.constant 0 : i32
      %dma_wait3A_141 = tpu.memref_slice %run_scoped3A_10[%rem3A_137, %dma_wait3A, %dma_wait3A_140] : memref<2x128x128xf32, #tpu.memory_space<vmem>> -> memref<1x128x128xf32, #tpu.memory_space<vmem>>
      %dma_wait3A_142 = tpu.memref_squeeze %dma_wait3A_141 : memref<1x128x128xf32, #tpu.memory_space<vmem>> -> memref<128x128xf32, #tpu.memory_space<vmem>>
      %dma_wait3A_143 = arith.constant 0 : i32
      %dma_wait3A_144 = tpu.memref_slice %arg7[%mul3A_139, %dma_wait3A_143] : memref<163840x128xf32, #tpu.memory_space<hbm>> -> memref<128x128xf32, #tpu.memory_space<hbm>>
      %dma_wait3A_145 = tpu.memref_slice %run_scoped3A_11[%rem3A_137] : memref<2x!tpu.dma_semaphore, #tpu.memory_space<semaphore_mem>> -> memref<1x!tpu.dma_semaphore, #tpu.memory_space<semaphore_mem>>
      %dma_wait3A_146 = tpu.memref_squeeze %dma_wait3A_145 : memref<1x!tpu.dma_semaphore, #tpu.memory_space<semaphore_mem>> -> memref<!tpu.dma_semaphore, #tpu.memory_space<semaphore_mem>>
      %dma_wait3A_147 = arith.constant 0 : i32
      %dma_wait3A_148 = tpu.memref_slice %arg7[%mul3A_139, %dma_wait3A_147] : memref<163840x128xf32, #tpu.memory_space<hbm>> -> memref<128x128xf32, #tpu.memory_space<hbm>>
      %dma_wait3A_149 = arith.constant 0 : i32
      %dma_wait3A_150 = arith.constant 0 : i32
      %dma_wait3A_151 = tpu.memref_slice %run_scoped3A_10[%rem3A_137, %dma_wait3A_149, %dma_wait3A_150] : memref<2x128x128xf32, #tpu.memory_space<vmem>> -> memref<1x128x128xf32, #tpu.memory_space<vmem>>
      %dma_wait3A_152 = tpu.memref_squeeze %dma_wait3A_151 : memref<1x128x128xf32, #tpu.memory_space<vmem>> -> memref<128x128xf32, #tpu.memory_space<vmem>>
      tpu.wait_dma2 semaphore(%dma_wait3A_146 : memref<!tpu.dma_semaphore, #tpu.memory_space<semaphore_mem>>) src(%dma_wait3A_152 : memref<128x128xf32, #tpu.memory_space<vmem>>) dst(%dma_wait3A_148 : memref<128x128xf32, #tpu.memory_space<hbm>>)
      %rem3A_153 = arith.constant 2 : i32
      %rem3A_154 = arith.remui %scan3A_99#7, %rem3A_153 : i32
      %mul3A_155 = arith.constant 128 : i32
      %mul3A_156 = arith.muli %mul3A_155, %add3A_108 : i32
      %dma_wait3A_157 = arith.constant 0 : i32
      %dma_wait3A_158 = arith.constant 0 : i32
      %dma_wait3A_159 = tpu.memref_slice %run_scoped3A_12[%rem3A_154, %dma_wait3A_157, %dma_wait3A_158] : memref<2x128x16xf32, #tpu.memory_space<vmem>> -> memref<1x128x16xf32, #tpu.memory_space<vmem>>
      %dma_wait3A_160 = tpu.memref_squeeze %dma_wait3A_159 : memref<1x128x16xf32, #tpu.memory_space<vmem>> -> memref<128x16xf32, #tpu.memory_space<vmem>>
      %dma_wait3A_161 = arith.constant 0 : i32
      %dma_wait3A_162 = tpu.memref_slice %arg8[%mul3A_156, %dma_wait3A_161] : memref<163840x16xf32, #tpu.memory_space<hbm>> -> memref<128x16xf32, #tpu.memory_space<hbm>>
      %dma_wait3A_163 = tpu.memref_slice %run_scoped3A_13[%rem3A_154] : memref<2x!tpu.dma_semaphore, #tpu.memory_space<semaphore_mem>> -> memref<1x!tpu.dma_semaphore, #tpu.memory_space<semaphore_mem>>
      %dma_wait3A_164 = tpu.memref_squeeze %dma_wait3A_163 : memref<1x!tpu.dma_semaphore, #tpu.memory_space<semaphore_mem>> -> memref<!tpu.dma_semaphore, #tpu.memory_space<semaphore_mem>>
      %dma_wait3A_165 = arith.constant 0 : i32
      %dma_wait3A_166 = tpu.memref_slice %arg8[%mul3A_156, %dma_wait3A_165] : memref<163840x16xf32, #tpu.memory_space<hbm>> -> memref<128x16xf32, #tpu.memory_space<hbm>>
      %dma_wait3A_167 = arith.constant 0 : i32
      %dma_wait3A_168 = arith.constant 0 : i32
      %dma_wait3A_169 = tpu.memref_slice %run_scoped3A_12[%rem3A_154, %dma_wait3A_167, %dma_wait3A_168] : memref<2x128x16xf32, #tpu.memory_space<vmem>> -> memref<1x128x16xf32, #tpu.memory_space<vmem>>
      %dma_wait3A_170 = tpu.memref_squeeze %dma_wait3A_169 : memref<1x128x16xf32, #tpu.memory_space<vmem>> -> memref<128x16xf32, #tpu.memory_space<vmem>>
      tpu.wait_dma2 semaphore(%dma_wait3A_164 : memref<!tpu.dma_semaphore, #tpu.memory_space<semaphore_mem>>) src(%dma_wait3A_170 : memref<128x16xf32, #tpu.memory_space<vmem>>) dst(%dma_wait3A_166 : memref<128x16xf32, #tpu.memory_space<hbm>>)
      "tpu.trace_stop"() : () -> ()
      tpu.yield
    }) : () -> ()
    return
  }
}

#map = affine_map<(d0, d1) -> (0, 0)>
#map1 = affine_map<(d0, d1) -> (0, 0, 0)>
module attributes {stable_mosaic.version = 14 : i64} {
  func.func @k(%arg0: i32, %arg1: i32, %arg2: memref<163840x128xf32, #tpu.memory_space<hbm>>, %arg3: memref<163840x128xf32, #tpu.memory_space<hbm>>, %arg4: memref<163840x128xf32, #tpu.memory_space<hbm>>, %arg5: memref<163840x16xf32, #tpu.memory_space<hbm>>, %arg6: memref<2x163840xi32, #tpu.memory_space<hbm>>, %arg7: memref<10240x128xf32, #tpu.memory_space<hbm>>, %arg8: memref<10240x128xf32, #tpu.memory_space<hbm>>, %arg9: memref<10240x128xf32, #tpu.memory_space<hbm>>, %arg10: memref<2x64x5120xf32, #tpu.memory_space<hbm>>, %arg11: memref<128x128xf32, #tpu.memory_space<vmem>>, %arg12: memref<128x128xf32, #tpu.memory_space<vmem>>, %arg13: memref<128x16xf32, #tpu.memory_space<vmem>>, %arg14: memref<1x128xi32, #tpu.memory_space<vmem>>, %arg15: memref<1x128xi32, #tpu.memory_space<vmem>>, %arg16: memref<4x5120xf32, #tpu.memory_space<vmem>>, %arg17: memref<16x128xf32, #tpu.memory_space<vmem>>, %arg18: memref<40x128xf32, #tpu.memory_space<vmem>>, %arg19: memref<5120x128xf32, #tpu.memory_space<vmem_shared>>, %arg20: memref<!tpu.dma_semaphore, #tpu.memory_space<semaphore_mem>>, %arg21: memref<!tpu.dma_semaphore, #tpu.memory_space<semaphore_mem>>) attributes {dimension_semantics = [#tpu.dimension_semantics<core_parallel>, #tpu.dimension_semantics<subcore_parallel>], iteration_bounds = array<i64: 2, 16>, scalar_prefetch = 0 : i64, scratch_operands = 11 : i64, tpu.core_type = #tpu.core_type<sc_vector_subcore>, window_params = [{transform_indices = #map}, {transform_indices = #map}, {transform_indices = #map}, {transform_indices = #map}, {transform_indices = #map}, {transform_indices = #map}, {transform_indices = #map}, {transform_indices = #map}, {transform_indices = #map1}]} {
    %scan3A = arith.constant 0 : i32
    %scan3A_0 = arith.constant 16 : i32
    %scan3A_1 = arith.addi %scan3A, %scan3A_0 : i32
    %scan3A_2 = arith.constant 1 : i32
    scf.for %scan3A_124 = %scan3A to %scan3A_1 step %scan3A_2  : i32 {
      %mul3A_125 = arith.constant 1 : i32
      %mul3A_126 = arith.muli %scan3A_124, %mul3A_125 : i32
      %add3A_127 = arith.constant 0 : i32
      %add3A_128 = arith.addi %add3A_127, %mul3A_126 : i32
      %broadcast_in_dim3A = arith.constant 0.000000e+00 : f32
      %broadcast_in_dim3A_129 = vector.broadcast %broadcast_in_dim3A : f32 to vector<16xf32>
      %swap3A = arith.index_cast %add3A_128 : i32 to index
      %swap3A_130 = arith.constant 0 : index
      %swap3A_131 = tpu.vector_load %arg17[%swap3A, %swap3A_130] {strides = array<i32>} : memref<16x128xf32, #tpu.memory_space<vmem>>, vector<16xf32>,
      tpu.vector_store %arg17[%swap3A, %swap3A_130], %broadcast_in_dim3A_129 {strides = array<i32>} : memref<16x128xf32, #tpu.memory_space<vmem>>, vector<16xf32>,
      %broadcast_in_dim3A_132 = arith.constant 0.000000e+00 : f32
      %broadcast_in_dim3A_133 = vector.broadcast %broadcast_in_dim3A_132 : f32 to vector<16xf32>
      %swap3A_134 = arith.index_cast %add3A_128 : i32 to index
      %swap3A_135 = arith.constant 16 : index
      %swap3A_136 = tpu.vector_load %arg17[%swap3A_134, %swap3A_135] {strides = array<i32>} : memref<16x128xf32, #tpu.memory_space<vmem>>, vector<16xf32>,
      tpu.vector_store %arg17[%swap3A_134, %swap3A_135], %broadcast_in_dim3A_133 {strides = array<i32>} : memref<16x128xf32, #tpu.memory_space<vmem>>, vector<16xf32>,
      %broadcast_in_dim3A_137 = arith.constant 0.000000e+00 : f32
      %broadcast_in_dim3A_138 = vector.broadcast %broadcast_in_dim3A_137 : f32 to vector<16xf32>
      %swap3A_139 = arith.index_cast %add3A_128 : i32 to index
      %swap3A_140 = arith.constant 32 : index
      %swap3A_141 = tpu.vector_load %arg17[%swap3A_139, %swap3A_140] {strides = array<i32>} : memref<16x128xf32, #tpu.memory_space<vmem>>, vector<16xf32>,
      tpu.vector_store %arg17[%swap3A_139, %swap3A_140], %broadcast_in_dim3A_138 {strides = array<i32>} : memref<16x128xf32, #tpu.memory_space<vmem>>, vector<16xf32>,
      %broadcast_in_dim3A_142 = arith.constant 0.000000e+00 : f32
      %broadcast_in_dim3A_143 = vector.broadcast %broadcast_in_dim3A_142 : f32 to vector<16xf32>
      %swap3A_144 = arith.index_cast %add3A_128 : i32 to index
      %swap3A_145 = arith.constant 48 : index
      %swap3A_146 = tpu.vector_load %arg17[%swap3A_144, %swap3A_145] {strides = array<i32>} : memref<16x128xf32, #tpu.memory_space<vmem>>, vector<16xf32>,
      tpu.vector_store %arg17[%swap3A_144, %swap3A_145], %broadcast_in_dim3A_143 {strides = array<i32>} : memref<16x128xf32, #tpu.memory_space<vmem>>, vector<16xf32>,
      %broadcast_in_dim3A_147 = arith.constant 0.000000e+00 : f32
      %broadcast_in_dim3A_148 = vector.broadcast %broadcast_in_dim3A_147 : f32 to vector<16xf32>
      %swap3A_149 = arith.index_cast %add3A_128 : i32 to index
      %swap3A_150 = arith.constant 64 : index
      %swap3A_151 = tpu.vector_load %arg17[%swap3A_149, %swap3A_150] {strides = array<i32>} : memref<16x128xf32, #tpu.memory_space<vmem>>, vector<16xf32>,
      tpu.vector_store %arg17[%swap3A_149, %swap3A_150], %broadcast_in_dim3A_148 {strides = array<i32>} : memref<16x128xf32, #tpu.memory_space<vmem>>, vector<16xf32>,
      %broadcast_in_dim3A_152 = arith.constant 0.000000e+00 : f32
      %broadcast_in_dim3A_153 = vector.broadcast %broadcast_in_dim3A_152 : f32 to vector<16xf32>
      %swap3A_154 = arith.index_cast %add3A_128 : i32 to index
      %swap3A_155 = arith.constant 80 : index
      %swap3A_156 = tpu.vector_load %arg17[%swap3A_154, %swap3A_155] {strides = array<i32>} : memref<16x128xf32, #tpu.memory_space<vmem>>, vector<16xf32>,
      tpu.vector_store %arg17[%swap3A_154, %swap3A_155], %broadcast_in_dim3A_153 {strides = array<i32>} : memref<16x128xf32, #tpu.memory_space<vmem>>, vector<16xf32>,
      %broadcast_in_dim3A_157 = arith.constant 0.000000e+00 : f32
      %broadcast_in_dim3A_158 = vector.broadcast %broadcast_in_dim3A_157 : f32 to vector<16xf32>
      %swap3A_159 = arith.index_cast %add3A_128 : i32 to index
      %swap3A_160 = arith.constant 96 : index
      %swap3A_161 = tpu.vector_load %arg17[%swap3A_159, %swap3A_160] {strides = array<i32>} : memref<16x128xf32, #tpu.memory_space<vmem>>, vector<16xf32>,
      tpu.vector_store %arg17[%swap3A_159, %swap3A_160], %broadcast_in_dim3A_158 {strides = array<i32>} : memref<16x128xf32, #tpu.memory_space<vmem>>, vector<16xf32>,
      %broadcast_in_dim3A_162 = arith.constant 0.000000e+00 : f32
      %broadcast_in_dim3A_163 = vector.broadcast %broadcast_in_dim3A_162 : f32 to vector<16xf32>
      %swap3A_164 = arith.index_cast %add3A_128 : i32 to index
      %swap3A_165 = arith.constant 112 : index
      %swap3A_166 = tpu.vector_load %arg17[%swap3A_164, %swap3A_165] {strides = array<i32>} : memref<16x128xf32, #tpu.memory_space<vmem>>, vector<16xf32>,
      tpu.vector_store %arg17[%swap3A_164, %swap3A_165], %broadcast_in_dim3A_163 {strides = array<i32>} : memref<16x128xf32, #tpu.memory_space<vmem>>, vector<16xf32>,
    }
    %scan3A_3 = arith.constant 16 : i32
    %scan3A_4 = arith.constant 0 : i32
    %scan3A_5 = arith.constant 4 : i32
    %scan3A_6 = arith.addi %scan3A_4, %scan3A_5 : i32
    %scan3A_7 = arith.constant 1 : i32
    scf.for %scan3A_124 = %scan3A_4 to %scan3A_6 step %scan3A_7  : i32 {
      %mul3A_125 = arith.constant 1 : i32
      %mul3A_126 = arith.muli %scan3A_124, %mul3A_125 : i32
      %add3A_127 = arith.constant 0 : i32
      %add3A_128 = arith.addi %add3A_127, %mul3A_126 : i32
      %scan3A_129 = arith.constant 0 : i32
      %scan3A_130 = arith.constant 320 : i32
      %scan3A_131 = arith.addi %scan3A_129, %scan3A_130 : i32
      %scan3A_132 = arith.constant 1 : i32
      scf.for %scan3A_134 = %scan3A_129 to %scan3A_131 step %scan3A_132  : i32 {
        %mul3A_135 = arith.constant 1 : i32
        %mul3A_136 = arith.muli %scan3A_134, %mul3A_135 : i32
        %add3A_137 = arith.constant 0 : i32
        %add3A_138 = arith.addi %add3A_137, %mul3A_136 : i32
        %broadcast_in_dim3A = arith.constant 0.000000e+00 : f32
        %broadcast_in_dim3A_139 = vector.broadcast %broadcast_in_dim3A : f32 to vector<16xf32>
        %mul3A_140 = arith.constant 16 : i32
        %mul3A_141 = arith.muli %add3A_138, %mul3A_140 : i32
        %swap3A = arith.index_cast %add3A_128 : i32 to index
        %swap3A_142 = arith.index_cast %mul3A_141 : i32 to index
        %swap3A_143 = tpu.vector_load %arg16[%swap3A, %swap3A_142] {strides = array<i32>} : memref<4x5120xf32, #tpu.memory_space<vmem>>, vector<16xf32>,
        tpu.vector_store %arg16[%swap3A, %swap3A_142], %broadcast_in_dim3A_139 {strides = array<i32>} : memref<4x5120xf32, #tpu.memory_space<vmem>>, vector<16xf32>,
      }
      %scan3A_133 = arith.constant 320 : i32
    }
    %scan3A_8 = arith.constant 4 : i32
    %scan3A_9 = arith.constant 0 : i32
    %scan3A_10 = arith.constant 20 : i32
    %scan3A_11 = arith.addi %scan3A_9, %scan3A_10 : i32
    %scan3A_12 = arith.constant 1 : i32
    scf.for %scan3A_124 = %scan3A_9 to %scan3A_11 step %scan3A_12  : i32 {
      %mul3A_125 = arith.constant 1 : i32
      %mul3A_126 = arith.muli %scan3A_124, %mul3A_125 : i32
      %add3A_127 = arith.constant 0 : i32
      %add3A_128 = arith.addi %add3A_127, %mul3A_126 : i32
      %mul3A_129 = arith.constant 320 : i32
      %mul3A_130 = arith.muli %arg1, %mul3A_129 : i32
      %mul3A_131 = arith.constant 16 : i32
      %mul3A_132 = arith.muli %add3A_128, %mul3A_131 : i32
      %add3A_133 = arith.addi %mul3A_130, %mul3A_132 : i32
      "tpu.region"() ({
        %run_scoped3A = tpu.sem_alloc : memref<!tpu.dma_semaphore, #tpu.memory_space<semaphore_mem>>
        %dma_start3A_134 = arith.constant 0 : i32
        %dma_start3A_135 = tpu.memref_slice %arg19[%add3A_133, %dma_start3A_134] : memref<5120x128xf32, #tpu.memory_space<vmem_shared>> -> memref<16x128xf32, #tpu.memory_space<vmem_shared>>
        %dma_start3A_136 = arith.constant 0 : i32
        %dma_start3A_137 = tpu.memref_slice %arg19[%add3A_133, %dma_start3A_136] : memref<5120x128xf32, #tpu.memory_space<vmem_shared>> -> memref<16x128xf32, #tpu.memory_space<vmem_shared>>
        tpu.enqueue_dma source(%arg17 : memref<16x128xf32, #tpu.memory_space<vmem>>) target(%dma_start3A_137 : memref<16x128xf32, #tpu.memory_space<vmem_shared>>) target_semaphore(%run_scoped3A : memref<!tpu.dma_semaphore, #tpu.memory_space<semaphore_mem>>)
        %dma_wait3A = arith.constant 0 : i32
        %dma_wait3A_138 = tpu.memref_slice %arg19[%add3A_133, %dma_wait3A] : memref<5120x128xf32, #tpu.memory_space<vmem_shared>> -> memref<16x128xf32, #tpu.memory_space<vmem_shared>>
        %dma_wait3A_139 = arith.constant 0 : i32
        %dma_wait3A_140 = tpu.memref_slice %arg19[%add3A_133, %dma_wait3A_139] : memref<5120x128xf32, #tpu.memory_space<vmem_shared>> -> memref<16x128xf32, #tpu.memory_space<vmem_shared>>
        tpu.wait_dma2 semaphore(%run_scoped3A : memref<!tpu.dma_semaphore, #tpu.memory_space<semaphore_mem>>) src(%arg17 : memref<16x128xf32, #tpu.memory_space<vmem>>) dst(%dma_wait3A_140 : memref<16x128xf32, #tpu.memory_space<vmem_shared>>)
        tpu.yield
      }) : () -> ()
    }
    %scan3A_13 = arith.constant 20 : i32
    %barrier3A = arith.constant 0 : index
    tpu.barrier barrier_id(%barrier3A)
    %mul3A = arith.constant 80 : i32
    %mul3A_14 = arith.muli %arg1, %mul3A : i32
    %add3A = arith.constant 0 : i32
    %add3A_15 = arith.addi %mul3A_14, %add3A : i32
    %mul3A_16 = arith.constant 128 : i32
    %mul3A_17 = arith.muli %add3A_15, %mul3A_16 : i32
    %dma_start3A = arith.constant 0 : i32
    %dma_start3A_18 = arith.constant 0 : i32
    %dma_start3A_19 = tpu.memref_slice %arg14[%dma_start3A, %dma_start3A_18] : memref<1x128xi32, #tpu.memory_space<vmem>> -> memref<1x128xi32, #tpu.memory_space<vmem>>
    %dma_start3A_20 = tpu.memref_squeeze %dma_start3A_19 : memref<1x128xi32, #tpu.memory_space<vmem>> -> memref<128xi32, #tpu.memory_space<vmem>>
    %dma_start3A_21 = tpu.memref_slice %arg6[%arg0, %mul3A_17] : memref<2x163840xi32, #tpu.memory_space<hbm>> -> memref<1x128xi32, #tpu.memory_space<hbm>>
    %dma_start3A_22 = tpu.memref_squeeze %dma_start3A_21 : memref<1x128xi32, #tpu.memory_space<hbm>> -> memref<128xi32, #tpu.memory_space<hbm>>
    %dma_start3A_23 = arith.constant 0 : i32
    %dma_start3A_24 = tpu.memref_slice %arg14[%dma_start3A, %dma_start3A_23] : memref<1x128xi32, #tpu.memory_space<vmem>> -> memref<1x128xi32, #tpu.memory_space<vmem>>
    %dma_start3A_25 = tpu.memref_squeeze %dma_start3A_24 : memref<1x128xi32, #tpu.memory_space<vmem>> -> memref<128xi32, #tpu.memory_space<vmem>>
    %dma_start3A_26 = tpu.memref_slice %arg6[%arg0, %mul3A_17] : memref<2x163840xi32, #tpu.memory_space<hbm>> -> memref<1x128xi32, #tpu.memory_space<hbm>>
    %dma_start3A_27 = tpu.memref_squeeze %dma_start3A_26 : memref<1x128xi32, #tpu.memory_space<hbm>> -> memref<128xi32, #tpu.memory_space<hbm>>
    tpu.enqueue_dma source(%dma_start3A_27 : memref<128xi32, #tpu.memory_space<hbm>>) target(%dma_start3A_25 : memref<128xi32, #tpu.memory_space<vmem>>) target_semaphore(%arg20 : memref<!tpu.dma_semaphore, #tpu.memory_space<semaphore_mem>>)
    %dma_start3A_28 = arith.constant 0 : i32
    %dma_start3A_29 = tpu.memref_slice %arg2[%mul3A_17, %dma_start3A_28] : memref<163840x128xf32, #tpu.memory_space<hbm>> -> memref<128x128xf32, #tpu.memory_space<hbm>>
    %dma_start3A_30 = arith.constant 0 : i32
    %dma_start3A_31 = tpu.memref_slice %arg2[%mul3A_17, %dma_start3A_30] : memref<163840x128xf32, #tpu.memory_space<hbm>> -> memref<128x128xf32, #tpu.memory_space<hbm>>
    tpu.enqueue_dma source(%dma_start3A_31 : memref<128x128xf32, #tpu.memory_space<hbm>>) target(%arg11 : memref<128x128xf32, #tpu.memory_space<vmem>>) target_semaphore(%arg20 : memref<!tpu.dma_semaphore, #tpu.memory_space<semaphore_mem>>)
    %scan3A_32 = arith.constant 0 : i32
    %scan3A_33 = arith.constant 40 : i32
    %scan3A_34 = arith.addi %scan3A_32, %scan3A_33 : i32
    %scan3A_35 = arith.constant 1 : i32
    scf.for %scan3A_124 = %scan3A_32 to %scan3A_34 step %scan3A_35  : i32 {
      %mul3A_125 = arith.constant 2 : i32
      %mul3A_126 = arith.muli %scan3A_124, %mul3A_125 : i32
      %add3A_127 = arith.constant 0 : i32
      %add3A_128 = arith.addi %add3A_127, %mul3A_126 : i32
      %add3A_129 = arith.constant 1 : i32
      %add3A_130 = arith.addi %add3A_128, %add3A_129 : i32
      %mul3A_131 = arith.constant 80 : i32
      %mul3A_132 = arith.muli %arg1, %mul3A_131 : i32
      %add3A_133 = arith.addi %mul3A_132, %add3A_130 : i32
      %mul3A_134 = arith.constant 128 : i32
      %mul3A_135 = arith.muli %add3A_133, %mul3A_134 : i32
      %dma_start3A_136 = arith.constant 0 : i32
      %dma_start3A_137 = arith.constant 0 : i32
      %dma_start3A_138 = tpu.memref_slice %arg15[%dma_start3A_136, %dma_start3A_137] : memref<1x128xi32, #tpu.memory_space<vmem>> -> memref<1x128xi32, #tpu.memory_space<vmem>>
      %dma_start3A_139 = tpu.memref_squeeze %dma_start3A_138 : memref<1x128xi32, #tpu.memory_space<vmem>> -> memref<128xi32, #tpu.memory_space<vmem>>
      %dma_start3A_140 = tpu.memref_slice %arg6[%arg0, %mul3A_135] : memref<2x163840xi32, #tpu.memory_space<hbm>> -> memref<1x128xi32, #tpu.memory_space<hbm>>
      %dma_start3A_141 = tpu.memref_squeeze %dma_start3A_140 : memref<1x128xi32, #tpu.memory_space<hbm>> -> memref<128xi32, #tpu.memory_space<hbm>>
      %dma_start3A_142 = arith.constant 0 : i32
      %dma_start3A_143 = tpu.memref_slice %arg15[%dma_start3A_136, %dma_start3A_142] : memref<1x128xi32, #tpu.memory_space<vmem>> -> memref<1x128xi32, #tpu.memory_space<vmem>>
      %dma_start3A_144 = tpu.memref_squeeze %dma_start3A_143 : memref<1x128xi32, #tpu.memory_space<vmem>> -> memref<128xi32, #tpu.memory_space<vmem>>
      %dma_start3A_145 = tpu.memref_slice %arg6[%arg0, %mul3A_135] : memref<2x163840xi32, #tpu.memory_space<hbm>> -> memref<1x128xi32, #tpu.memory_space<hbm>>
      %dma_start3A_146 = tpu.memref_squeeze %dma_start3A_145 : memref<1x128xi32, #tpu.memory_space<hbm>> -> memref<128xi32, #tpu.memory_space<hbm>>
      tpu.enqueue_dma source(%dma_start3A_146 : memref<128xi32, #tpu.memory_space<hbm>>) target(%dma_start3A_144 : memref<128xi32, #tpu.memory_space<vmem>>) target_semaphore(%arg21 : memref<!tpu.dma_semaphore, #tpu.memory_space<semaphore_mem>>)
      %dma_start3A_147 = arith.constant 0 : i32
      %dma_start3A_148 = tpu.memref_slice %arg2[%mul3A_135, %dma_start3A_147] : memref<163840x128xf32, #tpu.memory_space<hbm>> -> memref<128x128xf32, #tpu.memory_space<hbm>>
      %dma_start3A_149 = arith.constant 0 : i32
      %dma_start3A_150 = tpu.memref_slice %arg2[%mul3A_135, %dma_start3A_149] : memref<163840x128xf32, #tpu.memory_space<hbm>> -> memref<128x128xf32, #tpu.memory_space<hbm>>
      tpu.enqueue_dma source(%dma_start3A_150 : memref<128x128xf32, #tpu.memory_space<hbm>>) target(%arg12 : memref<128x128xf32, #tpu.memory_space<vmem>>) target_semaphore(%arg21 : memref<!tpu.dma_semaphore, #tpu.memory_space<semaphore_mem>>)
      %mul3A_151 = arith.constant 80 : i32
      %mul3A_152 = arith.muli %arg1, %mul3A_151 : i32
      %add3A_153 = arith.addi %mul3A_152, %add3A_128 : i32
      %mul3A_154 = arith.constant 128 : i32
      %mul3A_155 = arith.muli %add3A_153, %mul3A_154 : i32
      %dma_wait3A = arith.constant 0 : i32
      %dma_wait3A_156 = arith.constant 0 : i32
      %dma_wait3A_157 = tpu.memref_slice %arg14[%dma_wait3A, %dma_wait3A_156] : memref<1x128xi32, #tpu.memory_space<vmem>> -> memref<1x128xi32, #tpu.memory_space<vmem>>
      %dma_wait3A_158 = tpu.memref_squeeze %dma_wait3A_157 : memref<1x128xi32, #tpu.memory_space<vmem>> -> memref<128xi32, #tpu.memory_space<vmem>>
      %dma_wait3A_159 = tpu.memref_slice %arg6[%arg0, %mul3A_155] : memref<2x163840xi32, #tpu.memory_space<hbm>> -> memref<1x128xi32, #tpu.memory_space<hbm>>
      %dma_wait3A_160 = tpu.memref_squeeze %dma_wait3A_159 : memref<1x128xi32, #tpu.memory_space<hbm>> -> memref<128xi32, #tpu.memory_space<hbm>>
      %dma_wait3A_161 = arith.constant 0 : i32
      %dma_wait3A_162 = tpu.memref_slice %arg14[%dma_wait3A, %dma_wait3A_161] : memref<1x128xi32, #tpu.memory_space<vmem>> -> memref<1x128xi32, #tpu.memory_space<vmem>>
      %dma_wait3A_163 = tpu.memref_squeeze %dma_wait3A_162 : memref<1x128xi32, #tpu.memory_space<vmem>> -> memref<128xi32, #tpu.memory_space<vmem>>
      %dma_wait3A_164 = tpu.memref_slice %arg6[%arg0, %mul3A_155] : memref<2x163840xi32, #tpu.memory_space<hbm>> -> memref<1x128xi32, #tpu.memory_space<hbm>>
      %dma_wait3A_165 = tpu.memref_squeeze %dma_wait3A_164 : memref<1x128xi32, #tpu.memory_space<hbm>> -> memref<128xi32, #tpu.memory_space<hbm>>
      tpu.wait_dma2 semaphore(%arg20 : memref<!tpu.dma_semaphore, #tpu.memory_space<semaphore_mem>>) src(%dma_wait3A_165 : memref<128xi32, #tpu.memory_space<hbm>>) dst(%dma_wait3A_163 : memref<128xi32, #tpu.memory_space<vmem>>)
      %dma_wait3A_166 = arith.constant 0 : i32
      %dma_wait3A_167 = tpu.memref_slice %arg2[%mul3A_155, %dma_wait3A_166] : memref<163840x128xf32, #tpu.memory_space<hbm>> -> memref<128x128xf32, #tpu.memory_space<hbm>>
      %dma_wait3A_168 = arith.constant 0 : i32
      %dma_wait3A_169 = tpu.memref_slice %arg2[%mul3A_155, %dma_wait3A_168] : memref<163840x128xf32, #tpu.memory_space<hbm>> -> memref<128x128xf32, #tpu.memory_space<hbm>>
      tpu.wait_dma2 semaphore(%arg20 : memref<!tpu.dma_semaphore, #tpu.memory_space<semaphore_mem>>) src(%dma_wait3A_169 : memref<128x128xf32, #tpu.memory_space<hbm>>) dst(%arg11 : memref<128x128xf32, #tpu.memory_space<vmem>>)
      %run_scoped3A = arith.constant 0 : i32
      "tpu.region"() ({
        %run_scoped3A_219 = tpu.sem_alloc : memref<!tpu.dma_semaphore, #tpu.memory_space<semaphore_mem>>
        %dma_start3A_220 = arith.constant 0 : i32
        %dma_start3A_221 = tpu.memref_slice %arg14[%run_scoped3A, %dma_start3A_220] : memref<1x128xi32, #tpu.memory_space<vmem>> -> memref<1x128xi32, #tpu.memory_space<vmem>>
        %dma_start3A_222 = tpu.memref_squeeze %dma_start3A_221 : memref<1x128xi32, #tpu.memory_space<vmem>> -> memref<128xi32, #tpu.memory_space<vmem>>
        %dma_start3A_223 = arith.constant 0 : i32
        %dma_start3A_224 = arith.constant 0 : i32
        %dma_start3A_225 = tpu.memref_slice %arg19[%dma_start3A_223, %dma_start3A_224] : memref<5120x128xf32, #tpu.memory_space<vmem_shared>> -> memref<5120x128xf32, #tpu.memory_space<vmem_shared>>
        tpu.enqueue_indirect_dma source(%arg11 : memref<128x128xf32, #tpu.memory_space<vmem>>) target(%dma_start3A_225 : memref<5120x128xf32, #tpu.memory_space<vmem_shared>>) offsets(%dma_start3A_222 : memref<128xi32, #tpu.memory_space<vmem>>) semaphore(%run_scoped3A_219 : memref<!tpu.dma_semaphore, #tpu.memory_space<semaphore_mem>>) {add = true}
        %dma_wait3A_226 = arith.constant 0 : i32
        %dma_wait3A_227 = tpu.memref_slice %arg14[%run_scoped3A, %dma_wait3A_226] : memref<1x128xi32, #tpu.memory_space<vmem>> -> memref<1x128xi32, #tpu.memory_space<vmem>>
        %dma_wait3A_228 = tpu.memref_squeeze %dma_wait3A_227 : memref<1x128xi32, #tpu.memory_space<vmem>> -> memref<128xi32, #tpu.memory_space<vmem>>
        %dma_wait3A_229 = arith.constant 0 : i32
        %dma_wait3A_230 = arith.constant 0 : i32
        %dma_wait3A_231 = tpu.memref_slice %arg19[%dma_wait3A_229, %dma_wait3A_230] : memref<5120x128xf32, #tpu.memory_space<vmem_shared>> -> memref<5120x128xf32, #tpu.memory_space<vmem_shared>>
        tpu.wait_indirect_dma semaphore(%run_scoped3A_219 : memref<!tpu.dma_semaphore, #tpu.memory_space<semaphore_mem>>) src(%arg11 : memref<128x128xf32, #tpu.memory_space<vmem>>) dst(%dma_wait3A_231 : memref<5120x128xf32, #tpu.memory_space<vmem_shared>>)
        tpu.yield
      }) : () -> ()
      %mul3A_170 = arith.constant 80 : i32
      %mul3A_171 = arith.muli %arg1, %mul3A_170 : i32
      %add3A_172 = arith.addi %mul3A_171, %add3A_128 : i32
      %mul3A_173 = arith.constant 128 : i32
      %mul3A_174 = arith.muli %add3A_172, %mul3A_173 : i32
      "tpu.region"() ({
        %run_scoped3A_219 = tpu.sem_alloc : memref<!tpu.dma_semaphore, #tpu.memory_space<semaphore_mem>>
        %dma_start3A_220 = arith.constant 0 : i32
        %dma_start3A_221 = tpu.memref_slice %arg5[%mul3A_174, %dma_start3A_220] : memref<163840x16xf32, #tpu.memory_space<hbm>> -> memref<128x16xf32, #tpu.memory_space<hbm>>
        %dma_start3A_222 = arith.constant 0 : i32
        %dma_start3A_223 = tpu.memref_slice %arg5[%mul3A_174, %dma_start3A_222] : memref<163840x16xf32, #tpu.memory_space<hbm>> -> memref<128x16xf32, #tpu.memory_space<hbm>>
        tpu.enqueue_dma source(%dma_start3A_223 : memref<128x16xf32, #tpu.memory_space<hbm>>) target(%arg13 : memref<128x16xf32, #tpu.memory_space<vmem>>) target_semaphore(%run_scoped3A_219 : memref<!tpu.dma_semaphore, #tpu.memory_space<semaphore_mem>>)
        %dma_wait3A_224 = arith.constant 0 : i32
        %dma_wait3A_225 = tpu.memref_slice %arg5[%mul3A_174, %dma_wait3A_224] : memref<163840x16xf32, #tpu.memory_space<hbm>> -> memref<128x16xf32, #tpu.memory_space<hbm>>
        %dma_wait3A_226 = arith.constant 0 : i32
        %dma_wait3A_227 = tpu.memref_slice %arg5[%mul3A_174, %dma_wait3A_226] : memref<163840x16xf32, #tpu.memory_space<hbm>> -> memref<128x16xf32, #tpu.memory_space<hbm>>
        tpu.wait_dma2 semaphore(%run_scoped3A_219 : memref<!tpu.dma_semaphore, #tpu.memory_space<semaphore_mem>>) src(%dma_wait3A_227 : memref<128x16xf32, #tpu.memory_space<hbm>>) dst(%arg13 : memref<128x16xf32, #tpu.memory_space<vmem>>)
        tpu.yield
      }) : () -> ()
      %scan3A_175 = arith.constant 0 : i32
      %scan3A_176 = arith.constant 8 : i32
      %scan3A_177 = arith.addi %scan3A_175, %scan3A_176 : i32
      %scan3A_178 = arith.constant 1 : i32
      scf.for %scan3A_219 = %scan3A_175 to %scan3A_177 step %scan3A_178  : i32 {
        %mul3A_220 = arith.constant 1 : i32
        %mul3A_221 = arith.muli %scan3A_219, %mul3A_220 : i32
        %add3A_222 = arith.constant 0 : i32
        %add3A_223 = arith.addi %add3A_222, %mul3A_221 : i32
        %mul3A_224 = arith.constant 16 : i32
        %mul3A_225 = arith.muli %add3A_223, %mul3A_224 : i32
        %get3A = arith.constant 0 : i32
        %get3A_226 = arith.index_cast %get3A : i32 to index
        %get3A_227 = arith.index_cast %mul3A_225 : i32 to index
        %get3A_228 = tpu.vector_load %arg14[%get3A_226, %get3A_227] {strides = array<i32>} : memref<1x128xi32, #tpu.memory_space<vmem>>, vector<16xi32>,
        %iota3A = tpu.iota {dimensions = array<i32: 0>} : vector<16xi32>
        %mul3A_229 = arith.constant 16 : i32
        %mul3A_230 = arith.muli %add3A_223, %mul3A_229 : i32
        %add3A_231 = vector.broadcast %mul3A_230 : i32 to vector<16xi32>
        %add3A_232 = arith.addi %iota3A, %add3A_231 : vector<16xi32>
        %broadcast_in_dim3A = arith.constant 0 : i32
        %broadcast_in_dim3A_233 = vector.broadcast %broadcast_in_dim3A : i32 to vector<16xi32>
        %gather3A = tpu.vector_load_idx %arg13[%add3A_232, %broadcast_in_dim3A_233] : memref<128x16xf32, #tpu.memory_space<vmem>>[vector<16xi32>, vector<16xi32>], vector<16xf32>,
        %broadcast_in_dim3A_234 = arith.constant 0 : i32
        %broadcast_in_dim3A_235 = vector.broadcast %broadcast_in_dim3A_234 : i32 to vector<16xi32>
        tpu.vector_store_idx %arg16[%broadcast_in_dim3A_235, %get3A_228], %gather3A {add = true} : memref<4x5120xf32, #tpu.memory_space<vmem>>[vector<16xi32>, vector<16xi32>], vector<16xf32>,
        %broadcast_in_dim3A_236 = arith.constant 1 : i32
        %broadcast_in_dim3A_237 = vector.broadcast %broadcast_in_dim3A_236 : i32 to vector<16xi32>
        %gather3A_238 = tpu.vector_load_idx %arg13[%add3A_232, %broadcast_in_dim3A_237] : memref<128x16xf32, #tpu.memory_space<vmem>>[vector<16xi32>, vector<16xi32>], vector<16xf32>,
        %broadcast_in_dim3A_239 = arith.constant 1 : i32
        %broadcast_in_dim3A_240 = vector.broadcast %broadcast_in_dim3A_239 : i32 to vector<16xi32>
        tpu.vector_store_idx %arg16[%broadcast_in_dim3A_240, %get3A_228], %gather3A_238 {add = true} : memref<4x5120xf32, #tpu.memory_space<vmem>>[vector<16xi32>, vector<16xi32>], vector<16xf32>,
        %broadcast_in_dim3A_241 = arith.constant 2 : i32
        %broadcast_in_dim3A_242 = vector.broadcast %broadcast_in_dim3A_241 : i32 to vector<16xi32>
        %gather3A_243 = tpu.vector_load_idx %arg13[%add3A_232, %broadcast_in_dim3A_242] : memref<128x16xf32, #tpu.memory_space<vmem>>[vector<16xi32>, vector<16xi32>], vector<16xf32>,
        %broadcast_in_dim3A_244 = arith.constant 2 : i32
        %broadcast_in_dim3A_245 = vector.broadcast %broadcast_in_dim3A_244 : i32 to vector<16xi32>
        tpu.vector_store_idx %arg16[%broadcast_in_dim3A_245, %get3A_228], %gather3A_243 {add = true} : memref<4x5120xf32, #tpu.memory_space<vmem>>[vector<16xi32>, vector<16xi32>], vector<16xf32>,
        %broadcast_in_dim3A_246 = arith.constant 3 : i32
        %broadcast_in_dim3A_247 = vector.broadcast %broadcast_in_dim3A_246 : i32 to vector<16xi32>
        %broadcast_in_dim3A_248 = arith.constant 1.000000e+00 : f32
        %broadcast_in_dim3A_249 = vector.broadcast %broadcast_in_dim3A_248 : f32 to vector<16xf32>
        tpu.vector_store_idx %arg16[%broadcast_in_dim3A_247, %get3A_228], %broadcast_in_dim3A_249 {add = true} : memref<4x5120xf32, #tpu.memory_space<vmem>>[vector<16xi32>, vector<16xi32>], vector<16xf32>,
      }
      %scan3A_179 = arith.constant 8 : i32
      %add3A_180 = arith.constant 2 : i32
      %add3A_181 = arith.addi %add3A_128, %add3A_180 : i32
      %lt3A = arith.constant 80 : i32
      %lt3A_182 = arith.cmpi slt, %add3A_181, %lt3A : i32
      %convert_element_type3A = arith.extui %lt3A_182 : i1 to i32
      %cond3A = arith.constant 0 : i32
      %cond3A_183 = arith.cmpi ne, %convert_element_type3A, %cond3A : i32
      scf.if %cond3A_183 {
        %add3A_219 = arith.constant 2 : i32
        %add3A_220 = arith.addi %add3A_128, %add3A_219 : i32
        %mul3A_221 = arith.constant 80 : i32
        %mul3A_222 = arith.muli %arg1, %mul3A_221 : i32
        %add3A_223 = arith.addi %mul3A_222, %add3A_220 : i32
        %mul3A_224 = arith.constant 128 : i32
        %mul3A_225 = arith.muli %add3A_223, %mul3A_224 : i32
        %dma_start3A_226 = arith.constant 0 : i32
        %dma_start3A_227 = arith.constant 0 : i32
        %dma_start3A_228 = tpu.memref_slice %arg14[%dma_start3A_226, %dma_start3A_227] : memref<1x128xi32, #tpu.memory_space<vmem>> -> memref<1x128xi32, #tpu.memory_space<vmem>>
        %dma_start3A_229 = tpu.memref_squeeze %dma_start3A_228 : memref<1x128xi32, #tpu.memory_space<vmem>> -> memref<128xi32, #tpu.memory_space<vmem>>
        %dma_start3A_230 = tpu.memref_slice %arg6[%arg0, %mul3A_225] : memref<2x163840xi32, #tpu.memory_space<hbm>> -> memref<1x128xi32, #tpu.memory_space<hbm>>
        %dma_start3A_231 = tpu.memref_squeeze %dma_start3A_230 : memref<1x128xi32, #tpu.memory_space<hbm>> -> memref<128xi32, #tpu.memory_space<hbm>>
        %dma_start3A_232 = arith.constant 0 : i32
        %dma_start3A_233 = tpu.memref_slice %arg14[%dma_start3A_226, %dma_start3A_232] : memref<1x128xi32, #tpu.memory_space<vmem>> -> memref<1x128xi32, #tpu.memory_space<vmem>>
        %dma_start3A_234 = tpu.memref_squeeze %dma_start3A_233 : memref<1x128xi32, #tpu.memory_space<vmem>> -> memref<128xi32, #tpu.memory_space<vmem>>
        %dma_start3A_235 = tpu.memref_slice %arg6[%arg0, %mul3A_225] : memref<2x163840xi32, #tpu.memory_space<hbm>> -> memref<1x128xi32, #tpu.memory_space<hbm>>
        %dma_start3A_236 = tpu.memref_squeeze %dma_start3A_235 : memref<1x128xi32, #tpu.memory_space<hbm>> -> memref<128xi32, #tpu.memory_space<hbm>>
        tpu.enqueue_dma source(%dma_start3A_236 : memref<128xi32, #tpu.memory_space<hbm>>) target(%dma_start3A_234 : memref<128xi32, #tpu.memory_space<vmem>>) target_semaphore(%arg20 : memref<!tpu.dma_semaphore, #tpu.memory_space<semaphore_mem>>)
        %dma_start3A_237 = arith.constant 0 : i32
        %dma_start3A_238 = tpu.memref_slice %arg2[%mul3A_225, %dma_start3A_237] : memref<163840x128xf32, #tpu.memory_space<hbm>> -> memref<128x128xf32, #tpu.memory_space<hbm>>
        %dma_start3A_239 = arith.constant 0 : i32
        %dma_start3A_240 = tpu.memref_slice %arg2[%mul3A_225, %dma_start3A_239] : memref<163840x128xf32, #tpu.memory_space<hbm>> -> memref<128x128xf32, #tpu.memory_space<hbm>>
        tpu.enqueue_dma source(%dma_start3A_240 : memref<128x128xf32, #tpu.memory_space<hbm>>) target(%arg11 : memref<128x128xf32, #tpu.memory_space<vmem>>) target_semaphore(%arg20 : memref<!tpu.dma_semaphore, #tpu.memory_space<semaphore_mem>>)
      } else {
      }
      %add3A_184 = arith.constant 1 : i32
      %add3A_185 = arith.addi %add3A_128, %add3A_184 : i32
      %mul3A_186 = arith.constant 80 : i32
      %mul3A_187 = arith.muli %arg1, %mul3A_186 : i32
      %add3A_188 = arith.addi %mul3A_187, %add3A_185 : i32
      %mul3A_189 = arith.constant 128 : i32
      %mul3A_190 = arith.muli %add3A_188, %mul3A_189 : i32
      %dma_wait3A_191 = arith.constant 0 : i32
      %dma_wait3A_192 = arith.constant 0 : i32
      %dma_wait3A_193 = tpu.memref_slice %arg15[%dma_wait3A_191, %dma_wait3A_192] : memref<1x128xi32, #tpu.memory_space<vmem>> -> memref<1x128xi32, #tpu.memory_space<vmem>>
      %dma_wait3A_194 = tpu.memref_squeeze %dma_wait3A_193 : memref<1x128xi32, #tpu.memory_space<vmem>> -> memref<128xi32, #tpu.memory_space<vmem>>
      %dma_wait3A_195 = tpu.memref_slice %arg6[%arg0, %mul3A_190] : memref<2x163840xi32, #tpu.memory_space<hbm>> -> memref<1x128xi32, #tpu.memory_space<hbm>>
      %dma_wait3A_196 = tpu.memref_squeeze %dma_wait3A_195 : memref<1x128xi32, #tpu.memory_space<hbm>> -> memref<128xi32, #tpu.memory_space<hbm>>
      %dma_wait3A_197 = arith.constant 0 : i32
      %dma_wait3A_198 = tpu.memref_slice %arg15[%dma_wait3A_191, %dma_wait3A_197] : memref<1x128xi32, #tpu.memory_space<vmem>> -> memref<1x128xi32, #tpu.memory_space<vmem>>
      %dma_wait3A_199 = tpu.memref_squeeze %dma_wait3A_198 : memref<1x128xi32, #tpu.memory_space<vmem>> -> memref<128xi32, #tpu.memory_space<vmem>>
      %dma_wait3A_200 = tpu.memref_slice %arg6[%arg0, %mul3A_190] : memref<2x163840xi32, #tpu.memory_space<hbm>> -> memref<1x128xi32, #tpu.memory_space<hbm>>
      %dma_wait3A_201 = tpu.memref_squeeze %dma_wait3A_200 : memref<1x128xi32, #tpu.memory_space<hbm>> -> memref<128xi32, #tpu.memory_space<hbm>>
      tpu.wait_dma2 semaphore(%arg21 : memref<!tpu.dma_semaphore, #tpu.memory_space<semaphore_mem>>) src(%dma_wait3A_201 : memref<128xi32, #tpu.memory_space<hbm>>) dst(%dma_wait3A_199 : memref<128xi32, #tpu.memory_space<vmem>>)
      %dma_wait3A_202 = arith.constant 0 : i32
      %dma_wait3A_203 = tpu.memref_slice %arg2[%mul3A_190, %dma_wait3A_202] : memref<163840x128xf32, #tpu.memory_space<hbm>> -> memref<128x128xf32, #tpu.memory_space<hbm>>
      %dma_wait3A_204 = arith.constant 0 : i32
      %dma_wait3A_205 = tpu.memref_slice %arg2[%mul3A_190, %dma_wait3A_204] : memref<163840x128xf32, #tpu.memory_space<hbm>> -> memref<128x128xf32, #tpu.memory_space<hbm>>
      tpu.wait_dma2 semaphore(%arg21 : memref<!tpu.dma_semaphore, #tpu.memory_space<semaphore_mem>>) src(%dma_wait3A_205 : memref<128x128xf32, #tpu.memory_space<hbm>>) dst(%arg12 : memref<128x128xf32, #tpu.memory_space<vmem>>)
      %run_scoped3A_206 = arith.constant 0 : i32
      "tpu.region"() ({
        %run_scoped3A_219 = tpu.sem_alloc : memref<!tpu.dma_semaphore, #tpu.memory_space<semaphore_mem>>
        %dma_start3A_220 = arith.constant 0 : i32
        %dma_start3A_221 = tpu.memref_slice %arg15[%run_scoped3A_206, %dma_start3A_220] : memref<1x128xi32, #tpu.memory_space<vmem>> -> memref<1x128xi32, #tpu.memory_space<vmem>>
        %dma_start3A_222 = tpu.memref_squeeze %dma_start3A_221 : memref<1x128xi32, #tpu.memory_space<vmem>> -> memref<128xi32, #tpu.memory_space<vmem>>
        %dma_start3A_223 = arith.constant 0 : i32
        %dma_start3A_224 = arith.constant 0 : i32
        %dma_start3A_225 = tpu.memref_slice %arg19[%dma_start3A_223, %dma_start3A_224] : memref<5120x128xf32, #tpu.memory_space<vmem_shared>> -> memref<5120x128xf32, #tpu.memory_space<vmem_shared>>
        tpu.enqueue_indirect_dma source(%arg12 : memref<128x128xf32, #tpu.memory_space<vmem>>) target(%dma_start3A_225 : memref<5120x128xf32, #tpu.memory_space<vmem_shared>>) offsets(%dma_start3A_222 : memref<128xi32, #tpu.memory_space<vmem>>) semaphore(%run_scoped3A_219 : memref<!tpu.dma_semaphore, #tpu.memory_space<semaphore_mem>>) {add = true}
        %dma_wait3A_226 = arith.constant 0 : i32
        %dma_wait3A_227 = tpu.memref_slice %arg15[%run_scoped3A_206, %dma_wait3A_226] : memref<1x128xi32, #tpu.memory_space<vmem>> -> memref<1x128xi32, #tpu.memory_space<vmem>>
        %dma_wait3A_228 = tpu.memref_squeeze %dma_wait3A_227 : memref<1x128xi32, #tpu.memory_space<vmem>> -> memref<128xi32, #tpu.memory_space<vmem>>
        %dma_wait3A_229 = arith.constant 0 : i32
        %dma_wait3A_230 = arith.constant 0 : i32
        %dma_wait3A_231 = tpu.memref_slice %arg19[%dma_wait3A_229, %dma_wait3A_230] : memref<5120x128xf32, #tpu.memory_space<vmem_shared>> -> memref<5120x128xf32, #tpu.memory_space<vmem_shared>>
        tpu.wait_indirect_dma semaphore(%run_scoped3A_219 : memref<!tpu.dma_semaphore, #tpu.memory_space<semaphore_mem>>) src(%arg12 : memref<128x128xf32, #tpu.memory_space<vmem>>) dst(%dma_wait3A_231 : memref<5120x128xf32, #tpu.memory_space<vmem_shared>>)
        tpu.yield
      }) : () -> ()
      %add3A_207 = arith.constant 1 : i32
      %add3A_208 = arith.addi %add3A_128, %add3A_207 : i32
      %mul3A_209 = arith.constant 80 : i32
      %mul3A_210 = arith.muli %arg1, %mul3A_209 : i32
      %add3A_211 = arith.addi %mul3A_210, %add3A_208 : i32
      %mul3A_212 = arith.constant 128 : i32
      %mul3A_213 = arith.muli %add3A_211, %mul3A_212 : i32
      "tpu.region"() ({
        %run_scoped3A_219 = tpu.sem_alloc : memref<!tpu.dma_semaphore, #tpu.memory_space<semaphore_mem>>
        %dma_start3A_220 = arith.constant 0 : i32
        %dma_start3A_221 = tpu.memref_slice %arg5[%mul3A_213, %dma_start3A_220] : memref<163840x16xf32, #tpu.memory_space<hbm>> -> memref<128x16xf32, #tpu.memory_space<hbm>>
        %dma_start3A_222 = arith.constant 0 : i32
        %dma_start3A_223 = tpu.memref_slice %arg5[%mul3A_213, %dma_start3A_222] : memref<163840x16xf32, #tpu.memory_space<hbm>> -> memref<128x16xf32, #tpu.memory_space<hbm>>
        tpu.enqueue_dma source(%dma_start3A_223 : memref<128x16xf32, #tpu.memory_space<hbm>>) target(%arg13 : memref<128x16xf32, #tpu.memory_space<vmem>>) target_semaphore(%run_scoped3A_219 : memref<!tpu.dma_semaphore, #tpu.memory_space<semaphore_mem>>)
        %dma_wait3A_224 = arith.constant 0 : i32
        %dma_wait3A_225 = tpu.memref_slice %arg5[%mul3A_213, %dma_wait3A_224] : memref<163840x16xf32, #tpu.memory_space<hbm>> -> memref<128x16xf32, #tpu.memory_space<hbm>>
        %dma_wait3A_226 = arith.constant 0 : i32
        %dma_wait3A_227 = tpu.memref_slice %arg5[%mul3A_213, %dma_wait3A_226] : memref<163840x16xf32, #tpu.memory_space<hbm>> -> memref<128x16xf32, #tpu.memory_space<hbm>>
        tpu.wait_dma2 semaphore(%run_scoped3A_219 : memref<!tpu.dma_semaphore, #tpu.memory_space<semaphore_mem>>) src(%dma_wait3A_227 : memref<128x16xf32, #tpu.memory_space<hbm>>) dst(%arg13 : memref<128x16xf32, #tpu.memory_space<vmem>>)
        tpu.yield
      }) : () -> ()
      %scan3A_214 = arith.constant 0 : i32
      %scan3A_215 = arith.constant 8 : i32
      %scan3A_216 = arith.addi %scan3A_214, %scan3A_215 : i32
      %scan3A_217 = arith.constant 1 : i32
      scf.for %scan3A_219 = %scan3A_214 to %scan3A_216 step %scan3A_217  : i32 {
        %mul3A_220 = arith.constant 1 : i32
        %mul3A_221 = arith.muli %scan3A_219, %mul3A_220 : i32
        %add3A_222 = arith.constant 0 : i32
        %add3A_223 = arith.addi %add3A_222, %mul3A_221 : i32
        %mul3A_224 = arith.constant 16 : i32
        %mul3A_225 = arith.muli %add3A_223, %mul3A_224 : i32
        %get3A = arith.constant 0 : i32
        %get3A_226 = arith.index_cast %get3A : i32 to index
        %get3A_227 = arith.index_cast %mul3A_225 : i32 to index
        %get3A_228 = tpu.vector_load %arg15[%get3A_226, %get3A_227] {strides = array<i32>} : memref<1x128xi32, #tpu.memory_space<vmem>>, vector<16xi32>,
        %iota3A = tpu.iota {dimensions = array<i32: 0>} : vector<16xi32>
        %mul3A_229 = arith.constant 16 : i32
        %mul3A_230 = arith.muli %add3A_223, %mul3A_229 : i32
        %add3A_231 = vector.broadcast %mul3A_230 : i32 to vector<16xi32>
        %add3A_232 = arith.addi %iota3A, %add3A_231 : vector<16xi32>
        %broadcast_in_dim3A = arith.constant 0 : i32
        %broadcast_in_dim3A_233 = vector.broadcast %broadcast_in_dim3A : i32 to vector<16xi32>
        %gather3A = tpu.vector_load_idx %arg13[%add3A_232, %broadcast_in_dim3A_233] : memref<128x16xf32, #tpu.memory_space<vmem>>[vector<16xi32>, vector<16xi32>], vector<16xf32>,
        %broadcast_in_dim3A_234 = arith.constant 0 : i32
        %broadcast_in_dim3A_235 = vector.broadcast %broadcast_in_dim3A_234 : i32 to vector<16xi32>
        tpu.vector_store_idx %arg16[%broadcast_in_dim3A_235, %get3A_228], %gather3A {add = true} : memref<4x5120xf32, #tpu.memory_space<vmem>>[vector<16xi32>, vector<16xi32>], vector<16xf32>,
        %broadcast_in_dim3A_236 = arith.constant 1 : i32
        %broadcast_in_dim3A_237 = vector.broadcast %broadcast_in_dim3A_236 : i32 to vector<16xi32>
        %gather3A_238 = tpu.vector_load_idx %arg13[%add3A_232, %broadcast_in_dim3A_237] : memref<128x16xf32, #tpu.memory_space<vmem>>[vector<16xi32>, vector<16xi32>], vector<16xf32>,
        %broadcast_in_dim3A_239 = arith.constant 1 : i32
        %broadcast_in_dim3A_240 = vector.broadcast %broadcast_in_dim3A_239 : i32 to vector<16xi32>
        tpu.vector_store_idx %arg16[%broadcast_in_dim3A_240, %get3A_228], %gather3A_238 {add = true} : memref<4x5120xf32, #tpu.memory_space<vmem>>[vector<16xi32>, vector<16xi32>], vector<16xf32>,
        %broadcast_in_dim3A_241 = arith.constant 2 : i32
        %broadcast_in_dim3A_242 = vector.broadcast %broadcast_in_dim3A_241 : i32 to vector<16xi32>
        %gather3A_243 = tpu.vector_load_idx %arg13[%add3A_232, %broadcast_in_dim3A_242] : memref<128x16xf32, #tpu.memory_space<vmem>>[vector<16xi32>, vector<16xi32>], vector<16xf32>,
        %broadcast_in_dim3A_244 = arith.constant 2 : i32
        %broadcast_in_dim3A_245 = vector.broadcast %broadcast_in_dim3A_244 : i32 to vector<16xi32>
        tpu.vector_store_idx %arg16[%broadcast_in_dim3A_245, %get3A_228], %gather3A_243 {add = true} : memref<4x5120xf32, #tpu.memory_space<vmem>>[vector<16xi32>, vector<16xi32>], vector<16xf32>,
        %broadcast_in_dim3A_246 = arith.constant 3 : i32
        %broadcast_in_dim3A_247 = vector.broadcast %broadcast_in_dim3A_246 : i32 to vector<16xi32>
        %broadcast_in_dim3A_248 = arith.constant 1.000000e+00 : f32
        %broadcast_in_dim3A_249 = vector.broadcast %broadcast_in_dim3A_248 : f32 to vector<16xf32>
        tpu.vector_store_idx %arg16[%broadcast_in_dim3A_247, %get3A_228], %broadcast_in_dim3A_249 {add = true} : memref<4x5120xf32, #tpu.memory_space<vmem>>[vector<16xi32>, vector<16xi32>], vector<16xf32>,
      }
      %scan3A_218 = arith.constant 8 : i32
    }
    %scan3A_36 = arith.constant 40 : i32
    %barrier3A_37 = arith.constant 0 : index
    tpu.barrier barrier_id(%barrier3A_37)
    %scan3A_38 = arith.constant 0 : i32
    %scan3A_39 = arith.constant 8 : i32
    %scan3A_40 = arith.addi %scan3A_38, %scan3A_39 : i32
    %scan3A_41 = arith.constant 1 : i32
    scf.for %scan3A_124 = %scan3A_38 to %scan3A_40 step %scan3A_41  : i32 {
      %mul3A_125 = arith.constant 1 : i32
      %mul3A_126 = arith.muli %scan3A_124, %mul3A_125 : i32
      %add3A_127 = arith.constant 0 : i32
      %add3A_128 = arith.addi %add3A_127, %mul3A_126 : i32
      %mul3A_129 = arith.constant 16 : i32
      %mul3A_130 = arith.muli %add3A_128, %mul3A_129 : i32
      %add3A_131 = arith.addi %arg1, %mul3A_130 : i32
      %lt3A = arith.constant 125 : i32
      %lt3A_132 = arith.cmpi slt, %add3A_131, %lt3A : i32
      %convert_element_type3A = arith.extui %lt3A_132 : i1 to i32
      %cond3A = arith.constant 0 : i32
      %cond3A_133 = arith.cmpi ne, %convert_element_type3A, %cond3A : i32
      scf.if %cond3A_133 {
        %mul3A_134 = arith.constant 40 : i32
        %mul3A_135 = arith.muli %add3A_131, %mul3A_134 : i32
        "tpu.region"() ({
          %run_scoped3A = tpu.sem_alloc : memref<!tpu.dma_semaphore, #tpu.memory_space<semaphore_mem>>
          %dma_start3A_139 = arith.constant 0 : i32
          %dma_start3A_140 = tpu.memref_slice %arg19[%mul3A_135, %dma_start3A_139] : memref<5120x128xf32, #tpu.memory_space<vmem_shared>> -> memref<40x128xf32, #tpu.memory_space<vmem_shared>>
          %dma_start3A_141 = arith.constant 0 : i32
          %dma_start3A_142 = tpu.memref_slice %arg19[%mul3A_135, %dma_start3A_141] : memref<5120x128xf32, #tpu.memory_space<vmem_shared>> -> memref<40x128xf32, #tpu.memory_space<vmem_shared>>
          tpu.enqueue_dma source(%dma_start3A_142 : memref<40x128xf32, #tpu.memory_space<vmem_shared>>) target(%arg18 : memref<40x128xf32, #tpu.memory_space<vmem>>) target_semaphore(%run_scoped3A : memref<!tpu.dma_semaphore, #tpu.memory_space<semaphore_mem>>)
          %dma_wait3A = arith.constant 0 : i32
          %dma_wait3A_143 = tpu.memref_slice %arg19[%mul3A_135, %dma_wait3A] : memref<5120x128xf32, #tpu.memory_space<vmem_shared>> -> memref<40x128xf32, #tpu.memory_space<vmem_shared>>
          %dma_wait3A_144 = arith.constant 0 : i32
          %dma_wait3A_145 = tpu.memref_slice %arg19[%mul3A_135, %dma_wait3A_144] : memref<5120x128xf32, #tpu.memory_space<vmem_shared>> -> memref<40x128xf32, #tpu.memory_space<vmem_shared>>
          tpu.wait_dma2 semaphore(%run_scoped3A : memref<!tpu.dma_semaphore, #tpu.memory_space<semaphore_mem>>) src(%dma_wait3A_145 : memref<40x128xf32, #tpu.memory_space<vmem_shared>>) dst(%arg18 : memref<40x128xf32, #tpu.memory_space<vmem>>)
          tpu.yield
        }) : () -> ()
        %mul3A_136 = arith.constant 5000 : i32
        %mul3A_137 = arith.muli %arg0, %mul3A_136 : i32
        %add3A_138 = arith.addi %mul3A_137, %mul3A_135 : i32
        "tpu.region"() ({
          %run_scoped3A = tpu.sem_alloc : memref<!tpu.dma_semaphore, #tpu.memory_space<semaphore_mem>>
          %dma_start3A_139 = arith.constant 0 : i32
          %dma_start3A_140 = tpu.memref_slice %arg7[%add3A_138, %dma_start3A_139] : memref<10240x128xf32, #tpu.memory_space<hbm>> -> memref<40x128xf32, #tpu.memory_space<hbm>>
          %dma_start3A_141 = arith.constant 0 : i32
          %dma_start3A_142 = tpu.memref_slice %arg7[%add3A_138, %dma_start3A_141] : memref<10240x128xf32, #tpu.memory_space<hbm>> -> memref<40x128xf32, #tpu.memory_space<hbm>>
          tpu.enqueue_dma source(%arg18 : memref<40x128xf32, #tpu.memory_space<vmem>>) target(%dma_start3A_142 : memref<40x128xf32, #tpu.memory_space<hbm>>) target_semaphore(%run_scoped3A : memref<!tpu.dma_semaphore, #tpu.memory_space<semaphore_mem>>)
          %dma_wait3A = arith.constant 0 : i32
          %dma_wait3A_143 = tpu.memref_slice %arg7[%add3A_138, %dma_wait3A] : memref<10240x128xf32, #tpu.memory_space<hbm>> -> memref<40x128xf32, #tpu.memory_space<hbm>>
          %dma_wait3A_144 = arith.constant 0 : i32
          %dma_wait3A_145 = tpu.memref_slice %arg7[%add3A_138, %dma_wait3A_144] : memref<10240x128xf32, #tpu.memory_space<hbm>> -> memref<40x128xf32, #tpu.memory_space<hbm>>
          tpu.wait_dma2 semaphore(%run_scoped3A : memref<!tpu.dma_semaphore, #tpu.memory_space<semaphore_mem>>) src(%arg18 : memref<40x128xf32, #tpu.memory_space<vmem>>) dst(%dma_wait3A_145 : memref<40x128xf32, #tpu.memory_space<hbm>>)
          tpu.yield
        }) : () -> ()
      } else {
      }
    }
    %scan3A_42 = arith.constant 8 : i32
    %barrier3A_43 = arith.constant 0 : index
    tpu.barrier barrier_id(%barrier3A_43)
    %scan3A_44 = arith.constant 0 : i32
    %scan3A_45 = arith.constant 20 : i32
    %scan3A_46 = arith.addi %scan3A_44, %scan3A_45 : i32
    %scan3A_47 = arith.constant 1 : i32
    scf.for %scan3A_124 = %scan3A_44 to %scan3A_46 step %scan3A_47  : i32 {
      %mul3A_125 = arith.constant 1 : i32
      %mul3A_126 = arith.muli %scan3A_124, %mul3A_125 : i32
      %add3A_127 = arith.constant 0 : i32
      %add3A_128 = arith.addi %add3A_127, %mul3A_126 : i32
      %mul3A_129 = arith.constant 320 : i32
      %mul3A_130 = arith.muli %arg1, %mul3A_129 : i32
      %mul3A_131 = arith.constant 16 : i32
      %mul3A_132 = arith.muli %add3A_128, %mul3A_131 : i32
      %add3A_133 = arith.addi %mul3A_130, %mul3A_132 : i32
      "tpu.region"() ({
        %run_scoped3A = tpu.sem_alloc : memref<!tpu.dma_semaphore, #tpu.memory_space<semaphore_mem>>
        %dma_start3A_134 = arith.constant 0 : i32
        %dma_start3A_135 = tpu.memref_slice %arg19[%add3A_133, %dma_start3A_134] : memref<5120x128xf32, #tpu.memory_space<vmem_shared>> -> memref<16x128xf32, #tpu.memory_space<vmem_shared>>
        %dma_start3A_136 = arith.constant 0 : i32
        %dma_start3A_137 = tpu.memref_slice %arg19[%add3A_133, %dma_start3A_136] : memref<5120x128xf32, #tpu.memory_space<vmem_shared>> -> memref<16x128xf32, #tpu.memory_space<vmem_shared>>
        tpu.enqueue_dma source(%arg17 : memref<16x128xf32, #tpu.memory_space<vmem>>) target(%dma_start3A_137 : memref<16x128xf32, #tpu.memory_space<vmem_shared>>) target_semaphore(%run_scoped3A : memref<!tpu.dma_semaphore, #tpu.memory_space<semaphore_mem>>)
        %dma_wait3A = arith.constant 0 : i32
        %dma_wait3A_138 = tpu.memref_slice %arg19[%add3A_133, %dma_wait3A] : memref<5120x128xf32, #tpu.memory_space<vmem_shared>> -> memref<16x128xf32, #tpu.memory_space<vmem_shared>>
        %dma_wait3A_139 = arith.constant 0 : i32
        %dma_wait3A_140 = tpu.memref_slice %arg19[%add3A_133, %dma_wait3A_139] : memref<5120x128xf32, #tpu.memory_space<vmem_shared>> -> memref<16x128xf32, #tpu.memory_space<vmem_shared>>
        tpu.wait_dma2 semaphore(%run_scoped3A : memref<!tpu.dma_semaphore, #tpu.memory_space<semaphore_mem>>) src(%arg17 : memref<16x128xf32, #tpu.memory_space<vmem>>) dst(%dma_wait3A_140 : memref<16x128xf32, #tpu.memory_space<vmem_shared>>)
        tpu.yield
      }) : () -> ()
    }
    %scan3A_48 = arith.constant 20 : i32
    %barrier3A_49 = arith.constant 0 : index
    tpu.barrier barrier_id(%barrier3A_49)
    %mul3A_50 = arith.constant 80 : i32
    %mul3A_51 = arith.muli %arg1, %mul3A_50 : i32
    %add3A_52 = arith.constant 0 : i32
    %add3A_53 = arith.addi %mul3A_51, %add3A_52 : i32
    %mul3A_54 = arith.constant 128 : i32
    %mul3A_55 = arith.muli %add3A_53, %mul3A_54 : i32
    %dma_start3A_56 = arith.constant 0 : i32
    %dma_start3A_57 = arith.constant 0 : i32
    %dma_start3A_58 = tpu.memref_slice %arg14[%dma_start3A_56, %dma_start3A_57] : memref<1x128xi32, #tpu.memory_space<vmem>> -> memref<1x128xi32, #tpu.memory_space<vmem>>
    %dma_start3A_59 = tpu.memref_squeeze %dma_start3A_58 : memref<1x128xi32, #tpu.memory_space<vmem>> -> memref<128xi32, #tpu.memory_space<vmem>>
    %dma_start3A_60 = tpu.memref_slice %arg6[%arg0, %mul3A_55] : memref<2x163840xi32, #tpu.memory_space<hbm>> -> memref<1x128xi32, #tpu.memory_space<hbm>>
    %dma_start3A_61 = tpu.memref_squeeze %dma_start3A_60 : memref<1x128xi32, #tpu.memory_space<hbm>> -> memref<128xi32, #tpu.memory_space<hbm>>
    %dma_start3A_62 = arith.constant 0 : i32
    %dma_start3A_63 = tpu.memref_slice %arg14[%dma_start3A_56, %dma_start3A_62] : memref<1x128xi32, #tpu.memory_space<vmem>> -> memref<1x128xi32, #tpu.memory_space<vmem>>
    %dma_start3A_64 = tpu.memref_squeeze %dma_start3A_63 : memref<1x128xi32, #tpu.memory_space<vmem>> -> memref<128xi32, #tpu.memory_space<vmem>>
    %dma_start3A_65 = tpu.memref_slice %arg6[%arg0, %mul3A_55] : memref<2x163840xi32, #tpu.memory_space<hbm>> -> memref<1x128xi32, #tpu.memory_space<hbm>>
    %dma_start3A_66 = tpu.memref_squeeze %dma_start3A_65 : memref<1x128xi32, #tpu.memory_space<hbm>> -> memref<128xi32, #tpu.memory_space<hbm>>
    tpu.enqueue_dma source(%dma_start3A_66 : memref<128xi32, #tpu.memory_space<hbm>>) target(%dma_start3A_64 : memref<128xi32, #tpu.memory_space<vmem>>) target_semaphore(%arg20 : memref<!tpu.dma_semaphore, #tpu.memory_space<semaphore_mem>>)
    %dma_start3A_67 = arith.constant 0 : i32
    %dma_start3A_68 = tpu.memref_slice %arg3[%mul3A_55, %dma_start3A_67] : memref<163840x128xf32, #tpu.memory_space<hbm>> -> memref<128x128xf32, #tpu.memory_space<hbm>>
    %dma_start3A_69 = arith.constant 0 : i32
    %dma_start3A_70 = tpu.memref_slice %arg3[%mul3A_55, %dma_start3A_69] : memref<163840x128xf32, #tpu.memory_space<hbm>> -> memref<128x128xf32, #tpu.memory_space<hbm>>
    tpu.enqueue_dma source(%dma_start3A_70 : memref<128x128xf32, #tpu.memory_space<hbm>>) target(%arg11 : memref<128x128xf32, #tpu.memory_space<vmem>>) target_semaphore(%arg20 : memref<!tpu.dma_semaphore, #tpu.memory_space<semaphore_mem>>)
    %scan3A_71 = arith.constant 0 : i32
    %scan3A_72 = arith.constant 40 : i32
    %scan3A_73 = arith.addi %scan3A_71, %scan3A_72 : i32
    %scan3A_74 = arith.constant 1 : i32
    scf.for %scan3A_124 = %scan3A_71 to %scan3A_73 step %scan3A_74  : i32 {
      %mul3A_125 = arith.constant 2 : i32
      %mul3A_126 = arith.muli %scan3A_124, %mul3A_125 : i32
      %add3A_127 = arith.constant 0 : i32
      %add3A_128 = arith.addi %add3A_127, %mul3A_126 : i32
      %add3A_129 = arith.constant 1 : i32
      %add3A_130 = arith.addi %add3A_128, %add3A_129 : i32
      %mul3A_131 = arith.constant 80 : i32
      %mul3A_132 = arith.muli %arg1, %mul3A_131 : i32
      %add3A_133 = arith.addi %mul3A_132, %add3A_130 : i32
      %mul3A_134 = arith.constant 128 : i32
      %mul3A_135 = arith.muli %add3A_133, %mul3A_134 : i32
      %dma_start3A_136 = arith.constant 0 : i32
      %dma_start3A_137 = arith.constant 0 : i32
      %dma_start3A_138 = tpu.memref_slice %arg15[%dma_start3A_136, %dma_start3A_137] : memref<1x128xi32, #tpu.memory_space<vmem>> -> memref<1x128xi32, #tpu.memory_space<vmem>>
      %dma_start3A_139 = tpu.memref_squeeze %dma_start3A_138 : memref<1x128xi32, #tpu.memory_space<vmem>> -> memref<128xi32, #tpu.memory_space<vmem>>
      %dma_start3A_140 = tpu.memref_slice %arg6[%arg0, %mul3A_135] : memref<2x163840xi32, #tpu.memory_space<hbm>> -> memref<1x128xi32, #tpu.memory_space<hbm>>
      %dma_start3A_141 = tpu.memref_squeeze %dma_start3A_140 : memref<1x128xi32, #tpu.memory_space<hbm>> -> memref<128xi32, #tpu.memory_space<hbm>>
      %dma_start3A_142 = arith.constant 0 : i32
      %dma_start3A_143 = tpu.memref_slice %arg15[%dma_start3A_136, %dma_start3A_142] : memref<1x128xi32, #tpu.memory_space<vmem>> -> memref<1x128xi32, #tpu.memory_space<vmem>>
      %dma_start3A_144 = tpu.memref_squeeze %dma_start3A_143 : memref<1x128xi32, #tpu.memory_space<vmem>> -> memref<128xi32, #tpu.memory_space<vmem>>
      %dma_start3A_145 = tpu.memref_slice %arg6[%arg0, %mul3A_135] : memref<2x163840xi32, #tpu.memory_space<hbm>> -> memref<1x128xi32, #tpu.memory_space<hbm>>
      %dma_start3A_146 = tpu.memref_squeeze %dma_start3A_145 : memref<1x128xi32, #tpu.memory_space<hbm>> -> memref<128xi32, #tpu.memory_space<hbm>>
      tpu.enqueue_dma source(%dma_start3A_146 : memref<128xi32, #tpu.memory_space<hbm>>) target(%dma_start3A_144 : memref<128xi32, #tpu.memory_space<vmem>>) target_semaphore(%arg21 : memref<!tpu.dma_semaphore, #tpu.memory_space<semaphore_mem>>)
      %dma_start3A_147 = arith.constant 0 : i32
      %dma_start3A_148 = tpu.memref_slice %arg3[%mul3A_135, %dma_start3A_147] : memref<163840x128xf32, #tpu.memory_space<hbm>> -> memref<128x128xf32, #tpu.memory_space<hbm>>
      %dma_start3A_149 = arith.constant 0 : i32
      %dma_start3A_150 = tpu.memref_slice %arg3[%mul3A_135, %dma_start3A_149] : memref<163840x128xf32, #tpu.memory_space<hbm>> -> memref<128x128xf32, #tpu.memory_space<hbm>>
      tpu.enqueue_dma source(%dma_start3A_150 : memref<128x128xf32, #tpu.memory_space<hbm>>) target(%arg12 : memref<128x128xf32, #tpu.memory_space<vmem>>) target_semaphore(%arg21 : memref<!tpu.dma_semaphore, #tpu.memory_space<semaphore_mem>>)
      %mul3A_151 = arith.constant 80 : i32
      %mul3A_152 = arith.muli %arg1, %mul3A_151 : i32
      %add3A_153 = arith.addi %mul3A_152, %add3A_128 : i32
      %mul3A_154 = arith.constant 128 : i32
      %mul3A_155 = arith.muli %add3A_153, %mul3A_154 : i32
      %dma_wait3A = arith.constant 0 : i32
      %dma_wait3A_156 = arith.constant 0 : i32
      %dma_wait3A_157 = tpu.memref_slice %arg14[%dma_wait3A, %dma_wait3A_156] : memref<1x128xi32, #tpu.memory_space<vmem>> -> memref<1x128xi32, #tpu.memory_space<vmem>>
      %dma_wait3A_158 = tpu.memref_squeeze %dma_wait3A_157 : memref<1x128xi32, #tpu.memory_space<vmem>> -> memref<128xi32, #tpu.memory_space<vmem>>
      %dma_wait3A_159 = tpu.memref_slice %arg6[%arg0, %mul3A_155] : memref<2x163840xi32, #tpu.memory_space<hbm>> -> memref<1x128xi32, #tpu.memory_space<hbm>>
      %dma_wait3A_160 = tpu.memref_squeeze %dma_wait3A_159 : memref<1x128xi32, #tpu.memory_space<hbm>> -> memref<128xi32, #tpu.memory_space<hbm>>
      %dma_wait3A_161 = arith.constant 0 : i32
      %dma_wait3A_162 = tpu.memref_slice %arg14[%dma_wait3A, %dma_wait3A_161] : memref<1x128xi32, #tpu.memory_space<vmem>> -> memref<1x128xi32, #tpu.memory_space<vmem>>
      %dma_wait3A_163 = tpu.memref_squeeze %dma_wait3A_162 : memref<1x128xi32, #tpu.memory_space<vmem>> -> memref<128xi32, #tpu.memory_space<vmem>>
      %dma_wait3A_164 = tpu.memref_slice %arg6[%arg0, %mul3A_155] : memref<2x163840xi32, #tpu.memory_space<hbm>> -> memref<1x128xi32, #tpu.memory_space<hbm>>
      %dma_wait3A_165 = tpu.memref_squeeze %dma_wait3A_164 : memref<1x128xi32, #tpu.memory_space<hbm>> -> memref<128xi32, #tpu.memory_space<hbm>>
      tpu.wait_dma2 semaphore(%arg20 : memref<!tpu.dma_semaphore, #tpu.memory_space<semaphore_mem>>) src(%dma_wait3A_165 : memref<128xi32, #tpu.memory_space<hbm>>) dst(%dma_wait3A_163 : memref<128xi32, #tpu.memory_space<vmem>>)
      %dma_wait3A_166 = arith.constant 0 : i32
      %dma_wait3A_167 = tpu.memref_slice %arg3[%mul3A_155, %dma_wait3A_166] : memref<163840x128xf32, #tpu.memory_space<hbm>> -> memref<128x128xf32, #tpu.memory_space<hbm>>
      %dma_wait3A_168 = arith.constant 0 : i32
      %dma_wait3A_169 = tpu.memref_slice %arg3[%mul3A_155, %dma_wait3A_168] : memref<163840x128xf32, #tpu.memory_space<hbm>> -> memref<128x128xf32, #tpu.memory_space<hbm>>
      tpu.wait_dma2 semaphore(%arg20 : memref<!tpu.dma_semaphore, #tpu.memory_space<semaphore_mem>>) src(%dma_wait3A_169 : memref<128x128xf32, #tpu.memory_space<hbm>>) dst(%arg11 : memref<128x128xf32, #tpu.memory_space<vmem>>)
      %run_scoped3A = arith.constant 0 : i32
      "tpu.region"() ({
        %run_scoped3A_199 = tpu.sem_alloc : memref<!tpu.dma_semaphore, #tpu.memory_space<semaphore_mem>>
        %dma_start3A_200 = arith.constant 0 : i32
        %dma_start3A_201 = tpu.memref_slice %arg14[%run_scoped3A, %dma_start3A_200] : memref<1x128xi32, #tpu.memory_space<vmem>> -> memref<1x128xi32, #tpu.memory_space<vmem>>
        %dma_start3A_202 = tpu.memref_squeeze %dma_start3A_201 : memref<1x128xi32, #tpu.memory_space<vmem>> -> memref<128xi32, #tpu.memory_space<vmem>>
        %dma_start3A_203 = arith.constant 0 : i32
        %dma_start3A_204 = arith.constant 0 : i32
        %dma_start3A_205 = tpu.memref_slice %arg19[%dma_start3A_203, %dma_start3A_204] : memref<5120x128xf32, #tpu.memory_space<vmem_shared>> -> memref<5120x128xf32, #tpu.memory_space<vmem_shared>>
        tpu.enqueue_indirect_dma source(%arg11 : memref<128x128xf32, #tpu.memory_space<vmem>>) target(%dma_start3A_205 : memref<5120x128xf32, #tpu.memory_space<vmem_shared>>) offsets(%dma_start3A_202 : memref<128xi32, #tpu.memory_space<vmem>>) semaphore(%run_scoped3A_199 : memref<!tpu.dma_semaphore, #tpu.memory_space<semaphore_mem>>) {add = true}
        %dma_wait3A_206 = arith.constant 0 : i32
        %dma_wait3A_207 = tpu.memref_slice %arg14[%run_scoped3A, %dma_wait3A_206] : memref<1x128xi32, #tpu.memory_space<vmem>> -> memref<1x128xi32, #tpu.memory_space<vmem>>
        %dma_wait3A_208 = tpu.memref_squeeze %dma_wait3A_207 : memref<1x128xi32, #tpu.memory_space<vmem>> -> memref<128xi32, #tpu.memory_space<vmem>>
        %dma_wait3A_209 = arith.constant 0 : i32
        %dma_wait3A_210 = arith.constant 0 : i32
        %dma_wait3A_211 = tpu.memref_slice %arg19[%dma_wait3A_209, %dma_wait3A_210] : memref<5120x128xf32, #tpu.memory_space<vmem_shared>> -> memref<5120x128xf32, #tpu.memory_space<vmem_shared>>
        tpu.wait_indirect_dma semaphore(%run_scoped3A_199 : memref<!tpu.dma_semaphore, #tpu.memory_space<semaphore_mem>>) src(%arg11 : memref<128x128xf32, #tpu.memory_space<vmem>>) dst(%dma_wait3A_211 : memref<5120x128xf32, #tpu.memory_space<vmem_shared>>)
        tpu.yield
      }) : () -> ()
      %add3A_170 = arith.constant 2 : i32
      %add3A_171 = arith.addi %add3A_128, %add3A_170 : i32
      %lt3A = arith.constant 80 : i32
      %lt3A_172 = arith.cmpi slt, %add3A_171, %lt3A : i32
      %convert_element_type3A = arith.extui %lt3A_172 : i1 to i32
      %cond3A = arith.constant 0 : i32
      %cond3A_173 = arith.cmpi ne, %convert_element_type3A, %cond3A : i32
      scf.if %cond3A_173 {
        %add3A_199 = arith.constant 2 : i32
        %add3A_200 = arith.addi %add3A_128, %add3A_199 : i32
        %mul3A_201 = arith.constant 80 : i32
        %mul3A_202 = arith.muli %arg1, %mul3A_201 : i32
        %add3A_203 = arith.addi %mul3A_202, %add3A_200 : i32
        %mul3A_204 = arith.constant 128 : i32
        %mul3A_205 = arith.muli %add3A_203, %mul3A_204 : i32
        %dma_start3A_206 = arith.constant 0 : i32
        %dma_start3A_207 = arith.constant 0 : i32
        %dma_start3A_208 = tpu.memref_slice %arg14[%dma_start3A_206, %dma_start3A_207] : memref<1x128xi32, #tpu.memory_space<vmem>> -> memref<1x128xi32, #tpu.memory_space<vmem>>
        %dma_start3A_209 = tpu.memref_squeeze %dma_start3A_208 : memref<1x128xi32, #tpu.memory_space<vmem>> -> memref<128xi32, #tpu.memory_space<vmem>>
        %dma_start3A_210 = tpu.memref_slice %arg6[%arg0, %mul3A_205] : memref<2x163840xi32, #tpu.memory_space<hbm>> -> memref<1x128xi32, #tpu.memory_space<hbm>>
        %dma_start3A_211 = tpu.memref_squeeze %dma_start3A_210 : memref<1x128xi32, #tpu.memory_space<hbm>> -> memref<128xi32, #tpu.memory_space<hbm>>
        %dma_start3A_212 = arith.constant 0 : i32
        %dma_start3A_213 = tpu.memref_slice %arg14[%dma_start3A_206, %dma_start3A_212] : memref<1x128xi32, #tpu.memory_space<vmem>> -> memref<1x128xi32, #tpu.memory_space<vmem>>
        %dma_start3A_214 = tpu.memref_squeeze %dma_start3A_213 : memref<1x128xi32, #tpu.memory_space<vmem>> -> memref<128xi32, #tpu.memory_space<vmem>>
        %dma_start3A_215 = tpu.memref_slice %arg6[%arg0, %mul3A_205] : memref<2x163840xi32, #tpu.memory_space<hbm>> -> memref<1x128xi32, #tpu.memory_space<hbm>>
        %dma_start3A_216 = tpu.memref_squeeze %dma_start3A_215 : memref<1x128xi32, #tpu.memory_space<hbm>> -> memref<128xi32, #tpu.memory_space<hbm>>
        tpu.enqueue_dma source(%dma_start3A_216 : memref<128xi32, #tpu.memory_space<hbm>>) target(%dma_start3A_214 : memref<128xi32, #tpu.memory_space<vmem>>) target_semaphore(%arg20 : memref<!tpu.dma_semaphore, #tpu.memory_space<semaphore_mem>>)
        %dma_start3A_217 = arith.constant 0 : i32
        %dma_start3A_218 = tpu.memref_slice %arg3[%mul3A_205, %dma_start3A_217] : memref<163840x128xf32, #tpu.memory_space<hbm>> -> memref<128x128xf32, #tpu.memory_space<hbm>>
        %dma_start3A_219 = arith.constant 0 : i32
        %dma_start3A_220 = tpu.memref_slice %arg3[%mul3A_205, %dma_start3A_219] : memref<163840x128xf32, #tpu.memory_space<hbm>> -> memref<128x128xf32, #tpu.memory_space<hbm>>
        tpu.enqueue_dma source(%dma_start3A_220 : memref<128x128xf32, #tpu.memory_space<hbm>>) target(%arg11 : memref<128x128xf32, #tpu.memory_space<vmem>>) target_semaphore(%arg20 : memref<!tpu.dma_semaphore, #tpu.memory_space<semaphore_mem>>)
      } else {
      }
      %add3A_174 = arith.constant 1 : i32
      %add3A_175 = arith.addi %add3A_128, %add3A_174 : i32
      %mul3A_176 = arith.constant 80 : i32
      %mul3A_177 = arith.muli %arg1, %mul3A_176 : i32
      %add3A_178 = arith.addi %mul3A_177, %add3A_175 : i32
      %mul3A_179 = arith.constant 128 : i32
      %mul3A_180 = arith.muli %add3A_178, %mul3A_179 : i32
      %dma_wait3A_181 = arith.constant 0 : i32
      %dma_wait3A_182 = arith.constant 0 : i32
      %dma_wait3A_183 = tpu.memref_slice %arg15[%dma_wait3A_181, %dma_wait3A_182] : memref<1x128xi32, #tpu.memory_space<vmem>> -> memref<1x128xi32, #tpu.memory_space<vmem>>
      %dma_wait3A_184 = tpu.memref_squeeze %dma_wait3A_183 : memref<1x128xi32, #tpu.memory_space<vmem>> -> memref<128xi32, #tpu.memory_space<vmem>>
      %dma_wait3A_185 = tpu.memref_slice %arg6[%arg0, %mul3A_180] : memref<2x163840xi32, #tpu.memory_space<hbm>> -> memref<1x128xi32, #tpu.memory_space<hbm>>
      %dma_wait3A_186 = tpu.memref_squeeze %dma_wait3A_185 : memref<1x128xi32, #tpu.memory_space<hbm>> -> memref<128xi32, #tpu.memory_space<hbm>>
      %dma_wait3A_187 = arith.constant 0 : i32
      %dma_wait3A_188 = tpu.memref_slice %arg15[%dma_wait3A_181, %dma_wait3A_187] : memref<1x128xi32, #tpu.memory_space<vmem>> -> memref<1x128xi32, #tpu.memory_space<vmem>>
      %dma_wait3A_189 = tpu.memref_squeeze %dma_wait3A_188 : memref<1x128xi32, #tpu.memory_space<vmem>> -> memref<128xi32, #tpu.memory_space<vmem>>
      %dma_wait3A_190 = tpu.memref_slice %arg6[%arg0, %mul3A_180] : memref<2x163840xi32, #tpu.memory_space<hbm>> -> memref<1x128xi32, #tpu.memory_space<hbm>>
      %dma_wait3A_191 = tpu.memref_squeeze %dma_wait3A_190 : memref<1x128xi32, #tpu.memory_space<hbm>> -> memref<128xi32, #tpu.memory_space<hbm>>
      tpu.wait_dma2 semaphore(%arg21 : memref<!tpu.dma_semaphore, #tpu.memory_space<semaphore_mem>>) src(%dma_wait3A_191 : memref<128xi32, #tpu.memory_space<hbm>>) dst(%dma_wait3A_189 : memref<128xi32, #tpu.memory_space<vmem>>)
      %dma_wait3A_192 = arith.constant 0 : i32
      %dma_wait3A_193 = tpu.memref_slice %arg3[%mul3A_180, %dma_wait3A_192] : memref<163840x128xf32, #tpu.memory_space<hbm>> -> memref<128x128xf32, #tpu.memory_space<hbm>>
      %dma_wait3A_194 = arith.constant 0 : i32
      %dma_wait3A_195 = tpu.memref_slice %arg3[%mul3A_180, %dma_wait3A_194] : memref<163840x128xf32, #tpu.memory_space<hbm>> -> memref<128x128xf32, #tpu.memory_space<hbm>>
      tpu.wait_dma2 semaphore(%arg21 : memref<!tpu.dma_semaphore, #tpu.memory_space<semaphore_mem>>) src(%dma_wait3A_195 : memref<128x128xf32, #tpu.memory_space<hbm>>) dst(%arg12 : memref<128x128xf32, #tpu.memory_space<vmem>>)
      %run_scoped3A_196 = arith.constant 0 : i32
      "tpu.region"() ({
        %run_scoped3A_199 = tpu.sem_alloc : memref<!tpu.dma_semaphore, #tpu.memory_space<semaphore_mem>>
        %dma_start3A_200 = arith.constant 0 : i32
        %dma_start3A_201 = tpu.memref_slice %arg15[%run_scoped3A_196, %dma_start3A_200] : memref<1x128xi32, #tpu.memory_space<vmem>> -> memref<1x128xi32, #tpu.memory_space<vmem>>
        %dma_start3A_202 = tpu.memref_squeeze %dma_start3A_201 : memref<1x128xi32, #tpu.memory_space<vmem>> -> memref<128xi32, #tpu.memory_space<vmem>>
        %dma_start3A_203 = arith.constant 0 : i32
        %dma_start3A_204 = arith.constant 0 : i32
        %dma_start3A_205 = tpu.memref_slice %arg19[%dma_start3A_203, %dma_start3A_204] : memref<5120x128xf32, #tpu.memory_space<vmem_shared>> -> memref<5120x128xf32, #tpu.memory_space<vmem_shared>>
        tpu.enqueue_indirect_dma source(%arg12 : memref<128x128xf32, #tpu.memory_space<vmem>>) target(%dma_start3A_205 : memref<5120x128xf32, #tpu.memory_space<vmem_shared>>) offsets(%dma_start3A_202 : memref<128xi32, #tpu.memory_space<vmem>>) semaphore(%run_scoped3A_199 : memref<!tpu.dma_semaphore, #tpu.memory_space<semaphore_mem>>) {add = true}
        %dma_wait3A_206 = arith.constant 0 : i32
        %dma_wait3A_207 = tpu.memref_slice %arg15[%run_scoped3A_196, %dma_wait3A_206] : memref<1x128xi32, #tpu.memory_space<vmem>> -> memref<1x128xi32, #tpu.memory_space<vmem>>
        %dma_wait3A_208 = tpu.memref_squeeze %dma_wait3A_207 : memref<1x128xi32, #tpu.memory_space<vmem>> -> memref<128xi32, #tpu.memory_space<vmem>>
        %dma_wait3A_209 = arith.constant 0 : i32
        %dma_wait3A_210 = arith.constant 0 : i32
        %dma_wait3A_211 = tpu.memref_slice %arg19[%dma_wait3A_209, %dma_wait3A_210] : memref<5120x128xf32, #tpu.memory_space<vmem_shared>> -> memref<5120x128xf32, #tpu.memory_space<vmem_shared>>
        tpu.wait_indirect_dma semaphore(%run_scoped3A_199 : memref<!tpu.dma_semaphore, #tpu.memory_space<semaphore_mem>>) src(%arg12 : memref<128x128xf32, #tpu.memory_space<vmem>>) dst(%dma_wait3A_211 : memref<5120x128xf32, #tpu.memory_space<vmem_shared>>)
        tpu.yield
      }) : () -> ()
      %add3A_197 = arith.constant 1 : i32
      %add3A_198 = arith.addi %add3A_128, %add3A_197 : i32
    }
    %scan3A_75 = arith.constant 40 : i32
    %barrier3A_76 = arith.constant 0 : index
    tpu.barrier barrier_id(%barrier3A_76)
    %scan3A_77 = arith.constant 0 : i32
    %scan3A_78 = arith.constant 8 : i32
    %scan3A_79 = arith.addi %scan3A_77, %scan3A_78 : i32
    %scan3A_80 = arith.constant 1 : i32
    scf.for %scan3A_124 = %scan3A_77 to %scan3A_79 step %scan3A_80  : i32 {
      %mul3A_125 = arith.constant 1 : i32
      %mul3A_126 = arith.muli %scan3A_124, %mul3A_125 : i32
      %add3A_127 = arith.constant 0 : i32
      %add3A_128 = arith.addi %add3A_127, %mul3A_126 : i32
      %mul3A_129 = arith.constant 16 : i32
      %mul3A_130 = arith.muli %add3A_128, %mul3A_129 : i32
      %add3A_131 = arith.addi %arg1, %mul3A_130 : i32
      %lt3A = arith.constant 125 : i32
      %lt3A_132 = arith.cmpi slt, %add3A_131, %lt3A : i32
      %convert_element_type3A = arith.extui %lt3A_132 : i1 to i32
      %cond3A = arith.constant 0 : i32
      %cond3A_133 = arith.cmpi ne, %convert_element_type3A, %cond3A : i32
      scf.if %cond3A_133 {
        %mul3A_134 = arith.constant 40 : i32
        %mul3A_135 = arith.muli %add3A_131, %mul3A_134 : i32
        "tpu.region"() ({
          %run_scoped3A = tpu.sem_alloc : memref<!tpu.dma_semaphore, #tpu.memory_space<semaphore_mem>>
          %dma_start3A_139 = arith.constant 0 : i32
          %dma_start3A_140 = tpu.memref_slice %arg19[%mul3A_135, %dma_start3A_139] : memref<5120x128xf32, #tpu.memory_space<vmem_shared>> -> memref<40x128xf32, #tpu.memory_space<vmem_shared>>
          %dma_start3A_141 = arith.constant 0 : i32
          %dma_start3A_142 = tpu.memref_slice %arg19[%mul3A_135, %dma_start3A_141] : memref<5120x128xf32, #tpu.memory_space<vmem_shared>> -> memref<40x128xf32, #tpu.memory_space<vmem_shared>>
          tpu.enqueue_dma source(%dma_start3A_142 : memref<40x128xf32, #tpu.memory_space<vmem_shared>>) target(%arg18 : memref<40x128xf32, #tpu.memory_space<vmem>>) target_semaphore(%run_scoped3A : memref<!tpu.dma_semaphore, #tpu.memory_space<semaphore_mem>>)
          %dma_wait3A = arith.constant 0 : i32
          %dma_wait3A_143 = tpu.memref_slice %arg19[%mul3A_135, %dma_wait3A] : memref<5120x128xf32, #tpu.memory_space<vmem_shared>> -> memref<40x128xf32, #tpu.memory_space<vmem_shared>>
          %dma_wait3A_144 = arith.constant 0 : i32
          %dma_wait3A_145 = tpu.memref_slice %arg19[%mul3A_135, %dma_wait3A_144] : memref<5120x128xf32, #tpu.memory_space<vmem_shared>> -> memref<40x128xf32, #tpu.memory_space<vmem_shared>>
          tpu.wait_dma2 semaphore(%run_scoped3A : memref<!tpu.dma_semaphore, #tpu.memory_space<semaphore_mem>>) src(%dma_wait3A_145 : memref<40x128xf32, #tpu.memory_space<vmem_shared>>) dst(%arg18 : memref<40x128xf32, #tpu.memory_space<vmem>>)
          tpu.yield
        }) : () -> ()
        %mul3A_136 = arith.constant 5000 : i32
        %mul3A_137 = arith.muli %arg0, %mul3A_136 : i32
        %add3A_138 = arith.addi %mul3A_137, %mul3A_135 : i32
        "tpu.region"() ({
          %run_scoped3A = tpu.sem_alloc : memref<!tpu.dma_semaphore, #tpu.memory_space<semaphore_mem>>
          %dma_start3A_139 = arith.constant 0 : i32
          %dma_start3A_140 = tpu.memref_slice %arg8[%add3A_138, %dma_start3A_139] : memref<10240x128xf32, #tpu.memory_space<hbm>> -> memref<40x128xf32, #tpu.memory_space<hbm>>
          %dma_start3A_141 = arith.constant 0 : i32
          %dma_start3A_142 = tpu.memref_slice %arg8[%add3A_138, %dma_start3A_141] : memref<10240x128xf32, #tpu.memory_space<hbm>> -> memref<40x128xf32, #tpu.memory_space<hbm>>
          tpu.enqueue_dma source(%arg18 : memref<40x128xf32, #tpu.memory_space<vmem>>) target(%dma_start3A_142 : memref<40x128xf32, #tpu.memory_space<hbm>>) target_semaphore(%run_scoped3A : memref<!tpu.dma_semaphore, #tpu.memory_space<semaphore_mem>>)
          %dma_wait3A = arith.constant 0 : i32
          %dma_wait3A_143 = tpu.memref_slice %arg8[%add3A_138, %dma_wait3A] : memref<10240x128xf32, #tpu.memory_space<hbm>> -> memref<40x128xf32, #tpu.memory_space<hbm>>
          %dma_wait3A_144 = arith.constant 0 : i32
          %dma_wait3A_145 = tpu.memref_slice %arg8[%add3A_138, %dma_wait3A_144] : memref<10240x128xf32, #tpu.memory_space<hbm>> -> memref<40x128xf32, #tpu.memory_space<hbm>>
          tpu.wait_dma2 semaphore(%run_scoped3A : memref<!tpu.dma_semaphore, #tpu.memory_space<semaphore_mem>>) src(%arg18 : memref<40x128xf32, #tpu.memory_space<vmem>>) dst(%dma_wait3A_145 : memref<40x128xf32, #tpu.memory_space<hbm>>)
          tpu.yield
        }) : () -> ()
      } else {
      }
    }
    %scan3A_81 = arith.constant 8 : i32
    %barrier3A_82 = arith.constant 0 : index
    tpu.barrier barrier_id(%barrier3A_82)
    %scan3A_83 = arith.constant 0 : i32
    %scan3A_84 = arith.constant 20 : i32
    %scan3A_85 = arith.addi %scan3A_83, %scan3A_84 : i32
    %scan3A_86 = arith.constant 1 : i32
    scf.for %scan3A_124 = %scan3A_83 to %scan3A_85 step %scan3A_86  : i32 {
      %mul3A_125 = arith.constant 1 : i32
      %mul3A_126 = arith.muli %scan3A_124, %mul3A_125 : i32
      %add3A_127 = arith.constant 0 : i32
      %add3A_128 = arith.addi %add3A_127, %mul3A_126 : i32
      %mul3A_129 = arith.constant 320 : i32
      %mul3A_130 = arith.muli %arg1, %mul3A_129 : i32
      %mul3A_131 = arith.constant 16 : i32
      %mul3A_132 = arith.muli %add3A_128, %mul3A_131 : i32
      %add3A_133 = arith.addi %mul3A_130, %mul3A_132 : i32
      "tpu.region"() ({
        %run_scoped3A = tpu.sem_alloc : memref<!tpu.dma_semaphore, #tpu.memory_space<semaphore_mem>>
        %dma_start3A_134 = arith.constant 0 : i32
        %dma_start3A_135 = tpu.memref_slice %arg19[%add3A_133, %dma_start3A_134] : memref<5120x128xf32, #tpu.memory_space<vmem_shared>> -> memref<16x128xf32, #tpu.memory_space<vmem_shared>>
        %dma_start3A_136 = arith.constant 0 : i32
        %dma_start3A_137 = tpu.memref_slice %arg19[%add3A_133, %dma_start3A_136] : memref<5120x128xf32, #tpu.memory_space<vmem_shared>> -> memref<16x128xf32, #tpu.memory_space<vmem_shared>>
        tpu.enqueue_dma source(%arg17 : memref<16x128xf32, #tpu.memory_space<vmem>>) target(%dma_start3A_137 : memref<16x128xf32, #tpu.memory_space<vmem_shared>>) target_semaphore(%run_scoped3A : memref<!tpu.dma_semaphore, #tpu.memory_space<semaphore_mem>>)
        %dma_wait3A = arith.constant 0 : i32
        %dma_wait3A_138 = tpu.memref_slice %arg19[%add3A_133, %dma_wait3A] : memref<5120x128xf32, #tpu.memory_space<vmem_shared>> -> memref<16x128xf32, #tpu.memory_space<vmem_shared>>
        %dma_wait3A_139 = arith.constant 0 : i32
        %dma_wait3A_140 = tpu.memref_slice %arg19[%add3A_133, %dma_wait3A_139] : memref<5120x128xf32, #tpu.memory_space<vmem_shared>> -> memref<16x128xf32, #tpu.memory_space<vmem_shared>>
        tpu.wait_dma2 semaphore(%run_scoped3A : memref<!tpu.dma_semaphore, #tpu.memory_space<semaphore_mem>>) src(%arg17 : memref<16x128xf32, #tpu.memory_space<vmem>>) dst(%dma_wait3A_140 : memref<16x128xf32, #tpu.memory_space<vmem_shared>>)
        tpu.yield
      }) : () -> ()
    }
    %scan3A_87 = arith.constant 20 : i32
    %barrier3A_88 = arith.constant 0 : index
    tpu.barrier barrier_id(%barrier3A_88)
    %mul3A_89 = arith.constant 80 : i32
    %mul3A_90 = arith.muli %arg1, %mul3A_89 : i32
    %add3A_91 = arith.constant 0 : i32
    %add3A_92 = arith.addi %mul3A_90, %add3A_91 : i32
    %mul3A_93 = arith.constant 128 : i32
    %mul3A_94 = arith.muli %add3A_92, %mul3A_93 : i32
    %dma_start3A_95 = arith.constant 0 : i32
    %dma_start3A_96 = arith.constant 0 : i32
    %dma_start3A_97 = tpu.memref_slice %arg14[%dma_start3A_95, %dma_start3A_96] : memref<1x128xi32, #tpu.memory_space<vmem>> -> memref<1x128xi32, #tpu.memory_space<vmem>>
    %dma_start3A_98 = tpu.memref_squeeze %dma_start3A_97 : memref<1x128xi32, #tpu.memory_space<vmem>> -> memref<128xi32, #tpu.memory_space<vmem>>
    %dma_start3A_99 = tpu.memref_slice %arg6[%arg0, %mul3A_94] : memref<2x163840xi32, #tpu.memory_space<hbm>> -> memref<1x128xi32, #tpu.memory_space<hbm>>
    %dma_start3A_100 = tpu.memref_squeeze %dma_start3A_99 : memref<1x128xi32, #tpu.memory_space<hbm>> -> memref<128xi32, #tpu.memory_space<hbm>>
    %dma_start3A_101 = arith.constant 0 : i32
    %dma_start3A_102 = tpu.memref_slice %arg14[%dma_start3A_95, %dma_start3A_101] : memref<1x128xi32, #tpu.memory_space<vmem>> -> memref<1x128xi32, #tpu.memory_space<vmem>>
    %dma_start3A_103 = tpu.memref_squeeze %dma_start3A_102 : memref<1x128xi32, #tpu.memory_space<vmem>> -> memref<128xi32, #tpu.memory_space<vmem>>
    %dma_start3A_104 = tpu.memref_slice %arg6[%arg0, %mul3A_94] : memref<2x163840xi32, #tpu.memory_space<hbm>> -> memref<1x128xi32, #tpu.memory_space<hbm>>
    %dma_start3A_105 = tpu.memref_squeeze %dma_start3A_104 : memref<1x128xi32, #tpu.memory_space<hbm>> -> memref<128xi32, #tpu.memory_space<hbm>>
    tpu.enqueue_dma source(%dma_start3A_105 : memref<128xi32, #tpu.memory_space<hbm>>) target(%dma_start3A_103 : memref<128xi32, #tpu.memory_space<vmem>>) target_semaphore(%arg20 : memref<!tpu.dma_semaphore, #tpu.memory_space<semaphore_mem>>)
    %dma_start3A_106 = arith.constant 0 : i32
    %dma_start3A_107 = tpu.memref_slice %arg4[%mul3A_94, %dma_start3A_106] : memref<163840x128xf32, #tpu.memory_space<hbm>> -> memref<128x128xf32, #tpu.memory_space<hbm>>
    %dma_start3A_108 = arith.constant 0 : i32
    %dma_start3A_109 = tpu.memref_slice %arg4[%mul3A_94, %dma_start3A_108] : memref<163840x128xf32, #tpu.memory_space<hbm>> -> memref<128x128xf32, #tpu.memory_space<hbm>>
    tpu.enqueue_dma source(%dma_start3A_109 : memref<128x128xf32, #tpu.memory_space<hbm>>) target(%arg11 : memref<128x128xf32, #tpu.memory_space<vmem>>) target_semaphore(%arg20 : memref<!tpu.dma_semaphore, #tpu.memory_space<semaphore_mem>>)
    %scan3A_110 = arith.constant 0 : i32
    %scan3A_111 = arith.constant 40 : i32
    %scan3A_112 = arith.addi %scan3A_110, %scan3A_111 : i32
    %scan3A_113 = arith.constant 1 : i32
    scf.for %scan3A_124 = %scan3A_110 to %scan3A_112 step %scan3A_113  : i32 {
      %mul3A_125 = arith.constant 2 : i32
      %mul3A_126 = arith.muli %scan3A_124, %mul3A_125 : i32
      %add3A_127 = arith.constant 0 : i32
      %add3A_128 = arith.addi %add3A_127, %mul3A_126 : i32
      %add3A_129 = arith.constant 1 : i32
      %add3A_130 = arith.addi %add3A_128, %add3A_129 : i32
      %mul3A_131 = arith.constant 80 : i32
      %mul3A_132 = arith.muli %arg1, %mul3A_131 : i32
      %add3A_133 = arith.addi %mul3A_132, %add3A_130 : i32
      %mul3A_134 = arith.constant 128 : i32
      %mul3A_135 = arith.muli %add3A_133, %mul3A_134 : i32
      %dma_start3A_136 = arith.constant 0 : i32
      %dma_start3A_137 = arith.constant 0 : i32
      %dma_start3A_138 = tpu.memref_slice %arg15[%dma_start3A_136, %dma_start3A_137] : memref<1x128xi32, #tpu.memory_space<vmem>> -> memref<1x128xi32, #tpu.memory_space<vmem>>
      %dma_start3A_139 = tpu.memref_squeeze %dma_start3A_138 : memref<1x128xi32, #tpu.memory_space<vmem>> -> memref<128xi32, #tpu.memory_space<vmem>>
      %dma_start3A_140 = tpu.memref_slice %arg6[%arg0, %mul3A_135] : memref<2x163840xi32, #tpu.memory_space<hbm>> -> memref<1x128xi32, #tpu.memory_space<hbm>>
      %dma_start3A_141 = tpu.memref_squeeze %dma_start3A_140 : memref<1x128xi32, #tpu.memory_space<hbm>> -> memref<128xi32, #tpu.memory_space<hbm>>
      %dma_start3A_142 = arith.constant 0 : i32
      %dma_start3A_143 = tpu.memref_slice %arg15[%dma_start3A_136, %dma_start3A_142] : memref<1x128xi32, #tpu.memory_space<vmem>> -> memref<1x128xi32, #tpu.memory_space<vmem>>
      %dma_start3A_144 = tpu.memref_squeeze %dma_start3A_143 : memref<1x128xi32, #tpu.memory_space<vmem>> -> memref<128xi32, #tpu.memory_space<vmem>>
      %dma_start3A_145 = tpu.memref_slice %arg6[%arg0, %mul3A_135] : memref<2x163840xi32, #tpu.memory_space<hbm>> -> memref<1x128xi32, #tpu.memory_space<hbm>>
      %dma_start3A_146 = tpu.memref_squeeze %dma_start3A_145 : memref<1x128xi32, #tpu.memory_space<hbm>> -> memref<128xi32, #tpu.memory_space<hbm>>
      tpu.enqueue_dma source(%dma_start3A_146 : memref<128xi32, #tpu.memory_space<hbm>>) target(%dma_start3A_144 : memref<128xi32, #tpu.memory_space<vmem>>) target_semaphore(%arg21 : memref<!tpu.dma_semaphore, #tpu.memory_space<semaphore_mem>>)
      %dma_start3A_147 = arith.constant 0 : i32
      %dma_start3A_148 = tpu.memref_slice %arg4[%mul3A_135, %dma_start3A_147] : memref<163840x128xf32, #tpu.memory_space<hbm>> -> memref<128x128xf32, #tpu.memory_space<hbm>>
      %dma_start3A_149 = arith.constant 0 : i32
      %dma_start3A_150 = tpu.memref_slice %arg4[%mul3A_135, %dma_start3A_149] : memref<163840x128xf32, #tpu.memory_space<hbm>> -> memref<128x128xf32, #tpu.memory_space<hbm>>
      tpu.enqueue_dma source(%dma_start3A_150 : memref<128x128xf32, #tpu.memory_space<hbm>>) target(%arg12 : memref<128x128xf32, #tpu.memory_space<vmem>>) target_semaphore(%arg21 : memref<!tpu.dma_semaphore, #tpu.memory_space<semaphore_mem>>)
      %mul3A_151 = arith.constant 80 : i32
      %mul3A_152 = arith.muli %arg1, %mul3A_151 : i32
      %add3A_153 = arith.addi %mul3A_152, %add3A_128 : i32
      %mul3A_154 = arith.constant 128 : i32
      %mul3A_155 = arith.muli %add3A_153, %mul3A_154 : i32
      %dma_wait3A = arith.constant 0 : i32
      %dma_wait3A_156 = arith.constant 0 : i32
      %dma_wait3A_157 = tpu.memref_slice %arg14[%dma_wait3A, %dma_wait3A_156] : memref<1x128xi32, #tpu.memory_space<vmem>> -> memref<1x128xi32, #tpu.memory_space<vmem>>
      %dma_wait3A_158 = tpu.memref_squeeze %dma_wait3A_157 : memref<1x128xi32, #tpu.memory_space<vmem>> -> memref<128xi32, #tpu.memory_space<vmem>>
      %dma_wait3A_159 = tpu.memref_slice %arg6[%arg0, %mul3A_155] : memref<2x163840xi32, #tpu.memory_space<hbm>> -> memref<1x128xi32, #tpu.memory_space<hbm>>
      %dma_wait3A_160 = tpu.memref_squeeze %dma_wait3A_159 : memref<1x128xi32, #tpu.memory_space<hbm>> -> memref<128xi32, #tpu.memory_space<hbm>>
      %dma_wait3A_161 = arith.constant 0 : i32
      %dma_wait3A_162 = tpu.memref_slice %arg14[%dma_wait3A, %dma_wait3A_161] : memref<1x128xi32, #tpu.memory_space<vmem>> -> memref<1x128xi32, #tpu.memory_space<vmem>>
      %dma_wait3A_163 = tpu.memref_squeeze %dma_wait3A_162 : memref<1x128xi32, #tpu.memory_space<vmem>> -> memref<128xi32, #tpu.memory_space<vmem>>
      %dma_wait3A_164 = tpu.memref_slice %arg6[%arg0, %mul3A_155] : memref<2x163840xi32, #tpu.memory_space<hbm>> -> memref<1x128xi32, #tpu.memory_space<hbm>>
      %dma_wait3A_165 = tpu.memref_squeeze %dma_wait3A_164 : memref<1x128xi32, #tpu.memory_space<hbm>> -> memref<128xi32, #tpu.memory_space<hbm>>
      tpu.wait_dma2 semaphore(%arg20 : memref<!tpu.dma_semaphore, #tpu.memory_space<semaphore_mem>>) src(%dma_wait3A_165 : memref<128xi32, #tpu.memory_space<hbm>>) dst(%dma_wait3A_163 : memref<128xi32, #tpu.memory_space<vmem>>)
      %dma_wait3A_166 = arith.constant 0 : i32
      %dma_wait3A_167 = tpu.memref_slice %arg4[%mul3A_155, %dma_wait3A_166] : memref<163840x128xf32, #tpu.memory_space<hbm>> -> memref<128x128xf32, #tpu.memory_space<hbm>>
      %dma_wait3A_168 = arith.constant 0 : i32
      %dma_wait3A_169 = tpu.memref_slice %arg4[%mul3A_155, %dma_wait3A_168] : memref<163840x128xf32, #tpu.memory_space<hbm>> -> memref<128x128xf32, #tpu.memory_space<hbm>>
      tpu.wait_dma2 semaphore(%arg20 : memref<!tpu.dma_semaphore, #tpu.memory_space<semaphore_mem>>) src(%dma_wait3A_169 : memref<128x128xf32, #tpu.memory_space<hbm>>) dst(%arg11 : memref<128x128xf32, #tpu.memory_space<vmem>>)
      %run_scoped3A = arith.constant 0 : i32
      "tpu.region"() ({
        %run_scoped3A_199 = tpu.sem_alloc : memref<!tpu.dma_semaphore, #tpu.memory_space<semaphore_mem>>
        %dma_start3A_200 = arith.constant 0 : i32
        %dma_start3A_201 = tpu.memref_slice %arg14[%run_scoped3A, %dma_start3A_200] : memref<1x128xi32, #tpu.memory_space<vmem>> -> memref<1x128xi32, #tpu.memory_space<vmem>>
        %dma_start3A_202 = tpu.memref_squeeze %dma_start3A_201 : memref<1x128xi32, #tpu.memory_space<vmem>> -> memref<128xi32, #tpu.memory_space<vmem>>
        %dma_start3A_203 = arith.constant 0 : i32
        %dma_start3A_204 = arith.constant 0 : i32
        %dma_start3A_205 = tpu.memref_slice %arg19[%dma_start3A_203, %dma_start3A_204] : memref<5120x128xf32, #tpu.memory_space<vmem_shared>> -> memref<5120x128xf32, #tpu.memory_space<vmem_shared>>
        tpu.enqueue_indirect_dma source(%arg11 : memref<128x128xf32, #tpu.memory_space<vmem>>) target(%dma_start3A_205 : memref<5120x128xf32, #tpu.memory_space<vmem_shared>>) offsets(%dma_start3A_202 : memref<128xi32, #tpu.memory_space<vmem>>) semaphore(%run_scoped3A_199 : memref<!tpu.dma_semaphore, #tpu.memory_space<semaphore_mem>>) {add = true}
        %dma_wait3A_206 = arith.constant 0 : i32
        %dma_wait3A_207 = tpu.memref_slice %arg14[%run_scoped3A, %dma_wait3A_206] : memref<1x128xi32, #tpu.memory_space<vmem>> -> memref<1x128xi32, #tpu.memory_space<vmem>>
        %dma_wait3A_208 = tpu.memref_squeeze %dma_wait3A_207 : memref<1x128xi32, #tpu.memory_space<vmem>> -> memref<128xi32, #tpu.memory_space<vmem>>
        %dma_wait3A_209 = arith.constant 0 : i32
        %dma_wait3A_210 = arith.constant 0 : i32
        %dma_wait3A_211 = tpu.memref_slice %arg19[%dma_wait3A_209, %dma_wait3A_210] : memref<5120x128xf32, #tpu.memory_space<vmem_shared>> -> memref<5120x128xf32, #tpu.memory_space<vmem_shared>>
        tpu.wait_indirect_dma semaphore(%run_scoped3A_199 : memref<!tpu.dma_semaphore, #tpu.memory_space<semaphore_mem>>) src(%arg11 : memref<128x128xf32, #tpu.memory_space<vmem>>) dst(%dma_wait3A_211 : memref<5120x128xf32, #tpu.memory_space<vmem_shared>>)
        tpu.yield
      }) : () -> ()
      %add3A_170 = arith.constant 2 : i32
      %add3A_171 = arith.addi %add3A_128, %add3A_170 : i32
      %lt3A = arith.constant 80 : i32
      %lt3A_172 = arith.cmpi slt, %add3A_171, %lt3A : i32
      %convert_element_type3A = arith.extui %lt3A_172 : i1 to i32
      %cond3A = arith.constant 0 : i32
      %cond3A_173 = arith.cmpi ne, %convert_element_type3A, %cond3A : i32
      scf.if %cond3A_173 {
        %add3A_199 = arith.constant 2 : i32
        %add3A_200 = arith.addi %add3A_128, %add3A_199 : i32
        %mul3A_201 = arith.constant 80 : i32
        %mul3A_202 = arith.muli %arg1, %mul3A_201 : i32
        %add3A_203 = arith.addi %mul3A_202, %add3A_200 : i32
        %mul3A_204 = arith.constant 128 : i32
        %mul3A_205 = arith.muli %add3A_203, %mul3A_204 : i32
        %dma_start3A_206 = arith.constant 0 : i32
        %dma_start3A_207 = arith.constant 0 : i32
        %dma_start3A_208 = tpu.memref_slice %arg14[%dma_start3A_206, %dma_start3A_207] : memref<1x128xi32, #tpu.memory_space<vmem>> -> memref<1x128xi32, #tpu.memory_space<vmem>>
        %dma_start3A_209 = tpu.memref_squeeze %dma_start3A_208 : memref<1x128xi32, #tpu.memory_space<vmem>> -> memref<128xi32, #tpu.memory_space<vmem>>
        %dma_start3A_210 = tpu.memref_slice %arg6[%arg0, %mul3A_205] : memref<2x163840xi32, #tpu.memory_space<hbm>> -> memref<1x128xi32, #tpu.memory_space<hbm>>
        %dma_start3A_211 = tpu.memref_squeeze %dma_start3A_210 : memref<1x128xi32, #tpu.memory_space<hbm>> -> memref<128xi32, #tpu.memory_space<hbm>>
        %dma_start3A_212 = arith.constant 0 : i32
        %dma_start3A_213 = tpu.memref_slice %arg14[%dma_start3A_206, %dma_start3A_212] : memref<1x128xi32, #tpu.memory_space<vmem>> -> memref<1x128xi32, #tpu.memory_space<vmem>>
        %dma_start3A_214 = tpu.memref_squeeze %dma_start3A_213 : memref<1x128xi32, #tpu.memory_space<vmem>> -> memref<128xi32, #tpu.memory_space<vmem>>
        %dma_start3A_215 = tpu.memref_slice %arg6[%arg0, %mul3A_205] : memref<2x163840xi32, #tpu.memory_space<hbm>> -> memref<1x128xi32, #tpu.memory_space<hbm>>
        %dma_start3A_216 = tpu.memref_squeeze %dma_start3A_215 : memref<1x128xi32, #tpu.memory_space<hbm>> -> memref<128xi32, #tpu.memory_space<hbm>>
        tpu.enqueue_dma source(%dma_start3A_216 : memref<128xi32, #tpu.memory_space<hbm>>) target(%dma_start3A_214 : memref<128xi32, #tpu.memory_space<vmem>>) target_semaphore(%arg20 : memref<!tpu.dma_semaphore, #tpu.memory_space<semaphore_mem>>)
        %dma_start3A_217 = arith.constant 0 : i32
        %dma_start3A_218 = tpu.memref_slice %arg4[%mul3A_205, %dma_start3A_217] : memref<163840x128xf32, #tpu.memory_space<hbm>> -> memref<128x128xf32, #tpu.memory_space<hbm>>
        %dma_start3A_219 = arith.constant 0 : i32
        %dma_start3A_220 = tpu.memref_slice %arg4[%mul3A_205, %dma_start3A_219] : memref<163840x128xf32, #tpu.memory_space<hbm>> -> memref<128x128xf32, #tpu.memory_space<hbm>>
        tpu.enqueue_dma source(%dma_start3A_220 : memref<128x128xf32, #tpu.memory_space<hbm>>) target(%arg11 : memref<128x128xf32, #tpu.memory_space<vmem>>) target_semaphore(%arg20 : memref<!tpu.dma_semaphore, #tpu.memory_space<semaphore_mem>>)
      } else {
      }
      %add3A_174 = arith.constant 1 : i32
      %add3A_175 = arith.addi %add3A_128, %add3A_174 : i32
      %mul3A_176 = arith.constant 80 : i32
      %mul3A_177 = arith.muli %arg1, %mul3A_176 : i32
      %add3A_178 = arith.addi %mul3A_177, %add3A_175 : i32
      %mul3A_179 = arith.constant 128 : i32
      %mul3A_180 = arith.muli %add3A_178, %mul3A_179 : i32
      %dma_wait3A_181 = arith.constant 0 : i32
      %dma_wait3A_182 = arith.constant 0 : i32
      %dma_wait3A_183 = tpu.memref_slice %arg15[%dma_wait3A_181, %dma_wait3A_182] : memref<1x128xi32, #tpu.memory_space<vmem>> -> memref<1x128xi32, #tpu.memory_space<vmem>>
      %dma_wait3A_184 = tpu.memref_squeeze %dma_wait3A_183 : memref<1x128xi32, #tpu.memory_space<vmem>> -> memref<128xi32, #tpu.memory_space<vmem>>
      %dma_wait3A_185 = tpu.memref_slice %arg6[%arg0, %mul3A_180] : memref<2x163840xi32, #tpu.memory_space<hbm>> -> memref<1x128xi32, #tpu.memory_space<hbm>>
      %dma_wait3A_186 = tpu.memref_squeeze %dma_wait3A_185 : memref<1x128xi32, #tpu.memory_space<hbm>> -> memref<128xi32, #tpu.memory_space<hbm>>
      %dma_wait3A_187 = arith.constant 0 : i32
      %dma_wait3A_188 = tpu.memref_slice %arg15[%dma_wait3A_181, %dma_wait3A_187] : memref<1x128xi32, #tpu.memory_space<vmem>> -> memref<1x128xi32, #tpu.memory_space<vmem>>
      %dma_wait3A_189 = tpu.memref_squeeze %dma_wait3A_188 : memref<1x128xi32, #tpu.memory_space<vmem>> -> memref<128xi32, #tpu.memory_space<vmem>>
      %dma_wait3A_190 = tpu.memref_slice %arg6[%arg0, %mul3A_180] : memref<2x163840xi32, #tpu.memory_space<hbm>> -> memref<1x128xi32, #tpu.memory_space<hbm>>
      %dma_wait3A_191 = tpu.memref_squeeze %dma_wait3A_190 : memref<1x128xi32, #tpu.memory_space<hbm>> -> memref<128xi32, #tpu.memory_space<hbm>>
      tpu.wait_dma2 semaphore(%arg21 : memref<!tpu.dma_semaphore, #tpu.memory_space<semaphore_mem>>) src(%dma_wait3A_191 : memref<128xi32, #tpu.memory_space<hbm>>) dst(%dma_wait3A_189 : memref<128xi32, #tpu.memory_space<vmem>>)
      %dma_wait3A_192 = arith.constant 0 : i32
      %dma_wait3A_193 = tpu.memref_slice %arg4[%mul3A_180, %dma_wait3A_192] : memref<163840x128xf32, #tpu.memory_space<hbm>> -> memref<128x128xf32, #tpu.memory_space<hbm>>
      %dma_wait3A_194 = arith.constant 0 : i32
      %dma_wait3A_195 = tpu.memref_slice %arg4[%mul3A_180, %dma_wait3A_194] : memref<163840x128xf32, #tpu.memory_space<hbm>> -> memref<128x128xf32, #tpu.memory_space<hbm>>
      tpu.wait_dma2 semaphore(%arg21 : memref<!tpu.dma_semaphore, #tpu.memory_space<semaphore_mem>>) src(%dma_wait3A_195 : memref<128x128xf32, #tpu.memory_space<hbm>>) dst(%arg12 : memref<128x128xf32, #tpu.memory_space<vmem>>)
      %run_scoped3A_196 = arith.constant 0 : i32
      "tpu.region"() ({
        %run_scoped3A_199 = tpu.sem_alloc : memref<!tpu.dma_semaphore, #tpu.memory_space<semaphore_mem>>
        %dma_start3A_200 = arith.constant 0 : i32
        %dma_start3A_201 = tpu.memref_slice %arg15[%run_scoped3A_196, %dma_start3A_200] : memref<1x128xi32, #tpu.memory_space<vmem>> -> memref<1x128xi32, #tpu.memory_space<vmem>>
        %dma_start3A_202 = tpu.memref_squeeze %dma_start3A_201 : memref<1x128xi32, #tpu.memory_space<vmem>> -> memref<128xi32, #tpu.memory_space<vmem>>
        %dma_start3A_203 = arith.constant 0 : i32
        %dma_start3A_204 = arith.constant 0 : i32
        %dma_start3A_205 = tpu.memref_slice %arg19[%dma_start3A_203, %dma_start3A_204] : memref<5120x128xf32, #tpu.memory_space<vmem_shared>> -> memref<5120x128xf32, #tpu.memory_space<vmem_shared>>
        tpu.enqueue_indirect_dma source(%arg12 : memref<128x128xf32, #tpu.memory_space<vmem>>) target(%dma_start3A_205 : memref<5120x128xf32, #tpu.memory_space<vmem_shared>>) offsets(%dma_start3A_202 : memref<128xi32, #tpu.memory_space<vmem>>) semaphore(%run_scoped3A_199 : memref<!tpu.dma_semaphore, #tpu.memory_space<semaphore_mem>>) {add = true}
        %dma_wait3A_206 = arith.constant 0 : i32
        %dma_wait3A_207 = tpu.memref_slice %arg15[%run_scoped3A_196, %dma_wait3A_206] : memref<1x128xi32, #tpu.memory_space<vmem>> -> memref<1x128xi32, #tpu.memory_space<vmem>>
        %dma_wait3A_208 = tpu.memref_squeeze %dma_wait3A_207 : memref<1x128xi32, #tpu.memory_space<vmem>> -> memref<128xi32, #tpu.memory_space<vmem>>
        %dma_wait3A_209 = arith.constant 0 : i32
        %dma_wait3A_210 = arith.constant 0 : i32
        %dma_wait3A_211 = tpu.memref_slice %arg19[%dma_wait3A_209, %dma_wait3A_210] : memref<5120x128xf32, #tpu.memory_space<vmem_shared>> -> memref<5120x128xf32, #tpu.memory_space<vmem_shared>>
        tpu.wait_indirect_dma semaphore(%run_scoped3A_199 : memref<!tpu.dma_semaphore, #tpu.memory_space<semaphore_mem>>) src(%arg12 : memref<128x128xf32, #tpu.memory_space<vmem>>) dst(%dma_wait3A_211 : memref<5120x128xf32, #tpu.memory_space<vmem_shared>>)
        tpu.yield
      }) : () -> ()
      %add3A_197 = arith.constant 1 : i32
      %add3A_198 = arith.addi %add3A_128, %add3A_197 : i32
    }
    %scan3A_114 = arith.constant 40 : i32
    %barrier3A_115 = arith.constant 0 : index
    tpu.barrier barrier_id(%barrier3A_115)
    %scan3A_116 = arith.constant 0 : i32
    %scan3A_117 = arith.constant 8 : i32
    %scan3A_118 = arith.addi %scan3A_116, %scan3A_117 : i32
    %scan3A_119 = arith.constant 1 : i32
    scf.for %scan3A_124 = %scan3A_116 to %scan3A_118 step %scan3A_119  : i32 {
      %mul3A_125 = arith.constant 1 : i32
      %mul3A_126 = arith.muli %scan3A_124, %mul3A_125 : i32
      %add3A_127 = arith.constant 0 : i32
      %add3A_128 = arith.addi %add3A_127, %mul3A_126 : i32
      %mul3A_129 = arith.constant 16 : i32
      %mul3A_130 = arith.muli %add3A_128, %mul3A_129 : i32
      %add3A_131 = arith.addi %arg1, %mul3A_130 : i32
      %lt3A = arith.constant 125 : i32
      %lt3A_132 = arith.cmpi slt, %add3A_131, %lt3A : i32
      %convert_element_type3A = arith.extui %lt3A_132 : i1 to i32
      %cond3A = arith.constant 0 : i32
      %cond3A_133 = arith.cmpi ne, %convert_element_type3A, %cond3A : i32
      scf.if %cond3A_133 {
        %mul3A_134 = arith.constant 40 : i32
        %mul3A_135 = arith.muli %add3A_131, %mul3A_134 : i32
        "tpu.region"() ({
          %run_scoped3A = tpu.sem_alloc : memref<!tpu.dma_semaphore, #tpu.memory_space<semaphore_mem>>
          %dma_start3A_139 = arith.constant 0 : i32
          %dma_start3A_140 = tpu.memref_slice %arg19[%mul3A_135, %dma_start3A_139] : memref<5120x128xf32, #tpu.memory_space<vmem_shared>> -> memref<40x128xf32, #tpu.memory_space<vmem_shared>>
          %dma_start3A_141 = arith.constant 0 : i32
          %dma_start3A_142 = tpu.memref_slice %arg19[%mul3A_135, %dma_start3A_141] : memref<5120x128xf32, #tpu.memory_space<vmem_shared>> -> memref<40x128xf32, #tpu.memory_space<vmem_shared>>
          tpu.enqueue_dma source(%dma_start3A_142 : memref<40x128xf32, #tpu.memory_space<vmem_shared>>) target(%arg18 : memref<40x128xf32, #tpu.memory_space<vmem>>) target_semaphore(%run_scoped3A : memref<!tpu.dma_semaphore, #tpu.memory_space<semaphore_mem>>)
          %dma_wait3A = arith.constant 0 : i32
          %dma_wait3A_143 = tpu.memref_slice %arg19[%mul3A_135, %dma_wait3A] : memref<5120x128xf32, #tpu.memory_space<vmem_shared>> -> memref<40x128xf32, #tpu.memory_space<vmem_shared>>
          %dma_wait3A_144 = arith.constant 0 : i32
          %dma_wait3A_145 = tpu.memref_slice %arg19[%mul3A_135, %dma_wait3A_144] : memref<5120x128xf32, #tpu.memory_space<vmem_shared>> -> memref<40x128xf32, #tpu.memory_space<vmem_shared>>
          tpu.wait_dma2 semaphore(%run_scoped3A : memref<!tpu.dma_semaphore, #tpu.memory_space<semaphore_mem>>) src(%dma_wait3A_145 : memref<40x128xf32, #tpu.memory_space<vmem_shared>>) dst(%arg18 : memref<40x128xf32, #tpu.memory_space<vmem>>)
          tpu.yield
        }) : () -> ()
        %mul3A_136 = arith.constant 5000 : i32
        %mul3A_137 = arith.muli %arg0, %mul3A_136 : i32
        %add3A_138 = arith.addi %mul3A_137, %mul3A_135 : i32
        "tpu.region"() ({
          %run_scoped3A = tpu.sem_alloc : memref<!tpu.dma_semaphore, #tpu.memory_space<semaphore_mem>>
          %dma_start3A_139 = arith.constant 0 : i32
          %dma_start3A_140 = tpu.memref_slice %arg9[%add3A_138, %dma_start3A_139] : memref<10240x128xf32, #tpu.memory_space<hbm>> -> memref<40x128xf32, #tpu.memory_space<hbm>>
          %dma_start3A_141 = arith.constant 0 : i32
          %dma_start3A_142 = tpu.memref_slice %arg9[%add3A_138, %dma_start3A_141] : memref<10240x128xf32, #tpu.memory_space<hbm>> -> memref<40x128xf32, #tpu.memory_space<hbm>>
          tpu.enqueue_dma source(%arg18 : memref<40x128xf32, #tpu.memory_space<vmem>>) target(%dma_start3A_142 : memref<40x128xf32, #tpu.memory_space<hbm>>) target_semaphore(%run_scoped3A : memref<!tpu.dma_semaphore, #tpu.memory_space<semaphore_mem>>)
          %dma_wait3A = arith.constant 0 : i32
          %dma_wait3A_143 = tpu.memref_slice %arg9[%add3A_138, %dma_wait3A] : memref<10240x128xf32, #tpu.memory_space<hbm>> -> memref<40x128xf32, #tpu.memory_space<hbm>>
          %dma_wait3A_144 = arith.constant 0 : i32
          %dma_wait3A_145 = tpu.memref_slice %arg9[%add3A_138, %dma_wait3A_144] : memref<10240x128xf32, #tpu.memory_space<hbm>> -> memref<40x128xf32, #tpu.memory_space<hbm>>
          tpu.wait_dma2 semaphore(%run_scoped3A : memref<!tpu.dma_semaphore, #tpu.memory_space<semaphore_mem>>) src(%arg18 : memref<40x128xf32, #tpu.memory_space<vmem>>) dst(%dma_wait3A_145 : memref<40x128xf32, #tpu.memory_space<hbm>>)
          tpu.yield
        }) : () -> ()
      } else {
      }
    }
    %scan3A_120 = arith.constant 8 : i32
    %barrier3A_121 = arith.constant 0 : index
    tpu.barrier barrier_id(%barrier3A_121)
    %mul3A_122 = arith.constant 4 : i32
    %mul3A_123 = arith.muli %arg1, %mul3A_122 : i32
    "tpu.region"() ({
      %run_scoped3A = tpu.sem_alloc : memref<!tpu.dma_semaphore, #tpu.memory_space<semaphore_mem>>
      %dma_start3A_124 = arith.constant 0 : i32
      %dma_start3A_125 = tpu.memref_slice %arg10[%arg0, %mul3A_123, %dma_start3A_124] : memref<2x64x5120xf32, #tpu.memory_space<hbm>> -> memref<1x4x5120xf32, #tpu.memory_space<hbm>>
      %dma_start3A_126 = tpu.memref_squeeze %dma_start3A_125 : memref<1x4x5120xf32, #tpu.memory_space<hbm>> -> memref<4x5120xf32, #tpu.memory_space<hbm>>
      %dma_start3A_127 = arith.constant 0 : i32
      %dma_start3A_128 = tpu.memref_slice %arg10[%arg0, %mul3A_123, %dma_start3A_127] : memref<2x64x5120xf32, #tpu.memory_space<hbm>> -> memref<1x4x5120xf32, #tpu.memory_space<hbm>>
      %dma_start3A_129 = tpu.memref_squeeze %dma_start3A_128 : memref<1x4x5120xf32, #tpu.memory_space<hbm>> -> memref<4x5120xf32, #tpu.memory_space<hbm>>
      tpu.enqueue_dma source(%arg16 : memref<4x5120xf32, #tpu.memory_space<vmem>>) target(%dma_start3A_129 : memref<4x5120xf32, #tpu.memory_space<hbm>>) target_semaphore(%run_scoped3A : memref<!tpu.dma_semaphore, #tpu.memory_space<semaphore_mem>>)
      %dma_wait3A = arith.constant 0 : i32
      %dma_wait3A_130 = tpu.memref_slice %arg10[%arg0, %mul3A_123, %dma_wait3A] : memref<2x64x5120xf32, #tpu.memory_space<hbm>> -> memref<1x4x5120xf32, #tpu.memory_space<hbm>>
      %dma_wait3A_131 = tpu.memref_squeeze %dma_wait3A_130 : memref<1x4x5120xf32, #tpu.memory_space<hbm>> -> memref<4x5120xf32, #tpu.memory_space<hbm>>
      %dma_wait3A_132 = arith.constant 0 : i32
      %dma_wait3A_133 = tpu.memref_slice %arg10[%arg0, %mul3A_123, %dma_wait3A_132] : memref<2x64x5120xf32, #tpu.memory_space<hbm>> -> memref<1x4x5120xf32, #tpu.memory_space<hbm>>
      %dma_wait3A_134 = tpu.memref_squeeze %dma_wait3A_133 : memref<1x4x5120xf32, #tpu.memory_space<hbm>> -> memref<4x5120xf32, #tpu.memory_space<hbm>>
      tpu.wait_dma2 semaphore(%run_scoped3A : memref<!tpu.dma_semaphore, #tpu.memory_space<semaphore_mem>>) src(%arg16 : memref<4x5120xf32, #tpu.memory_space<vmem>>) dst(%dma_wait3A_134 : memref<4x5120xf32, #tpu.memory_space<hbm>>)
      tpu.yield
    }) : () -> ()
    return
  }
}

module attributes {stable_mosaic.version = 14 : i64} {
  func.func @_ab_body(%arg0: i32, %arg1: memref<1024x128xf32, #tpu.memory_space<vmem>>, %arg2: memref<128x128xf32, #tpu.memory_space<vmem>>, %arg3: memref<128x128xf32, #tpu.memory_space<vmem>>, %arg4: memref<1x128xf32, #tpu.memory_space<vmem>>, %arg5: memref<1024x128xf32, #tpu.memory_space<vmem>>, %arg6: memref<1024x128xf32, #tpu.memory_space<vmem>>) attributes {dimension_semantics = [#tpu.dimension_semantics<arbitrary>], iteration_bounds = array<i64: 10>, scalar_prefetch = 0 : i64, scratch_operands = 0 : i64, tpu.core_type = #tpu.core_type<tc>, window_params = [{transform_indices = @transform_0, window_bounds = array<i64: 1024, 128>}, {pipeline_mode = #tpu.pipeline_mode<synchronous>, transform_indices = @transform_1, window_bounds = array<i64: 128, 128>}, {pipeline_mode = #tpu.pipeline_mode<synchronous>, transform_indices = @transform_2, window_bounds = array<i64: 128, 128>}, {pipeline_mode = #tpu.pipeline_mode<synchronous>, transform_indices = @transform_3, window_bounds = array<i64: 1, 128>}, {transform_indices = @transform_4, window_bounds = array<i64: 1024, 128>}, {transform_indices = @transform_5, window_bounds = array<i64: 1024, 128>}]} {
    %get3A = arith.constant 0 : index
    %get3A_0 = arith.constant 0 : index
    %get3A_1 = vector.load %arg1[%get3A, %get3A_0] : memref<1024x128xf32, #tpu.memory_space<vmem>>, vector<1024x128xf32>
    %get3A_2 = arith.constant 0 : index
    %get3A_3 = arith.constant 0 : index
    %get3A_4 = vector.load %arg2[%get3A_2, %get3A_3] : memref<128x128xf32, #tpu.memory_space<vmem>>, vector<128x128xf32>
    %dot_general3A = arith.constant dense<0.000000e+00> : vector<1024x128xf32>
    %dot_general3A_5 = tpu.matmul %get3A_1, %get3A_4, %dot_general3A {dimension_numbers = #tpu.dot_dimension_numbers<[1], [0], [0], [1], [0, 0, 1, 1], [], []>, transpose_lhs_hint = false} : vector<1024x128xf32>, vector<128x128xf32>, vector<1024x128xf32> -> vector<1024x128xf32>
    %swap3A = arith.constant 0 : index
    %swap3A_6 = arith.constant 0 : index
    %swap3A_7 = vector.load %arg5[%swap3A, %swap3A_6] : memref<1024x128xf32, #tpu.memory_space<vmem>>, vector<1024x128xf32>
    tpu.vector_store %arg5[%swap3A, %swap3A_6], %dot_general3A_5 {strides = array<i32>} : memref<1024x128xf32, #tpu.memory_space<vmem>>, vector<1024x128xf32>,
    %get3A_8 = arith.constant 0 : index
    %get3A_9 = arith.constant 0 : index
    %get3A_10 = vector.load %arg3[%get3A_8, %get3A_9] : memref<128x128xf32, #tpu.memory_space<vmem>>, vector<128x128xf32>
    %dot_general3A_11 = arith.constant dense<0.000000e+00> : vector<1024x128xf32>
    %dot_general3A_12 = tpu.matmul %get3A_1, %get3A_10, %dot_general3A_11 {dimension_numbers = #tpu.dot_dimension_numbers<[1], [0], [0], [1], [0, 0, 1, 1], [], []>, transpose_lhs_hint = false} : vector<1024x128xf32>, vector<128x128xf32>, vector<1024x128xf32> -> vector<1024x128xf32>
    %get3A_13 = arith.constant 0 : index
    %get3A_14 = arith.constant 0 : index
    %get3A_15 = vector.load %arg4[%get3A_13, %get3A_14] : memref<1x128xf32, #tpu.memory_space<vmem>>, vector<1x128xf32>
    %add3A = vector.broadcast %get3A_15 : vector<1x128xf32> to vector<1024x128xf32>
    %add3A_16 = arith.addf %dot_general3A_12, %add3A : vector<1024x128xf32>
    %swap3A_17 = arith.constant 0 : index
    %swap3A_18 = arith.constant 0 : index
    %swap3A_19 = vector.load %arg6[%swap3A_17, %swap3A_18] : memref<1024x128xf32, #tpu.memory_space<vmem>>, vector<1024x128xf32>
    tpu.vector_store %arg6[%swap3A_17, %swap3A_18], %add3A_16 {strides = array<i32>} : memref<1024x128xf32, #tpu.memory_space<vmem>>, vector<1024x128xf32>,
    return
  }
  func.func @transform_0(%arg0: i32) -> (i32, i32) {
    %c0_i32 = arith.constant 0 : i32
    %c0_i32_0 = arith.constant 0 : i32
    return %arg0, %c0_i32 : i32, i32
  }
  func.func @transform_1(%arg0: i32) -> (i32, i32) {
    %c0_i32 = arith.constant 0 : i32
    %c0_i32_0 = arith.constant 0 : i32
    %c0_i32_1 = arith.constant 0 : i32
    return %c0_i32, %c0_i32_0 : i32, i32
  }
  func.func @transform_2(%arg0: i32) -> (i32, i32) {
    %c0_i32 = arith.constant 0 : i32
    %c0_i32_0 = arith.constant 0 : i32
    %c0_i32_1 = arith.constant 0 : i32
    return %c0_i32, %c0_i32_0 : i32, i32
  }
  func.func @transform_3(%arg0: i32) -> (i32, i32) {
    %c0_i32 = arith.constant 0 : i32
    %c0_i32_0 = arith.constant 0 : i32
    %c0_i32_1 = arith.constant 0 : i32
    return %c0_i32, %c0_i32_0 : i32, i32
  }
  func.func @transform_4(%arg0: i32) -> (i32, i32) {
    %c0_i32 = arith.constant 0 : i32
    %c0_i32_0 = arith.constant 0 : i32
    return %arg0, %c0_i32 : i32, i32
  }
  func.func @transform_5(%arg0: i32) -> (i32, i32) {
    %c0_i32 = arith.constant 0 : i32
    %c0_i32_0 = arith.constant 0 : i32
    return %arg0, %c0_i32 : i32, i32
  }
}

module attributes {stable_mosaic.version = 14 : i64} {
  func.func @_edge_body(%arg0: i32, %arg1: memref<4096x128xf32, #tpu.memory_space<vmem>>, %arg2: memref<4096x16xf32, #tpu.memory_space<vmem>>, %arg3: memref<1x128xf32, #tpu.memory_space<vmem>>, %arg4: memref<32x128xi32, #tpu.memory_space<vmem>>, %arg5: memref<4096x128xf32, #tpu.memory_space<vmem>>, %arg6: memref<4096x128xf32, #tpu.memory_space<vmem>>, %arg7: memref<4096x128xf32, #tpu.memory_space<vmem>>, %arg8: memref<2x32x128xi32, #tpu.memory_space<vmem>>) attributes {dimension_semantics = [#tpu.dimension_semantics<arbitrary>], iteration_bounds = array<i64: 40>, scalar_prefetch = 0 : i64, scratch_operands = 0 : i64, tpu.core_type = #tpu.core_type<tc>, window_params = [{transform_indices = @transform_0, window_bounds = array<i64: 4096, 128>}, {transform_indices = @transform_1, window_bounds = array<i64: 4096, 16>}, {pipeline_mode = #tpu.pipeline_mode<synchronous>, transform_indices = @transform_2, window_bounds = array<i64: 1, 128>}, {transform_indices = @transform_3, window_bounds = array<i64: 32, 128>}, {transform_indices = @transform_4, window_bounds = array<i64: 4096, 128>}, {transform_indices = @transform_5, window_bounds = array<i64: 4096, 128>}, {transform_indices = @transform_6, window_bounds = array<i64: 4096, 128>}, {transform_indices = @transform_7, window_bounds = array<i64: 2, 32, 128>}]} {
    %get3A = arith.constant 0 : index
    %get3A_0 = arith.constant 0 : index
    %get3A_1 = vector.load %arg1[%get3A, %get3A_0] : memref<4096x128xf32, #tpu.memory_space<vmem>>, vector<4096x128xf32>
    %get3A_2 = arith.constant 0 : index
    %get3A_3 = arith.constant 0 : index
    %get3A_4 = vector.load %arg2[%get3A_2, %get3A_3] : memref<4096x16xf32, #tpu.memory_space<vmem>>, vector<4096x16xf32>
    %slice3A = vector.extract_strided_slice %get3A_4 {offsets = [0, 0], sizes = [4096, 3], strides = [1, 1]} : vector<4096x16xf32> to vector<4096x3xf32>
    %slice3A_5 = vector.extract_strided_slice %get3A_4 {offsets = [0, 3], sizes = [4096, 1], strides = [1, 1]} : vector<4096x16xf32> to vector<4096x1xf32>
    %get3A_6 = arith.constant 0 : index
    %get3A_7 = arith.constant 0 : index
    %get3A_8 = vector.load %arg3[%get3A_6, %get3A_7] : memref<1x128xf32, #tpu.memory_space<vmem>>, vector<1x128xf32>
    %mul3A = vector.broadcast %slice3A_5 : vector<4096x1xf32> to vector<4096x128xf32>
    %mul3A_9 = vector.broadcast %get3A_8 : vector<1x128xf32> to vector<4096x128xf32>
    %mul3A_10 = arith.mulf %mul3A, %mul3A_9 : vector<4096x128xf32>
    %add3A = arith.addf %get3A_1, %mul3A_10 : vector<4096x128xf32>
    %logistic3A = arith.negf %add3A : vector<4096x128xf32>
    %logistic3A_11 = math.exp %logistic3A : vector<4096x128xf32>
    %logistic3A_12 = arith.constant 1.000000e+00 : f32
    %logistic3A_13 = vector.broadcast %logistic3A_12 : f32 to vector<4096x128xf32>
    %logistic3A_14 = arith.addf %logistic3A_13, %logistic3A_11 : vector<4096x128xf32>
    %logistic3A_15 = arith.divf %logistic3A_13, %logistic3A_14 : vector<4096x128xf32>
    %mul3A_16 = arith.mulf %add3A, %logistic3A_15 : vector<4096x128xf32>
    %slice3A_17 = vector.extract_strided_slice %slice3A {offsets = [0, 0], sizes = [4096, 1], strides = [1, 1]} : vector<4096x3xf32> to vector<4096x1xf32>
    %mul3A_18 = vector.broadcast %slice3A_17 : vector<4096x1xf32> to vector<4096x128xf32>
    %mul3A_19 = arith.mulf %mul3A_16, %mul3A_18 : vector<4096x128xf32>
    %swap3A = arith.constant 0 : index
    %swap3A_20 = arith.constant 0 : index
    %swap3A_21 = vector.load %arg5[%swap3A, %swap3A_20] : memref<4096x128xf32, #tpu.memory_space<vmem>>, vector<4096x128xf32>
    tpu.vector_store %arg5[%swap3A, %swap3A_20], %mul3A_19 {strides = array<i32>} : memref<4096x128xf32, #tpu.memory_space<vmem>>, vector<4096x128xf32>,
    %slice3A_22 = vector.extract_strided_slice %slice3A {offsets = [0, 1], sizes = [4096, 1], strides = [1, 1]} : vector<4096x3xf32> to vector<4096x1xf32>
    %mul3A_23 = vector.broadcast %slice3A_22 : vector<4096x1xf32> to vector<4096x128xf32>
    %mul3A_24 = arith.mulf %mul3A_16, %mul3A_23 : vector<4096x128xf32>
    %swap3A_25 = arith.constant 0 : index
    %swap3A_26 = arith.constant 0 : index
    %swap3A_27 = vector.load %arg6[%swap3A_25, %swap3A_26] : memref<4096x128xf32, #tpu.memory_space<vmem>>, vector<4096x128xf32>
    tpu.vector_store %arg6[%swap3A_25, %swap3A_26], %mul3A_24 {strides = array<i32>} : memref<4096x128xf32, #tpu.memory_space<vmem>>, vector<4096x128xf32>,
    %slice3A_28 = vector.extract_strided_slice %slice3A {offsets = [0, 2], sizes = [4096, 1], strides = [1, 1]} : vector<4096x3xf32> to vector<4096x1xf32>
    %mul3A_29 = vector.broadcast %slice3A_28 : vector<4096x1xf32> to vector<4096x128xf32>
    %mul3A_30 = arith.mulf %mul3A_16, %mul3A_29 : vector<4096x128xf32>
    %swap3A_31 = arith.constant 0 : index
    %swap3A_32 = arith.constant 0 : index
    %swap3A_33 = vector.load %arg7[%swap3A_31, %swap3A_32] : memref<4096x128xf32, #tpu.memory_space<vmem>>, vector<4096x128xf32>
    tpu.vector_store %arg7[%swap3A_31, %swap3A_32], %mul3A_30 {strides = array<i32>} : memref<4096x128xf32, #tpu.memory_space<vmem>>, vector<4096x128xf32>,
    %get3A_34 = arith.constant 0 : index
    %get3A_35 = arith.constant 0 : index
    %get3A_36 = vector.load %arg4[%get3A_34, %get3A_35] : memref<32x128xi32, #tpu.memory_space<vmem>>, vector<32x128xi32>
    %ge3A = arith.constant 0 : i32
    %ge3A_37 = vector.broadcast %ge3A : i32 to vector<32x128xi32>
    %ge3A_38 = arith.cmpi sge, %get3A_36, %ge3A_37 : vector<32x128xi32>
    %lt3A = arith.constant 5000 : i32
    %lt3A_39 = vector.broadcast %lt3A : i32 to vector<32x128xi32>
    %lt3A_40 = arith.cmpi slt, %get3A_36, %lt3A_39 : vector<32x128xi32>
    %and3A = arith.andi %ge3A_38, %lt3A_40 : vector<32x128xi1>
    %ge3A_41 = arith.constant 5000 : i32
    %ge3A_42 = vector.broadcast %ge3A_41 : i32 to vector<32x128xi32>
    %ge3A_43 = arith.cmpi sge, %get3A_36, %ge3A_42 : vector<32x128xi32>
    %lt3A_44 = arith.constant 10000 : i32
    %lt3A_45 = vector.broadcast %lt3A_44 : i32 to vector<32x128xi32>
    %lt3A_46 = arith.cmpi slt, %get3A_36, %lt3A_45 : vector<32x128xi32>
    %and3A_47 = arith.andi %ge3A_43, %lt3A_46 : vector<32x128xi1>
    %jit3A = arith.constant 5100 : i32
    %broadcast_in_dim3A = vector.broadcast %jit3A : i32 to vector<32x128xi32>
    %select_n3A = arith.select %and3A, %get3A_36, %broadcast_in_dim3A : vector<32x128xi1>, vector<32x128xi32>
    %swap3A_48 = arith.constant 0 : index
    %swap3A_49 = arith.constant 0 : index
    %swap3A_50 = arith.constant 0 : index
    %swap3A_51 = vector.load %arg8[%swap3A_48, %swap3A_49, %swap3A_50] : memref<2x32x128xi32, #tpu.memory_space<vmem>>, vector<1x32x128xi32>
    %swap3A_52 = vector.shape_cast %swap3A_51 : vector<1x32x128xi32> to vector<32x128xi32>
    %swap3A_53 = vector.shape_cast %select_n3A : vector<32x128xi32> to vector<1x32x128xi32>
    tpu.vector_store %arg8[%swap3A_48, %swap3A_49, %swap3A_50], %swap3A_53 {strides = array<i32>} : memref<2x32x128xi32, #tpu.memory_space<vmem>>, vector<1x32x128xi32>,
    %sub3A = arith.constant 5000 : i32
    %sub3A_54 = vector.broadcast %sub3A : i32 to vector<32x128xi32>
    %sub3A_55 = arith.subi %get3A_36, %sub3A_54 : vector<32x128xi32>
    %jit3A_56 = arith.constant 5100 : i32
    %broadcast_in_dim3A_57 = vector.broadcast %jit3A_56 : i32 to vector<32x128xi32>
    %select_n3A_58 = arith.select %and3A_47, %sub3A_55, %broadcast_in_dim3A_57 : vector<32x128xi1>, vector<32x128xi32>
    %swap3A_59 = arith.constant 1 : index
    %swap3A_60 = arith.constant 0 : index
    %swap3A_61 = arith.constant 0 : index
    %swap3A_62 = vector.load %arg8[%swap3A_59, %swap3A_60, %swap3A_61] : memref<2x32x128xi32, #tpu.memory_space<vmem>>, vector<1x32x128xi32>
    %swap3A_63 = vector.shape_cast %swap3A_62 : vector<1x32x128xi32> to vector<32x128xi32>
    %swap3A_64 = vector.shape_cast %select_n3A_58 : vector<32x128xi32> to vector<1x32x128xi32>
    tpu.vector_store %arg8[%swap3A_59, %swap3A_60, %swap3A_61], %swap3A_64 {strides = array<i32>} : memref<2x32x128xi32, #tpu.memory_space<vmem>>, vector<1x32x128xi32>,
    return
  }
  func.func @transform_0(%arg0: i32) -> (i32, i32) {
    %c0_i32 = arith.constant 0 : i32
    %c0_i32_0 = arith.constant 0 : i32
    return %arg0, %c0_i32 : i32, i32
  }
  func.func @transform_1(%arg0: i32) -> (i32, i32) {
    %c0_i32 = arith.constant 0 : i32
    %c0_i32_0 = arith.constant 0 : i32
    return %arg0, %c0_i32 : i32, i32
  }
  func.func @transform_2(%arg0: i32) -> (i32, i32) {
    %c0_i32 = arith.constant 0 : i32
    %c0_i32_0 = arith.constant 0 : i32
    %c0_i32_1 = arith.constant 0 : i32
    return %c0_i32, %c0_i32_0 : i32, i32
  }
  func.func @transform_3(%arg0: i32) -> (i32, i32) {
    %c0_i32 = arith.constant 0 : i32
    %c0_i32_0 = arith.constant 0 : i32
    return %arg0, %c0_i32 : i32, i32
  }
  func.func @transform_4(%arg0: i32) -> (i32, i32) {
    %c0_i32 = arith.constant 0 : i32
    %c0_i32_0 = arith.constant 0 : i32
    return %arg0, %c0_i32 : i32, i32
  }
  func.func @transform_5(%arg0: i32) -> (i32, i32) {
    %c0_i32 = arith.constant 0 : i32
    %c0_i32_0 = arith.constant 0 : i32
    return %arg0, %c0_i32 : i32, i32
  }
  func.func @transform_6(%arg0: i32) -> (i32, i32) {
    %c0_i32 = arith.constant 0 : i32
    %c0_i32_0 = arith.constant 0 : i32
    return %arg0, %c0_i32 : i32, i32
  }
  func.func @transform_7(%arg0: i32) -> (i32, i32, i32) {
    %c0_i32 = arith.constant 0 : i32
    %c0_i32_0 = arith.constant 0 : i32
    %c0_i32_1 = arith.constant 0 : i32
    return %c0_i32, %arg0, %c0_i32_0 : i32, i32, i32
  }
}

module attributes {stable_mosaic.version = 14 : i64} {
  func.func @_final_body(%arg0: i32, %arg1: memref<1024x128xf32, #tpu.memory_space<vmem>>, %arg2: memref<1024x128xf32, #tpu.memory_space<vmem>>, %arg3: memref<1024x128xf32, #tpu.memory_space<vmem>>, %arg4: memref<1024x128xf32, #tpu.memory_space<vmem>>, %arg5: memref<64x1024xf32, #tpu.memory_space<vmem>>, %arg6: memref<64x4xf32, #tpu.memory_space<vmem>>, %arg7: memref<128x128xf32, #tpu.memory_space<vmem>>, %arg8: memref<1x128xf32, #tpu.memory_space<vmem>>, %arg9: memref<128x128xf32, #tpu.memory_space<vmem>>, %arg10: memref<1x128xf32, #tpu.memory_space<vmem>>, %arg11: memref<128x3xf32, #tpu.memory_space<vmem>>, %arg12: memref<1x3xf32, #tpu.memory_space<vmem>>, %arg13: memref<128x128xf32, #tpu.memory_space<vmem>>, %arg14: memref<1x128xf32, #tpu.memory_space<vmem>>, %arg15: memref<128x1xf32, #tpu.memory_space<vmem>>, %arg16: memref<1x1xf32, #tpu.memory_space<vmem>>, %arg17: memref<128x128xf32, #tpu.memory_space<vmem>>, %arg18: memref<128x128xf32, #tpu.memory_space<vmem>>, %arg19: memref<1x128xf32, #tpu.memory_space<vmem>>, %arg20: memref<128x128xf32, #tpu.memory_space<vmem>>, %arg21: memref<1x128xf32, #tpu.memory_space<vmem>>, %arg22: memref<1024x3xf32, #tpu.memory_space<vmem>>, %arg23: memref<1024x128xf32, #tpu.memory_space<vmem>>, %arg24: memref<1024x128xf32, #tpu.memory_space<vmem>>) attributes {dimension_semantics = [#tpu.dimension_semantics<arbitrary>], iteration_bounds = array<i64: 10>, scalar_prefetch = 0 : i64, scratch_operands = 0 : i64, tpu.core_type = #tpu.core_type<tc>, window_params = [{transform_indices = @transform_0, window_bounds = array<i64: 1024, 128>}, {transform_indices = @transform_1, window_bounds = array<i64: 1024, 128>}, {transform_indices = @transform_2, window_bounds = array<i64: 1024, 128>}, {transform_indices = @transform_3, window_bounds = array<i64: 1024, 128>}, {transform_indices = @transform_4, window_bounds = array<i64: 64, 1024>}, {pipeline_mode = #tpu.pipeline_mode<synchronous>, transform_indices = @transform_5, window_bounds = array<i64: 64, 4>}, {pipeline_mode = #tpu.pipeline_mode<synchronous>, transform_indices = @transform_6, window_bounds = array<i64: 128, 128>}, {pipeline_mode = #tpu.pipeline_mode<synchronous>, transform_indices = @transform_7, window_bounds = array<i64: 1, 128>}, {pipeline_mode = #tpu.pipeline_mode<synchronous>, transform_indices = @transform_8, window_bounds = array<i64: 128, 128>}, {pipeline_mode = #tpu.pipeline_mode<synchronous>, transform_indices = @transform_9, window_bounds = array<i64: 1, 128>}, {pipeline_mode = #tpu.pipeline_mode<synchronous>, transform_indices = @transform_10, window_bounds = array<i64: 128, 3>}, {pipeline_mode = #tpu.pipeline_mode<synchronous>, transform_indices = @transform_11, window_bounds = array<i64: 1, 3>}, {pipeline_mode = #tpu.pipeline_mode<synchronous>, transform_indices = @transform_12, window_bounds = array<i64: 128, 128>}, {pipeline_mode = #tpu.pipeline_mode<synchronous>, transform_indices = @transform_13, window_bounds = array<i64: 1, 128>}, {pipeline_mode = #tpu.pipeline_mode<synchronous>, transform_indices = @transform_14, window_bounds = array<i64: 128, 1>}, {pipeline_mode = #tpu.pipeline_mode<synchronous>, transform_indices = @transform_15, window_bounds = array<i64: 1, 1>}, {pipeline_mode = #tpu.pipeline_mode<synchronous>, transform_indices = @transform_16, window_bounds = array<i64: 128, 128>}, {pipeline_mode = #tpu.pipeline_mode<synchronous>, transform_indices = @transform_17, window_bounds = array<i64: 128, 128>}, {pipeline_mode = #tpu.pipeline_mode<synchronous>, transform_indices = @transform_18, window_bounds = array<i64: 1, 128>}, {pipeline_mode = #tpu.pipeline_mode<synchronous>, transform_indices = @transform_19, window_bounds = array<i64: 128, 128>}, {pipeline_mode = #tpu.pipeline_mode<synchronous>, transform_indices = @transform_20, window_bounds = array<i64: 1, 128>}, {transform_indices = @transform_21, window_bounds = array<i64: 1024, 3>}, {transform_indices = @transform_22, window_bounds = array<i64: 1024, 128>}, {transform_indices = @transform_23, window_bounds = array<i64: 1024, 128>}]} {
    %get3A = arith.constant 0 : index
    %get3A_0 = arith.constant 0 : index
    %get3A_1 = vector.load %arg1[%get3A, %get3A_0] : memref<1024x128xf32, #tpu.memory_space<vmem>>, vector<1024x128xf32>
    %get3A_2 = arith.constant 0 : index
    %get3A_3 = arith.constant 0 : index
    %get3A_4 = vector.load %arg5[%get3A_2, %get3A_3] : memref<64x1024xf32, #tpu.memory_space<vmem>>, vector<64x1024xf32>
    %get3A_5 = arith.constant 0 : index
    %get3A_6 = arith.constant 0 : index
    %get3A_7 = vector.load %arg6[%get3A_5, %get3A_6] : memref<64x4xf32, #tpu.memory_space<vmem>>, vector<64x4xf32>
    %dot_general3A = arith.constant dense<0.000000e+00> : vector<1024x4xf32>
    %dot_general3A_8 = tpu.matmul %get3A_4, %get3A_7, %dot_general3A {dimension_numbers = #tpu.dot_dimension_numbers<[0], [0], [1], [1], [0, 1, 1, 1], [], []>, transpose_lhs_hint = false} : vector<64x1024xf32>, vector<64x4xf32>, vector<1024x4xf32> -> vector<1024x4xf32>
    %slice3A = vector.extract_strided_slice %dot_general3A_8 {offsets = [0, 3], sizes = [1024, 1], strides = [1, 1]} : vector<1024x4xf32> to vector<1024x1xf32>
    %max3A = arith.constant 1.000000e+00 : f32
    %max3A_9 = vector.broadcast %max3A : f32 to vector<1024x1xf32>
    %max3A_10 = arith.maximumf %slice3A, %max3A_9 : vector<1024x1xf32>
    %div3A = arith.constant 1.000000e+00 : f32
    %div3A_11 = vector.broadcast %div3A : f32 to vector<1024x1xf32>
    %div3A_12 = arith.divf %div3A_11, %max3A_10 : vector<1024x1xf32>
    %get3A_13 = arith.constant 0 : index
    %get3A_14 = arith.constant 0 : index
    %get3A_15 = vector.load %arg7[%get3A_13, %get3A_14] : memref<128x128xf32, #tpu.memory_space<vmem>>, vector<128x128xf32>
    %get3A_16 = arith.constant 0 : index
    %get3A_17 = arith.constant 0 : index
    %get3A_18 = vector.load %arg8[%get3A_16, %get3A_17] : memref<1x128xf32, #tpu.memory_space<vmem>>, vector<1x128xf32>
    %get3A_19 = arith.constant 0 : index
    %get3A_20 = arith.constant 0 : index
    %get3A_21 = vector.load %arg2[%get3A_19, %get3A_20] : memref<1024x128xf32, #tpu.memory_space<vmem>>, vector<1024x128xf32>
    %dot_general3A_22 = arith.constant dense<0.000000e+00> : vector<1024x128xf32>
    %dot_general3A_23 = tpu.matmul %get3A_21, %get3A_15, %dot_general3A_22 {dimension_numbers = #tpu.dot_dimension_numbers<[1], [0], [0], [1], [0, 0, 1, 1], [], []>, transpose_lhs_hint = false} : vector<1024x128xf32>, vector<128x128xf32>, vector<1024x128xf32> -> vector<1024x128xf32>
    %slice3A_24 = vector.extract_strided_slice %dot_general3A_8 {offsets = [0, 0], sizes = [1024, 1], strides = [1, 1]} : vector<1024x4xf32> to vector<1024x1xf32>
    %mul3A = vector.broadcast %get3A_18 : vector<1x128xf32> to vector<1024x128xf32>
    %mul3A_25 = vector.broadcast %slice3A_24 : vector<1024x1xf32> to vector<1024x128xf32>
    %mul3A_26 = arith.mulf %mul3A, %mul3A_25 : vector<1024x128xf32>
    %add3A = arith.addf %dot_general3A_23, %mul3A_26 : vector<1024x128xf32>
    %mul3A_27 = vector.broadcast %div3A_12 : vector<1024x1xf32> to vector<1024x128xf32>
    %mul3A_28 = arith.mulf %add3A, %mul3A_27 : vector<1024x128xf32>
    %get3A_29 = arith.constant 0 : index
    %get3A_30 = arith.constant 0 : index
    %get3A_31 = vector.load %arg3[%get3A_29, %get3A_30] : memref<1024x128xf32, #tpu.memory_space<vmem>>, vector<1024x128xf32>
    %dot_general3A_32 = arith.constant dense<0.000000e+00> : vector<1024x128xf32>
    %dot_general3A_33 = tpu.matmul %get3A_31, %get3A_15, %dot_general3A_32 {dimension_numbers = #tpu.dot_dimension_numbers<[1], [0], [0], [1], [0, 0, 1, 1], [], []>, transpose_lhs_hint = false} : vector<1024x128xf32>, vector<128x128xf32>, vector<1024x128xf32> -> vector<1024x128xf32>
    %slice3A_34 = vector.extract_strided_slice %dot_general3A_8 {offsets = [0, 1], sizes = [1024, 1], strides = [1, 1]} : vector<1024x4xf32> to vector<1024x1xf32>
    %mul3A_35 = vector.broadcast %get3A_18 : vector<1x128xf32> to vector<1024x128xf32>
    %mul3A_36 = vector.broadcast %slice3A_34 : vector<1024x1xf32> to vector<1024x128xf32>
    %mul3A_37 = arith.mulf %mul3A_35, %mul3A_36 : vector<1024x128xf32>
    %add3A_38 = arith.addf %dot_general3A_33, %mul3A_37 : vector<1024x128xf32>
    %mul3A_39 = vector.broadcast %div3A_12 : vector<1024x1xf32> to vector<1024x128xf32>
    %mul3A_40 = arith.mulf %add3A_38, %mul3A_39 : vector<1024x128xf32>
    %get3A_41 = arith.constant 0 : index
    %get3A_42 = arith.constant 0 : index
    %get3A_43 = vector.load %arg4[%get3A_41, %get3A_42] : memref<1024x128xf32, #tpu.memory_space<vmem>>, vector<1024x128xf32>
    %dot_general3A_44 = arith.constant dense<0.000000e+00> : vector<1024x128xf32>
    %dot_general3A_45 = tpu.matmul %get3A_43, %get3A_15, %dot_general3A_44 {dimension_numbers = #tpu.dot_dimension_numbers<[1], [0], [0], [1], [0, 0, 1, 1], [], []>, transpose_lhs_hint = false} : vector<1024x128xf32>, vector<128x128xf32>, vector<1024x128xf32> -> vector<1024x128xf32>
    %slice3A_46 = vector.extract_strided_slice %dot_general3A_8 {offsets = [0, 2], sizes = [1024, 1], strides = [1, 1]} : vector<1024x4xf32> to vector<1024x1xf32>
    %mul3A_47 = vector.broadcast %get3A_18 : vector<1x128xf32> to vector<1024x128xf32>
    %mul3A_48 = vector.broadcast %slice3A_46 : vector<1024x1xf32> to vector<1024x128xf32>
    %mul3A_49 = arith.mulf %mul3A_47, %mul3A_48 : vector<1024x128xf32>
    %add3A_50 = arith.addf %dot_general3A_45, %mul3A_49 : vector<1024x128xf32>
    %mul3A_51 = vector.broadcast %div3A_12 : vector<1024x1xf32> to vector<1024x128xf32>
    %mul3A_52 = arith.mulf %add3A_50, %mul3A_51 : vector<1024x128xf32>
    %mul3A_53 = arith.mulf %mul3A_28, %mul3A_28 : vector<1024x128xf32>
    %mul3A_54 = arith.mulf %mul3A_40, %mul3A_40 : vector<1024x128xf32>
    %add3A_55 = arith.addf %mul3A_53, %mul3A_54 : vector<1024x128xf32>
    %mul3A_56 = arith.mulf %mul3A_52, %mul3A_52 : vector<1024x128xf32>
    %add3A_57 = arith.addf %add3A_55, %mul3A_56 : vector<1024x128xf32>
    %sqrt3A = math.sqrt %add3A_57 : vector<1024x128xf32>
    %swap3A = arith.constant 0 : index
    %swap3A_58 = arith.constant 0 : index
    %swap3A_59 = vector.load %arg24[%swap3A, %swap3A_58] : memref<1024x128xf32, #tpu.memory_space<vmem>>, vector<1024x128xf32>
    tpu.vector_store %arg24[%swap3A, %swap3A_58], %sqrt3A {strides = array<i32>} : memref<1024x128xf32, #tpu.memory_space<vmem>>, vector<1024x128xf32>,
    %get3A_60 = arith.constant 0 : index
    %get3A_61 = arith.constant 0 : index
    %get3A_62 = vector.load %arg9[%get3A_60, %get3A_61] : memref<128x128xf32, #tpu.memory_space<vmem>>, vector<128x128xf32>
    %dot_general3A_63 = arith.constant dense<0.000000e+00> : vector<1024x128xf32>
    %dot_general3A_64 = tpu.matmul %get3A_1, %get3A_62, %dot_general3A_63 {dimension_numbers = #tpu.dot_dimension_numbers<[1], [0], [0], [1], [0, 0, 1, 1], [], []>, transpose_lhs_hint = false} : vector<1024x128xf32>, vector<128x128xf32>, vector<1024x128xf32> -> vector<1024x128xf32>
    %get3A_65 = arith.constant 0 : index
    %get3A_66 = arith.constant 0 : index
    %get3A_67 = vector.load %arg10[%get3A_65, %get3A_66] : memref<1x128xf32, #tpu.memory_space<vmem>>, vector<1x128xf32>
    %add3A_68 = vector.broadcast %get3A_67 : vector<1x128xf32> to vector<1024x128xf32>
    %add3A_69 = arith.addf %dot_general3A_64, %add3A_68 : vector<1024x128xf32>
    %logistic3A = arith.negf %add3A_69 : vector<1024x128xf32>
    %logistic3A_70 = math.exp %logistic3A : vector<1024x128xf32>
    %logistic3A_71 = arith.constant 1.000000e+00 : f32
    %logistic3A_72 = vector.broadcast %logistic3A_71 : f32 to vector<1024x128xf32>
    %logistic3A_73 = arith.addf %logistic3A_72, %logistic3A_70 : vector<1024x128xf32>
    %logistic3A_74 = arith.divf %logistic3A_72, %logistic3A_73 : vector<1024x128xf32>
    %mul3A_75 = arith.mulf %add3A_69, %logistic3A_74 : vector<1024x128xf32>
    %get3A_76 = arith.constant 0 : index
    %get3A_77 = arith.constant 0 : index
    %get3A_78 = vector.load %arg11[%get3A_76, %get3A_77] : memref<128x3xf32, #tpu.memory_space<vmem>>, vector<128x3xf32>
    %dot_general3A_79 = arith.constant dense<0.000000e+00> : vector<1024x3xf32>
    %dot_general3A_80 = tpu.matmul %mul3A_75, %get3A_78, %dot_general3A_79 {dimension_numbers = #tpu.dot_dimension_numbers<[1], [0], [0], [1], [0, 0, 1, 1], [], []>, transpose_lhs_hint = false} : vector<1024x128xf32>, vector<128x3xf32>, vector<1024x3xf32> -> vector<1024x3xf32>
    %get3A_81 = arith.constant 0 : index
    %get3A_82 = arith.constant 0 : index
    %get3A_83 = vector.load %arg12[%get3A_81, %get3A_82] : memref<1x3xf32, #tpu.memory_space<vmem>>, vector<1x3xf32>
    %add3A_84 = vector.broadcast %get3A_83 : vector<1x3xf32> to vector<1024x3xf32>
    %add3A_85 = arith.addf %dot_general3A_80, %add3A_84 : vector<1024x3xf32>
    %get3A_86 = arith.constant 0 : index
    %get3A_87 = arith.constant 0 : index
    %get3A_88 = vector.load %arg13[%get3A_86, %get3A_87] : memref<128x128xf32, #tpu.memory_space<vmem>>, vector<128x128xf32>
    %dot_general3A_89 = arith.constant dense<0.000000e+00> : vector<1024x128xf32>
    %dot_general3A_90 = tpu.matmul %mul3A_28, %get3A_88, %dot_general3A_89 {dimension_numbers = #tpu.dot_dimension_numbers<[1], [0], [0], [1], [0, 0, 1, 1], [], []>, transpose_lhs_hint = false} : vector<1024x128xf32>, vector<128x128xf32>, vector<1024x128xf32> -> vector<1024x128xf32>
    %get3A_91 = arith.constant 0 : index
    %get3A_92 = arith.constant 0 : index
    %get3A_93 = vector.load %arg14[%get3A_91, %get3A_92] : memref<1x128xf32, #tpu.memory_space<vmem>>, vector<1x128xf32>
    %add3A_94 = vector.broadcast %get3A_93 : vector<1x128xf32> to vector<1024x128xf32>
    %add3A_95 = arith.addf %dot_general3A_90, %add3A_94 : vector<1024x128xf32>
    %logistic3A_96 = arith.negf %add3A_95 : vector<1024x128xf32>
    %logistic3A_97 = math.exp %logistic3A_96 : vector<1024x128xf32>
    %logistic3A_98 = arith.constant 1.000000e+00 : f32
    %logistic3A_99 = vector.broadcast %logistic3A_98 : f32 to vector<1024x128xf32>
    %logistic3A_100 = arith.addf %logistic3A_99, %logistic3A_97 : vector<1024x128xf32>
    %logistic3A_101 = arith.divf %logistic3A_99, %logistic3A_100 : vector<1024x128xf32>
    %mul3A_102 = arith.mulf %add3A_95, %logistic3A_101 : vector<1024x128xf32>
    %get3A_103 = arith.constant 0 : index
    %get3A_104 = arith.constant 0 : index
    %get3A_105 = vector.load %arg15[%get3A_103, %get3A_104] : memref<128x1xf32, #tpu.memory_space<vmem>>, vector<128x1xf32>
    %dot_general3A_106 = arith.constant dense<0.000000e+00> : vector<1024x1xf32>
    %dot_general3A_107 = tpu.matmul %mul3A_102, %get3A_105, %dot_general3A_106 {dimension_numbers = #tpu.dot_dimension_numbers<[1], [0], [0], [1], [0, 0, 1, 1], [], []>, transpose_lhs_hint = false} : vector<1024x128xf32>, vector<128x1xf32>, vector<1024x1xf32> -> vector<1024x1xf32>
    %get3A_108 = arith.constant 0 : index
    %get3A_109 = arith.constant 0 : index
    %get3A_110 = vector.load %arg16[%get3A_108, %get3A_109] : memref<1x1xf32, #tpu.memory_space<vmem>>, vector<1x1xf32>
    %add3A_111 = vector.broadcast %get3A_110 : vector<1x1xf32> to vector<1024x1xf32>
    %add3A_112 = arith.addf %dot_general3A_107, %add3A_111 : vector<1024x1xf32>
    %get3A_113 = arith.constant 0 : index
    %get3A_114 = arith.constant 0 : index
    %get3A_115 = vector.load %arg13[%get3A_113, %get3A_114] : memref<128x128xf32, #tpu.memory_space<vmem>>, vector<128x128xf32>
    %dot_general3A_116 = arith.constant dense<0.000000e+00> : vector<1024x128xf32>
    %dot_general3A_117 = tpu.matmul %mul3A_40, %get3A_115, %dot_general3A_116 {dimension_numbers = #tpu.dot_dimension_numbers<[1], [0], [0], [1], [0, 0, 1, 1], [], []>, transpose_lhs_hint = false} : vector<1024x128xf32>, vector<128x128xf32>, vector<1024x128xf32> -> vector<1024x128xf32>
    %get3A_118 = arith.constant 0 : index
    %get3A_119 = arith.constant 0 : index
    %get3A_120 = vector.load %arg14[%get3A_118, %get3A_119] : memref<1x128xf32, #tpu.memory_space<vmem>>, vector<1x128xf32>
    %add3A_121 = vector.broadcast %get3A_120 : vector<1x128xf32> to vector<1024x128xf32>
    %add3A_122 = arith.addf %dot_general3A_117, %add3A_121 : vector<1024x128xf32>
    %logistic3A_123 = arith.negf %add3A_122 : vector<1024x128xf32>
    %logistic3A_124 = math.exp %logistic3A_123 : vector<1024x128xf32>
    %logistic3A_125 = arith.constant 1.000000e+00 : f32
    %logistic3A_126 = vector.broadcast %logistic3A_125 : f32 to vector<1024x128xf32>
    %logistic3A_127 = arith.addf %logistic3A_126, %logistic3A_124 : vector<1024x128xf32>
    %logistic3A_128 = arith.divf %logistic3A_126, %logistic3A_127 : vector<1024x128xf32>
    %mul3A_129 = arith.mulf %add3A_122, %logistic3A_128 : vector<1024x128xf32>
    %get3A_130 = arith.constant 0 : index
    %get3A_131 = arith.constant 0 : index
    %get3A_132 = vector.load %arg15[%get3A_130, %get3A_131] : memref<128x1xf32, #tpu.memory_space<vmem>>, vector<128x1xf32>
    %dot_general3A_133 = arith.constant dense<0.000000e+00> : vector<1024x1xf32>
    %dot_general3A_134 = tpu.matmul %mul3A_129, %get3A_132, %dot_general3A_133 {dimension_numbers = #tpu.dot_dimension_numbers<[1], [0], [0], [1], [0, 0, 1, 1], [], []>, transpose_lhs_hint = false} : vector<1024x128xf32>, vector<128x1xf32>, vector<1024x1xf32> -> vector<1024x1xf32>
    %get3A_135 = arith.constant 0 : index
    %get3A_136 = arith.constant 0 : index
    %get3A_137 = vector.load %arg16[%get3A_135, %get3A_136] : memref<1x1xf32, #tpu.memory_space<vmem>>, vector<1x1xf32>
    %add3A_138 = vector.broadcast %get3A_137 : vector<1x1xf32> to vector<1024x1xf32>
    %add3A_139 = arith.addf %dot_general3A_134, %add3A_138 : vector<1024x1xf32>
    %get3A_140 = arith.constant 0 : index
    %get3A_141 = arith.constant 0 : index
    %get3A_142 = vector.load %arg13[%get3A_140, %get3A_141] : memref<128x128xf32, #tpu.memory_space<vmem>>, vector<128x128xf32>
    %dot_general3A_143 = arith.constant dense<0.000000e+00> : vector<1024x128xf32>
    %dot_general3A_144 = tpu.matmul %mul3A_52, %get3A_142, %dot_general3A_143 {dimension_numbers = #tpu.dot_dimension_numbers<[1], [0], [0], [1], [0, 0, 1, 1], [], []>, transpose_lhs_hint = false} : vector<1024x128xf32>, vector<128x128xf32>, vector<1024x128xf32> -> vector<1024x128xf32>
    %get3A_145 = arith.constant 0 : index
    %get3A_146 = arith.constant 0 : index
    %get3A_147 = vector.load %arg14[%get3A_145, %get3A_146] : memref<1x128xf32, #tpu.memory_space<vmem>>, vector<1x128xf32>
    %add3A_148 = vector.broadcast %get3A_147 : vector<1x128xf32> to vector<1024x128xf32>
    %add3A_149 = arith.addf %dot_general3A_144, %add3A_148 : vector<1024x128xf32>
    %logistic3A_150 = arith.negf %add3A_149 : vector<1024x128xf32>
    %logistic3A_151 = math.exp %logistic3A_150 : vector<1024x128xf32>
    %logistic3A_152 = arith.constant 1.000000e+00 : f32
    %logistic3A_153 = vector.broadcast %logistic3A_152 : f32 to vector<1024x128xf32>
    %logistic3A_154 = arith.addf %logistic3A_153, %logistic3A_151 : vector<1024x128xf32>
    %logistic3A_155 = arith.divf %logistic3A_153, %logistic3A_154 : vector<1024x128xf32>
    %mul3A_156 = arith.mulf %add3A_149, %logistic3A_155 : vector<1024x128xf32>
    %get3A_157 = arith.constant 0 : index
    %get3A_158 = arith.constant 0 : index
    %get3A_159 = vector.load %arg15[%get3A_157, %get3A_158] : memref<128x1xf32, #tpu.memory_space<vmem>>, vector<128x1xf32>
    %dot_general3A_160 = arith.constant dense<0.000000e+00> : vector<1024x1xf32>
    %dot_general3A_161 = tpu.matmul %mul3A_156, %get3A_159, %dot_general3A_160 {dimension_numbers = #tpu.dot_dimension_numbers<[1], [0], [0], [1], [0, 0, 1, 1], [], []>, transpose_lhs_hint = false} : vector<1024x128xf32>, vector<128x1xf32>, vector<1024x1xf32> -> vector<1024x1xf32>
    %get3A_162 = arith.constant 0 : index
    %get3A_163 = arith.constant 0 : index
    %get3A_164 = vector.load %arg16[%get3A_162, %get3A_163] : memref<1x1xf32, #tpu.memory_space<vmem>>, vector<1x1xf32>
    %add3A_165 = vector.broadcast %get3A_164 : vector<1x1xf32> to vector<1024x1xf32>
    %add3A_166 = arith.addf %dot_general3A_161, %add3A_165 : vector<1024x1xf32>
    %concatenate3A = tpu.concatenate %add3A_112, %add3A_139, %add3A_166 in 1 : vector<1024x1xf32>, vector<1024x1xf32>, vector<1024x1xf32> -> vector<1024x3xf32>
    %add3A_167 = arith.addf %add3A_85, %concatenate3A : vector<1024x3xf32>
    %swap3A_168 = arith.constant 0 : index
    %swap3A_169 = arith.constant 0 : index
    %swap3A_170 = vector.load %arg22[%swap3A_168, %swap3A_169] : memref<1024x3xf32, #tpu.memory_space<vmem>>, vector<1024x3xf32>
    tpu.vector_store %arg22[%swap3A_168, %swap3A_169], %add3A_167 {strides = array<i32>} : memref<1024x3xf32, #tpu.memory_space<vmem>>, vector<1024x3xf32>,
    %get3A_171 = arith.constant 0 : index
    %get3A_172 = arith.constant 0 : index
    %get3A_173 = vector.load %arg17[%get3A_171, %get3A_172] : memref<128x128xf32, #tpu.memory_space<vmem>>, vector<128x128xf32>
    %dot_general3A_174 = arith.constant dense<0.000000e+00> : vector<1024x128xf32>
    %dot_general3A_175 = tpu.matmul %get3A_1, %get3A_173, %dot_general3A_174 {dimension_numbers = #tpu.dot_dimension_numbers<[1], [0], [0], [1], [0, 0, 1, 1], [], []>, transpose_lhs_hint = false} : vector<1024x128xf32>, vector<128x128xf32>, vector<1024x128xf32> -> vector<1024x128xf32>
    %get3A_176 = arith.constant 0 : index
    %get3A_177 = arith.constant 0 : index
    %get3A_178 = vector.load %arg18[%get3A_176, %get3A_177] : memref<128x128xf32, #tpu.memory_space<vmem>>, vector<128x128xf32>
    %dot_general3A_179 = arith.constant dense<0.000000e+00> : vector<1024x128xf32>
    %dot_general3A_180 = tpu.matmul %sqrt3A, %get3A_178, %dot_general3A_179 {dimension_numbers = #tpu.dot_dimension_numbers<[1], [0], [0], [1], [0, 0, 1, 1], [], []>, transpose_lhs_hint = false} : vector<1024x128xf32>, vector<128x128xf32>, vector<1024x128xf32> -> vector<1024x128xf32>
    %add3A_181 = arith.addf %dot_general3A_175, %dot_general3A_180 : vector<1024x128xf32>
    %get3A_182 = arith.constant 0 : index
    %get3A_183 = arith.constant 0 : index
    %get3A_184 = vector.load %arg19[%get3A_182, %get3A_183] : memref<1x128xf32, #tpu.memory_space<vmem>>, vector<1x128xf32>
    %add3A_185 = vector.broadcast %get3A_184 : vector<1x128xf32> to vector<1024x128xf32>
    %add3A_186 = arith.addf %add3A_181, %add3A_185 : vector<1024x128xf32>
    %logistic3A_187 = arith.negf %add3A_186 : vector<1024x128xf32>
    %logistic3A_188 = math.exp %logistic3A_187 : vector<1024x128xf32>
    %logistic3A_189 = arith.constant 1.000000e+00 : f32
    %logistic3A_190 = vector.broadcast %logistic3A_189 : f32 to vector<1024x128xf32>
    %logistic3A_191 = arith.addf %logistic3A_190, %logistic3A_188 : vector<1024x128xf32>
    %logistic3A_192 = arith.divf %logistic3A_190, %logistic3A_191 : vector<1024x128xf32>
    %mul3A_193 = arith.mulf %add3A_186, %logistic3A_192 : vector<1024x128xf32>
    %get3A_194 = arith.constant 0 : index
    %get3A_195 = arith.constant 0 : index
    %get3A_196 = vector.load %arg20[%get3A_194, %get3A_195] : memref<128x128xf32, #tpu.memory_space<vmem>>, vector<128x128xf32>
    %dot_general3A_197 = arith.constant dense<0.000000e+00> : vector<1024x128xf32>
    %dot_general3A_198 = tpu.matmul %mul3A_193, %get3A_196, %dot_general3A_197 {dimension_numbers = #tpu.dot_dimension_numbers<[1], [0], [0], [1], [0, 0, 1, 1], [], []>, transpose_lhs_hint = false} : vector<1024x128xf32>, vector<128x128xf32>, vector<1024x128xf32> -> vector<1024x128xf32>
    %get3A_199 = arith.constant 0 : index
    %get3A_200 = arith.constant 0 : index
    %get3A_201 = vector.load %arg21[%get3A_199, %get3A_200] : memref<1x128xf32, #tpu.memory_space<vmem>>, vector<1x128xf32>
    %add3A_202 = vector.broadcast %get3A_201 : vector<1x128xf32> to vector<1024x128xf32>
    %add3A_203 = arith.addf %dot_general3A_198, %add3A_202 : vector<1024x128xf32>
    %swap3A_204 = arith.constant 0 : index
    %swap3A_205 = arith.constant 0 : index
    %swap3A_206 = vector.load %arg23[%swap3A_204, %swap3A_205] : memref<1024x128xf32, #tpu.memory_space<vmem>>, vector<1024x128xf32>
    tpu.vector_store %arg23[%swap3A_204, %swap3A_205], %add3A_203 {strides = array<i32>} : memref<1024x128xf32, #tpu.memory_space<vmem>>, vector<1024x128xf32>,
    return
  }
  func.func @transform_0(%arg0: i32) -> (i32, i32) {
    %c0_i32 = arith.constant 0 : i32
    %c0_i32_0 = arith.constant 0 : i32
    return %arg0, %c0_i32 : i32, i32
  }
  func.func @transform_1(%arg0: i32) -> (i32, i32) {
    %c0_i32 = arith.constant 0 : i32
    %c0_i32_0 = arith.constant 0 : i32
    return %arg0, %c0_i32 : i32, i32
  }
  func.func @transform_2(%arg0: i32) -> (i32, i32) {
    %c0_i32 = arith.constant 0 : i32
    %c0_i32_0 = arith.constant 0 : i32
    return %arg0, %c0_i32 : i32, i32
  }
  func.func @transform_3(%arg0: i32) -> (i32, i32) {
    %c0_i32 = arith.constant 0 : i32
    %c0_i32_0 = arith.constant 0 : i32
    return %arg0, %c0_i32 : i32, i32
  }
  func.func @transform_4(%arg0: i32) -> (i32, i32) {
    %c0_i32 = arith.constant 0 : i32
    %c0_i32_0 = arith.constant 0 : i32
    return %c0_i32, %arg0 : i32, i32
  }
  func.func @transform_5(%arg0: i32) -> (i32, i32) {
    %c0_i32 = arith.constant 0 : i32
    %c0_i32_0 = arith.constant 0 : i32
    %c0_i32_1 = arith.constant 0 : i32
    return %c0_i32, %c0_i32_0 : i32, i32
  }
  func.func @transform_6(%arg0: i32) -> (i32, i32) {
    %c0_i32 = arith.constant 0 : i32
    %c0_i32_0 = arith.constant 0 : i32
    %c0_i32_1 = arith.constant 0 : i32
    return %c0_i32, %c0_i32_0 : i32, i32
  }
  func.func @transform_7(%arg0: i32) -> (i32, i32) {
    %c0_i32 = arith.constant 0 : i32
    %c0_i32_0 = arith.constant 0 : i32
    %c0_i32_1 = arith.constant 0 : i32
    return %c0_i32, %c0_i32_0 : i32, i32
  }
  func.func @transform_8(%arg0: i32) -> (i32, i32) {
    %c0_i32 = arith.constant 0 : i32
    %c0_i32_0 = arith.constant 0 : i32
    %c0_i32_1 = arith.constant 0 : i32
    return %c0_i32, %c0_i32_0 : i32, i32
  }
  func.func @transform_9(%arg0: i32) -> (i32, i32) {
    %c0_i32 = arith.constant 0 : i32
    %c0_i32_0 = arith.constant 0 : i32
    %c0_i32_1 = arith.constant 0 : i32
    return %c0_i32, %c0_i32_0 : i32, i32
  }
  func.func @transform_10(%arg0: i32) -> (i32, i32) {
    %c0_i32 = arith.constant 0 : i32
    %c0_i32_0 = arith.constant 0 : i32
    %c0_i32_1 = arith.constant 0 : i32
    return %c0_i32, %c0_i32_0 : i32, i32
  }
  func.func @transform_11(%arg0: i32) -> (i32, i32) {
    %c0_i32 = arith.constant 0 : i32
    %c0_i32_0 = arith.constant 0 : i32
    %c0_i32_1 = arith.constant 0 : i32
    return %c0_i32, %c0_i32_0 : i32, i32
  }
  func.func @transform_12(%arg0: i32) -> (i32, i32) {
    %c0_i32 = arith.constant 0 : i32
    %c0_i32_0 = arith.constant 0 : i32
    %c0_i32_1 = arith.constant 0 : i32
    return %c0_i32, %c0_i32_0 : i32, i32
  }
  func.func @transform_13(%arg0: i32) -> (i32, i32) {
    %c0_i32 = arith.constant 0 : i32
    %c0_i32_0 = arith.constant 0 : i32
    %c0_i32_1 = arith.constant 0 : i32
    return %c0_i32, %c0_i32_0 : i32, i32
  }
  func.func @transform_14(%arg0: i32) -> (i32, i32) {
    %c0_i32 = arith.constant 0 : i32
    %c0_i32_0 = arith.constant 0 : i32
    %c0_i32_1 = arith.constant 0 : i32
    return %c0_i32, %c0_i32_0 : i32, i32
  }
  func.func @transform_15(%arg0: i32) -> (i32, i32) {
    %c0_i32 = arith.constant 0 : i32
    %c0_i32_0 = arith.constant 0 : i32
    %c0_i32_1 = arith.constant 0 : i32
    return %c0_i32, %c0_i32_0 : i32, i32
  }
  func.func @transform_16(%arg0: i32) -> (i32, i32) {
    %c0_i32 = arith.constant 0 : i32
    %c0_i32_0 = arith.constant 0 : i32
    %c0_i32_1 = arith.constant 0 : i32
    return %c0_i32, %c0_i32_0 : i32, i32
  }
  func.func @transform_17(%arg0: i32) -> (i32, i32) {
    %c0_i32 = arith.constant 0 : i32
    %c0_i32_0 = arith.constant 0 : i32
    %c0_i32_1 = arith.constant 0 : i32
    return %c0_i32, %c0_i32_0 : i32, i32
  }
  func.func @transform_18(%arg0: i32) -> (i32, i32) {
    %c0_i32 = arith.constant 0 : i32
    %c0_i32_0 = arith.constant 0 : i32
    %c0_i32_1 = arith.constant 0 : i32
    return %c0_i32, %c0_i32_0 : i32, i32
  }
  func.func @transform_19(%arg0: i32) -> (i32, i32) {
    %c0_i32 = arith.constant 0 : i32
    %c0_i32_0 = arith.constant 0 : i32
    %c0_i32_1 = arith.constant 0 : i32
    return %c0_i32, %c0_i32_0 : i32, i32
  }
  func.func @transform_20(%arg0: i32) -> (i32, i32) {
    %c0_i32 = arith.constant 0 : i32
    %c0_i32_0 = arith.constant 0 : i32
    %c0_i32_1 = arith.constant 0 : i32
    return %c0_i32, %c0_i32_0 : i32, i32
  }
  func.func @transform_21(%arg0: i32) -> (i32, i32) {
    %c0_i32 = arith.constant 0 : i32
    %c0_i32_0 = arith.constant 0 : i32
    return %arg0, %c0_i32 : i32, i32
  }
  func.func @transform_22(%arg0: i32) -> (i32, i32) {
    %c0_i32 = arith.constant 0 : i32
    %c0_i32_0 = arith.constant 0 : i32
    return %arg0, %c0_i32 : i32, i32
  }
  func.func @transform_23(%arg0: i32) -> (i32, i32) {
    %c0_i32 = arith.constant 0 : i32
    %c0_i32_0 = arith.constant 0 : i32
    return %arg0, %c0_i32 : i32, i32
  }
}

</mosaic_0001>

<sc_bundles>
// kernel: kernel.10.cloned.1.call-start
scs
__scs_entry_jumppad:
0x0: {  	(pc) =	sbr.rel $0x88, $3  }
0x1: {  	(tag) =	ssettag $0x0;
	lr =	simm.s32 $0x1  }
0x2: {  	[smem:$0x3F8E] =	sst lr;
	_ =	strace $0xD0000000  }
0x3: {  	_ = 	snop  }
0x4: {  	_ = 	snop  }
0x5: {  	_ = 	snop  }
0x6: {  	_ = 	snop  }
0x7: {  	_ = 	snop  }
__scs_overlays_trampoline_lowered:
0x8: {  	[smem:$0x3F9D] =	sst s0  }
0x9: {  	[smem:$0x3F9E] =	sst s1  }
0xa: {  	[smem:$0x3F9F] =	sst s2  }
0xb: {  	[smem:$0x3FA0] =	sst s3  }
0xc: {  	[smem:$0x3FA1] =	sst s4  }
0xd: {  	[smem:$0x3FA2] =	sst s5  }
0xe: {  	[smem:$0x3FA3] =	sst s6  }
0xf: {  	[smem:$0x3FA4] =	sst s7  }
0x10: {  	[smem:$0x3FA5] =	sst s8  }
0x11: {  	[smem:$0x3FA6] =	sst s9;
	s0 =	simm.s32 @!p0 $0x0  }
0x12: {  	s1 =	sld [smem:$0x3F8C];
	s0 =	simm.s32 @p0 $0x1  }
0x13: {  	[smem:$0x3FA7] =	sst s0;
	s0 =	simm.s32 @!p1 $0x0  }
0x14: {  	s2 =	sld [smem:$0x3F8B];
	s0 =	simm.s32 @p1 $0x1  }
0x15: {  	[smem:$0x3FA8] =	sst s0;
	s0 =	simm.s32 @!p2 $0x0  }
0x16: {  	s3 =	sld [smem:$0x3FDB];
	s0 =	simm.s32 @p2 $0x1  }
0x17: {  	s4 =	simm.s32 $0x1BF5;
	[smem:$0x3FAA] =	sst s0  }
0x18: {  	s0 =	sld [smem:$0x3F8D];
	_ =	swait.ge [sflag:s4], $0x0  }
0x19: {  	s7 =	sld [smem:$0x3F8E]  }
0x1a: {  	s8 =	sadd.s32 $0xFFFFE003, lr  }
0x1b: {  	s9 =	sadd.s32 $0xFFFFFEF7, lr;
	s5 =	simm.s32 $0xFFFFFFFF;
	p2 =	slt.u32 s8, $0xFFFFF086  }
0x1c: {  	p1 =	slt.u32 s9, $0xF7A;
	s5 =	simm.s32 @!p2 $0x0  }
0x1d: {  	s5 =	simm.s32 @p1 $0x1;
	p0 =	seq.s32 s7, s2  }
0x1e: {  	s7 =	smul.u32 @!p0 $0xF7A, s2;
	p2 =	seq.s32 @!p0 s5, $0x0  }
0x1f: {  	s9 =	smul.u32 $0xF7A, s1;
	s8 =	simm.s32 @!p0 $0x1BF5;
	p2 =	por !p2, p0  }
0x20: {  	[sflag:s8] =	ssyncset.s32 @!p0 $0xFFFFF086;
	s6 =	sadd.s32 @!p0 s3, s7;
	s7 =	simm.s32 @!p0 $0x108  }
0x21: {  	s3 =	sadd.s32 s3, s9;
	s6 =	sadd.s32 @!p0 $0x88, s6;
	s7 =	simm.s32 @p2 $0x1082  }
0x22: {  	[simem:s7], [sflag:s8] =	dma.local @!p0 [hbm:s6], $0xF7A  }
0x23: {  	s9 =	sor.u32 $0xD0000000, s2;
	s6 =	simm.s32 $0x108;
	_ =	swait.ge @!p0 [sflag:s8], $0x0  }
0x24: {  	s3 =	sadd.s32 $0x88, s3;
	s6 =	simm.s32 @!p1 $0x1082;
	[sflag:s4] =	ssyncset.s32 $0xFFFFF086  }
0x25: {  	[simem:s6], [sflag:s4] =	dma.local [hbm:s3], $0xF7A  }
0x26: {  	[smem:$0x3F8E] =	sst s1;
	(tag) =	ssettag s2;
	_ =	strace s9  }
0x27: {  	s1 =	sld [smem:$0x3F9E]  }
0x28: {  	s2 =	sld [smem:$0x3F9F]  }
0x29: {  	s4 =	sld [smem:$0x3FA1]  }
0x2a: {  	p0 =	seq.s32 s5, $0x0;
	s5 =	sld [smem:$0x3FA2]  }
0x2b: {  	s6 =	sld [smem:$0x3FA3]  }
0x2c: {  	s7 =	sld [smem:$0x3FA4]  }
0x2d: {  	s3 =	simm.s32 $0x108;
	s8 =	sld [smem:$0x3FA5]  }
0x2e: {  	s3 =	simm.s32 @!p0 $0x1082;
	s9 =	sld [smem:$0x3FA6]  }
0x2f: {  	lr =	sadd.s32 s0, s3;
	s0 =	sld [smem:$0x3F9D]  }
0x30: {  	s3 =	sld [smem:$0x3FA0]  }
0x31: {  	[smem:$0x3FA9] =	sst s10  }
0x32: {  	s10 =	sld [smem:$0x3FA7];
	_ =	sdelay $0x3  }
0x33: {  	p0 =	seq.s32 s10, $0x1;
	s10 =	sld [smem:$0x3FA9];
	_ =	sdelay $0x3  }
0x34: {  	[smem:$0x3FA9] =	sst s10  }
0x35: {  	s10 =	sld [smem:$0x3FA8];
	_ =	sdelay $0x3  }
0x36: {  	p1 =	seq.s32 s10, $0x1;
	s10 =	sld [smem:$0x3FA9];
	_ =	sdelay $0x3  }
0x37: {  	[smem:$0x3FA9] =	sst s10  }
0x38: {  	s10 =	sld [smem:$0x3FAA]  }
0x39: {  	_ = 	snop;
	(pc) =	sbr.ind lr, $3  }
0x3a: {  	_ = 	snop  }
0x3b: {  	_ = 	snop  }
0x3c: {  	p2 =	seq.s32 s10, $0x1;
	s10 =	sld [smem:$0x3FA9]  }
0x3d: {  	_ =	shalt  }
0x3e: {  	_ =	shalt  }
0x3f: {  	_ =	shalt  }
0x40: {  	_ =	shalt  }
0x41: {  	_ =	shalt  }
0x42: {  	_ =	shalt  }
0x43: {  	_ =	shalt  }
0x44: {  	_ =	shalt  }
0x45: {  	_ =	shalt  }
0x46: {  	_ =	shalt  }
0x47: {  	_ =	shalt  }
0x48: {  	_ =	shalt  }
0x49: {  	_ =	shalt  }
0x4a: {  	_ =	shalt  }
0x4b: {  	_ =	shalt  }
0x4c: {  	_ =	shalt  }
0x4d: {  	_ =	shalt  }
0x4e: {  	_ =	shalt  }
0x4f: {  	_ =	shalt  }
0x50: {  	_ =	shalt  }
0x51: {  	_ =	shalt  }
0x52: {  	_ =	shalt  }
0x53: {  	_ =	shalt  }
0x54: {  	_ =	shalt  }
0x55: {  	_ =	shalt  }
0x56: {  	_ =	shalt  }
0x57: {  	_ =	shalt  }
0x58: {  	_ =	shalt  }
0x59: {  	_ =	shalt  }
0x5a: {  	_ =	shalt  }
0x5b: {  	_ =	shalt  }
0x5c: {  	_ =	shalt  }
0x5d: {  	_ =	shalt  }
0x5e: {  	_ =	shalt  }
0x5f: {  	_ =	shalt  }
0x60: {  	_ =	shalt  }
0x61: {  	_ =	shalt  }
0x62: {  	_ =	shalt  }
0x63: {  	_ =	shalt  }
0x64: {  	_ =	shalt  }
0x65: {  	_ =	shalt  }
0x66: {  	_ =	shalt  }
0x67: {  	_ =	shalt  }
0x68: {  	_ =	shalt  }
0x69: {  	_ =	shalt  }
0x6a: {  	_ =	shalt  }
0x6b: {  	_ =	shalt  }
0x6c: {  	_ =	shalt  }
0x6d: {  	_ =	shalt  }
0x6e: {  	_ =	shalt  }
0x6f: {  	_ =	shalt  }
0x70: {  	_ =	shalt  }
0x71: {  	_ =	shalt  }
0x72: {  	_ =	shalt  }
0x73: {  	_ =	shalt  }
0x74: {  	_ =	shalt  }
0x75: {  	_ =	shalt  }
0x76: {  	_ =	shalt  }
0x77: {  	_ =	shalt  }
0x78: {  	_ =	shalt  }
0x79: {  	_ =	shalt  }
0x7a: {  	_ =	shalt  }
0x7b: {  	_ =	shalt  }
0x7c: {  	_ =	shalt  }
0x7d: {  	_ =	shalt  }
0x7e: {  	_ =	shalt  }
0x7f: {  	_ =	shalt  }
0x80: {  	_ =	shalt  }
0x81: {  	_ =	shalt  }
0x82: {  	_ =	shalt  }
0x83: {  	_ =	shalt  }
0x84: {  	_ =	shalt  }
0x85: {  	_ =	shalt  }
0x86: {  	_ =	shalt  }
0x87: {  	_ =	shalt  }
.Lfunc_end0:
.L_simem_size_0:
called_computation.1_lowered:
.L_overlay_start_0:
0x88: {  	s2 =	sld [smem:$0x3FD9]  }
0x89: {  	s3 =	sld [smem:$0x3FFE];
	_ =	sdelay $0x1  }
0x8a: {  	s1 =	srdreg.scid  }
0x8b: {  	s0 =	sand.u32 $0x1, s1  }
0x8c: {  	s14 =	sshll.u32 s0, $0xA;
	s2 =	sadd.s32 s3, s2  }
0x8d: {  	s2 =	sadd.s32 s2, s14  }
0x8e: {  	[smem:$0x3FB5] =	sst s2  }
0x8f: {  	_ = 	snop  }
0x90: {  	s2 =	sld [smem:$0x3FD0];
	_ =	sdelay $0x2  }
0x91: {  	s15 =	simm.s32 $0xA;
	s4 =	simm.s32 $0x10  }
0x92: {  	[smem:s4], [sflag:s15] =	dma.local [hbm:s2], $0x1  }
0x93: {  	_ =	swait.eq [sflag:s15], $0x1  }
0x94: {  	[sflag:s15] =	ssyncset.done $0x0  }
0x95: {  	s16 =	sld [smem:$0x11];
	[sflag:s15] =	ssyncadd.s32 $0xFFFFFFFF  }
0x96: {  	s17 =	sld [smem:$0x12];
	(tm) =	ssettm $0x1  }
0x97: {  	s18 =	sld [smem:$0x3FFB];
	_ =	sdelay $0x3  }
0x98: {  	_ =	strace s18  }
0x99: {  	s4 =	sld [smem:$0x3FFC];
	_ =	sdelay $0x3  }
0x9a: {  	_ =	strace s4  }
0x9b: {  	s4 =	sld [smem:$0x3FFD];
	_ =	sdelay $0x3  }
0x9c: {  	_ =	strace s4  }
0x9d: {  	_ =	strace $0x8FFFFFFF  }
0x9e: {  	s19 =	sld [smem:$0x3FDB];
	_ =	sdelay $0x1  }
0x9f: {  	s5 =	simm.s32 $_scs_section_size  }
0xa0: {  	s6 =	simm.s32 $_size__tile_overlayer_lowered;
	s7 =	simm.s32 $_tile_overlayer_lowered  }
0xa1: {  	s22 =	simm.s32 $0x1BFF;
	s21 =	sshll.u32 s7, $0x1;
	s4 =	sadd.s32 s5, s19  }
0xa2: {  	s8 =	simm.s32 $0x0;
	s20 =	sshll.u32 s6, $0x1;
	s6 =	sadd.s32 s21, s4  }
0xa3: {  	[timem:s8], [sflag:s22] =	dma.local [hbm:s6], s20  }
0xa4: {  	_ =	swait.ge [sflag:s22], s20  }
0xa5: {  	s5 =	ssub.s32 $0x0, s20;
	[sflag:s22] =	ssyncset.done $0x0  }
0xa6: {  	[sflag:s22] =	ssyncadd.s32 s5;
	_ =	sdelay $0x1  }
0xa7: {  	s23 =	simm.s32 $0x1B8B  }
0xa8: {  	_ =	swait.ge [sflag:s23], $0x1  }
0xa9: {  	[sflag:s23] =	ssyncset.done $0x0  }
0xaa: {  	s25 =	simm.s32 $0x1B8E;
	s24 =	sld [smem:$0x3FFE];
	[sflag:s23] =	ssyncadd.s32 $0xFFFFFFFF  }
0xab: {  	s26 =	simm.s32 $execute0_lowered;
	[smem:$0x3FD2] =	sst s25  }
0xac: {  	s6 =	sshll.u32 s26, $0x1;
	_ =	strace $0x80000054;
	[dreg:$0x1] =	wrdreg $0xFFFFFFFF  }
0xad: {  	s28 =	simm.s32 $_size_execute0_lowered;
	s4 =	sadd.s32 s4, s6;
	[dreg:$0x0] =	wrdreg $0x0  }
0xae: {  	s6 =	sshll.u32 s28, $0x1;
	[dreg:$0x2] =	wrdreg s4  }
0xaf: {  	[dreg:$0x3] =	wrdreg s6  }
0xb0: {  	[dreg:$0x4] =	wrdreg $0xC0  }
0xb1: {  	_ =	task [dreg:s8], $0x5FFFF  }
0xb2: {  	[dreg:$0x1] =	wrdreg $0xFFFFFFFF  }
0xb3: {  	[dreg:$0x0] =	wrdreg $0x60  }
0xb4: {  	[dreg:$0x2] =	wrdreg s24  }
0xb5: {  	[dreg:$0x3] =	wrdreg s17  }
0xb6: {  	[dreg:$0x4] =	wrdreg s16  }
0xb7: {  	[dreg:$0x5] =	wrdreg $0x12D000  }
0xb8: {  	[dreg:$0x6] =	wrdreg $0x9  }
0xb9: {  	_ =	task.clear_ibuf [dreg:s8], $0x7FFFF;
	_ =	strace $0x90000054  }
0xba: {  	s29 =	simm.s32 $0x9;
	_ =	strace $0x80000056  }
0xbb: {  	_ =	swait.ge [sflag:s29], $0x1  }
0xbc: {  	[sflag:s29] =	ssyncadd.s32 $0xFFFFFFFF  }
0xbd: {  	_ =	strace $0x90000056  }
0xbe: {  	_ =	sfence  }
0xbf: {  	s30 =	sld [smem:$0x0];
	_ =	sdelay $0x2  }
0xc0: {  	s31 =	sshll.u32 s1, $0xD;
	s1 =	sshrl.u32 s1, $0x2  }
0xc1: {  	s3 =	sand.u32 $0x4000, s31;
	s1 =	sadd.s32 s1, s30  }
0xc2: {  	s0 =	sor.u32 s3, s0;
	s1 =	sshll.u32 s1, $0x11  }
0xc3: {  	s0 =	sor.u32 s1, s0  }
0xc4: {  	s0 =	sadd.s32 $0x8F2B, s0  }
0xc5: {  	[sflag:s0] =	ssyncadd.remote.s32 $0x1  }
0xc6: {  	_ =	sfence.sel $0xFFFF  }
0xc7: {  	[dreg:$0x0] =	wrdreg $0xFFFFFFFF;
	(pc) =	sbr.abs _section_cstart, $3  }
0xc8: {  	[dreg:$0x1] =	wrdreg $0xFFFFFFFF  }
0xc9: {  	_ =	task.clear_ibuf [dreg:s8], $0x2FFFF;
	_ =	strace $0x9FFFFFFF  }
0xca: {  	(tm) =	ssettm $0x7FFFFFFF  }
0xcb: {  	_ =	shalt  }
tec
execute0_lowered:
.L_overlay_start_1:
0x0: {  	(tag) =	ssettag $0x1  }
0x1: {  	s5 =	rddreg [dreg:$0x0]  }
0x2: {  	s1 =	rddreg [dreg:$0x1]  }
0x3: {  	s0 =	rddreg [dreg:$0x2]  }
0x4: {  	s2 =	rddreg [dreg:$0x3];
	s3 =	simm.s32 $0x0;
	s4 =	srdreg.scid  }
0x5: {  	s24 =	stileid.u32;
	[smem:$0x7FF] =	sst s3;
	s4 =	sand.u32 $0x1, s4  }
0x6: {  	s10 =	sshrl.u32 s24, $0x1;
	s12 =	sor.u32 $0x10, s24;
	s6 =	smul.u32 $0x13880, s4  }
0x7: {  	s13 =	sshll.u32 s24, $0x9;
	s15 =	sor.u32 $0x20, s24;
	s9 =	smul.u32 $0x50000, s4  }
0x8: {  	s17 =	sor.u32 $0x30, s24;
	s18 =	sor.u32 $0x40, s24;
	s22 =	smul.u32 $0xA000, s10  }
0x9: {  	_ =	strace $0x80000055;
	s7 =	ssub.s32 $0x2, s4;
	s14 =	smul.u32 $0x280, s12  }
0xa: {  	s13 =	sand.u32 $0x200, s13;
	s8 =	sshrl.u32 s7, $0x1;
	s6 =	sadd.s32 s6, s5  }
0xb: {  	s7 =	ssub.s32 s7, s8;
	s8 =	sadd.s32 s9, s22;
	s9 =	smul.u32 $0x280, s24  }
0xc: {  	s16 =	smul.u32 $0x280, s15;
	s10 =	sadd.s32 $0x2D200, s6;
	s7 =	smax.u32 s7, $0x1  }
0xd: {  	s19 =	smul.u32 $0x280, s18;
	s23 =	sadd.s32 s10, s9;
	[smem:$0x7DE] =	sst s7  }
0xe: {  	s8 =	sor.u32 s13, s8;
	s25 =	sadd.s32 s10, s16;
	[dreg:$0x6] =	wrdreg s23  }
0xf: {  	s8 =	sshrl.u32 s8, $0x3;
	s26 =	sadd.s32 s10, s19;
	[dreg:$0x8] =	wrdreg s25  }
0x10: {  	s13 =	smul.u32 $0x280, s17;
	s0 =	sadd.s32 s0, s8;
	[dreg:$0xa] =	wrdreg s26  }
0x11: {  	s20 =	sor.u32 $0x50, s24;
	s23 =	sadd.s32 s10, s14;
	[dreg:$0x5] =	wrdreg s0  }
0x12: {  	s11 =	sadd.s32 $0x55200, s6;
	s25 =	sadd.s32 s10, s13;
	[dreg:$0x7] =	wrdreg s23  }
0x13: {  	s6 =	sadd.s32 $0x7D200, s6;
	[dreg:$0x9] =	wrdreg s25;
	s25 =	sadd.s32 s11, s9  }
0x14: {  	s0 =	smul.u32 $0x280, s20;
	s9 =	sadd.s32 s6, s9;
	[dreg:$0xe] =	wrdreg s25  }
0x15: {  	s21 =	sor.u32 $0x60, s24;
	s25 =	sadd.s32 s11, s16;
	[dreg:$0x16] =	wrdreg s9  }
0x16: {  	s22 =	smul.u32 $0x280, s21;
	s26 =	sadd.s32 s10, s0;
	[dreg:$0x10] =	wrdreg s25  }
0x17: {  	s8 =	sor.u32 $0x70, s24;
	s25 =	sadd.s32 s11, s19;
	[dreg:$0xb] =	wrdreg s26  }
0x18: {  	s23 =	smul.u32 $0x280, s8;
	s19 =	sadd.s32 s6, s19;
	[dreg:$0x12] =	wrdreg s25  }
0x19: {  	p0 =	sgt.u32 s8, $0x7C;
	s26 =	sadd.s32 s10, s22;
	[dreg:$0x1a] =	wrdreg s19  }
0x1a: {  	s8 =	smul.u32 $0x5000, s8;
	s10 =	sadd.s32 s10, s23;
	[dreg:$0xc] =	wrdreg s26  }
0x1b: {  	s25 =	sadd.s32 s11, s22;
	[dreg:$0xd] =	wrdreg s10  }
0x1c: {  	s8 =	sshrl.u32 s8, $0x2;
	s22 =	sadd.s32 s6, s22;
	[dreg:$0x14] =	wrdreg s25  }
0x1d: {  	s8 =	sadd.s32 s8, s2;
	[dreg:$0x1c] =	wrdreg s22  }
0x1e: {  	s26 =	sadd.s32 s11, s14;
	[smem:$0x7E6] =	sst s8  }
0x1f: {  	[dreg:$0xf] =	wrdreg s26;
	s26 =	sadd.s32 s11, s13  }
0x20: {  	s31 =	sadd.s32 $0x57D200, s5;
	[dreg:$0x11] =	wrdreg s26;
	s26 =	sadd.s32 s11, s0  }
0x21: {  	s12 =	smul.u32 $0x5000, s12;
	s0 =	sadd.s32 s6, s0;
	[dreg:$0x13] =	wrdreg s26  }
0x22: {  	s21 =	smul.u32 $0x5000, s21;
	s26 =	sadd.s32 s11, s23;
	[dreg:$0x1b] =	wrdreg s0  }
0x23: {  	s9 =	smul.u32 $0x28000, s24;
	s11 =	sadd.s32 s6, s14;
	[dreg:$0x15] =	wrdreg s26  }
0x24: {  	s10 =	smul.u32 $0x5000, s24;
	s14 =	sadd.s32 s6, s16;
	[dreg:$0x17] =	wrdreg s11  }
0x25: {  	s25 =	sadd.s32 $0x7FD200, s5;
	s16 =	sadd.s32 s6, s13;
	[dreg:$0x18] =	wrdreg s14  }
0x26: {  	s23 =	sadd.s32 s6, s23;
	s0 =	sshll.u32 s4, $0x7;
	[dreg:$0x19] =	wrdreg s16  }
0x27: {  	s4 =	smul.u32 $0x50, s24;
	[dreg:$0x1d] =	wrdreg s23;
	s26 =	sadd.s32 $0xA7D200, s5  }
0x28: {  	s14 =	sor.u32 s0, s10;
	s16 =	sshrl.u32 s9, $0x2;
	s10 =	sshrl.u32 s10, $0x2  }
0x29: {  	s22 =	sshrl.u32 s14, $0x3;
	s19 =	sadd.s32 $0x4F, s4;
	s13 =	sadd.s32 s26, s9  }
0x2a: {  	s6 =	sadd.s32 s16, s2;
	s16 =	sadd.s32 s1, s22;
	[smem:$0x7FC] =	sst s13  }
0x2b: {  	s22 =	sadd.s32 s25, s9;
	s9 =	sadd.s32 s31, s9;
	[dreg:$0x1e] =	wrdreg s16  }
0x2c: {  	s23 =	sshll.u32 s19, $0xB;
	s8 =	sadd.s32 $0x3800, s6;
	[smem:$0x7DD] =	sst s9  }
0x2d: {  	s11 =	sadd.s32 s25, s23;
	s25 =	smul.u32 $0x5000, s15;
	[smem:$0x7EE] =	sst s8  }
0x2e: {  	s24 =	sadd.s32 s26, s23;
	s26 =	smul.u32 $0x5000, s17;
	[dreg:$0x1f] =	wrdreg s22  }
0x2f: {  	s15 =	sshrl.u32 s12, $0x2;
	s16 =	smul.u32 $0x5000, s18;
	[smem:$0x7DB] =	sst s11  }
0x30: {  	s9 =	sadd.s32 s10, s2;
	s18 =	smul.u32 $0x5000, s20;
	[smem:$0x7DC] =	sst s24  }
0x31: {  	s12 =	sor.u32 $0x100, s14;
	s22 =	sadd.s32 $0x1000, s22;
	[smem:$0x7DF] =	sst s9  }
0x32: {  	s17 =	sadd.s32 s15, s2;
	s15 =	sshrl.u32 s12, $0x3;
	[smem:$0x7FB] =	sst s22  }
0x33: {  	s12 =	sadd.s32 $0x5800, s6;
	[smem:$0x7E0] =	sst s17;
	s20 =	sshrl.u32 s25, $0x2  }
0x34: {  	s23 =	sshrl.u32 s16, $0x2;
	s16 =	sor.u32 $0x200, s14;
	[smem:$0x7F2] =	sst s12  }
0x35: {  	s7 =	sshrl.u32 s26, $0x2;
	s17 =	sadd.s32 $0x800, s6;
	[smem:$0x7E7] =	sst s16  }
0x36: {  	s24 =	sshrl.u32 s18, $0x2;
	s18 =	sadd.s32 $0x1000, s6;
	[smem:$0x7E8] =	sst s17  }
0x37: {  	s26 =	sshll.u32 s19, $0x8;
	s19 =	sadd.s32 $0x1800, s6;
	[smem:$0x7E9] =	sst s18  }
0x38: {  	s25 =	sshrl.u32 s21, $0x2;
	s21 =	sadd.s32 $0x2800, s6;
	[smem:$0x7EA] =	sst s19  }
0x39: {  	s14 =	sadd.s32 $0x6000, s6;
	[smem:$0x7EC] =	sst s21  }
0x3a: {  	s10 =	sadd.s32 s20, s2;
	[smem:$0x7F3] =	sst s14  }
0x3b: {  	s28 =	simm.s32 $0x3;
	s7 =	sadd.s32 s7, s2;
	[smem:$0x7E1] =	sst s10  }
0x3c: {  	s29 =	simm.s32 $0xC000;
	s9 =	sadd.s32 s25, s2;
	[smem:$0x7E2] =	sst s7  }
0x3d: {  	s30 =	simm.s32 $0xC080;
	s20 =	sadd.s32 $0x2000, s6;
	[smem:$0x7E5] =	sst s9  }
0x3e: {  	s11 =	sor.u32 s0, s26;
	s26 =	sadd.s32 $0x3000, s6;
	[smem:$0x7EB] =	sst s20  }
0x3f: {  	s5 =	sadd.s32 $0x2FD200, s5;
	s16 =	sadd.s32 $0x7000, s6;
	[smem:$0x7ED] =	sst s26  }
0x40: {  	s8 =	simm.s32 $0xC100;
	s17 =	sadd.s32 $0x7800, s6;
	[smem:$0x7F5] =	sst s16  }
0x41: {  	s22 =	simm.s32 $0x11900;
	s18 =	sadd.s32 $0x8000, s6;
	[smem:$0x7F6] =	sst s17  }
0x42: {  	s12 =	simm.s32 $0x80;
	s19 =	sadd.s32 $0x8800, s6;
	[smem:$0x7F7] =	sst s18  }
0x43: {  	s25 =	sor.u32 $0x2, s4;
	s21 =	sadd.s32 $0x9800, s6;
	[smem:$0x7F8] =	sst s19  }
0x44: {  	s14 =	simm.s32 $0x0;
	s7 =	sadd.s32 s23, s2;
	[smem:$0x7FA] =	sst s21  }
0x45: {  	s9 =	sadd.s32 $0x4000, s6;
	s10 =	sadd.s32 $0x4800, s6;
	[smem:$0x7E3] =	sst s7  }
0x46: {  	s20 =	sadd.s32 $0x9000, s6;
	s26 =	sadd.s32 $0x1000, s13;
	[smem:$0x7EF] =	sst s9  }
0x47: {  	s13 =	simm.s32 $0x8000;
	s7 =	sadd.s32 s24, s2;
	[smem:$0x7F0] =	sst s10  }
0x48: {  	s24 =	sadd.s32 s15, s1;
	s15 =	sadd.s32 $0x6800, s6;
	[smem:$0x7F9] =	sst s20  }
0x49: {  	[smem:$0x7FD] =	sst s26;
	s26 =	simm.s32 $0x11100;
	s9 =	simm.s32 $0x4000  }
0x4a: {  	s10 =	simm.s32 $0x1;
	[smem:$0x7E4] =	sst s7;
	s7 =	sshrl.u32 s11, $0x3  }
0x4b: {  	v1 =	vlaneseq.u32;
	s11 =	sadd.s32 $0x5000, s6;
	[smem:$0x7F4] =	sst s15;
	s23 =	sadd.s32 s1, s7  }
0x4c: {  	v0 =	vimm.f32 $0.0e+00;
	v2 =	vimm.f32 $1.000000000e+00;
	v1 =	vmul.u32 $0x80, v1;
	[smem:$0x7F1] =	sst s11;
	s11 =	simm.s32 $0x2;
	s7 =	simm.s32 $0x4  }
.LBB2_1:
0x4d: {  	s16 =	simm.s32 $0x0;
	s15 =	simm.s32 $0x200  }
.LBB2_2:
0x4e: {  	p1 =	sne.s32 s15, $0x1E00;
	[tilespmem:s16+$0x11170] =	vst v0  }
0x4f: {  	[tilespmem:s16+$0x11100] =	vst v0  }
0x50: {  	[tilespmem:s16+$0x11110] =	vst v0  }
.Ltmp0:
0x51: {  	[tilespmem:s16+$0x11120] =	vst v0;
	(pc) =	sbr.rel @p1 .LBB2_2-.Ltmp0, $4  }
0x52: {  	[tilespmem:s16+$0x11130] =	vst v0  }
0x53: {  	[tilespmem:s16+$0x11140] =	vst v0  }
0x54: {  	[tilespmem:s16+$0x11150] =	vst v0  }
0x55: {  	[tilespmem:s16+$0x11160] =	vst v0;
	s16 =	sshra.s32 s15, $0x2;
	s15 =	sadd.s32 $0x200, s15  }
0x56: {  	[tilespmem:s16+$0x11170] =	vst v0  }
0x57: {  	[tilespmem:s16+$0x11100] =	vst v0  }
0x58: {  	[tilespmem:s16+$0x11110] =	vst v0  }
0x59: {  	[tilespmem:s16+$0x11120] =	vst v0  }
0x5a: {  	[tilespmem:s16+$0x11130] =	vst v0  }
0x5b: {  	s15 =	simm.s32 $0x0;
	[tilespmem:s16+$0x11140] =	vst v0  }
0x5c: {  	[tilespmem:s16+$0x11150] =	vst v0;
	s17 =	sand.u32 $0x70, s15;
	s18 =	sand.u32 $0x7E00, s15  }
0x5d: {  	[tilespmem:s16+$0x11160] =	vst v0;
	s16 =	sor.u32 s17, s18  }
0x5e: {  	s17 =	simm.s32 $0x10;
	s18 =	simm.s32 $0x0;
	[tilespmem:s16+$0xC100] =	vst v0  }
.LBB2_4:
0x5f: {  	p1 =	sne.s32 s17, $0x13F0  }
.Ltmp1:
0x60: {  	_ = 	snop;
	(pc) =	sbr.rel @p1 .LBB2_4-.Ltmp1, $4  }
0x61: {  	s18 =	sadd.s32 $0x40, s18  }
0x62: {  	s19 =	sand.u32 $0x70, s17;
	s20 =	sand.u32 $0x7E00, s18  }
0x63: {  	s19 =	sor.u32 s19, s20  }
0x64: {  	s17 =	sadd.s32 $0x10, s17;
	[tilespmem:s19+$0xC100] =	vst v0  }
0x65: {  	s17 =	simm.s32 $0x10;
	[tilespmem:s16+$0xC180] =	vst v0  }
.LBB2_6:
0x66: {  	p1 =	sne.s32 s17, $0x13F0  }
.Ltmp2:
0x67: {  	_ = 	snop;
	(pc) =	sbr.rel @p1 .LBB2_6-.Ltmp2, $4  }
0x68: {  	s15 =	sadd.s32 $0x40, s15  }
0x69: {  	s16 =	sand.u32 $0x70, s17;
	s18 =	sand.u32 $0x7E00, s15  }
0x6a: {  	s16 =	sor.u32 s16, s18  }
0x6b: {  	s17 =	sadd.s32 $0x10, s17;
	[tilespmem:s16+$0xC180] =	vst v0;
	s16 =	simm.s32 $0x0  }
0x6c: {  	s15 =	sand.u32 $0x70, s16;
	s17 =	sand.u32 $0x7E00, s16  }
0x6d: {  	s15 =	sor.u32 s15, s17  }
0x6e: {  	s18 =	simm.s32 $0x0;
	s17 =	simm.s32 $0x10;
	[tilespmem:s15+$0xC200] =	vst v0  }
.LBB2_8:
0x6f: {  	p1 =	sne.s32 s17, $0x13F0  }
.Ltmp3:
0x70: {  	_ = 	snop;
	(pc) =	sbr.rel @p1 .LBB2_8-.Ltmp3, $4  }
0x71: {  	s18 =	sadd.s32 $0x40, s18  }
0x72: {  	s19 =	sand.u32 $0x70, s17;
	s20 =	sand.u32 $0x7E00, s18  }
0x73: {  	s19 =	sor.u32 s19, s20  }
0x74: {  	s17 =	sadd.s32 $0x10, s17;
	[tilespmem:s19+$0xC200] =	vst v0  }
0x75: {  	s17 =	simm.s32 $0x10;
	[tilespmem:s15+$0xC280] =	vst v0  }
.LBB2_10:
0x76: {  	p1 =	sne.s32 s17, $0x13F0  }
.Ltmp4:
0x77: {  	_ = 	snop;
	(pc) =	sbr.rel @p1 .LBB2_10-.Ltmp4, $4  }
0x78: {  	s16 =	sadd.s32 $0x40, s16  }
0x79: {  	s15 =	sand.u32 $0x70, s17;
	s18 =	sand.u32 $0x7E00, s16  }
0x7a: {  	s15 =	sor.u32 s15, s18  }
0x7b: {  	s17 =	sadd.s32 $0x10, s17;
	[tilespmem:s15+$0xC280] =	vst v0  }
0x7c: {  	[spmem:s6] =	stream.linear.scatter [tilespmem:s26], [sflag:$0x3], $0x800, $0x38;
	[tilespmem:$0x1CD00] =	vst v63  }
0x7d: {  	_ =	swait.ge [sflag:s28], $0x800  }
0x7e: {  	s15 =	sld [smem:$0x7E8]  }
0x7f: {  	[sflag:s28] =	ssyncset.done $0x0  }
0x80: {  	[sflag:s28] =	ssyncadd.s32 $0xFFFFF800  }
0x81: {  	[spmem:s15] =	stream.linear.scatter [tilespmem:s26], [sflag:$0x3], $0x800, $0x38;
	[tilespmem:$0x1CD00] =	vst v63  }
0x82: {  	_ =	swait.ge [sflag:s28], $0x800  }
0x83: {  	s21 =	sld [smem:$0x7E9]  }
0x84: {  	[sflag:s28] =	ssyncset.done $0x0  }
0x85: {  	[sflag:s28] =	ssyncadd.s32 $0xFFFFF800  }
0x86: {  	[spmem:s21] =	stream.linear.scatter [tilespmem:s26], [sflag:$0x3], $0x800, $0x38;
	[tilespmem:$0x1CD00] =	vst v63  }
0x87: {  	_ =	swait.ge [sflag:s28], $0x800  }
0x88: {  	s16 =	sld [smem:$0x7EA]  }
0x89: {  	[sflag:s28] =	ssyncset.done $0x0  }
0x8a: {  	[sflag:s28] =	ssyncadd.s32 $0xFFFFF800  }
0x8b: {  	[spmem:s16] =	stream.linear.scatter [tilespmem:s26], [sflag:$0x3], $0x800, $0x38;
	[tilespmem:$0x1CD00] =	vst v63  }
0x8c: {  	_ =	swait.ge [sflag:s28], $0x800  }
0x8d: {  	s17 =	sld [smem:$0x7EB]  }
0x8e: {  	[sflag:s28] =	ssyncset.done $0x0  }
0x8f: {  	[sflag:s28] =	ssyncadd.s32 $0xFFFFF800  }
0x90: {  	[spmem:s17] =	stream.linear.scatter [tilespmem:s26], [sflag:$0x3], $0x800, $0x38;
	[tilespmem:$0x1CD00] =	vst v63  }
0x91: {  	_ =	swait.ge [sflag:s28], $0x800  }
0x92: {  	s18 =	sld [smem:$0x7EC]  }
0x93: {  	[sflag:s28] =	ssyncset.done $0x0  }
0x94: {  	[sflag:s28] =	ssyncadd.s32 $0xFFFFF800  }
0x95: {  	[spmem:s18] =	stream.linear.scatter [tilespmem:s26], [sflag:$0x3], $0x800, $0x38;
	[tilespmem:$0x1CD00] =	vst v63  }
0x96: {  	_ =	swait.ge [sflag:s28], $0x800  }
0x97: {  	s19 =	sld [smem:$0x7ED]  }
0x98: {  	[sflag:s28] =	ssyncset.done $0x0  }
0x99: {  	[sflag:s28] =	ssyncadd.s32 $0xFFFFF800  }
0x9a: {  	[spmem:s19] =	stream.linear.scatter [tilespmem:s26], [sflag:$0x3], $0x800, $0x38;
	[tilespmem:$0x1CD00] =	vst v63  }
0x9b: {  	_ =	swait.ge [sflag:s28], $0x800  }
0x9c: {  	s20 =	sld [smem:$0x7EE]  }
0x9d: {  	[sflag:s28] =	ssyncset.done $0x0  }
0x9e: {  	[sflag:s28] =	ssyncadd.s32 $0xFFFFF800  }
0x9f: {  	[spmem:s20] =	stream.linear.scatter [tilespmem:s26], [sflag:$0x3], $0x800, $0x38;
	[tilespmem:$0x1CD00] =	vst v63  }
0xa0: {  	_ =	swait.ge [sflag:s28], $0x800  }
0xa1: {  	s21 =	sld [smem:$0x7EF]  }
0xa2: {  	[sflag:s28] =	ssyncset.done $0x0  }
0xa3: {  	[sflag:s28] =	ssyncadd.s32 $0xFFFFF800  }
0xa4: {  	[spmem:s21] =	stream.linear.scatter [tilespmem:s26], [sflag:$0x3], $0x800, $0x38;
	[tilespmem:$0x1CD00] =	vst v63  }
0xa5: {  	_ =	swait.ge [sflag:s28], $0x800  }
0xa6: {  	s16 =	sld [smem:$0x7F0]  }
0xa7: {  	[sflag:s28] =	ssyncset.done $0x0  }
0xa8: {  	[sflag:s28] =	ssyncadd.s32 $0xFFFFF800  }
0xa9: {  	[spmem:s16] =	stream.linear.scatter [tilespmem:s26], [sflag:$0x3], $0x800, $0x38;
	[tilespmem:$0x1CD00] =	vst v63  }
0xaa: {  	_ =	swait.ge [sflag:s28], $0x800  }
0xab: {  	s17 =	sld [smem:$0x7F1]  }
0xac: {  	[sflag:s28] =	ssyncset.done $0x0  }
0xad: {  	[sflag:s28] =	ssyncadd.s32 $0xFFFFF800  }
0xae: {  	[spmem:s17] =	stream.linear.scatter [tilespmem:s26], [sflag:$0x3], $0x800, $0x38;
	[tilespmem:$0x1CD00] =	vst v63  }
0xaf: {  	_ =	swait.ge [sflag:s28], $0x800  }
0xb0: {  	s18 =	sld [smem:$0x7F2]  }
0xb1: {  	[sflag:s28] =	ssyncset.done $0x0  }
0xb2: {  	[sflag:s28] =	ssyncadd.s32 $0xFFFFF800  }
0xb3: {  	[spmem:s18] =	stream.linear.scatter [tilespmem:s26], [sflag:$0x3], $0x800, $0x38;
	[tilespmem:$0x1CD00] =	vst v63  }
0xb4: {  	_ =	swait.ge [sflag:s28], $0x800  }
0xb5: {  	s19 =	sld [smem:$0x7F3]  }
0xb6: {  	[sflag:s28] =	ssyncset.done $0x0  }
0xb7: {  	[sflag:s28] =	ssyncadd.s32 $0xFFFFF800  }
0xb8: {  	[spmem:s19] =	stream.linear.scatter [tilespmem:s26], [sflag:$0x3], $0x800, $0x38;
	[tilespmem:$0x1CD00] =	vst v63  }
0xb9: {  	_ =	swait.ge [sflag:s28], $0x800  }
0xba: {  	s20 =	sld [smem:$0x7F4]  }
0xbb: {  	[sflag:s28] =	ssyncset.done $0x0  }
0xbc: {  	[sflag:s28] =	ssyncadd.s32 $0xFFFFF800  }
0xbd: {  	[spmem:s20] =	stream.linear.scatter [tilespmem:s26], [sflag:$0x3], $0x800, $0x38;
	[tilespmem:$0x1CD00] =	vst v63  }
0xbe: {  	_ =	swait.ge [sflag:s28], $0x800  }
0xbf: {  	s21 =	sld [smem:$0x7F5]  }
0xc0: {  	[sflag:s28] =	ssyncset.done $0x0  }
0xc1: {  	[sflag:s28] =	ssyncadd.s32 $0xFFFFF800  }
0xc2: {  	[spmem:s21] =	stream.linear.scatter [tilespmem:s26], [sflag:$0x3], $0x800, $0x38;
	[tilespmem:$0x1CD00] =	vst v63  }
0xc3: {  	_ =	swait.ge [sflag:s28], $0x800  }
0xc4: {  	s16 =	sld [smem:$0x7F6]  }
0xc5: {  	[sflag:s28] =	ssyncset.done $0x0  }
0xc6: {  	[sflag:s28] =	ssyncadd.s32 $0xFFFFF800  }
0xc7: {  	[spmem:s16] =	stream.linear.scatter [tilespmem:s26], [sflag:$0x3], $0x800, $0x38;
	[tilespmem:$0x1CD00] =	vst v63  }
0xc8: {  	_ =	swait.ge [sflag:s28], $0x800  }
0xc9: {  	s17 =	sld [smem:$0x7F7]  }
0xca: {  	[sflag:s28] =	ssyncset.done $0x0  }
0xcb: {  	[sflag:s28] =	ssyncadd.s32 $0xFFFFF800  }
0xcc: {  	[spmem:s17] =	stream.linear.scatter [tilespmem:s26], [sflag:$0x3], $0x800, $0x38;
	[tilespmem:$0x1CD00] =	vst v63  }
0xcd: {  	_ =	swait.ge [sflag:s28], $0x800  }
0xce: {  	s18 =	sld [smem:$0x7F8]  }
0xcf: {  	[sflag:s28] =	ssyncset.done $0x0  }
0xd0: {  	[sflag:s28] =	ssyncadd.s32 $0xFFFFF800  }
0xd1: {  	[spmem:s18] =	stream.linear.scatter [tilespmem:s26], [sflag:$0x3], $0x800, $0x38;
	[tilespmem:$0x1CD00] =	vst v63  }
0xd2: {  	_ =	swait.ge [sflag:s28], $0x800  }
0xd3: {  	s19 =	sld [smem:$0x7F9]  }
0xd4: {  	[sflag:s28] =	ssyncset.done $0x0  }
0xd5: {  	[sflag:s28] =	ssyncadd.s32 $0xFFFFF800  }
0xd6: {  	[spmem:s19] =	stream.linear.scatter [tilespmem:s26], [sflag:$0x3], $0x800, $0x38;
	[tilespmem:$0x1CD00] =	vst v63  }
0xd7: {  	_ =	swait.ge [sflag:s28], $0x800  }
0xd8: {  	s20 =	sld [smem:$0x7FA]  }
0xd9: {  	[sflag:s28] =	ssyncset.done $0x0  }
0xda: {  	[sflag:s28] =	ssyncadd.s32 $0xFFFFF800  }
0xdb: {  	[spmem:s20] =	stream.linear.scatter [tilespmem:s26], [sflag:$0x3], $0x800, $0x38;
	[tilespmem:$0x1CD00] =	vst v63  }
0xdc: {  	_ =	swait.ge [sflag:s28], $0x800  }
0xdd: {  	[sflag:s28] =	ssyncset.done $0x0  }
0xde: {  	[sflag:s28] =	ssyncadd.s32 $0xFFFFF800  }
0xdf: {  	[bflag:$0x0] =	sbarrier.arrive $0xFFFF  }
0xe0: {  	s16 =	rddreg [dreg:$0x1e]  }
0xe1: {  	s15 =	simm.s32 $0x0;
	s21 =	sld [smem:$0x7DD]  }
0xe2: {  	[tilespmem:s29], [sflag:$0x1] =	stream.linear.gather [hbm4b:s16+s15], $0x80, $0x38;
	[tilespmem:$0x1CD00] =	vst v63  }
0xe3: {  	s16 =	simm.s32 $0x0  }
0xe4: {  	[tilespmem:s15], [sflag:$0x1] =	stream.linear.gather [hbm4b:s21+s15], $0x4000, $0x38;
	[tilespmem:$0x1CD00] =	vst v63  }
.LBB2_12:
0xe5: {  	s18 =	sshll.u32 s16, $0x1  }
0xe6: {  	s20 =	sadd.s32 s4, s18  }
0xe7: {  	s17 =	sadd.s32 $0x1, s20  }
0xe8: {  	s19 =	sshll.u32 s17, $0x8  }
0xe9: {  	s19 =	sor.u32 s0, s19  }
0xea: {  	s19 =	sshrl.u32 s19, $0x3  }
0xeb: {  	s17 =	sshll.u32 s17, $0xB;
	s19 =	sadd.s32 s1, s19  }
0xec: {  	[tilespmem:s30], [sflag:$0x2] =	stream.linear.gather [hbm4b:s19+s15], $0x80, $0x38;
	[tilespmem:$0x1CD00] =	vst v63  }
0xed: {  	s21 =	sadd.s32 s31, s17  }
0xee: {  	[tilespmem:s9], [sflag:$0x2] =	stream.linear.gather [hbm4b:s21+s15], $0x4000, $0x38;
	[tilespmem:$0x1CD00] =	vst v63  }
0xef: {  	_ =	swait.ge [sflag:s10], $0x80  }
0xf0: {  	[sflag:s10] =	ssyncset.done $0x0  }
0xf1: {  	[sflag:s10] =	ssyncadd.s32 $0xFFFFFF80  }
0xf2: {  	_ =	swait.ge [sflag:s10], $0x4000  }
0xf3: {  	[sflag:s10] =	ssyncset.done $0x0  }
0xf4: {  	s19 =	simm.s32 $0xC000;
	[sflag:s10] =	ssyncadd.s32 $0xFFFFC000  }
0xf5: {  	[spmem:s2] =	stream.indirect.scatter.add.f32 [tilespmem:s15], [sflag:$0x3], $0x80, s19, s12, $0xb8;
	[tilespmem:$0x1CD00] =	vst v63  }
0xf6: {  	_ =	swait.ge [sflag:s28], $0x4000  }
0xf7: {  	s20 =	sshll.u32 s20, $0xB;
	[sflag:s28] =	ssyncset.done $0x0  }
0xf8: {  	s20 =	sadd.s32 s5, s20;
	[sflag:s28] =	ssyncadd.s32 $0xFFFFC000  }
0xf9: {  	[tilespmem:s13], [sflag:$0x3] =	stream.linear.gather [hbm4b:s20+s15], $0x4000, $0x38;
	[tilespmem:$0x1CD00] =	vst v63  }
0xfa: {  	_ =	swait.ge [sflag:s28], $0x4000  }
0xfb: {  	[sflag:s28] =	ssyncset.done $0x0  }
0xfc: {  	[sflag:s28] =	ssyncadd.s32 $0xFFFFC000  }
0xfd: {  	v3 =	vmov s15;
	v4 =	vld [tilespmem:s19+$0x0]  }
0xfe: {  	v3 =	vshll.u32 v3, $0x7  }
0xff: {  	v3 =	vor.u32 v1, v3;
	_ =	sdelay $0x2  }
0x100: {  	v5 =	vshll.u32 v4, $0x2  }
0x101: {  	v4 =	vand.u32 $0x7F, v4;
	v5 =	vand.u32 $0xFFFFFE00, v5  }
0x102: {  	v6 =	vld.idx.msk [tilespmem:v3+s13+$0x0], $0xffff;
	v4 =	vor.u32 v4, v5  }
0x103: {  	v5 =	vor.u32 $0x1, v3;
	_ =	sdelay $0x3  }
0x104: {  	[tilespmem:v4+s8+$0x0] =	vst.idx.add.f32.msk $0xffff, v6  }
0x105: {  	v62 =	vor.u32 $0x80, v4;
	v5 =	vld.idx.msk [tilespmem:v5+s13+$0x0], $0xffff  }
0x106: {  	v3 =	vor.u32 $0x2, v3;
	_ =	sdelay $0x3  }
0x107: {  	[tilespmem:v62+s8+$0x0] =	vst.idx.add.f32.msk $0xffff, v5  }
0x108: {  	v63 =	vor.u32 $0x100, v4;
	v5 =	vld.idx.msk [tilespmem:v3+s13+$0x0], $0xffff;
	_ =	sdelay $0x1  }
0x109: {  	v3 =	vor.u32 $0x180, v4;
	_ =	sdelay $0x2  }
0x10a: {  	s21 =	simm.s32 $0x20;
	s20 =	simm.s32 $0x10;
	[tilespmem:v63+s8+$0x0] =	vst.idx.add.f32.msk $0xffff, v5  }
.LBB2_13:
0x10b: {  	p1 =	sne.s32 s21, $0x70  }
0x10c: {  	v4 =	vmov s20;
	[tilespmem:v3+s8+$0x0] =	vst.idx.add.f32.msk $0xffff, v2;
	s19 =	sadd.s32 $0x10, s19;
	s20 =	smov.u32 s21;
	s21 =	sadd.s32 $0x10, s21  }
0x10d: {  	v3 =	vld [tilespmem:s19+$0x0];
	v4 =	vshll.u32 v4, $0x7  }
0x10e: {  	v4 =	vor.u32 v1, v4;
	_ =	sdelay $0x3  }
0x10f: {  	v5 =	vshll.u32 v3, $0x2  }
0x110: {  	v3 =	vand.u32 $0x7F, v3;
	v6 =	vld.idx.msk [tilespmem:v4+s13+$0x0], $0xffff;
	v5 =	vand.u32 $0xFFFFFE00, v5  }
0x111: {  	v3 =	vor.u32 v3, v5  }
0x112: {  	v5 =	vor.u32 $0x1, v4;
	_ =	sdelay $0x3  }
0x113: {  	[tilespmem:v3+s8+$0x0] =	vst.idx.add.f32.msk $0xffff, v6  }
0x114: {  	v5 =	vld.idx.msk [tilespmem:v5+s13+$0x0], $0xffff  }
0x115: {  	v6 =	vor.u32 $0x80, v3  }
0x116: {  	v4 =	vor.u32 $0x2, v4;
	_ =	sdelay $0x3  }
0x117: {  	[tilespmem:v6+s8+$0x0] =	vst.idx.add.f32.msk $0xffff, v5  }
0x118: {  	v4 =	vld.idx.msk [tilespmem:v4+s13+$0x0], $0xffff  }
0x119: {  	v5 =	vor.u32 $0x100, v3  }
.Ltmp5:
0x11a: {  	v3 =	vor.u32 $0x180, v3;
	(pc) =	sbr.rel @p1 .LBB2_13-.Ltmp5, $2  }
0x11b: {  	_ =	sdelay $0x2  }
0x11c: {  	[tilespmem:v5+s8+$0x0] =	vst.idx.add.f32.msk $0xffff, v4  }
0x11d: {  	_ =	sdelay $0x3  }
0x11e: {  	[tilespmem:v3+s8+$0x0] =	vst.idx.add.f32.msk $0xffff, v2;
	s19 =	sadd.s32 $0x10, s19  }
0x11f: {  	v3 =	vmov s20;
	v4 =	vld [tilespmem:s19+$0x0]  }
0x120: {  	v3 =	vshll.u32 v3, $0x7  }
0x121: {  	v3 =	vor.u32 v1, v3;
	_ =	sdelay $0x2  }
0x122: {  	v5 =	vshll.u32 v4, $0x2  }
0x123: {  	v4 =	vand.u32 $0x7F, v4;
	v5 =	vand.u32 $0xFFFFFE00, v5  }
0x124: {  	v6 =	vld.idx.msk [tilespmem:v3+s13+$0x0], $0xffff;
	v4 =	vor.u32 v4, v5  }
0x125: {  	v5 =	vor.u32 $0x1, v3;
	_ =	sdelay $0x3  }
0x126: {  	[tilespmem:v4+s8+$0x0] =	vst.idx.add.f32.msk $0xffff, v6  }
0x127: {  	v60 =	vor.u32 $0x80, v4;
	v5 =	vld.idx.msk [tilespmem:v5+s13+$0x0], $0xffff  }
0x128: {  	v3 =	vor.u32 $0x2, v3;
	_ =	sdelay $0x3  }
0x129: {  	[tilespmem:v60+s8+$0x0] =	vst.idx.add.f32.msk $0xffff, v5  }
0x12a: {  	v5 =	vor.u32 $0x100, v4;
	v3 =	vld.idx.msk [tilespmem:v3+s13+$0x0], $0xffff  }
0x12b: {  	p1 =	seq.s32 s16, $0x27;
	v4 =	vor.u32 $0x180, v4  }
0x12c: {  	s18 =	sadd.s32 @!p1 s25, s18  }
0x12d: {  	s19 =	sshll.u32 @!p1 s18, $0x8  }
0x12e: {  	s19 =	sor.u32 @!p1 s0, s19  }
0x12f: {  	s20 =	simm.s32 @!p1 $0x0;
	s19 =	sshrl.u32 @!p1 s19, $0x3;
	[tilespmem:v5+s8+$0x0] =	vst.idx.add.f32.msk $0xffff, v3  }
0x130: {  	s21 =	simm.s32 @!p1 $0xC000;
	s18 =	sshll.u32 @!p1 s18, $0xB;
	s19 =	sadd.s32 @!p1 s1, s19;
	[tilespmem:v4+s8+$0x0] =	vst.idx.add.f32.msk $0xffff, v2  }
0x131: {  	[tilespmem:s21], [sflag:$0x1] =	stream.linear.gather @!p1 [hbm4b:s19+s20], $0x80, $0x38;
	[tilespmem:$0x1CD00] =	vst v63  }
0x132: {  	s18 =	sadd.s32 @!p1 s31, s18  }
0x133: {  	[tilespmem:s20], [sflag:$0x1] =	stream.linear.gather @!p1 [hbm4b:s18+s20], $0x4000, $0x38;
	[tilespmem:$0x1CD00] =	vst v63  }
0x134: {  	_ =	swait.ge [sflag:s11], $0x80  }
0x135: {  	[sflag:s11] =	ssyncset.done $0x0  }
0x136: {  	[sflag:s11] =	ssyncadd.s32 $0xFFFFFF80  }
0x137: {  	_ =	swait.ge [sflag:s11], $0x4000  }
0x138: {  	[sflag:s11] =	ssyncset.done $0x0  }
0x139: {  	s18 =	simm.s32 $0xC080;
	[sflag:s11] =	ssyncadd.s32 $0xFFFFC000  }
0x13a: {  	[spmem:s2] =	stream.indirect.scatter.add.f32 [tilespmem:s9], [sflag:$0x3], $0x80, s18, s12, $0xb8;
	[tilespmem:$0x1CD00] =	vst v63  }
0x13b: {  	_ =	swait.ge [sflag:s28], $0x4000  }
0x13c: {  	[sflag:s28] =	ssyncset.done $0x0  }
0x13d: {  	s17 =	sadd.s32 s5, s17;
	s21 =	simm.s32 $0x0;
	[sflag:s28] =	ssyncadd.s32 $0xFFFFC000  }
0x13e: {  	[tilespmem:s13], [sflag:$0x3] =	stream.linear.gather [hbm4b:s17+s21], $0x4000, $0x38;
	[tilespmem:$0x1CD00] =	vst v63  }
0x13f: {  	_ =	swait.ge [sflag:s28], $0x4000  }
0x140: {  	[sflag:s28] =	ssyncset.done $0x0  }
0x141: {  	[sflag:s28] =	ssyncadd.s32 $0xFFFFC000  }
0x142: {  	v3 =	vmov s21;
	v4 =	vld [tilespmem:s18+$0x0]  }
0x143: {  	v3 =	vshll.u32 v3, $0x7  }
0x144: {  	v3 =	vor.u32 v1, v3;
	_ =	sdelay $0x2  }
0x145: {  	v5 =	vshll.u32 v4, $0x2  }
0x146: {  	v4 =	vand.u32 $0x7F, v4;
	v5 =	vand.u32 $0xFFFFFE00, v5  }
0x147: {  	v61 =	vld.idx.msk [tilespmem:v3+s13+$0x0], $0xffff;
	v4 =	vor.u32 v4, v5  }
0x148: {  	v5 =	vor.u32 $0x1, v3;
	_ =	sdelay $0x3  }
0x149: {  	[tilespmem:v4+s8+$0x0] =	vst.idx.add.f32.msk $0xffff, v61  }
0x14a: {  	v62 =	vor.u32 $0x80, v4;
	v5 =	vld.idx.msk [tilespmem:v5+s13+$0x0], $0xffff  }
0x14b: {  	v3 =	vor.u32 $0x2, v3;
	_ =	sdelay $0x3  }
0x14c: {  	[tilespmem:v62+s8+$0x0] =	vst.idx.add.f32.msk $0xffff, v5  }
0x14d: {  	v63 =	vor.u32 $0x100, v4;
	v5 =	vld.idx.msk [tilespmem:v3+s13+$0x0], $0xffff;
	_ =	sdelay $0x1  }
0x14e: {  	v3 =	vor.u32 $0x180, v4;
	_ =	sdelay $0x2  }
0x14f: {  	s19 =	simm.s32 $0x20;
	s17 =	simm.s32 $0x10;
	[tilespmem:v63+s8+$0x0] =	vst.idx.add.f32.msk $0xffff, v5  }
.LBB2_15:
0x150: {  	p1 =	sne.s32 s19, $0x70  }
0x151: {  	v4 =	vmov s17;
	[tilespmem:v3+s8+$0x0] =	vst.idx.add.f32.msk $0xffff, v2;
	s18 =	sadd.s32 $0x10, s18;
	s17 =	smov.u32 s19;
	s19 =	sadd.s32 $0x10, s19  }
0x152: {  	v3 =	vld [tilespmem:s18+$0x0];
	v4 =	vshll.u32 v4, $0x7  }
0x153: {  	v4 =	vor.u32 v1, v4;
	_ =	sdelay $0x3  }
0x154: {  	v5 =	vshll.u32 v3, $0x2  }
0x155: {  	v3 =	vand.u32 $0x7F, v3;
	v6 =	vld.idx.msk [tilespmem:v4+s13+$0x0], $0xffff;
	v5 =	vand.u32 $0xFFFFFE00, v5  }
0x156: {  	v3 =	vor.u32 v3, v5  }
0x157: {  	v5 =	vor.u32 $0x1, v4;
	_ =	sdelay $0x3  }
0x158: {  	[tilespmem:v3+s8+$0x0] =	vst.idx.add.f32.msk $0xffff, v6  }
0x159: {  	v5 =	vld.idx.msk [tilespmem:v5+s13+$0x0], $0xffff  }
0x15a: {  	v6 =	vor.u32 $0x80, v3  }
0x15b: {  	v4 =	vor.u32 $0x2, v4;
	_ =	sdelay $0x3  }
0x15c: {  	[tilespmem:v6+s8+$0x0] =	vst.idx.add.f32.msk $0xffff, v5  }
0x15d: {  	v4 =	vld.idx.msk [tilespmem:v4+s13+$0x0], $0xffff  }
0x15e: {  	v5 =	vor.u32 $0x100, v3  }
.Ltmp6:
0x15f: {  	v3 =	vor.u32 $0x180, v3;
	(pc) =	sbr.rel @p1 .LBB2_15-.Ltmp6, $2  }
0x160: {  	_ =	sdelay $0x2  }
0x161: {  	[tilespmem:v5+s8+$0x0] =	vst.idx.add.f32.msk $0xffff, v4  }
0x162: {  	_ =	sdelay $0x3  }
0x163: {  	[tilespmem:v3+s8+$0x0] =	vst.idx.add.f32.msk $0xffff, v2;
	s18 =	sadd.s32 $0x10, s18  }
0x164: {  	v3 =	vmov s17;
	v4 =	vld [tilespmem:s18+$0x0]  }
0x165: {  	v3 =	vshll.u32 v3, $0x7  }
0x166: {  	v3 =	vor.u32 v1, v3;
	_ =	sdelay $0x2  }
0x167: {  	v5 =	vshll.u32 v4, $0x2  }
0x168: {  	v4 =	vand.u32 $0x7F, v4;
	v5 =	vand.u32 $0xFFFFFE00, v5  }
0x169: {  	v6 =	vld.idx.msk [tilespmem:v3+s13+$0x0], $0xffff;
	v4 =	vor.u32 v4, v5  }
0x16a: {  	v61 =	vor.u32 $0x1, v3;
	_ =	sdelay $0x3  }
0x16b: {  	[tilespmem:v4+s8+$0x0] =	vst.idx.add.f32.msk $0xffff, v6  }
0x16c: {  	v62 =	vor.u32 $0x80, v4;
	v5 =	vld.idx.msk [tilespmem:v61+s13+$0x0], $0xffff  }
0x16d: {  	v3 =	vor.u32 $0x2, v3;
	_ =	sdelay $0x3  }
0x16e: {  	[tilespmem:v62+s8+$0x0] =	vst.idx.add.f32.msk $0xffff, v5  }
0x16f: {  	s16 =	sadd.s32 $0x1, s16;
	v63 =	vor.u32 $0x100, v4;
	v3 =	vld.idx.msk [tilespmem:v3+s13+$0x0], $0xffff  }
0x170: {  	p1 =	sne.s32 s16, $0x28;
	v4 =	vor.u32 $0x180, v4  }
.Ltmp7:
0x171: {  	_ = 	snop;
	(pc) =	sbr.rel @p1 .LBB2_12-.Ltmp7, $3  }
0x172: {  	_ =	sdelay $0x1  }
0x173: {  	[tilespmem:v63+s8+$0x0] =	vst.idx.add.f32.msk $0xffff, v3  }
0x174: {  	[tilespmem:v4+s8+$0x0] =	vst.idx.add.f32.msk $0xffff, v2  }
0x175: {  	[bflag:$0x0] =	sbarrier.arrive $0xFFFF  }
0x176: {  	s15 =	sld [smem:$0x7DF];
	_ =	sdelay $0x2  }
0x177: {  	[tilespmem:s22], [sflag:$0x4] =	stream.linear.gather [spmem:s15], $0x1400, $0x38;
	[tilespmem:$0x1CD00] =	vst v63  }
0x178: {  	_ =	swait.ge [sflag:s7], $0x1400  }
0x179: {  	[sflag:s7] =	ssyncset.done $0x0  }
0x17a: {  	s17 =	rddreg [dreg:$0x6];
	[sflag:s7] =	ssyncadd.s32 $0xFFFFEC00  }
0x17b: {  	[hbm4b:s17+s3] =	stream.linear.scatter [tilespmem:s22], [sflag:$0x3], $0x1400, $0x38;
	[tilespmem:$0x1CD00] =	vst v63  }
0x17c: {  	_ =	swait.ge [sflag:s28], $0x1400  }
0x17d: {  	s18 =	sld [smem:$0x7E0]  }
0x17e: {  	[sflag:s28] =	ssyncset.done $0x0  }
0x17f: {  	[sflag:s28] =	ssyncadd.s32 $0xFFFFEC00  }
0x180: {  	[tilespmem:s22], [sflag:$0x4] =	stream.linear.gather [spmem:s18], $0x1400, $0x38;
	[tilespmem:$0x1CD00] =	vst v63  }
0x181: {  	_ =	swait.ge [sflag:s7], $0x1400  }
0x182: {  	[sflag:s7] =	ssyncset.done $0x0  }
0x183: {  	s19 =	rddreg [dreg:$0x7];
	[sflag:s7] =	ssyncadd.s32 $0xFFFFEC00  }
0x184: {  	[hbm4b:s19+s3] =	stream.linear.scatter [tilespmem:s22], [sflag:$0x3], $0x1400, $0x38;
	[tilespmem:$0x1CD00] =	vst v63  }
0x185: {  	_ =	swait.ge [sflag:s28], $0x1400  }
0x186: {  	s20 =	sld [smem:$0x7E1]  }
0x187: {  	[sflag:s28] =	ssyncset.done $0x0  }
0x188: {  	[sflag:s28] =	ssyncadd.s32 $0xFFFFEC00  }
0x189: {  	[tilespmem:s22], [sflag:$0x4] =	stream.linear.gather [spmem:s20], $0x1400, $0x38;
	[tilespmem:$0x1CD00] =	vst v63  }
0x18a: {  	_ =	swait.ge [sflag:s7], $0x1400  }
0x18b: {  	[sflag:s7] =	ssyncset.done $0x0  }
0x18c: {  	s21 =	rddreg [dreg:$0x8];
	[sflag:s7] =	ssyncadd.s32 $0xFFFFEC00  }
0x18d: {  	[hbm4b:s21+s3] =	stream.linear.scatter [tilespmem:s22], [sflag:$0x3], $0x1400, $0x38;
	[tilespmem:$0x1CD00] =	vst v63  }
0x18e: {  	_ =	swait.ge [sflag:s28], $0x1400  }
0x18f: {  	s16 =	sld [smem:$0x7E2]  }
0x190: {  	[sflag:s28] =	ssyncset.done $0x0  }
0x191: {  	[sflag:s28] =	ssyncadd.s32 $0xFFFFEC00  }
0x192: {  	[tilespmem:s22], [sflag:$0x4] =	stream.linear.gather [spmem:s16], $0x1400, $0x38;
	[tilespmem:$0x1CD00] =	vst v63  }
0x193: {  	_ =	swait.ge [sflag:s7], $0x1400  }
0x194: {  	[sflag:s7] =	ssyncset.done $0x0  }
0x195: {  	s17 =	rddreg [dreg:$0x9];
	[sflag:s7] =	ssyncadd.s32 $0xFFFFEC00  }
0x196: {  	[hbm4b:s17+s3] =	stream.linear.scatter [tilespmem:s22], [sflag:$0x3], $0x1400, $0x38;
	[tilespmem:$0x1CD00] =	vst v63  }
0x197: {  	_ =	swait.ge [sflag:s28], $0x1400  }
0x198: {  	s18 =	sld [smem:$0x7E3]  }
0x199: {  	[sflag:s28] =	ssyncset.done $0x0  }
0x19a: {  	[sflag:s28] =	ssyncadd.s32 $0xFFFFEC00  }
0x19b: {  	[tilespmem:s22], [sflag:$0x4] =	stream.linear.gather [spmem:s18], $0x1400, $0x38;
	[tilespmem:$0x1CD00] =	vst v63  }
0x19c: {  	_ =	swait.ge [sflag:s7], $0x1400  }
0x19d: {  	[sflag:s7] =	ssyncset.done $0x0  }
0x19e: {  	s19 =	rddreg [dreg:$0xa];
	[sflag:s7] =	ssyncadd.s32 $0xFFFFEC00  }
0x19f: {  	[hbm4b:s19+s3] =	stream.linear.scatter [tilespmem:s22], [sflag:$0x3], $0x1400, $0x38;
	[tilespmem:$0x1CD00] =	vst v63  }
0x1a0: {  	_ =	swait.ge [sflag:s28], $0x1400  }
0x1a1: {  	s20 =	sld [smem:$0x7E4]  }
0x1a2: {  	[sflag:s28] =	ssyncset.done $0x0  }
0x1a3: {  	[sflag:s28] =	ssyncadd.s32 $0xFFFFEC00  }
0x1a4: {  	[tilespmem:s22], [sflag:$0x4] =	stream.linear.gather [spmem:s20], $0x1400, $0x38;
	[tilespmem:$0x1CD00] =	vst v63  }
0x1a5: {  	_ =	swait.ge [sflag:s7], $0x1400  }
0x1a6: {  	[sflag:s7] =	ssyncset.done $0x0  }
0x1a7: {  	s21 =	rddreg [dreg:$0xb];
	[sflag:s7] =	ssyncadd.s32 $0xFFFFEC00  }
0x1a8: {  	[hbm4b:s21+s3] =	stream.linear.scatter [tilespmem:s22], [sflag:$0x3], $0x1400, $0x38;
	[tilespmem:$0x1CD00] =	vst v63  }
0x1a9: {  	_ =	swait.ge [sflag:s28], $0x1400  }
0x1aa: {  	s16 =	sld [smem:$0x7E5]  }
0x1ab: {  	[sflag:s28] =	ssyncset.done $0x0  }
0x1ac: {  	[sflag:s28] =	ssyncadd.s32 $0xFFFFEC00  }
0x1ad: {  	[tilespmem:s22], [sflag:$0x4] =	stream.linear.gather [spmem:s16], $0x1400, $0x38;
	[tilespmem:$0x1CD00] =	vst v63  }
0x1ae: {  	_ =	swait.ge [sflag:s7], $0x1400  }
0x1af: {  	[sflag:s7] =	ssyncset.done $0x0  }
0x1b0: {  	s17 =	rddreg [dreg:$0xc];
	[sflag:s7] =	ssyncadd.s32 $0xFFFFEC00  }
0x1b1: {  	[hbm4b:s17+s3] =	stream.linear.scatter [tilespmem:s22], [sflag:$0x3], $0x1400, $0x38;
	[tilespmem:$0x1CD00] =	vst v63  }
0x1b2: {  	_ =	swait.ge [sflag:s28], $0x1400  }
0x1b3: {  	s16 =	sld [smem:$0x7E6]  }
0x1b4: {  	[sflag:s28] =	ssyncset.done $0x0  }
0x1b5: {  	s15 =	simm.s32 @!p0 $0x11900;
	[sflag:s28] =	ssyncadd.s32 $0xFFFFEC00  }
0x1b6: {  	[tilespmem:s15], [sflag:$0x4] =	stream.linear.gather @!p0 [spmem:s16], $0x1400, $0x38;
	[tilespmem:$0x1CD00] =	vst v63  }
0x1b7: {  	s16 =	simm.s32 @!p0 $0x4  }
0x1b8: {  	_ =	swait.ge @!p0 [sflag:s16], $0x1400  }
0x1b9: {  	[sflag:s16] =	ssyncset.done @!p0 $0x0  }
0x1ba: {  	s17 =	rddreg [dreg:$0xd];
	[sflag:s16] =	ssyncadd.s32 @!p0 $0xFFFFEC00;
	s16 =	simm.s32 @!p0 $0x0  }
0x1bb: {  	[hbm4b:s17+s16] =	stream.linear.scatter @!p0 [tilespmem:s15], [sflag:$0x3], $0x1400, $0x38;
	[tilespmem:$0x1CD00] =	vst v63  }
0x1bc: {  	s15 =	simm.s32 @!p0 $0x3  }
0x1bd: {  	_ =	swait.ge @!p0 [sflag:s15], $0x1400  }
0x1be: {  	[sflag:s15] =	ssyncset.done @!p0 $0x0  }
0x1bf: {  	[sflag:s15] =	ssyncadd.s32 @!p0 $0xFFFFEC00  }
0x1c0: {  	[bflag:$0x0] =	sbarrier.arrive $0xFFFF  }
0x1c1: {  	[spmem:s6] =	stream.linear.scatter [tilespmem:s26], [sflag:$0x3], $0x800, $0x38;
	[tilespmem:$0x1CD00] =	vst v63  }
0x1c2: {  	_ =	swait.ge [sflag:s28], $0x800  }
0x1c3: {  	s18 =	sld [smem:$0x7E8]  }
0x1c4: {  	[sflag:s28] =	ssyncset.done $0x0  }
0x1c5: {  	[sflag:s28] =	ssyncadd.s32 $0xFFFFF800  }
0x1c6: {  	[spmem:s18] =	stream.linear.scatter [tilespmem:s26], [sflag:$0x3], $0x800, $0x38;
	[tilespmem:$0x1CD00] =	vst v63  }
0x1c7: {  	_ =	swait.ge [sflag:s28], $0x800  }
0x1c8: {  	s19 =	sld [smem:$0x7E9]  }
0x1c9: {  	[sflag:s28] =	ssyncset.done $0x0  }
0x1ca: {  	[sflag:s28] =	ssyncadd.s32 $0xFFFFF800  }
0x1cb: {  	[spmem:s19] =	stream.linear.scatter [tilespmem:s26], [sflag:$0x3], $0x800, $0x38;
	[tilespmem:$0x1CD00] =	vst v63  }
0x1cc: {  	_ =	swait.ge [sflag:s28], $0x800  }
0x1cd: {  	s20 =	sld [smem:$0x7EA]  }
0x1ce: {  	[sflag:s28] =	ssyncset.done $0x0  }
0x1cf: {  	[sflag:s28] =	ssyncadd.s32 $0xFFFFF800  }
0x1d0: {  	[spmem:s20] =	stream.linear.scatter [tilespmem:s26], [sflag:$0x3], $0x800, $0x38;
	[tilespmem:$0x1CD00] =	vst v63  }
0x1d1: {  	_ =	swait.ge [sflag:s28], $0x800  }
0x1d2: {  	s21 =	sld [smem:$0x7EB]  }
0x1d3: {  	[sflag:s28] =	ssyncset.done $0x0  }
0x1d4: {  	[sflag:s28] =	ssyncadd.s32 $0xFFFFF800  }
0x1d5: {  	[spmem:s21] =	stream.linear.scatter [tilespmem:s26], [sflag:$0x3], $0x800, $0x38;
	[tilespmem:$0x1CD00] =	vst v63  }
0x1d6: {  	_ =	swait.ge [sflag:s28], $0x800  }
0x1d7: {  	s16 =	sld [smem:$0x7EC]  }
0x1d8: {  	[sflag:s28] =	ssyncset.done $0x0  }
0x1d9: {  	[sflag:s28] =	ssyncadd.s32 $0xFFFFF800  }
0x1da: {  	[spmem:s16] =	stream.linear.scatter [tilespmem:s26], [sflag:$0x3], $0x800, $0x38;
	[tilespmem:$0x1CD00] =	vst v63  }
0x1db: {  	_ =	swait.ge [sflag:s28], $0x800  }
0x1dc: {  	s17 =	sld [smem:$0x7ED]  }
0x1dd: {  	[sflag:s28] =	ssyncset.done $0x0  }
0x1de: {  	[sflag:s28] =	ssyncadd.s32 $0xFFFFF800  }
0x1df: {  	[spmem:s17] =	stream.linear.scatter [tilespmem:s26], [sflag:$0x3], $0x800, $0x38;
	[tilespmem:$0x1CD00] =	vst v63  }
0x1e0: {  	_ =	swait.ge [sflag:s28], $0x800  }
0x1e1: {  	s18 =	sld [smem:$0x7EE]  }
0x1e2: {  	[sflag:s28] =	ssyncset.done $0x0  }
0x1e3: {  	[sflag:s28] =	ssyncadd.s32 $0xFFFFF800  }
0x1e4: {  	[spmem:s18] =	stream.linear.scatter [tilespmem:s26], [sflag:$0x3], $0x800, $0x38;
	[tilespmem:$0x1CD00] =	vst v63  }
0x1e5: {  	_ =	swait.ge [sflag:s28], $0x800  }
0x1e6: {  	s19 =	sld [smem:$0x7EF]  }
0x1e7: {  	[sflag:s28] =	ssyncset.done $0x0  }
0x1e8: {  	[sflag:s28] =	ssyncadd.s32 $0xFFFFF800  }
0x1e9: {  	[spmem:s19] =	stream.linear.scatter [tilespmem:s26], [sflag:$0x3], $0x800, $0x38;
	[tilespmem:$0x1CD00] =	vst v63  }
0x1ea: {  	_ =	swait.ge [sflag:s28], $0x800  }
0x1eb: {  	s20 =	sld [smem:$0x7F0]  }
0x1ec: {  	[sflag:s28] =	ssyncset.done $0x0  }
0x1ed: {  	[sflag:s28] =	ssyncadd.s32 $0xFFFFF800  }
0x1ee: {  	[spmem:s20] =	stream.linear.scatter [tilespmem:s26], [sflag:$0x3], $0x800, $0x38;
	[tilespmem:$0x1CD00] =	vst v63  }
0x1ef: {  	_ =	swait.ge [sflag:s28], $0x800  }
0x1f0: {  	s21 =	sld [smem:$0x7F1]  }
0x1f1: {  	[sflag:s28] =	ssyncset.done $0x0  }
0x1f2: {  	[sflag:s28] =	ssyncadd.s32 $0xFFFFF800  }
0x1f3: {  	[spmem:s21] =	stream.linear.scatter [tilespmem:s26], [sflag:$0x3], $0x800, $0x38;
	[tilespmem:$0x1CD00] =	vst v63  }
0x1f4: {  	_ =	swait.ge [sflag:s28], $0x800  }
0x1f5: {  	s16 =	sld [smem:$0x7F2]  }
0x1f6: {  	[sflag:s28] =	ssyncset.done $0x0  }
0x1f7: {  	[sflag:s28] =	ssyncadd.s32 $0xFFFFF800  }
0x1f8: {  	[spmem:s16] =	stream.linear.scatter [tilespmem:s26], [sflag:$0x3], $0x800, $0x38;
	[tilespmem:$0x1CD00] =	vst v63  }
0x1f9: {  	_ =	swait.ge [sflag:s28], $0x800  }
0x1fa: {  	s17 =	sld [smem:$0x7F3]  }
0x1fb: {  	[sflag:s28] =	ssyncset.done $0x0  }
0x1fc: {  	[sflag:s28] =	ssyncadd.s32 $0xFFFFF800  }
0x1fd: {  	[spmem:s17] =	stream.linear.scatter [tilespmem:s26], [sflag:$0x3], $0x800, $0x38;
	[tilespmem:$0x1CD00] =	vst v63  }
0x1fe: {  	_ =	swait.ge [sflag:s28], $0x800  }
0x1ff: {  	s18 =	sld [smem:$0x7F4]  }
0x200: {  	[sflag:s28] =	ssyncset.done $0x0  }
0x201: {  	[sflag:s28] =	ssyncadd.s32 $0xFFFFF800  }
0x202: {  	[spmem:s18] =	stream.linear.scatter [tilespmem:s26], [sflag:$0x3], $0x800, $0x38;
	[tilespmem:$0x1CD00] =	vst v63  }
0x203: {  	_ =	swait.ge [sflag:s28], $0x800  }
0x204: {  	s19 =	sld [smem:$0x7F5]  }
0x205: {  	[sflag:s28] =	ssyncset.done $0x0  }
0x206: {  	[sflag:s28] =	ssyncadd.s32 $0xFFFFF800  }
0x207: {  	[spmem:s19] =	stream.linear.scatter [tilespmem:s26], [sflag:$0x3], $0x800, $0x38;
	[tilespmem:$0x1CD00] =	vst v63  }
0x208: {  	_ =	swait.ge [sflag:s28], $0x800  }
0x209: {  	s20 =	sld [smem:$0x7F6]  }
0x20a: {  	[sflag:s28] =	ssyncset.done $0x0  }
0x20b: {  	[sflag:s28] =	ssyncadd.s32 $0xFFFFF800  }
0x20c: {  	[spmem:s20] =	stream.linear.scatter [tilespmem:s26], [sflag:$0x3], $0x800, $0x38;
	[tilespmem:$0x1CD00] =	vst v63  }
0x20d: {  	_ =	swait.ge [sflag:s28], $0x800  }
0x20e: {  	s21 =	sld [smem:$0x7F7]  }
0x20f: {  	[sflag:s28] =	ssyncset.done $0x0  }
0x210: {  	[sflag:s28] =	ssyncadd.s32 $0xFFFFF800  }
0x211: {  	[spmem:s21] =	stream.linear.scatter [tilespmem:s26], [sflag:$0x3], $0x800, $0x38;
	[tilespmem:$0x1CD00] =	vst v63  }
0x212: {  	_ =	swait.ge [sflag:s28], $0x800  }
0x213: {  	s16 =	sld [smem:$0x7F8]  }
0x214: {  	[sflag:s28] =	ssyncset.done $0x0  }
0x215: {  	[sflag:s28] =	ssyncadd.s32 $0xFFFFF800  }
0x216: {  	[spmem:s16] =	stream.linear.scatter [tilespmem:s26], [sflag:$0x3], $0x800, $0x38;
	[tilespmem:$0x1CD00] =	vst v63  }
0x217: {  	_ =	swait.ge [sflag:s28], $0x800  }
0x218: {  	s17 =	sld [smem:$0x7F9]  }
0x219: {  	[sflag:s28] =	ssyncset.done $0x0  }
0x21a: {  	[sflag:s28] =	ssyncadd.s32 $0xFFFFF800  }
0x21b: {  	[spmem:s17] =	stream.linear.scatter [tilespmem:s26], [sflag:$0x3], $0x800, $0x38;
	[tilespmem:$0x1CD00] =	vst v63  }
0x21c: {  	_ =	swait.ge [sflag:s28], $0x800  }
0x21d: {  	s18 =	sld [smem:$0x7FA]  }
0x21e: {  	[sflag:s28] =	ssyncset.done $0x0  }
0x21f: {  	[sflag:s28] =	ssyncadd.s32 $0xFFFFF800  }
0x220: {  	[spmem:s18] =	stream.linear.scatter [tilespmem:s26], [sflag:$0x3], $0x800, $0x38;
	[tilespmem:$0x1CD00] =	vst v63  }
0x221: {  	_ =	swait.ge [sflag:s28], $0x800  }
0x222: {  	[sflag:s28] =	ssyncset.done $0x0  }
0x223: {  	[sflag:s28] =	ssyncadd.s32 $0xFFFFF800  }
0x224: {  	[bflag:$0x0] =	sbarrier.arrive $0xFFFF  }
0x225: {  	s20 =	rddreg [dreg:$0x1e]  }
0x226: {  	s19 =	simm.s32 $0x0;
	s21 =	rddreg [dreg:$0x1f]  }
0x227: {  	[tilespmem:s29], [sflag:$0x1] =	stream.linear.gather [hbm4b:s20+s19], $0x80, $0x38;
	[tilespmem:$0x1CD00] =	vst v63  }
0x228: {  	s17 =	sld [smem:$0x7FB]  }
0x229: {  	[tilespmem:s19], [sflag:$0x1] =	stream.linear.gather [hbm4b:s21+s19], $0x4000, $0x38;
	[tilespmem:$0x1CD00] =	vst v63  }
0x22a: {  	s16 =	sadd.s32 $0x0, s24  }
0x22b: {  	[tilespmem:s30], [sflag:$0x2] =	stream.linear.gather [hbm4b:s16+s3], $0x80, $0x38;
	[tilespmem:$0x1CD00] =	vst v63  }
0x22c: {  	s19 =	sadd.s32 $0xFFFFF800, s17  }
0x22d: {  	[tilespmem:s9], [sflag:$0x2] =	stream.linear.gather [hbm4b:s19+s3], $0x4000, $0x38;
	[tilespmem:$0x1CD00] =	vst v63  }
0x22e: {  	_ =	swait.ge [sflag:s10], $0x80  }
0x22f: {  	[sflag:s10] =	ssyncset.done $0x0  }
0x230: {  	[sflag:s10] =	ssyncadd.s32 $0xFFFFFF80  }
0x231: {  	_ =	swait.ge [sflag:s10], $0x4000  }
0x232: {  	[sflag:s10] =	ssyncset.done $0x0  }
0x233: {  	[sflag:s10] =	ssyncadd.s32 $0xFFFFC000  }
0x234: {  	[spmem:s2] =	stream.indirect.scatter.add.f32 [tilespmem:s3], [sflag:$0x3], $0x80, s29, s12, $0xb8;
	[tilespmem:$0x1CD00] =	vst v63  }
0x235: {  	_ =	swait.ge [sflag:s28], $0x4000  }
0x236: {  	s20 =	sld [smem:$0x7E7];
	_ =	sdelay $0x2  }
0x237: {  	[sflag:s28] =	ssyncset.done $0x0;
	s21 =	sshrl.u32 s20, $0x3  }
0x238: {  	[sflag:s28] =	ssyncadd.s32 $0xFFFFC000;
	s15 =	sadd.s32 s1, s21  }
0x239: {  	[tilespmem:s29], [sflag:$0x1] =	stream.linear.gather [hbm4b:s15+s3], $0x80, $0x38;
	[tilespmem:$0x1CD00] =	vst v63  }
0x23a: {  	_ = 	snop  }
0x23b: {  	[tilespmem:s3], [sflag:$0x1] =	stream.linear.gather [hbm4b:s17+s3], $0x4000, $0x38;
	[tilespmem:$0x1CD00] =	vst v63  }
0x23c: {  	_ =	swait.ge [sflag:s11], $0x80  }
0x23d: {  	[sflag:s11] =	ssyncset.done $0x0  }
0x23e: {  	[sflag:s11] =	ssyncadd.s32 $0xFFFFFF80  }
0x23f: {  	_ =	swait.ge [sflag:s11], $0x4000  }
0x240: {  	[sflag:s11] =	ssyncset.done $0x0  }
0x241: {  	[sflag:s11] =	ssyncadd.s32 $0xFFFFC000  }
0x242: {  	[spmem:s2] =	stream.indirect.scatter.add.f32 [tilespmem:s9], [sflag:$0x3], $0x80, s30, s12, $0xb8;
	[tilespmem:$0x1CD00] =	vst v63  }
0x243: {  	s18 =	simm.s32 $0x40;
	s16 =	sadd.s32 $0x1000, s17;
	_ =	swait.ge [sflag:s28], $0x4000  }
0x244: {  	s19 =	simm.s32 $0x80;
	s17 =	sadd.s32 $0x200, s20;
	[sflag:s28] =	ssyncset.done $0x0  }
.LBB2_18:
0x245: {  	s20 =	sadd.s32 s18, s24  }
0x246: {  	[sflag:s28] =	ssyncadd.s32 $0xFFFFC000;
	s18 =	smov.u32 s19;
	s21 =	sadd.s32 $0x40, s19  }
0x247: {  	[tilespmem:s30], [sflag:$0x2] =	stream.linear.gather [hbm4b:s20+s3], $0x80, $0x38;
	[tilespmem:$0x1CD00] =	vst v63  }
0x248: {  	p1 =	sne.s32 s19, $0x980;
	s19 =	sadd.s32 $0xFFFFF800, s16  }
0x249: {  	[tilespmem:s9], [sflag:$0x2] =	stream.linear.gather [hbm4b:s19+s3], $0x4000, $0x38;
	[tilespmem:$0x1CD00] =	vst v63  }
0x24a: {  	_ =	swait.ge [sflag:s10], $0x80  }
0x24b: {  	[sflag:s10] =	ssyncset.done $0x0  }
0x24c: {  	[sflag:s10] =	ssyncadd.s32 $0xFFFFFF80  }
0x24d: {  	_ =	swait.ge [sflag:s10], $0x4000  }
0x24e: {  	[sflag:s10] =	ssyncset.done $0x0  }
0x24f: {  	[sflag:s10] =	ssyncadd.s32 $0xFFFFC000  }
0x250: {  	[spmem:s2] =	stream.indirect.scatter.add.f32 [tilespmem:s3], [sflag:$0x3], $0x80, s29, s12, $0xb8;
	[tilespmem:$0x1CD00] =	vst v63  }
0x251: {  	_ =	swait.ge [sflag:s28], $0x4000  }
0x252: {  	s19 =	sshrl.u32 s17, $0x3;
	[sflag:s28] =	ssyncset.done $0x0  }
0x253: {  	s19 =	sadd.s32 s1, s19;
	[sflag:s28] =	ssyncadd.s32 $0xFFFFC000  }
0x254: {  	[tilespmem:s29], [sflag:$0x1] =	stream.linear.gather [hbm4b:s19+s3], $0x80, $0x38;
	[tilespmem:$0x1CD00] =	vst v63  }
0x255: {  	_ = 	snop  }
0x256: {  	[tilespmem:s3], [sflag:$0x1] =	stream.linear.gather [hbm4b:s16+s3], $0x4000, $0x38;
	[tilespmem:$0x1CD00] =	vst v63  }
0x257: {  	_ =	swait.ge [sflag:s11], $0x80  }
0x258: {  	[sflag:s11] =	ssyncset.done $0x0  }
0x259: {  	[sflag:s11] =	ssyncadd.s32 $0xFFFFFF80  }
0x25a: {  	_ =	swait.ge [sflag:s11], $0x4000  }
.Ltmp8:
0x25b: {  	[sflag:s11] =	ssyncset.done $0x0;
	(pc) =	sbr.rel @p1 .LBB2_18-.Ltmp8, $4  }
0x25c: {  	[sflag:s11] =	ssyncadd.s32 $0xFFFFC000  }
0x25d: {  	[spmem:s2] =	stream.indirect.scatter.add.f32 [tilespmem:s9], [sflag:$0x3], $0x80, s30, s12, $0xb8;
	[tilespmem:$0x1CD00] =	vst v63  }
0x25e: {  	s17 =	sadd.s32 $0x200, s17;
	_ =	swait.ge [sflag:s28], $0x4000  }
0x25f: {  	s19 =	smov.u32 s21;
	s16 =	sadd.s32 $0x1000, s16;
	[sflag:s28] =	ssyncset.done $0x0  }
0x260: {  	s18 =	sadd.s32 s18, s24;
	[sflag:s28] =	ssyncadd.s32 $0xFFFFC000  }
0x261: {  	[tilespmem:s30], [sflag:$0x2] =	stream.linear.gather [hbm4b:s18+s3], $0x80, $0x38;
	[tilespmem:$0x1CD00] =	vst v63  }
0x262: {  	s20 =	sadd.s32 $0xFFFFF800, s16  }
0x263: {  	[tilespmem:s9], [sflag:$0x2] =	stream.linear.gather [hbm4b:s20+s3], $0x4000, $0x38;
	[tilespmem:$0x1CD00] =	vst v63  }
0x264: {  	_ =	swait.ge [sflag:s10], $0x80  }
0x265: {  	[sflag:s10] =	ssyncset.done $0x0  }
0x266: {  	[sflag:s10] =	ssyncadd.s32 $0xFFFFFF80  }
0x267: {  	_ =	swait.ge [sflag:s10], $0x4000  }
0x268: {  	[sflag:s10] =	ssyncset.done $0x0  }
0x269: {  	[sflag:s10] =	ssyncadd.s32 $0xFFFFC000  }
0x26a: {  	[spmem:s2] =	stream.indirect.scatter.add.f32 [tilespmem:s3], [sflag:$0x3], $0x80, s29, s12, $0xb8;
	[tilespmem:$0x1CD00] =	vst v63  }
0x26b: {  	_ =	swait.ge [sflag:s28], $0x4000  }
0x26c: {  	s17 =	sshrl.u32 s17, $0x3;
	[sflag:s28] =	ssyncset.done $0x0  }
0x26d: {  	s17 =	sadd.s32 s1, s17;
	[sflag:s28] =	ssyncadd.s32 $0xFFFFC000  }
0x26e: {  	[tilespmem:s29], [sflag:$0x1] =	stream.linear.gather [hbm4b:s17+s3], $0x80, $0x38;
	[tilespmem:$0x1CD00] =	vst v63  }
0x26f: {  	_ = 	snop  }
0x270: {  	[tilespmem:s3], [sflag:$0x1] =	stream.linear.gather [hbm4b:s16+s3], $0x4000, $0x38;
	[tilespmem:$0x1CD00] =	vst v63  }
0x271: {  	_ =	swait.ge [sflag:s11], $0x80  }
0x272: {  	[sflag:s11] =	ssyncset.done $0x0  }
0x273: {  	[sflag:s11] =	ssyncadd.s32 $0xFFFFFF80  }
0x274: {  	_ =	swait.ge [sflag:s11], $0x4000  }
0x275: {  	[sflag:s11] =	ssyncset.done $0x0  }
0x276: {  	[sflag:s11] =	ssyncadd.s32 $0xFFFFC000  }
0x277: {  	[spmem:s2] =	stream.indirect.scatter.add.f32 [tilespmem:s9], [sflag:$0x3], $0x80, s30, s12, $0xb8;
	[tilespmem:$0x1CD00] =	vst v63  }
0x278: {  	_ =	swait.ge [sflag:s28], $0x4000  }
0x279: {  	[sflag:s28] =	ssyncset.done $0x0  }
0x27a: {  	s21 =	sld [smem:$0x7DB];
	[sflag:s28] =	ssyncadd.s32 $0xFFFFC000  }
0x27b: {  	[tilespmem:s30], [sflag:$0x2] =	stream.linear.gather [hbm4b:s23+s3], $0x80, $0x38;
	[tilespmem:$0x1CD00] =	vst v63  }
0x27c: {  	_ = 	snop  }
0x27d: {  	[tilespmem:s9], [sflag:$0x2] =	stream.linear.gather [hbm4b:s21+s3], $0x4000, $0x38;
	[tilespmem:$0x1CD00] =	vst v63  }
0x27e: {  	_ =	swait.ge [sflag:s10], $0x80  }
0x27f: {  	[sflag:s10] =	ssyncset.done $0x0  }
0x280: {  	[sflag:s10] =	ssyncadd.s32 $0xFFFFFF80  }
0x281: {  	_ =	swait.ge [sflag:s10], $0x4000  }
0x282: {  	[sflag:s10] =	ssyncset.done $0x0  }
0x283: {  	[sflag:s10] =	ssyncadd.s32 $0xFFFFC000  }
0x284: {  	[spmem:s2] =	stream.indirect.scatter.add.f32 [tilespmem:s3], [sflag:$0x3], $0x80, s29, s12, $0xb8;
	[tilespmem:$0x1CD00] =	vst v63  }
0x285: {  	_ =	swait.ge [sflag:s28], $0x4000  }
0x286: {  	[sflag:s28] =	ssyncset.done $0x0  }
0x287: {  	[sflag:s28] =	ssyncadd.s32 $0xFFFFC000  }
0x288: {  	_ =	swait.ge [sflag:s11], $0x80  }
0x289: {  	[sflag:s11] =	ssyncset.done $0x0  }
0x28a: {  	[sflag:s11] =	ssyncadd.s32 $0xFFFFFF80  }
0x28b: {  	_ =	swait.ge [sflag:s11], $0x4000  }
0x28c: {  	[sflag:s11] =	ssyncset.done $0x0  }
0x28d: {  	[sflag:s11] =	ssyncadd.s32 $0xFFFFC000  }
0x28e: {  	[spmem:s2] =	stream.indirect.scatter.add.f32 [tilespmem:s9], [sflag:$0x3], $0x80, s30, s12, $0xb8;
	[tilespmem:$0x1CD00] =	vst v63  }
0x28f: {  	_ =	swait.ge [sflag:s28], $0x4000  }
0x290: {  	[sflag:s28] =	ssyncset.done $0x0  }
0x291: {  	[sflag:s28] =	ssyncadd.s32 $0xFFFFC000  }
0x292: {  	[bflag:$0x0] =	sbarrier.arrive $0xFFFF  }
0x293: {  	s17 =	sld [smem:$0x7DF];
	_ =	sdelay $0x2  }
0x294: {  	[tilespmem:s22], [sflag:$0x4] =	stream.linear.gather [spmem:s17], $0x1400, $0x38;
	[tilespmem:$0x1CD00] =	vst v63  }
0x295: {  	_ =	swait.ge [sflag:s7], $0x1400  }
0x296: {  	[sflag:s7] =	ssyncset.done $0x0  }
0x297: {  	s18 =	rddreg [dreg:$0xe];
	[sflag:s7] =	ssyncadd.s32 $0xFFFFEC00  }
0x298: {  	[hbm4b:s18+s3] =	stream.linear.scatter [tilespmem:s22], [sflag:$0x3], $0x1400, $0x38;
	[tilespmem:$0x1CD00] =	vst v63  }
0x299: {  	_ =	swait.ge [sflag:s28], $0x1400  }
0x29a: {  	s19 =	sld [smem:$0x7E0]  }
0x29b: {  	[sflag:s28] =	ssyncset.done $0x0  }
0x29c: {  	[sflag:s28] =	ssyncadd.s32 $0xFFFFEC00  }
0x29d: {  	[tilespmem:s22], [sflag:$0x4] =	stream.linear.gather [spmem:s19], $0x1400, $0x38;
	[tilespmem:$0x1CD00] =	vst v63  }
0x29e: {  	_ =	swait.ge [sflag:s7], $0x1400  }
0x29f: {  	[sflag:s7] =	ssyncset.done $0x0  }
0x2a0: {  	s20 =	rddreg [dreg:$0xf];
	[sflag:s7] =	ssyncadd.s32 $0xFFFFEC00  }
0x2a1: {  	[hbm4b:s20+s3] =	stream.linear.scatter [tilespmem:s22], [sflag:$0x3], $0x1400, $0x38;
	[tilespmem:$0x1CD00] =	vst v63  }
0x2a2: {  	_ =	swait.ge [sflag:s28], $0x1400  }
0x2a3: {  	s21 =	sld [smem:$0x7E1]  }
0x2a4: {  	[sflag:s28] =	ssyncset.done $0x0  }
0x2a5: {  	[sflag:s28] =	ssyncadd.s32 $0xFFFFEC00  }
0x2a6: {  	[tilespmem:s22], [sflag:$0x4] =	stream.linear.gather [spmem:s21], $0x1400, $0x38;
	[tilespmem:$0x1CD00] =	vst v63  }
0x2a7: {  	_ =	swait.ge [sflag:s7], $0x1400  }
0x2a8: {  	[sflag:s7] =	ssyncset.done $0x0  }
0x2a9: {  	s17 =	rddreg [dreg:$0x10];
	[sflag:s7] =	ssyncadd.s32 $0xFFFFEC00  }
0x2aa: {  	[hbm4b:s17+s3] =	stream.linear.scatter [tilespmem:s22], [sflag:$0x3], $0x1400, $0x38;
	[tilespmem:$0x1CD00] =	vst v63  }
0x2ab: {  	_ =	swait.ge [sflag:s28], $0x1400  }
0x2ac: {  	s18 =	sld [smem:$0x7E2]  }
0x2ad: {  	[sflag:s28] =	ssyncset.done $0x0  }
0x2ae: {  	[sflag:s28] =	ssyncadd.s32 $0xFFFFEC00  }
0x2af: {  	[tilespmem:s22], [sflag:$0x4] =	stream.linear.gather [spmem:s18], $0x1400, $0x38;
	[tilespmem:$0x1CD00] =	vst v63  }
0x2b0: {  	_ =	swait.ge [sflag:s7], $0x1400  }
0x2b1: {  	[sflag:s7] =	ssyncset.done $0x0  }
0x2b2: {  	s19 =	rddreg [dreg:$0x11];
	[sflag:s7] =	ssyncadd.s32 $0xFFFFEC00  }
0x2b3: {  	[hbm4b:s19+s3] =	stream.linear.scatter [tilespmem:s22], [sflag:$0x3], $0x1400, $0x38;
	[tilespmem:$0x1CD00] =	vst v63  }
0x2b4: {  	_ =	swait.ge [sflag:s28], $0x1400  }
0x2b5: {  	s20 =	sld [smem:$0x7E3]  }
0x2b6: {  	[sflag:s28] =	ssyncset.done $0x0  }
0x2b7: {  	[sflag:s28] =	ssyncadd.s32 $0xFFFFEC00  }
0x2b8: {  	[tilespmem:s22], [sflag:$0x4] =	stream.linear.gather [spmem:s20], $0x1400, $0x38;
	[tilespmem:$0x1CD00] =	vst v63  }
0x2b9: {  	_ =	swait.ge [sflag:s7], $0x1400  }
0x2ba: {  	[sflag:s7] =	ssyncset.done $0x0  }
0x2bb: {  	s21 =	rddreg [dreg:$0x12];
	[sflag:s7] =	ssyncadd.s32 $0xFFFFEC00  }
0x2bc: {  	[hbm4b:s21+s3] =	stream.linear.scatter [tilespmem:s22], [sflag:$0x3], $0x1400, $0x38;
	[tilespmem:$0x1CD00] =	vst v63  }
0x2bd: {  	_ =	swait.ge [sflag:s28], $0x1400  }
0x2be: {  	s17 =	sld [smem:$0x7E4]  }
0x2bf: {  	[sflag:s28] =	ssyncset.done $0x0  }
0x2c0: {  	[sflag:s28] =	ssyncadd.s32 $0xFFFFEC00  }
0x2c1: {  	[tilespmem:s22], [sflag:$0x4] =	stream.linear.gather [spmem:s17], $0x1400, $0x38;
	[tilespmem:$0x1CD00] =	vst v63  }
0x2c2: {  	_ =	swait.ge [sflag:s7], $0x1400  }
0x2c3: {  	[sflag:s7] =	ssyncset.done $0x0  }
0x2c4: {  	s18 =	rddreg [dreg:$0x13];
	[sflag:s7] =	ssyncadd.s32 $0xFFFFEC00  }
0x2c5: {  	[hbm4b:s18+s3] =	stream.linear.scatter [tilespmem:s22], [sflag:$0x3], $0x1400, $0x38;
	[tilespmem:$0x1CD00] =	vst v63  }
0x2c6: {  	_ =	swait.ge [sflag:s28], $0x1400  }
0x2c7: {  	s19 =	sld [smem:$0x7E5]  }
0x2c8: {  	[sflag:s28] =	ssyncset.done $0x0  }
0x2c9: {  	[sflag:s28] =	ssyncadd.s32 $0xFFFFEC00  }
0x2ca: {  	[tilespmem:s22], [sflag:$0x4] =	stream.linear.gather [spmem:s19], $0x1400, $0x38;
	[tilespmem:$0x1CD00] =	vst v63  }
0x2cb: {  	_ =	swait.ge [sflag:s7], $0x1400  }
0x2cc: {  	[sflag:s7] =	ssyncset.done $0x0  }
0x2cd: {  	s20 =	rddreg [dreg:$0x14];
	[sflag:s7] =	ssyncadd.s32 $0xFFFFEC00  }
0x2ce: {  	[hbm4b:s20+s3] =	stream.linear.scatter [tilespmem:s22], [sflag:$0x3], $0x1400, $0x38;
	[tilespmem:$0x1CD00] =	vst v63  }
0x2cf: {  	_ =	swait.ge [sflag:s28], $0x1400  }
0x2d0: {  	s17 =	sld [smem:$0x7E6]  }
0x2d1: {  	[sflag:s28] =	ssyncset.done $0x0  }
0x2d2: {  	s16 =	simm.s32 @!p0 $0x11900;
	[sflag:s28] =	ssyncadd.s32 $0xFFFFEC00  }
0x2d3: {  	[tilespmem:s16], [sflag:$0x4] =	stream.linear.gather @!p0 [spmem:s17], $0x1400, $0x38;
	[tilespmem:$0x1CD00] =	vst v63  }
0x2d4: {  	s17 =	simm.s32 @!p0 $0x4  }
0x2d5: {  	_ =	swait.ge @!p0 [sflag:s17], $0x1400  }
0x2d6: {  	[sflag:s17] =	ssyncset.done @!p0 $0x0  }
0x2d7: {  	s18 =	rddreg [dreg:$0x15];
	[sflag:s17] =	ssyncadd.s32 @!p0 $0xFFFFEC00;
	s17 =	simm.s32 @!p0 $0x0  }
0x2d8: {  	[hbm4b:s18+s17] =	stream.linear.scatter @!p0 [tilespmem:s16], [sflag:$0x3], $0x1400, $0x38;
	[tilespmem:$0x1CD00] =	vst v63  }
0x2d9: {  	s16 =	simm.s32 @!p0 $0x3  }
0x2da: {  	_ =	swait.ge @!p0 [sflag:s16], $0x1400  }
0x2db: {  	[sflag:s16] =	ssyncset.done @!p0 $0x0  }
0x2dc: {  	[sflag:s16] =	ssyncadd.s32 @!p0 $0xFFFFEC00  }
0x2dd: {  	[bflag:$0x0] =	sbarrier.arrive $0xFFFF  }
0x2de: {  	[spmem:s6] =	stream.linear.scatter [tilespmem:s26], [sflag:$0x3], $0x800, $0x38;
	[tilespmem:$0x1CD00] =	vst v63  }
0x2df: {  	_ =	swait.ge [sflag:s28], $0x800  }
0x2e0: {  	s21 =	sld [smem:$0x7E8]  }
0x2e1: {  	[sflag:s28] =	ssyncset.done $0x0  }
0x2e2: {  	[sflag:s28] =	ssyncadd.s32 $0xFFFFF800  }
0x2e3: {  	[spmem:s21] =	stream.linear.scatter [tilespmem:s26], [sflag:$0x3], $0x800, $0x38;
	[tilespmem:$0x1CD00] =	vst v63  }
0x2e4: {  	_ =	swait.ge [sflag:s28], $0x800  }
0x2e5: {  	s17 =	sld [smem:$0x7E9]  }
0x2e6: {  	[sflag:s28] =	ssyncset.done $0x0  }
0x2e7: {  	[sflag:s28] =	ssyncadd.s32 $0xFFFFF800  }
0x2e8: {  	[spmem:s17] =	stream.linear.scatter [tilespmem:s26], [sflag:$0x3], $0x800, $0x38;
	[tilespmem:$0x1CD00] =	vst v63  }
0x2e9: {  	_ =	swait.ge [sflag:s28], $0x800  }
0x2ea: {  	s18 =	sld [smem:$0x7EA]  }
0x2eb: {  	[sflag:s28] =	ssyncset.done $0x0  }
0x2ec: {  	[sflag:s28] =	ssyncadd.s32 $0xFFFFF800  }
0x2ed: {  	[spmem:s18] =	stream.linear.scatter [tilespmem:s26], [sflag:$0x3], $0x800, $0x38;
	[tilespmem:$0x1CD00] =	vst v63  }
0x2ee: {  	_ =	swait.ge [sflag:s28], $0x800  }
0x2ef: {  	s19 =	sld [smem:$0x7EB]  }
0x2f0: {  	[sflag:s28] =	ssyncset.done $0x0  }
0x2f1: {  	[sflag:s28] =	ssyncadd.s32 $0xFFFFF800  }
0x2f2: {  	[spmem:s19] =	stream.linear.scatter [tilespmem:s26], [sflag:$0x3], $0x800, $0x38;
	[tilespmem:$0x1CD00] =	vst v63  }
0x2f3: {  	_ =	swait.ge [sflag:s28], $0x800  }
0x2f4: {  	s20 =	sld [smem:$0x7EC]  }
0x2f5: {  	[sflag:s28] =	ssyncset.done $0x0  }
0x2f6: {  	[sflag:s28] =	ssyncadd.s32 $0xFFFFF800  }
0x2f7: {  	[spmem:s20] =	stream.linear.scatter [tilespmem:s26], [sflag:$0x3], $0x800, $0x38;
	[tilespmem:$0x1CD00] =	vst v63  }
0x2f8: {  	_ =	swait.ge [sflag:s28], $0x800  }
0x2f9: {  	s21 =	sld [smem:$0x7ED]  }
0x2fa: {  	[sflag:s28] =	ssyncset.done $0x0  }
0x2fb: {  	[sflag:s28] =	ssyncadd.s32 $0xFFFFF800  }
0x2fc: {  	[spmem:s21] =	stream.linear.scatter [tilespmem:s26], [sflag:$0x3], $0x800, $0x38;
	[tilespmem:$0x1CD00] =	vst v63  }
0x2fd: {  	_ =	swait.ge [sflag:s28], $0x800  }
0x2fe: {  	s17 =	sld [smem:$0x7EE]  }
0x2ff: {  	[sflag:s28] =	ssyncset.done $0x0  }
0x300: {  	[sflag:s28] =	ssyncadd.s32 $0xFFFFF800  }
0x301: {  	[spmem:s17] =	stream.linear.scatter [tilespmem:s26], [sflag:$0x3], $0x800, $0x38;
	[tilespmem:$0x1CD00] =	vst v63  }
0x302: {  	_ =	swait.ge [sflag:s28], $0x800  }
0x303: {  	s18 =	sld [smem:$0x7EF]  }
0x304: {  	[sflag:s28] =	ssyncset.done $0x0  }
0x305: {  	[sflag:s28] =	ssyncadd.s32 $0xFFFFF800  }
0x306: {  	[spmem:s18] =	stream.linear.scatter [tilespmem:s26], [sflag:$0x3], $0x800, $0x38;
	[tilespmem:$0x1CD00] =	vst v63  }
0x307: {  	_ =	swait.ge [sflag:s28], $0x800  }
0x308: {  	s19 =	sld [smem:$0x7F0]  }
0x309: {  	[sflag:s28] =	ssyncset.done $0x0  }
0x30a: {  	[sflag:s28] =	ssyncadd.s32 $0xFFFFF800  }
0x30b: {  	[spmem:s19] =	stream.linear.scatter [tilespmem:s26], [sflag:$0x3], $0x800, $0x38;
	[tilespmem:$0x1CD00] =	vst v63  }
0x30c: {  	_ =	swait.ge [sflag:s28], $0x800  }
0x30d: {  	s20 =	sld [smem:$0x7F1]  }
0x30e: {  	[sflag:s28] =	ssyncset.done $0x0  }
0x30f: {  	[sflag:s28] =	ssyncadd.s32 $0xFFFFF800  }
0x310: {  	[spmem:s20] =	stream.linear.scatter [tilespmem:s26], [sflag:$0x3], $0x800, $0x38;
	[tilespmem:$0x1CD00] =	vst v63  }
0x311: {  	_ =	swait.ge [sflag:s28], $0x800  }
0x312: {  	s21 =	sld [smem:$0x7F2]  }
0x313: {  	[sflag:s28] =	ssyncset.done $0x0  }
0x314: {  	[sflag:s28] =	ssyncadd.s32 $0xFFFFF800  }
0x315: {  	[spmem:s21] =	stream.linear.scatter [tilespmem:s26], [sflag:$0x3], $0x800, $0x38;
	[tilespmem:$0x1CD00] =	vst v63  }
0x316: {  	_ =	swait.ge [sflag:s28], $0x800  }
0x317: {  	s17 =	sld [smem:$0x7F3]  }
0x318: {  	[sflag:s28] =	ssyncset.done $0x0  }
0x319: {  	[sflag:s28] =	ssyncadd.s32 $0xFFFFF800  }
0x31a: {  	[spmem:s17] =	stream.linear.scatter [tilespmem:s26], [sflag:$0x3], $0x800, $0x38;
	[tilespmem:$0x1CD00] =	vst v63  }
0x31b: {  	_ =	swait.ge [sflag:s28], $0x800  }
0x31c: {  	s18 =	sld [smem:$0x7F4]  }
0x31d: {  	[sflag:s28] =	ssyncset.done $0x0  }
0x31e: {  	[sflag:s28] =	ssyncadd.s32 $0xFFFFF800  }
0x31f: {  	[spmem:s18] =	stream.linear.scatter [tilespmem:s26], [sflag:$0x3], $0x800, $0x38;
	[tilespmem:$0x1CD00] =	vst v63  }
0x320: {  	_ =	swait.ge [sflag:s28], $0x800  }
0x321: {  	s19 =	sld [smem:$0x7F5]  }
0x322: {  	[sflag:s28] =	ssyncset.done $0x0  }
0x323: {  	[sflag:s28] =	ssyncadd.s32 $0xFFFFF800  }
0x324: {  	[spmem:s19] =	stream.linear.scatter [tilespmem:s26], [sflag:$0x3], $0x800, $0x38;
	[tilespmem:$0x1CD00] =	vst v63  }
0x325: {  	_ =	swait.ge [sflag:s28], $0x800  }
0x326: {  	s20 =	sld [smem:$0x7F6]  }
0x327: {  	[sflag:s28] =	ssyncset.done $0x0  }
0x328: {  	[sflag:s28] =	ssyncadd.s32 $0xFFFFF800  }
0x329: {  	[spmem:s20] =	stream.linear.scatter [tilespmem:s26], [sflag:$0x3], $0x800, $0x38;
	[tilespmem:$0x1CD00] =	vst v63  }
0x32a: {  	_ =	swait.ge [sflag:s28], $0x800  }
0x32b: {  	s21 =	sld [smem:$0x7F7]  }
0x32c: {  	[sflag:s28] =	ssyncset.done $0x0  }
0x32d: {  	[sflag:s28] =	ssyncadd.s32 $0xFFFFF800  }
0x32e: {  	[spmem:s21] =	stream.linear.scatter [tilespmem:s26], [sflag:$0x3], $0x800, $0x38;
	[tilespmem:$0x1CD00] =	vst v63  }
0x32f: {  	_ =	swait.ge [sflag:s28], $0x800  }
0x330: {  	s17 =	sld [smem:$0x7F8]  }
0x331: {  	[sflag:s28] =	ssyncset.done $0x0  }
0x332: {  	[sflag:s28] =	ssyncadd.s32 $0xFFFFF800  }
0x333: {  	[spmem:s17] =	stream.linear.scatter [tilespmem:s26], [sflag:$0x3], $0x800, $0x38;
	[tilespmem:$0x1CD00] =	vst v63  }
0x334: {  	_ =	swait.ge [sflag:s28], $0x800  }
0x335: {  	s18 =	sld [smem:$0x7F9]  }
0x336: {  	[sflag:s28] =	ssyncset.done $0x0  }
0x337: {  	[sflag:s28] =	ssyncadd.s32 $0xFFFFF800  }
0x338: {  	[spmem:s18] =	stream.linear.scatter [tilespmem:s26], [sflag:$0x3], $0x800, $0x38;
	[tilespmem:$0x1CD00] =	vst v63  }
0x339: {  	_ =	swait.ge [sflag:s28], $0x800  }
0x33a: {  	s19 =	sld [smem:$0x7FA]  }
0x33b: {  	[sflag:s28] =	ssyncset.done $0x0  }
0x33c: {  	[sflag:s28] =	ssyncadd.s32 $0xFFFFF800  }
0x33d: {  	[spmem:s19] =	stream.linear.scatter [tilespmem:s26], [sflag:$0x3], $0x800, $0x38;
	[tilespmem:$0x1CD00] =	vst v63  }
0x33e: {  	_ =	swait.ge [sflag:s28], $0x800  }
0x33f: {  	[sflag:s28] =	ssyncset.done $0x0  }
0x340: {  	[sflag:s28] =	ssyncadd.s32 $0xFFFFF800  }
0x341: {  	[bflag:$0x0] =	sbarrier.arrive $0xFFFF  }
0x342: {  	s21 =	rddreg [dreg:$0x1e]  }
0x343: {  	s20 =	simm.s32 $0x0;
	s18 =	sld [smem:$0x7FC]  }
0x344: {  	[tilespmem:s29], [sflag:$0x1] =	stream.linear.gather [hbm4b:s21+s20], $0x80, $0x38;
	[tilespmem:$0x1CD00] =	vst v63  }
0x345: {  	_ = 	snop  }
0x346: {  	[tilespmem:s20], [sflag:$0x1] =	stream.linear.gather [hbm4b:s18+s20], $0x4000, $0x38;
	[tilespmem:$0x1CD00] =	vst v63  }
0x347: {  	s19 =	sadd.s32 $0x0, s24  }
0x348: {  	[tilespmem:s30], [sflag:$0x2] =	stream.linear.gather [hbm4b:s19+s3], $0x80, $0x38;
	[tilespmem:$0x1CD00] =	vst v63  }
0x349: {  	s19 =	sld [smem:$0x7FD];
	_ =	sdelay $0x2  }
0x34a: {  	s20 =	sadd.s32 $0xFFFFF800, s19  }
0x34b: {  	[tilespmem:s9], [sflag:$0x2] =	stream.linear.gather [hbm4b:s20+s3], $0x4000, $0x38;
	[tilespmem:$0x1CD00] =	vst v63  }
0x34c: {  	_ =	swait.ge [sflag:s10], $0x80  }
0x34d: {  	[sflag:s10] =	ssyncset.done $0x0  }
0x34e: {  	[sflag:s10] =	ssyncadd.s32 $0xFFFFFF80  }
0x34f: {  	_ =	swait.ge [sflag:s10], $0x4000  }
0x350: {  	[sflag:s10] =	ssyncset.done $0x0  }
0x351: {  	[sflag:s10] =	ssyncadd.s32 $0xFFFFC000  }
0x352: {  	[spmem:s2] =	stream.indirect.scatter.add.f32 [tilespmem:s3], [sflag:$0x3], $0x80, s29, s12, $0xb8;
	[tilespmem:$0x1CD00] =	vst v63  }
0x353: {  	_ =	swait.ge [sflag:s28], $0x4000  }
0x354: {  	[sflag:s28] =	ssyncset.done $0x0  }
0x355: {  	[sflag:s28] =	ssyncadd.s32 $0xFFFFC000  }
0x356: {  	[tilespmem:s29], [sflag:$0x1] =	stream.linear.gather [hbm4b:s15+s3], $0x80, $0x38;
	[tilespmem:$0x1CD00] =	vst v63  }
0x357: {  	_ = 	snop  }
0x358: {  	[tilespmem:s3], [sflag:$0x1] =	stream.linear.gather [hbm4b:s19+s3], $0x4000, $0x38;
	[tilespmem:$0x1CD00] =	vst v63  }
0x359: {  	_ =	swait.ge [sflag:s11], $0x80  }
0x35a: {  	[sflag:s11] =	ssyncset.done $0x0  }
0x35b: {  	[sflag:s11] =	ssyncadd.s32 $0xFFFFFF80  }
0x35c: {  	_ =	swait.ge [sflag:s11], $0x4000  }
0x35d: {  	[sflag:s11] =	ssyncset.done $0x0  }
0x35e: {  	[sflag:s11] =	ssyncadd.s32 $0xFFFFC000  }
0x35f: {  	[spmem:s2] =	stream.indirect.scatter.add.f32 [tilespmem:s9], [sflag:$0x3], $0x80, s30, s12, $0xb8;
	[tilespmem:$0x1CD00] =	vst v63  }
0x360: {  	_ =	swait.ge [sflag:s28], $0x4000  }
0x361: {  	s21 =	sld [smem:$0x7E7];
	_ =	sdelay $0x1  }
0x362: {  	s17 =	simm.s32 $0x40;
	s18 =	simm.s32 $0x80  }
0x363: {  	s15 =	sadd.s32 $0x1000, s19;
	[sflag:s28] =	ssyncset.done $0x0;
	s16 =	sadd.s32 $0x200, s21  }
.LBB2_20:
0x364: {  	s19 =	sadd.s32 s17, s24  }
0x365: {  	[sflag:s28] =	ssyncadd.s32 $0xFFFFC000;
	s17 =	smov.u32 s18;
	s20 =	sadd.s32 $0x40, s18  }
0x366: {  	[tilespmem:s30], [sflag:$0x2] =	stream.linear.gather [hbm4b:s19+s3], $0x80, $0x38;
	[tilespmem:$0x1CD00] =	vst v63  }
0x367: {  	p1 =	sne.s32 s18, $0x980;
	s18 =	sadd.s32 $0xFFFFF800, s15  }
0x368: {  	[tilespmem:s9], [sflag:$0x2] =	stream.linear.gather [hbm4b:s18+s3], $0x4000, $0x38;
	[tilespmem:$0x1CD00] =	vst v63  }
0x369: {  	_ =	swait.ge [sflag:s10], $0x80  }
0x36a: {  	[sflag:s10] =	ssyncset.done $0x0  }
0x36b: {  	[sflag:s10] =	ssyncadd.s32 $0xFFFFFF80  }
0x36c: {  	_ =	swait.ge [sflag:s10], $0x4000  }
0x36d: {  	[sflag:s10] =	ssyncset.done $0x0  }
0x36e: {  	[sflag:s10] =	ssyncadd.s32 $0xFFFFC000  }
0x36f: {  	[spmem:s2] =	stream.indirect.scatter.add.f32 [tilespmem:s3], [sflag:$0x3], $0x80, s29, s12, $0xb8;
	[tilespmem:$0x1CD00] =	vst v63  }
0x370: {  	_ =	swait.ge [sflag:s28], $0x4000  }
0x371: {  	s18 =	sshrl.u32 s16, $0x3;
	[sflag:s28] =	ssyncset.done $0x0  }
0x372: {  	s18 =	sadd.s32 s1, s18;
	[sflag:s28] =	ssyncadd.s32 $0xFFFFC000  }
0x373: {  	[tilespmem:s29], [sflag:$0x1] =	stream.linear.gather [hbm4b:s18+s3], $0x80, $0x38;
	[tilespmem:$0x1CD00] =	vst v63  }
0x374: {  	_ = 	snop  }
0x375: {  	[tilespmem:s3], [sflag:$0x1] =	stream.linear.gather [hbm4b:s15+s3], $0x4000, $0x38;
	[tilespmem:$0x1CD00] =	vst v63  }
0x376: {  	_ =	swait.ge [sflag:s11], $0x80  }
0x377: {  	[sflag:s11] =	ssyncset.done $0x0  }
0x378: {  	[sflag:s11] =	ssyncadd.s32 $0xFFFFFF80  }
0x379: {  	_ =	swait.ge [sflag:s11], $0x4000  }
.Ltmp9:
0x37a: {  	[sflag:s11] =	ssyncset.done $0x0;
	(pc) =	sbr.rel @p1 .LBB2_20-.Ltmp9, $4  }
0x37b: {  	[sflag:s11] =	ssyncadd.s32 $0xFFFFC000  }
0x37c: {  	[spmem:s2] =	stream.indirect.scatter.add.f32 [tilespmem:s9], [sflag:$0x3], $0x80, s30, s12, $0xb8;
	[tilespmem:$0x1CD00] =	vst v63  }
0x37d: {  	s16 =	sadd.s32 $0x200, s16;
	_ =	swait.ge [sflag:s28], $0x4000  }
0x37e: {  	s18 =	smov.u32 s20;
	s15 =	sadd.s32 $0x1000, s15;
	[sflag:s28] =	ssyncset.done $0x0  }
0x37f: {  	s17 =	sadd.s32 s17, s24;
	[sflag:s28] =	ssyncadd.s32 $0xFFFFC000  }
0x380: {  	[tilespmem:s30], [sflag:$0x2] =	stream.linear.gather [hbm4b:s17+s3], $0x80, $0x38;
	[tilespmem:$0x1CD00] =	vst v63  }
0x381: {  	s20 =	sadd.s32 $0xFFFFF800, s15  }
0x382: {  	[tilespmem:s9], [sflag:$0x2] =	stream.linear.gather [hbm4b:s20+s3], $0x4000, $0x38;
	[tilespmem:$0x1CD00] =	vst v63  }
0x383: {  	_ =	swait.ge [sflag:s10], $0x80  }
0x384: {  	[sflag:s10] =	ssyncset.done $0x0  }
0x385: {  	[sflag:s10] =	ssyncadd.s32 $0xFFFFFF80  }
0x386: {  	_ =	swait.ge [sflag:s10], $0x4000  }
0x387: {  	[sflag:s10] =	ssyncset.done $0x0  }
0x388: {  	[sflag:s10] =	ssyncadd.s32 $0xFFFFC000  }
0x389: {  	[spmem:s2] =	stream.indirect.scatter.add.f32 [tilespmem:s3], [sflag:$0x3], $0x80, s29, s12, $0xb8;
	[tilespmem:$0x1CD00] =	vst v63  }
0x38a: {  	_ =	swait.ge [sflag:s28], $0x4000  }
0x38b: {  	s16 =	sshrl.u32 s16, $0x3;
	[sflag:s28] =	ssyncset.done $0x0  }
0x38c: {  	s16 =	sadd.s32 s1, s16;
	[sflag:s28] =	ssyncadd.s32 $0xFFFFC000  }
0x38d: {  	[tilespmem:s29], [sflag:$0x1] =	stream.linear.gather [hbm4b:s16+s3], $0x80, $0x38;
	[tilespmem:$0x1CD00] =	vst v63  }
0x38e: {  	_ = 	snop  }
0x38f: {  	[tilespmem:s3], [sflag:$0x1] =	stream.linear.gather [hbm4b:s15+s3], $0x4000, $0x38;
	[tilespmem:$0x1CD00] =	vst v63  }
0x390: {  	_ =	swait.ge [sflag:s11], $0x80  }
0x391: {  	[sflag:s11] =	ssyncset.done $0x0  }
0x392: {  	[sflag:s11] =	ssyncadd.s32 $0xFFFFFF80  }
0x393: {  	_ =	swait.ge [sflag:s11], $0x4000  }
0x394: {  	[sflag:s11] =	ssyncset.done $0x0  }
0x395: {  	[sflag:s11] =	ssyncadd.s32 $0xFFFFC000  }
0x396: {  	[spmem:s2] =	stream.indirect.scatter.add.f32 [tilespmem:s9], [sflag:$0x3], $0x80, s30, s12, $0xb8;
	[tilespmem:$0x1CD00] =	vst v63  }
0x397: {  	_ =	swait.ge [sflag:s28], $0x4000  }
0x398: {  	[sflag:s28] =	ssyncset.done $0x0  }
0x399: {  	s21 =	sld [smem:$0x7DC];
	[sflag:s28] =	ssyncadd.s32 $0xFFFFC000  }
0x39a: {  	[tilespmem:s30], [sflag:$0x2] =	stream.linear.gather [hbm4b:s23+s3], $0x80, $0x38;
	[tilespmem:$0x1CD00] =	vst v63  }
0x39b: {  	_ = 	snop  }
0x39c: {  	[tilespmem:s9], [sflag:$0x2] =	stream.linear.gather [hbm4b:s21+s3], $0x4000, $0x38;
	[tilespmem:$0x1CD00] =	vst v63  }
0x39d: {  	_ =	swait.ge [sflag:s10], $0x80  }
0x39e: {  	[sflag:s10] =	ssyncset.done $0x0  }
0x39f: {  	[sflag:s10] =	ssyncadd.s32 $0xFFFFFF80  }
0x3a0: {  	_ =	swait.ge [sflag:s10], $0x4000  }
0x3a1: {  	[sflag:s10] =	ssyncset.done $0x0  }
0x3a2: {  	[sflag:s10] =	ssyncadd.s32 $0xFFFFC000  }
0x3a3: {  	[spmem:s2] =	stream.indirect.scatter.add.f32 [tilespmem:s3], [sflag:$0x3], $0x80, s29, s12, $0xb8;
	[tilespmem:$0x1CD00] =	vst v63  }
0x3a4: {  	_ =	swait.ge [sflag:s28], $0x4000  }
0x3a5: {  	[sflag:s28] =	ssyncset.done $0x0  }
0x3a6: {  	[sflag:s28] =	ssyncadd.s32 $0xFFFFC000  }
0x3a7: {  	_ =	swait.ge [sflag:s11], $0x80  }
0x3a8: {  	[sflag:s11] =	ssyncset.done $0x0  }
0x3a9: {  	[sflag:s11] =	ssyncadd.s32 $0xFFFFFF80  }
0x3aa: {  	_ =	swait.ge [sflag:s11], $0x4000  }
0x3ab: {  	[sflag:s11] =	ssyncset.done $0x0  }
0x3ac: {  	[sflag:s11] =	ssyncadd.s32 $0xFFFFC000  }
0x3ad: {  	[spmem:s2] =	stream.indirect.scatter.add.f32 [tilespmem:s9], [sflag:$0x3], $0x80, s30, s12, $0xb8;
	[tilespmem:$0x1CD00] =	vst v63  }
0x3ae: {  	_ =	swait.ge [sflag:s28], $0x4000  }
0x3af: {  	[sflag:s28] =	ssyncset.done $0x0  }
0x3b0: {  	[sflag:s28] =	ssyncadd.s32 $0xFFFFC000  }
0x3b1: {  	[bflag:$0x0] =	sbarrier.arrive $0xFFFF  }
0x3b2: {  	s16 =	sld [smem:$0x7DF];
	_ =	sdelay $0x2  }
0x3b3: {  	[tilespmem:s22], [sflag:$0x4] =	stream.linear.gather [spmem:s16], $0x1400, $0x38;
	[tilespmem:$0x1CD00] =	vst v63  }
0x3b4: {  	_ =	swait.ge [sflag:s7], $0x1400  }
0x3b5: {  	[sflag:s7] =	ssyncset.done $0x0  }
0x3b6: {  	s17 =	rddreg [dreg:$0x16];
	[sflag:s7] =	ssyncadd.s32 $0xFFFFEC00  }
0x3b7: {  	[hbm4b:s17+s3] =	stream.linear.scatter [tilespmem:s22], [sflag:$0x3], $0x1400, $0x38;
	[tilespmem:$0x1CD00] =	vst v63  }
0x3b8: {  	_ =	swait.ge [sflag:s28], $0x1400  }
0x3b9: {  	s18 =	sld [smem:$0x7E0]  }
0x3ba: {  	[sflag:s28] =	ssyncset.done $0x0  }
0x3bb: {  	[sflag:s28] =	ssyncadd.s32 $0xFFFFEC00  }
0x3bc: {  	[tilespmem:s22], [sflag:$0x4] =	stream.linear.gather [spmem:s18], $0x1400, $0x38;
	[tilespmem:$0x1CD00] =	vst v63  }
0x3bd: {  	_ =	swait.ge [sflag:s7], $0x1400  }
0x3be: {  	[sflag:s7] =	ssyncset.done $0x0  }
0x3bf: {  	s19 =	rddreg [dreg:$0x17];
	[sflag:s7] =	ssyncadd.s32 $0xFFFFEC00  }
0x3c0: {  	[hbm4b:s19+s3] =	stream.linear.scatter [tilespmem:s22], [sflag:$0x3], $0x1400, $0x38;
	[tilespmem:$0x1CD00] =	vst v63  }
0x3c1: {  	_ =	swait.ge [sflag:s28], $0x1400  }
0x3c2: {  	s20 =	sld [smem:$0x7E1]  }
0x3c3: {  	[sflag:s28] =	ssyncset.done $0x0  }
0x3c4: {  	[sflag:s28] =	ssyncadd.s32 $0xFFFFEC00  }
0x3c5: {  	[tilespmem:s22], [sflag:$0x4] =	stream.linear.gather [spmem:s20], $0x1400, $0x38;
	[tilespmem:$0x1CD00] =	vst v63  }
0x3c6: {  	_ =	swait.ge [sflag:s7], $0x1400  }
0x3c7: {  	[sflag:s7] =	ssyncset.done $0x0  }
0x3c8: {  	s21 =	rddreg [dreg:$0x18];
	[sflag:s7] =	ssyncadd.s32 $0xFFFFEC00  }
0x3c9: {  	[hbm4b:s21+s3] =	stream.linear.scatter [tilespmem:s22], [sflag:$0x3], $0x1400, $0x38;
	[tilespmem:$0x1CD00] =	vst v63  }
0x3ca: {  	_ =	swait.ge [sflag:s28], $0x1400  }
0x3cb: {  	s16 =	sld [smem:$0x7E2]  }
0x3cc: {  	[sflag:s28] =	ssyncset.done $0x0  }
0x3cd: {  	[sflag:s28] =	ssyncadd.s32 $0xFFFFEC00  }
0x3ce: {  	[tilespmem:s22], [sflag:$0x4] =	stream.linear.gather [spmem:s16], $0x1400, $0x38;
	[tilespmem:$0x1CD00] =	vst v63  }
0x3cf: {  	_ =	swait.ge [sflag:s7], $0x1400  }
0x3d0: {  	[sflag:s7] =	ssyncset.done $0x0  }
0x3d1: {  	s17 =	rddreg [dreg:$0x19];
	[sflag:s7] =	ssyncadd.s32 $0xFFFFEC00  }
0x3d2: {  	[hbm4b:s17+s3] =	stream.linear.scatter [tilespmem:s22], [sflag:$0x3], $0x1400, $0x38;
	[tilespmem:$0x1CD00] =	vst v63  }
0x3d3: {  	_ =	swait.ge [sflag:s28], $0x1400  }
0x3d4: {  	s18 =	sld [smem:$0x7E3]  }
0x3d5: {  	[sflag:s28] =	ssyncset.done $0x0  }
0x3d6: {  	[sflag:s28] =	ssyncadd.s32 $0xFFFFEC00  }
0x3d7: {  	[tilespmem:s22], [sflag:$0x4] =	stream.linear.gather [spmem:s18], $0x1400, $0x38;
	[tilespmem:$0x1CD00] =	vst v63  }
0x3d8: {  	_ =	swait.ge [sflag:s7], $0x1400  }
0x3d9: {  	[sflag:s7] =	ssyncset.done $0x0  }
0x3da: {  	s19 =	rddreg [dreg:$0x1a];
	[sflag:s7] =	ssyncadd.s32 $0xFFFFEC00  }
0x3db: {  	[hbm4b:s19+s3] =	stream.linear.scatter [tilespmem:s22], [sflag:$0x3], $0x1400, $0x38;
	[tilespmem:$0x1CD00] =	vst v63  }
0x3dc: {  	_ =	swait.ge [sflag:s28], $0x1400  }
0x3dd: {  	s20 =	sld [smem:$0x7E4]  }
0x3de: {  	[sflag:s28] =	ssyncset.done $0x0  }
0x3df: {  	[sflag:s28] =	ssyncadd.s32 $0xFFFFEC00  }
0x3e0: {  	[tilespmem:s22], [sflag:$0x4] =	stream.linear.gather [spmem:s20], $0x1400, $0x38;
	[tilespmem:$0x1CD00] =	vst v63  }
0x3e1: {  	_ =	swait.ge [sflag:s7], $0x1400  }
0x3e2: {  	[sflag:s7] =	ssyncset.done $0x0  }
0x3e3: {  	s21 =	rddreg [dreg:$0x1b];
	[sflag:s7] =	ssyncadd.s32 $0xFFFFEC00  }
0x3e4: {  	[hbm4b:s21+s3] =	stream.linear.scatter [tilespmem:s22], [sflag:$0x3], $0x1400, $0x38;
	[tilespmem:$0x1CD00] =	vst v63  }
0x3e5: {  	_ =	swait.ge [sflag:s28], $0x1400  }
0x3e6: {  	s16 =	sld [smem:$0x7E5]  }
0x3e7: {  	[sflag:s28] =	ssyncset.done $0x0  }
0x3e8: {  	[sflag:s28] =	ssyncadd.s32 $0xFFFFEC00  }
0x3e9: {  	[tilespmem:s22], [sflag:$0x4] =	stream.linear.gather [spmem:s16], $0x1400, $0x38;
	[tilespmem:$0x1CD00] =	vst v63  }
0x3ea: {  	_ =	swait.ge [sflag:s7], $0x1400  }
0x3eb: {  	[sflag:s7] =	ssyncset.done $0x0  }
0x3ec: {  	s17 =	rddreg [dreg:$0x1c];
	[sflag:s7] =	ssyncadd.s32 $0xFFFFEC00  }
0x3ed: {  	[hbm4b:s17+s3] =	stream.linear.scatter [tilespmem:s22], [sflag:$0x3], $0x1400, $0x38;
	[tilespmem:$0x1CD00] =	vst v63  }
0x3ee: {  	_ =	swait.ge [sflag:s28], $0x1400  }
0x3ef: {  	s16 =	sld [smem:$0x7E6]  }
0x3f0: {  	[sflag:s28] =	ssyncset.done $0x0  }
0x3f1: {  	s15 =	simm.s32 @!p0 $0x11900;
	[sflag:s28] =	ssyncadd.s32 $0xFFFFEC00  }
0x3f2: {  	[tilespmem:s15], [sflag:$0x4] =	stream.linear.gather @!p0 [spmem:s16], $0x1400, $0x38;
	[tilespmem:$0x1CD00] =	vst v63  }
0x3f3: {  	s16 =	simm.s32 @!p0 $0x4  }
0x3f4: {  	_ =	swait.ge @!p0 [sflag:s16], $0x1400  }
0x3f5: {  	[sflag:s16] =	ssyncset.done @!p0 $0x0  }
0x3f6: {  	s17 =	rddreg [dreg:$0x1d];
	[sflag:s16] =	ssyncadd.s32 @!p0 $0xFFFFEC00;
	s16 =	simm.s32 @!p0 $0x0  }
0x3f7: {  	[hbm4b:s17+s16] =	stream.linear.scatter @!p0 [tilespmem:s15], [sflag:$0x3], $0x1400, $0x38;
	[tilespmem:$0x1CD00] =	vst v63  }
0x3f8: {  	s15 =	simm.s32 @!p0 $0x3  }
0x3f9: {  	_ =	swait.ge @!p0 [sflag:s15], $0x1400  }
0x3fa: {  	[sflag:s15] =	ssyncset.done @!p0 $0x0  }
0x3fb: {  	[sflag:s15] =	ssyncadd.s32 @!p0 $0xFFFFEC00  }
0x3fc: {  	[bflag:$0x0] =	sbarrier.arrive $0xFFFF  }
0x3fd: {  	s19 =	simm.s32 $0x200;
	s20 =	simm.s32 $0x400;
	s18 =	rddreg [dreg:$0x5]  }
0x3fe: {  	[hbm4b:s18+s19] =	stream.strided.scatter [tilespmem:s8], [sflag:$0x3], $0x5000, s20, s19, $0x38;
	[tilespmem:$0x1CD00] =	vst v63  }
0x3ff: {  	_ =	swait.ge [sflag:s28], $0x5000  }
0x400: {  	s21 =	sld [smem:$0x7DE];
	_ =	sdelay $0x1  }
0x401: {  	s14 =	sadd.s32 $0x1, s14  }
0x402: {  	p1 =	sne.s32 s14, s21  }
.Ltmp10:
0x403: {  	_ = 	snop;
	(pc) =	sbr.rel @p1 .LBB2_1-.Ltmp10, $3  }
0x404: {  	_ =	sdelay $0x1  }
0x405: {  	[sflag:s28] =	ssyncset.done $0x0  }
0x406: {  	[sflag:s28] =	ssyncadd.s32 $0xFFFFB000  }
0x407: {  	_ =	sfence.sel $0x180000  }
0x408: {  	[bflag:$0x0] =	sbarrier.arrive $0xFFFF  }
0x409: {  	_ =	strace $0x90000055  }
0x40a: {  	s0 =	stileid.u32;
	[bflag:$0x2] =	sbarrier.arrive $0xFFFF  }
0x40b: {  	p0 =	sne.s32 s0, $0x0;
	s0 =	rddreg [dreg:$0x4]  }
0x40c: {  	s0 =	sadd.s32 @!p0 $0x100000, s0  }
0x40d: {  	[sflag:s0] =	ssyncadd.tile.s32 @!p0 $0x1;
	_ =	shalt  }
.Lfunc_end2:
_tile_overlayer_lowered:
.L_overlay_start_2:
0x40e: {  	(tag) =	ssettag $0x2  }
0x40f: {  	s0 =	rddreg [dreg:$0x0];
	s2 =	stileid.u32  }
0x410: {  	s1 =	rddreg [dreg:$0x1];
	p0 =	sne.s32 s2, $0x0  }
0x411: {  	s3 =	rddreg [dreg:$0x2];
	[bflag:$0x3] =	sbarrier.arrive $0xFFFF;
	s2 =	simm.s32 @!p0 $0x1C03  }
0x412: {  	[timem:s3], [sflag:s2] =	dma.local @!p0 [hbm:s0], s1  }
0x413: {  	s0 =	simm.s32 @!p0 $0x3  }
0x414: {  	_ =	swait.ge @!p0 [sflag:s0], s1  }
0x415: {  	s1 =	ssub.s32 @!p0 $0x0, s1;
	[sflag:s0] =	ssyncset.done @!p0 $0x0  }
0x416: {  	[sflag:s0] =	ssyncadd.s32 @!p0 s1  }
0x417: {  	[bflag:$0x3] =	sbarrier.arrive $0xFFFF  }
0x418: {  	_ =	shalt  }

// kernel: kernel.7.cloned.1.call-start
scs
__scs_entry_jumppad:
0x0: {  	(pc) =	sbr.rel $0x88, $3  }
0x1: {  	(tag) =	ssettag $0x0;
	lr =	simm.s32 $0x1  }
0x2: {  	[smem:$0x3F8E] =	sst lr;
	_ =	strace $0xD0000000  }
0x3: {  	_ = 	snop  }
0x4: {  	_ = 	snop  }
0x5: {  	_ = 	snop  }
0x6: {  	_ = 	snop  }
0x7: {  	_ = 	snop  }
__scs_overlays_trampoline_lowered:
0x8: {  	[smem:$0x3F9D] =	sst s0  }
0x9: {  	[smem:$0x3F9E] =	sst s1  }
0xa: {  	[smem:$0x3F9F] =	sst s2  }
0xb: {  	[smem:$0x3FA0] =	sst s3  }
0xc: {  	[smem:$0x3FA1] =	sst s4  }
0xd: {  	[smem:$0x3FA2] =	sst s5  }
0xe: {  	[smem:$0x3FA3] =	sst s6  }
0xf: {  	[smem:$0x3FA4] =	sst s7  }
0x10: {  	[smem:$0x3FA5] =	sst s8  }
0x11: {  	[smem:$0x3FA6] =	sst s9;
	s0 =	simm.s32 @!p0 $0x0  }
0x12: {  	s1 =	sld [smem:$0x3F8C];
	s0 =	simm.s32 @p0 $0x1  }
0x13: {  	[smem:$0x3FA7] =	sst s0;
	s0 =	simm.s32 @!p1 $0x0  }
0x14: {  	s2 =	sld [smem:$0x3F8B];
	s0 =	simm.s32 @p1 $0x1  }
0x15: {  	[smem:$0x3FA8] =	sst s0;
	s0 =	simm.s32 @!p2 $0x0  }
0x16: {  	s3 =	sld [smem:$0x3FDB];
	s0 =	simm.s32 @p2 $0x1  }
0x17: {  	s4 =	simm.s32 $0x1BF5;
	[smem:$0x3FAA] =	sst s0  }
0x18: {  	s0 =	sld [smem:$0x3F8D];
	_ =	swait.ge [sflag:s4], $0x0  }
0x19: {  	s7 =	sld [smem:$0x3F8E]  }
0x1a: {  	s8 =	sadd.s32 $0xFFFFE003, lr  }
0x1b: {  	s9 =	sadd.s32 $0xFFFFFEF7, lr;
	s5 =	simm.s32 $0xFFFFFFFF;
	p2 =	slt.u32 s8, $0xFFFFF086  }
0x1c: {  	p1 =	slt.u32 s9, $0xF7A;
	s5 =	simm.s32 @!p2 $0x0  }
0x1d: {  	s5 =	simm.s32 @p1 $0x1;
	p0 =	seq.s32 s7, s2  }
0x1e: {  	s7 =	smul.u32 @!p0 $0xF7A, s2;
	p2 =	seq.s32 @!p0 s5, $0x0  }
0x1f: {  	s9 =	smul.u32 $0xF7A, s1;
	s8 =	simm.s32 @!p0 $0x1BF5;
	p2 =	por !p2, p0  }
0x20: {  	[sflag:s8] =	ssyncset.s32 @!p0 $0xFFFFF086;
	s6 =	sadd.s32 @!p0 s3, s7;
	s7 =	simm.s32 @!p0 $0x108  }
0x21: {  	s3 =	sadd.s32 s3, s9;
	s6 =	sadd.s32 @!p0 $0x88, s6;
	s7 =	simm.s32 @p2 $0x1082  }
0x22: {  	[simem:s7], [sflag:s8] =	dma.local @!p0 [hbm:s6], $0xF7A  }
0x23: {  	s9 =	sor.u32 $0xD0000000, s2;
	s6 =	simm.s32 $0x108;
	_ =	swait.ge @!p0 [sflag:s8], $0x0  }
0x24: {  	s3 =	sadd.s32 $0x88, s3;
	s6 =	simm.s32 @!p1 $0x1082;
	[sflag:s4] =	ssyncset.s32 $0xFFFFF086  }
0x25: {  	[simem:s6], [sflag:s4] =	dma.local [hbm:s3], $0xF7A  }
0x26: {  	[smem:$0x3F8E] =	sst s1;
	(tag) =	ssettag s2;
	_ =	strace s9  }
0x27: {  	s1 =	sld [smem:$0x3F9E]  }
0x28: {  	s2 =	sld [smem:$0x3F9F]  }
0x29: {  	s4 =	sld [smem:$0x3FA1]  }
0x2a: {  	p0 =	seq.s32 s5, $0x0;
	s5 =	sld [smem:$0x3FA2]  }
0x2b: {  	s6 =	sld [smem:$0x3FA3]  }
0x2c: {  	s7 =	sld [smem:$0x3FA4]  }
0x2d: {  	s3 =	simm.s32 $0x108;
	s8 =	sld [smem:$0x3FA5]  }
0x2e: {  	s3 =	simm.s32 @!p0 $0x1082;
	s9 =	sld [smem:$0x3FA6]  }
0x2f: {  	lr =	sadd.s32 s0, s3;
	s0 =	sld [smem:$0x3F9D]  }
0x30: {  	s3 =	sld [smem:$0x3FA0]  }
0x31: {  	[smem:$0x3FA9] =	sst s10  }
0x32: {  	s10 =	sld [smem:$0x3FA7];
	_ =	sdelay $0x3  }
0x33: {  	p0 =	seq.s32 s10, $0x1;
	s10 =	sld [smem:$0x3FA9];
	_ =	sdelay $0x3  }
0x34: {  	[smem:$0x3FA9] =	sst s10  }
0x35: {  	s10 =	sld [smem:$0x3FA8];
	_ =	sdelay $0x3  }
0x36: {  	p1 =	seq.s32 s10, $0x1;
	s10 =	sld [smem:$0x3FA9];
	_ =	sdelay $0x3  }
0x37: {  	[smem:$0x3FA9] =	sst s10  }
0x38: {  	s10 =	sld [smem:$0x3FAA]  }
0x39: {  	_ = 	snop;
	(pc) =	sbr.ind lr, $3  }
0x3a: {  	_ = 	snop  }
0x3b: {  	_ = 	snop  }
0x3c: {  	p2 =	seq.s32 s10, $0x1;
	s10 =	sld [smem:$0x3FA9]  }
0x3d: {  	_ =	shalt  }
0x3e: {  	_ =	shalt  }
0x3f: {  	_ =	shalt  }
0x40: {  	_ =	shalt  }
0x41: {  	_ =	shalt  }
0x42: {  	_ =	shalt  }
0x43: {  	_ =	shalt  }
0x44: {  	_ =	shalt  }
0x45: {  	_ =	shalt  }
0x46: {  	_ =	shalt  }
0x47: {  	_ =	shalt  }
0x48: {  	_ =	shalt  }
0x49: {  	_ =	shalt  }
0x4a: {  	_ =	shalt  }
0x4b: {  	_ =	shalt  }
0x4c: {  	_ =	shalt  }
0x4d: {  	_ =	shalt  }
0x4e: {  	_ =	shalt  }
0x4f: {  	_ =	shalt  }
0x50: {  	_ =	shalt  }
0x51: {  	_ =	shalt  }
0x52: {  	_ =	shalt  }
0x53: {  	_ =	shalt  }
0x54: {  	_ =	shalt  }
0x55: {  	_ =	shalt  }
0x56: {  	_ =	shalt  }
0x57: {  	_ =	shalt  }
0x58: {  	_ =	shalt  }
0x59: {  	_ =	shalt  }
0x5a: {  	_ =	shalt  }
0x5b: {  	_ =	shalt  }
0x5c: {  	_ =	shalt  }
0x5d: {  	_ =	shalt  }
0x5e: {  	_ =	shalt  }
0x5f: {  	_ =	shalt  }
0x60: {  	_ =	shalt  }
0x61: {  	_ =	shalt  }
0x62: {  	_ =	shalt  }
0x63: {  	_ =	shalt  }
0x64: {  	_ =	shalt  }
0x65: {  	_ =	shalt  }
0x66: {  	_ =	shalt  }
0x67: {  	_ =	shalt  }
0x68: {  	_ =	shalt  }
0x69: {  	_ =	shalt  }
0x6a: {  	_ =	shalt  }
0x6b: {  	_ =	shalt  }
0x6c: {  	_ =	shalt  }
0x6d: {  	_ =	shalt  }
0x6e: {  	_ =	shalt  }
0x6f: {  	_ =	shalt  }
0x70: {  	_ =	shalt  }
0x71: {  	_ =	shalt  }
0x72: {  	_ =	shalt  }
0x73: {  	_ =	shalt  }
0x74: {  	_ =	shalt  }
0x75: {  	_ =	shalt  }
0x76: {  	_ =	shalt  }
0x77: {  	_ =	shalt  }
0x78: {  	_ =	shalt  }
0x79: {  	_ =	shalt  }
0x7a: {  	_ =	shalt  }
0x7b: {  	_ =	shalt  }
0x7c: {  	_ =	shalt  }
0x7d: {  	_ =	shalt  }
0x7e: {  	_ =	shalt  }
0x7f: {  	_ =	shalt  }
0x80: {  	_ =	shalt  }
0x81: {  	_ =	shalt  }
0x82: {  	_ =	shalt  }
0x83: {  	_ =	shalt  }
0x84: {  	_ =	shalt  }
0x85: {  	_ =	shalt  }
0x86: {  	_ =	shalt  }
0x87: {  	_ =	shalt  }
.Lfunc_end0:
.L_simem_size_0:
called_computation_lowered:
.L_overlay_start_0:
0x88: {  	s2 =	sld [smem:$0x3FD9]  }
0x89: {  	s3 =	sld [smem:$0x3FFE];
	_ =	sdelay $0x1  }
0x8a: {  	s1 =	srdreg.scid  }
0x8b: {  	s0 =	sand.u32 $0x1, s1  }
0x8c: {  	s14 =	sshll.u32 s0, $0xA;
	s2 =	sadd.s32 s3, s2  }
0x8d: {  	s2 =	sadd.s32 s2, s14  }
0x8e: {  	[smem:$0x3FB5] =	sst s2  }
0x8f: {  	_ = 	snop  }
0x90: {  	s2 =	sld [smem:$0x3FD0];
	_ =	sdelay $0x2  }
0x91: {  	s15 =	simm.s32 $0xA;
	s4 =	simm.s32 $0x10  }
0x92: {  	[smem:s4], [sflag:s15] =	dma.local [hbm:s2], $0x1  }
0x93: {  	_ =	swait.eq [sflag:s15], $0x1  }
0x94: {  	[sflag:s15] =	ssyncset.done $0x0  }
0x95: {  	s16 =	sld [smem:$0x11];
	[sflag:s15] =	ssyncadd.s32 $0xFFFFFFFF  }
0x96: {  	s17 =	sld [smem:$0x12];
	(tm) =	ssettm $0x1  }
0x97: {  	s18 =	sld [smem:$0x3FFB];
	_ =	sdelay $0x3  }
0x98: {  	_ =	strace s18  }
0x99: {  	s4 =	sld [smem:$0x3FFC];
	_ =	sdelay $0x3  }
0x9a: {  	_ =	strace s4  }
0x9b: {  	s4 =	sld [smem:$0x3FFD];
	_ =	sdelay $0x3  }
0x9c: {  	_ =	strace s4  }
0x9d: {  	_ =	strace $0x8FFFFFFF  }
0x9e: {  	s19 =	sld [smem:$0x3FDB];
	_ =	sdelay $0x1  }
0x9f: {  	s5 =	simm.s32 $_scs_section_size  }
0xa0: {  	s6 =	simm.s32 $_size__tile_overlayer_lowered;
	s7 =	simm.s32 $_tile_overlayer_lowered  }
0xa1: {  	s22 =	simm.s32 $0x1BFF;
	s21 =	sshll.u32 s7, $0x1;
	s4 =	sadd.s32 s5, s19  }
0xa2: {  	s8 =	simm.s32 $0x0;
	s20 =	sshll.u32 s6, $0x1;
	s6 =	sadd.s32 s21, s4  }
0xa3: {  	[timem:s8], [sflag:s22] =	dma.local [hbm:s6], s20  }
0xa4: {  	_ =	swait.ge [sflag:s22], s20  }
0xa5: {  	s5 =	ssub.s32 $0x0, s20;
	[sflag:s22] =	ssyncset.done $0x0  }
0xa6: {  	[sflag:s22] =	ssyncadd.s32 s5;
	_ =	sdelay $0x1  }
0xa7: {  	s23 =	simm.s32 $0x1B8B  }
0xa8: {  	_ =	swait.ge [sflag:s23], $0x1  }
0xa9: {  	[sflag:s23] =	ssyncset.done $0x0  }
0xaa: {  	s25 =	simm.s32 $0x1B8E;
	s24 =	sld [smem:$0x3FFE];
	[sflag:s23] =	ssyncadd.s32 $0xFFFFFFFF  }
0xab: {  	s26 =	simm.s32 $execute0_lowered;
	[smem:$0x3FD2] =	sst s25  }
0xac: {  	s6 =	sshll.u32 s26, $0x1;
	_ =	strace $0x80000046;
	[dreg:$0x1] =	wrdreg $0xFFFFFFFF  }
0xad: {  	s28 =	simm.s32 $_size_execute0_lowered;
	s4 =	sadd.s32 s4, s6;
	[dreg:$0x0] =	wrdreg $0x0  }
0xae: {  	s6 =	sshll.u32 s28, $0x1;
	[dreg:$0x2] =	wrdreg s4  }
0xaf: {  	[dreg:$0x3] =	wrdreg s6  }
0xb0: {  	[dreg:$0x4] =	wrdreg $0xC0  }
0xb1: {  	_ =	task [dreg:s8], $0x5FFFF  }
0xb2: {  	[dreg:$0x1] =	wrdreg $0xFFFFFFFF  }
0xb3: {  	[dreg:$0x0] =	wrdreg $0x60  }
0xb4: {  	[dreg:$0x2] =	wrdreg s24  }
0xb5: {  	[dreg:$0x3] =	wrdreg s16  }
0xb6: {  	[dreg:$0x4] =	wrdreg s17  }
0xb7: {  	[dreg:$0x5] =	wrdreg $0x9  }
0xb8: {  	_ =	task.clear_ibuf [dreg:s8], $0x6FFFF;
	_ =	strace $0x90000046  }
0xb9: {  	s29 =	simm.s32 $0x9;
	_ =	strace $0x80000053  }
0xba: {  	_ =	swait.ge [sflag:s29], $0x1  }
0xbb: {  	[sflag:s29] =	ssyncadd.s32 $0xFFFFFFFF  }
0xbc: {  	_ =	strace $0x90000053  }
0xbd: {  	_ =	sfence  }
0xbe: {  	s30 =	sld [smem:$0x0];
	_ =	sdelay $0x2  }
0xbf: {  	s31 =	sshll.u32 s1, $0xD;
	s1 =	sshrl.u32 s1, $0x2  }
0xc0: {  	s3 =	sand.u32 $0x4000, s31;
	s1 =	sadd.s32 s1, s30  }
0xc1: {  	s0 =	sor.u32 s3, s0;
	s1 =	sshll.u32 s1, $0x11  }
0xc2: {  	s0 =	sor.u32 s1, s0  }
0xc3: {  	s0 =	sadd.s32 $0x8F2B, s0  }
0xc4: {  	[sflag:s0] =	ssyncadd.remote.s32 $0x1  }
0xc5: {  	_ =	sfence.sel $0xFFFF  }
0xc6: {  	[dreg:$0x0] =	wrdreg $0xFFFFFFFF;
	(pc) =	sbr.abs _section_cstart, $3  }
0xc7: {  	[dreg:$0x1] =	wrdreg $0xFFFFFFFF  }
0xc8: {  	_ =	task.clear_ibuf [dreg:s8], $0x2FFFF;
	_ =	strace $0x9FFFFFFF  }
0xc9: {  	(tm) =	ssettm $0x7FFFFFFF  }
tec
execute0_lowered:
.L_overlay_start_1:
0x0: {  	(tag) =	ssettag $0x1  }
0x1: {  	s0 =	rddreg [dreg:$0x0]  }
0x2: {  	s7 =	rddreg [dreg:$0x1]  }
0x3: {  	s8 =	rddreg [dreg:$0x2]  }
0x4: {  	s1 =	simm.s32 $0x0;
	s25 =	srdreg.scid;
	s3 =	stileid.u32  }
0x5: {  	s14 =	simm.s32 $0x8000;
	s18 =	simm.s32 $0x40;
	[smem:$0x7FF] =	sst s1  }
0x6: {  	s1 =	sand.u32 $0x1, s25;
	s5 =	sadd.s32 $0x2D200, s0;
	s6 =	sadd.s32 $0x55200, s0  }
0x7: {  	s26 =	sadd.s32 $0x4200, s0;
	s9 =	sadd.s32 $0x7D200, s0;
	s0 =	sadd.s32 $0x2FD200, s0  }
0x8: {  	_ =	strace $0x80000047;
	s2 =	sshll.u32 s1, $0x4;
	s1 =	ssub.s32 $0x2, s1  }
0x9: {  	[dreg:$0x4] =	wrdreg s26;
	s2 =	sor.u32 s3, s2;
	s28 =	sshrl.u32 s1, $0x1  }
0xa: {  	[dreg:$0x5] =	wrdreg s9;
	s4 =	smul.u32 $0x280, s2;
	s29 =	ssub.s32 s1, s28  }
0xb: {  	s20 =	simm.s32 $0x1;
	[dreg:$0x6] =	wrdreg s0;
	s0 =	smax.u32 s29, $0x1  }
0xc: {  	s21 =	simm.s32 $0x2;
	s30 =	sadd.s32 s7, s4;
	[dreg:$0x9] =	wrdreg s0  }
0xd: {  	v0 =	vlaneseq.u32;
	s23 =	simm.s32 $0x6000;
	s31 =	sadd.s32 s8, s4;
	[dreg:$0x7] =	wrdreg s30  }
0xe: {  	v0 =	vmul.u32 $0x80, v0;
	s10 =	smul.u32 $0x28, s2;
	s1 =	simm.s32 $0x0;
	[dreg:$0x8] =	wrdreg s31  }
.LBB2_1:
0xf: {  	[dreg:$0xa] =	wrdreg s1  }
0x10: {  	s0 =	simm.s32 $0x0;
	s19 =	rddreg [dreg:$0x4];
	s22 =	simm.s32 $0x3  }
0x11: {  	[tilespmem:s14], [sflag:$0x3] =	stream.linear.gather [hbm4b:s19+s0], $0x7580, $0x38;
	[tilespmem:$0x1FA00] =	vst v63  }
0x12: {  	_ =	swait.ge [sflag:s22], $0x7580  }
0x13: {  	[sflag:s22] =	ssyncset.done $0x0  }
0x14: {  	s2 =	simm.s32 $0xF800;
	[sflag:s22] =	ssyncadd.s32 $0xFFFF8A80  }
0x15: {  	s26 =	simm.s32 $0xF900;
	s28 =	simm.s32 $0x0;
	_ =	strace $0x80000048  }
0x16: {  	s13 =	simm.s32 $0x0;
	s29 =	simm.s32 $0x0;
	s24 =	rddreg [dreg:$0x7]  }
0x17: {  	[tilespmem:s2], [sflag:$0x3] =	stream.linear.gather [hbm4b:s24+s0], $0x80, $0x200038;
	[tilespmem:$0x1FA00] =	vst v63  }
0x18: {  	s30 =	simm.s32 $0x0;
	s31 =	simm.s32 $0x1;
	s25 =	rddreg [dreg:$0x8]  }
0x19: {  	[tilespmem:s26], [sflag:$0x5] =	stream.linear.gather [hbm4b:s25+s0], $0x80, $0x200038;
	[tilespmem:$0x1FA00] =	vst v63  }
0x1a: {  	s4 =	simm.s32 $0x1;
	s16 =	simm.s32 $0x0;
	s26 =	simm.s32 $0x0  }
0x1b: {  	s25 =	simm.s32 $0x0;
	s0 =	simm.s32 $0x0;
	_ =	strace $0x90000048  }
.LBB2_2:
0x1c: {  	s7 =	smov.u32 s26;
	s26 =	sadd.s32 $0x1, s26  }
0x1d: {  	p0 =	seq.s32 s26, $0x28  }
0x1e: {  	s26 =	simm.s32 @p0 $0x0;
	p0 =	seq.s32 s16, $0x27  }
0x1f: {  	p1 =	seq.s32 @!p0 s7, s26  }
0x20: {  	p2 =	por p1, p0  }
0x21: {  	s1 =	sadd.s32 @!p2 s10, s26;
	s2 =	sand.u32 @!p2 $0x1, s4  }
0x22: {  	_ =	strace @!p2 $0x80000049;
	s9 =	simm.s32 @!p2 $0x0;
	s1 =	sshll.u32 @!p2 s1, $0x4  }
0x23: {  	s3 =	sshll.u32 @!p2 s2, $0x7;
	s8 =	rddreg [dreg:$0x1];
	s1 =	sand.u32 @!p2 $0x1FFFFFF0, s1  }
0x24: {  	s2 =	sadd.s32 @!p2 $0x3, s2;
	s3 =	sor.u32 @!p2 $0xF800, s3;
	s8 =	sadd.s32 @!p2 s8, s1  }
0x25: {  	[tilespmem:s3], [sflag:s2] =	stream.linear.gather @!p2 [hbm4b:s8+s9], $0x80, $0x200038;
	[tilespmem:$0x1FA00] =	vst v63  }
0x26: {  	_ =	strace @!p2 $0x90000049  }
0x27: {  	s2 =	sand.u32 @!p2 $0x1, s31;
	_ =	strace @!p2 $0x8000004A  }
0x28: {  	s3 =	sshll.u32 @!p2 s2, $0x7;
	s8 =	rddreg [dreg:$0x2]  }
0x29: {  	s2 =	sadd.s32 @!p2 $0x5, s2;
	s3 =	sor.u32 @!p2 $0xF900, s3;
	s1 =	sadd.s32 @!p2 s8, s1  }
0x2a: {  	[tilespmem:s3], [sflag:s2] =	stream.linear.gather @!p2 [hbm4b:s1+s9], $0x80, $0x200038;
	[tilespmem:$0x1FA00] =	vst v63  }
0x2b: {  	s15 =	sand.u32 $0x1, s0;
	_ =	strace @!p2 $0x9000004A  }
0x2c: {  	s11 =	sadd.s32 $0x3, s15;
	_ =	strace $0x8000004B  }
0x2d: {  	_ =	swait.ge [sflag:s11], $0x80  }
0x2e: {  	[sflag:s11] =	ssyncset.done $0x0  }
0x2f: {  	[sflag:s11] =	ssyncadd.s32 $0xFFFFFF80  }
0x30: {  	s24 =	sand.u32 $0x1, s30;
	_ =	strace $0x9000004B  }
0x31: {  	s12 =	sadd.s32 $0x5, s24;
	_ =	strace $0x8000004C  }
0x32: {  	_ =	swait.ge [sflag:s12], $0x80  }
0x33: {  	s19 =	sshll.u32 s0, $0x7;
	[sflag:s12] =	ssyncset.done $0x0  }
0x34: {  	s8 =	sand.u32 $0x80, s19;
	[sflag:s12] =	ssyncadd.s32 $0xFFFFFF80  }
0x35: {  	s22 =	sshll.u32 s30, $0x7;
	s1 =	sor.u32 $0xF800, s8;
	_ =	strace $0x9000004C  }
0x36: {  	s3 =	simm.s32 $0x0;
	s9 =	sand.u32 $0x80, s22;
	_ =	strace $0x8000004D  }
0x37: {  	[tilespmem:s3], [sflag:$0x1] =	stream.indirect.gather [hbm4b:s5+s18], $0x80, s1, s18, $0x2000b8;
	[tilespmem:$0x1FA00] =	vst v63  }
0x38: {  	s2 =	sor.u32 $0xF900, s9;
	s11 =	simm.s32 $0x2000  }
0x39: {  	[tilespmem:s11], [sflag:$0x2] =	stream.indirect.gather [hbm4b:s6+s18], $0x80, s2, s18, $0x2000b8;
	[tilespmem:$0x1FA00] =	vst v63  }
0x3a: {  	v1 =	vld [tilespmem:s1+$0x0]  }
0x3b: {  	v2 =	vld [tilespmem:s2+$0x0];
	_ =	sdelay $0x3  }
0x3c: {  	v1 =	vmul.u32 $0x3, v1  }
0x3d: {  	v3 =	vmul.u32 $0x3, v2;
	_ =	sdelay $0x1  }
0x3e: {  	v2 =	vadd.s32 $0x1, v1  }
0x3f: {  	v4 =	vadd.s32 $0x1, v3  }
0x40: {  	v5 =	vadd.s32 $0x2, v3  }
0x41: {  	v6 =	vadd.s32 $0x2, v1;
	v1 =	vld.idx.msk [tilespmem:v1+s14+$0x0], $0xffff  }
0x42: {  	s12 =	sadd.s32 s10, s7;
	s7 =	sadd.s32 @!p2 $0x1, s4;
	p2 =	por !p1, p0;
	v3 =	vld.idx.msk [tilespmem:v3+s14+$0x0], $0xffff  }
0x43: {  	s17 =	smov.u32 s4;
	s4 =	smov.u32 @p2 s7;
	s7 =	simm.s32 $0x0;
	v2 =	vld.idx.msk [tilespmem:v2+s14+$0x0], $0xffff  }
0x44: {  	s7 =	simm.s32 @p2 $0x1;
	s11 =	sand.u32 $0x1, s28;
	v4 =	vld.idx.msk [tilespmem:v4+s14+$0x0], $0xffff  }
0x45: {  	s4 =	smov.u32 @p0 s17;
	s17 =	smov.u32 s13;
	s19 =	sshll.u32 s11, $0xE;
	v5 =	vld.idx.msk [tilespmem:v5+s14+$0x0], $0xffff  }
0x46: {  	s7 =	simm.s32 @p0 $0x0;
	s13 =	sadd.s32 $0x17A00, s19;
	s19 =	simm.s32 $0x10;
	v6 =	vld.idx.msk [tilespmem:v6+s14+$0x0], $0xffff  }
.LBB2_3:
0x47: {  	_ = 	snop  }
0x48: {  	p2 =	sne.s32 s19, $0x30;
	s1 =	sadd.s32 $0x10, s1;
	s2 =	sadd.s32 $0x10, s2  }
0x49: {  	s22 =	smov.u32 s19;
	s19 =	sadd.s32 $0x10, s19;
	v1 =	vsub.f32 v1, v3;
	v2 =	vsub.f32 v2, v4;
	_ =	sdelay $0x1  }
0x4a: {  	v4 =	vmul.f32 v1, v1;
	v3 =	vsub.f32 v6, v5;
	v5 =	vmul.f32 v2, v2;
	_ =	sdelay $0x1  }
0x4b: {  	v4 =	vadd.f32 v5, v4;
	v5 =	vmul.f32 v3, v3;
	_ =	sdelay $0x1  }
0x4c: {  	v4 =	vadd.f32 v5, v4;
	_ =	sdelay $0x1  }
0x4d: {  	v5 =	vshra.s32 v4, $0x1;
	v6 =	vmul.f32 $5.000000000e-01, v4  }
0x4e: {  	v5 =	vsub.s32 $0x5F3759DF, v5  }
0x4f: {  	v7 =	vmul.f32 v5, v6;
	_ =	sdelay $0x1  }
0x50: {  	v7 =	vmul.f32 v5, v7;
	_ =	sdelay $0x1  }
0x51: {  	v7 =	vsub.f32 $1.500000000e+00, v7;
	_ =	sdelay $0x1  }
0x52: {  	v5 =	vmul.f32 v5, v7;
	_ =	sdelay $0x1  }
0x53: {  	v7 =	vmul.f32 v5, v6;
	_ =	sdelay $0x1  }
0x54: {  	v7 =	vmul.f32 v7, v5;
	_ =	sdelay $0x1  }
0x55: {  	v7 =	vsub.f32 $1.500000000e+00, v7;
	_ =	sdelay $0x1  }
0x56: {  	v5 =	vmul.f32 v7, v5;
	_ =	sdelay $0x1  }
0x57: {  	v6 =	vmul.f32 v5, v6;
	_ =	sdelay $0x1  }
0x58: {  	v6 =	vmul.f32 v6, v5  }
0x59: {  	v7 =	vmov s3;
	s3 =	smov.u32 s22  }
0x5a: {  	v7 =	vshll.u32 v7, $0x7;
	v6 =	vsub.f32 $1.500000000e+00, v6  }
0x5b: {  	v7 =	vor.u32 v0, v7  }
0x5c: {  	v5 =	vmul.f32 v6, v5;
	v6 =	vor.u32 $0x1, v7  }
0x5d: {  	v8 =	vor.u32 $0x2, v7  }
0x5e: {  	v9 =	vor.u32 $0x3, v7;
	v1 =	vmul.f32 v5, v1;
	v2 =	vmul.f32 v5, v2;
	_ =	sdelay $0x1  }
0x5f: {  	[tilespmem:v7+s13+$0x0] =	vst.idx.msk $0xffff, v1;
	v1 =	vmul.f32 v5, v3  }
0x60: {  	[tilespmem:v6+s13+$0x0] =	vst.idx.msk $0xffff, v2  }
0x61: {  	[tilespmem:v8+s13+$0x0] =	vst.idx.msk $0xffff, v1  }
0x62: {  	[tilespmem:v9+s13+$0x0] =	vst.idx.msk $0xffff, v4  }
0x63: {  	v1 =	vld [tilespmem:s1+$0x0]  }
0x64: {  	v2 =	vld [tilespmem:s2+$0x0];
	_ =	sdelay $0x3  }
0x65: {  	v1 =	vmul.u32 $0x3, v1  }
0x66: {  	v3 =	vmul.u32 $0x3, v2  }
0x67: {  	v2 =	vadd.s32 $0x1, v1  }
0x68: {  	v6 =	vadd.s32 $0x2, v1;
	v4 =	vadd.s32 $0x1, v3;
	v5 =	vadd.s32 $0x2, v3;
	_ =	sdelay $0x2  }
0x69: {  	v1 =	vld.idx.msk [tilespmem:v1+s14+$0x0], $0xffff  }
.Ltmp0:
0x6a: {  	v2 =	vld.idx.msk [tilespmem:v2+s14+$0x0], $0xffff;
	(pc) =	sbr.rel @p2 .LBB2_3-.Ltmp0, $4  }
0x6b: {  	v3 =	vld.idx.msk [tilespmem:v3+s14+$0x0], $0xffff  }
0x6c: {  	v4 =	vld.idx.msk [tilespmem:v4+s14+$0x0], $0xffff  }
0x6d: {  	v5 =	vld.idx.msk [tilespmem:v5+s14+$0x0], $0xffff  }
0x6e: {  	v6 =	vld.idx.msk [tilespmem:v6+s14+$0x0], $0xffff  }
0x6f: {  	_ =	sdelay $0x1  }
0x70: {  	v1 =	vsub.f32 v1, v3;
	v2 =	vsub.f32 v2, v4;
	_ =	sdelay $0x1  }
0x71: {  	v4 =	vmul.f32 v1, v1;
	v3 =	vsub.f32 v6, v5;
	v5 =	vmul.f32 v2, v2;
	_ =	sdelay $0x1  }
0x72: {  	v4 =	vadd.f32 v5, v4;
	v5 =	vmul.f32 v3, v3;
	_ =	sdelay $0x1  }
0x73: {  	v4 =	vadd.f32 v5, v4;
	_ =	sdelay $0x1  }
0x74: {  	v5 =	vshra.s32 v4, $0x1;
	v6 =	vmul.f32 $5.000000000e-01, v4  }
0x75: {  	v5 =	vsub.s32 $0x5F3759DF, v5  }
0x76: {  	v7 =	vmul.f32 v5, v6;
	_ =	sdelay $0x1  }
0x77: {  	v7 =	vmul.f32 v5, v7;
	_ =	sdelay $0x1  }
0x78: {  	v7 =	vsub.f32 $1.500000000e+00, v7;
	_ =	sdelay $0x1  }
0x79: {  	v5 =	vmul.f32 v5, v7;
	_ =	sdelay $0x1  }
0x7a: {  	v7 =	vmul.f32 v5, v6;
	_ =	sdelay $0x1  }
0x7b: {  	v7 =	vmul.f32 v7, v5;
	_ =	sdelay $0x1  }
0x7c: {  	v7 =	vsub.f32 $1.500000000e+00, v7;
	_ =	sdelay $0x1  }
0x7d: {  	v5 =	vmul.f32 v7, v5;
	_ =	sdelay $0x1  }
0x7e: {  	v6 =	vmul.f32 v5, v6;
	_ =	sdelay $0x1  }
0x7f: {  	v6 =	vmul.f32 v6, v5  }
0x80: {  	v7 =	vmov s3  }
0x81: {  	v7 =	vshll.u32 v7, $0x7;
	v6 =	vsub.f32 $1.500000000e+00, v6  }
0x82: {  	v7 =	vor.u32 v0, v7  }
0x83: {  	v5 =	vmul.f32 v6, v5;
	v6 =	vor.u32 $0x1, v7  }
0x84: {  	v8 =	vor.u32 $0x2, v7  }
0x85: {  	v9 =	vor.u32 $0x3, v7;
	v1 =	vmul.f32 v5, v1  }
0x86: {  	v2 =	vmul.f32 v5, v2  }
0x87: {  	[tilespmem:v7+s13+$0x0] =	vst.idx.msk $0xffff, v1;
	v1 =	vmul.f32 v5, v3  }
0x88: {  	[tilespmem:v6+s13+$0x0] =	vst.idx.msk $0xffff, v2  }
0x89: {  	[tilespmem:v8+s13+$0x0] =	vst.idx.msk $0xffff, v1  }
0x8a: {  	[tilespmem:v9+s13+$0x0] =	vst.idx.msk $0xffff, v4  }
0x8b: {  	_ =	swait.ge [sflag:s20], $0x2000  }
0x8c: {  	[sflag:s20] =	ssyncset.done $0x0  }
0x8d: {  	[sflag:s20] =	ssyncadd.s32 $0xFFFFE000  }
0x8e: {  	_ =	swait.ge [sflag:s21], $0x2000  }
0x8f: {  	s1 =	sadd.s32 $0xF840, s8;
	s2 =	simm.s32 $0x4000;
	[sflag:s21] =	ssyncset.done $0x0  }
0x90: {  	s22 =	sshll.u32 s15, $0x7;
	s3 =	simm.s32 $0x40;
	[sflag:s21] =	ssyncadd.s32 $0xFFFFE000  }
0x91: {  	[tilespmem:s2], [sflag:$0x1] =	stream.indirect.gather [hbm4b:s5+s3], $0x80, s1, s3, $0x2000b8;
	[tilespmem:$0x1FA00] =	vst v63  }
0x92: {  	s19 =	sadd.s32 $0xF940, s9;
	s24 =	sshll.u32 s24, $0x7;
	s1 =	sor.u32 $0xF840, s22  }
0x93: {  	[tilespmem:s23], [sflag:$0x2] =	stream.indirect.gather [hbm4b:s6+s3], $0x80, s19, s3, $0x2000b8;
	[tilespmem:$0x1FA00] =	vst v63  }
0x94: {  	s2 =	sor.u32 $0xF940, s24;
	v1 =	vld [tilespmem:s1+$0x0]  }
0x95: {  	v2 =	vld [tilespmem:s2+$0x0];
	_ =	sdelay $0x3  }
0x96: {  	v1 =	vmul.u32 $0x3, v1  }
0x97: {  	v3 =	vmul.u32 $0x3, v2;
	_ =	sdelay $0x1  }
0x98: {  	v2 =	vadd.s32 $0x1, v1  }
0x99: {  	v5 =	vadd.s32 $0x1, v3  }
0x9a: {  	v6 =	vadd.s32 $0x2, v3  }
0x9b: {  	v7 =	vadd.s32 $0x2, v1;
	v1 =	vld.idx.msk [tilespmem:v1+s14+$0x0], $0xffff  }
0x9c: {  	v4 =	vld.idx.msk [tilespmem:v3+s14+$0x0], $0xffff  }
0x9d: {  	v2 =	vld.idx.msk [tilespmem:v2+s14+$0x0], $0xffff  }
0x9e: {  	v5 =	vld.idx.msk [tilespmem:v5+s14+$0x0], $0xffff  }
0x9f: {  	v3 =	vld.idx.msk [tilespmem:v6+s14+$0x0], $0xffff  }
0xa0: {  	s8 =	simm.s32 $0x50;
	v6 =	vld.idx.msk [tilespmem:v7+s14+$0x0], $0xffff  }
.LBB2_5:
0xa1: {  	_ = 	snop  }
0xa2: {  	p2 =	seq.s32 s8, $0x70;
	s1 =	sadd.s32 $0x10, s1;
	s2 =	sadd.s32 $0x10, s2  }
0xa3: {  	s9 =	smov.u32 s8;
	s8 =	sadd.s32 $0x10, s8;
	v1 =	vsub.f32 v1, v4;
	v2 =	vsub.f32 v2, v5;
	_ =	sdelay $0x1  }
0xa4: {  	v4 =	vmul.f32 v1, v1;
	v3 =	vsub.f32 v6, v3;
	v5 =	vmul.f32 v2, v2;
	_ =	sdelay $0x1  }
0xa5: {  	v4 =	vadd.f32 v5, v4;
	v5 =	vmul.f32 v3, v3;
	_ =	sdelay $0x1  }
0xa6: {  	v4 =	vadd.f32 v5, v4;
	_ =	sdelay $0x1  }
0xa7: {  	v5 =	vshra.s32 v4, $0x1;
	v6 =	vmul.f32 $5.000000000e-01, v4  }
0xa8: {  	v5 =	vsub.s32 $0x5F3759DF, v5  }
0xa9: {  	v7 =	vmul.f32 v5, v6;
	_ =	sdelay $0x1  }
0xaa: {  	v7 =	vmul.f32 v5, v7;
	_ =	sdelay $0x1  }
0xab: {  	v7 =	vsub.f32 $1.500000000e+00, v7;
	_ =	sdelay $0x1  }
0xac: {  	v5 =	vmul.f32 v5, v7;
	_ =	sdelay $0x1  }
0xad: {  	v7 =	vmul.f32 v5, v6;
	_ =	sdelay $0x1  }
0xae: {  	v7 =	vmul.f32 v7, v5;
	_ =	sdelay $0x1  }
0xaf: {  	v7 =	vsub.f32 $1.500000000e+00, v7;
	_ =	sdelay $0x1  }
0xb0: {  	v5 =	vmul.f32 v7, v5;
	_ =	sdelay $0x1  }
0xb1: {  	v6 =	vmul.f32 v5, v6;
	_ =	sdelay $0x1  }
0xb2: {  	v6 =	vmul.f32 v6, v5  }
0xb3: {  	v7 =	vmov s3;
	s3 =	smov.u32 s9  }
0xb4: {  	v7 =	vshll.u32 v7, $0x7;
	v6 =	vsub.f32 $1.500000000e+00, v6  }
0xb5: {  	v7 =	vor.u32 v0, v7  }
0xb6: {  	v5 =	vmul.f32 v6, v5;
	v6 =	vor.u32 $0x1, v7  }
0xb7: {  	v8 =	vor.u32 $0x2, v7  }
0xb8: {  	v9 =	vor.u32 $0x3, v7;
	v1 =	vmul.f32 v5, v1;
	v2 =	vmul.f32 v5, v2;
	_ =	sdelay $0x1  }
0xb9: {  	[tilespmem:v7+s13+$0x0] =	vst.idx.msk $0xffff, v1;
	v1 =	vmul.f32 v5, v3  }
0xba: {  	[tilespmem:v6+s13+$0x0] =	vst.idx.msk $0xffff, v2  }
0xbb: {  	[tilespmem:v8+s13+$0x0] =	vst.idx.msk $0xffff, v1  }
0xbc: {  	[tilespmem:v9+s13+$0x0] =	vst.idx.msk $0xffff, v4  }
0xbd: {  	v1 =	vld [tilespmem:s1+$0x0]  }
0xbe: {  	v2 =	vld [tilespmem:s2+$0x0];
	_ =	sdelay $0x3  }
0xbf: {  	v1 =	vmul.u32 $0x3, v1  }
0xc0: {  	v3 =	vmul.u32 $0x3, v2  }
0xc1: {  	v2 =	vadd.s32 $0x1, v1  }
0xc2: {  	v6 =	vadd.s32 $0x2, v1;
	v5 =	vadd.s32 $0x1, v3;
	v7 =	vadd.s32 $0x2, v3;
	_ =	sdelay $0x2  }
0xc3: {  	v1 =	vld.idx.msk [tilespmem:v1+s14+$0x0], $0xffff  }
.Ltmp1:
0xc4: {  	v2 =	vld.idx.msk [tilespmem:v2+s14+$0x0], $0xffff;
	(pc) =	sbr.rel @!p2 .LBB2_5-.Ltmp1, $4  }
0xc5: {  	v4 =	vld.idx.msk [tilespmem:v3+s14+$0x0], $0xffff  }
0xc6: {  	v5 =	vld.idx.msk [tilespmem:v5+s14+$0x0], $0xffff  }
0xc7: {  	v3 =	vld.idx.msk [tilespmem:v7+s14+$0x0], $0xffff  }
0xc8: {  	v6 =	vld.idx.msk [tilespmem:v6+s14+$0x0], $0xffff  }
0xc9: {  	_ =	sdelay $0x1  }
0xca: {  	v1 =	vsub.f32 v1, v4;
	v2 =	vsub.f32 v2, v5;
	_ =	sdelay $0x1  }
0xcb: {  	v4 =	vmul.f32 v1, v1;
	v3 =	vsub.f32 v6, v3;
	v5 =	vmul.f32 v2, v2;
	_ =	sdelay $0x1  }
0xcc: {  	v4 =	vadd.f32 v5, v4;
	v60 =	vmul.f32 v3, v3;
	_ =	sdelay $0x1  }
0xcd: {  	v4 =	vadd.f32 v60, v4;
	_ =	sdelay $0x1  }
0xce: {  	v5 =	vshra.s32 v4, $0x1;
	v61 =	vmul.f32 $5.000000000e-01, v4  }
0xcf: {  	v5 =	vsub.s32 $0x5F3759DF, v5  }
0xd0: {  	v7 =	vmul.f32 v5, v61;
	_ =	sdelay $0x1  }
0xd1: {  	v7 =	vmul.f32 v5, v7;
	_ =	sdelay $0x1  }
0xd2: {  	v7 =	vsub.f32 $1.500000000e+00, v7;
	_ =	sdelay $0x1  }
0xd3: {  	v5 =	vmul.f32 v5, v7;
	_ =	sdelay $0x1  }
0xd4: {  	v7 =	vmul.f32 v5, v61;
	_ =	sdelay $0x1  }
0xd5: {  	v7 =	vmul.f32 v7, v5;
	_ =	sdelay $0x1  }
0xd6: {  	v7 =	vsub.f32 $1.500000000e+00, v7;
	_ =	sdelay $0x1  }
0xd7: {  	v5 =	vmul.f32 v7, v5;
	_ =	sdelay $0x1  }
0xd8: {  	v6 =	vmul.f32 v5, v61;
	_ =	sdelay $0x1  }
0xd9: {  	v6 =	vmul.f32 v6, v5  }
0xda: {  	v62 =	vmov s3  }
0xdb: {  	v7 =	vshll.u32 v62, $0x7;
	v6 =	vsub.f32 $1.500000000e+00, v6  }
0xdc: {  	v7 =	vor.u32 v0, v7  }
0xdd: {  	v63 =	vor.u32 $0x1, v7;
	v5 =	vmul.f32 v6, v5  }
0xde: {  	v8 =	vor.u32 $0x2, v7  }
0xdf: {  	v9 =	vor.u32 $0x3, v7;
	v1 =	vmul.f32 v5, v1  }
0xe0: {  	s15 =	sand.u32 $0x1, s29;
	v2 =	vmul.f32 v5, v2  }
0xe1: {  	s1 =	sshll.u32 s15, $0x10;
	[tilespmem:v7+s13+$0x0] =	vst.idx.msk $0xffff, v1;
	v1 =	vmul.f32 v5, v3  }
0xe2: {  	s3 =	sshrl.u32 s1, $0x2;
	[tilespmem:v63+s13+$0x0] =	vst.idx.msk $0xffff, v2  }
0xe3: {  	s1 =	sadd.s32 $0xFA70, s3;
	[tilespmem:v8+s13+$0x0] =	vst.idx.msk $0xffff, v1  }
0xe4: {  	v1 =	vmov s1;
	s1 =	simm.s32 $0x0;
	[tilespmem:v9+s13+$0x0] =	vst.idx.msk $0xffff, v4  }
0xe5: {  	v2 =	vld [tilespmem:s1+$0x0]  }
0xe6: {  	v3 =	vld [tilespmem:s1+$0x2000];
	_ =	sdelay $0x4  }
0xe7: {  	v2 =	vadd.f32 v3, v2;
	_ =	sdelay $0x1  }
0xe8: {  	[tilespmem:v1+s1+$0xFFFFFF90 ss:$0x1] =	vst.idx.msk $0xffff, v2  }
0xe9: {  	v2 =	vld [tilespmem:s1+$0x10]  }
0xea: {  	v3 =	vld [tilespmem:s1+$0x2010];
	_ =	sdelay $0x4  }
0xeb: {  	v2 =	vadd.f32 v3, v2;
	_ =	sdelay $0x1  }
0xec: {  	[tilespmem:v1+s1+$0xFFFFFFA0 ss:$0x1] =	vst.idx.msk $0xffff, v2  }
0xed: {  	v2 =	vld [tilespmem:s1+$0x20]  }
0xee: {  	v3 =	vld [tilespmem:s1+$0x2020];
	_ =	sdelay $0x4  }
0xef: {  	v2 =	vadd.f32 v3, v2;
	_ =	sdelay $0x1  }
0xf0: {  	[tilespmem:v1+s1+$0xFFFFFFB0 ss:$0x1] =	vst.idx.msk $0xffff, v2  }
0xf1: {  	v2 =	vld [tilespmem:s1+$0x30]  }
0xf2: {  	v3 =	vld [tilespmem:s1+$0x2030];
	_ =	sdelay $0x4  }
0xf3: {  	v2 =	vadd.f32 v3, v2;
	_ =	sdelay $0x1  }
0xf4: {  	[tilespmem:v1+s1+$0xFFFFFFC0 ss:$0x1] =	vst.idx.msk $0xffff, v2  }
0xf5: {  	v2 =	vld [tilespmem:s1+$0x40]  }
0xf6: {  	v3 =	vld [tilespmem:s1+$0x2040];
	_ =	sdelay $0x4  }
0xf7: {  	v2 =	vadd.f32 v3, v2;
	_ =	sdelay $0x1  }
0xf8: {  	[tilespmem:v1+s1+$0xFFFFFFD0 ss:$0x1] =	vst.idx.msk $0xffff, v2  }
0xf9: {  	v2 =	vld [tilespmem:s1+$0x50]  }
0xfa: {  	v3 =	vld [tilespmem:s1+$0x2050];
	_ =	sdelay $0x4  }
0xfb: {  	v2 =	vadd.f32 v3, v2;
	_ =	sdelay $0x1  }
0xfc: {  	[tilespmem:v1+s1+$0xFFFFFFE0 ss:$0x1] =	vst.idx.msk $0xffff, v2  }
0xfd: {  	v2 =	vld [tilespmem:s1+$0x60]  }
0xfe: {  	v3 =	vld [tilespmem:s1+$0x2060];
	_ =	sdelay $0x4  }
0xff: {  	v2 =	vadd.f32 v3, v2;
	_ =	sdelay $0x1  }
0x100: {  	s2 =	simm.s32 $0x200;
	s24 =	sadd.s32 $0xFA00, s3;
	[tilespmem:v1+s1+$0xFFFFFFF0 ss:$0x1] =	vst.idx.msk $0xffff, v2  }
.LBB2_7:
0x101: {  	p2 =	sne.s32 s2, $0x7E00;
	v2 =	vld [tilespmem:s1+$0x70];
	s8 =	smov.u32 s2;
	s2 =	sadd.s32 $0x200, s2  }
0x102: {  	v3 =	vld [tilespmem:s1+$0x2070];
	_ =	sdelay $0x4  }
0x103: {  	v2 =	vadd.f32 v3, v2;
	_ =	sdelay $0x1  }
0x104: {  	[tilespmem:v1+s1+$0x0 ss:$0x1] =	vst.idx.msk $0xffff, v2;
	s1 =	sshra.s32 s8, $0x2  }
0x105: {  	v2 =	vld [tilespmem:s1+$0x0]  }
0x106: {  	v3 =	vld [tilespmem:s1+$0x2000];
	_ =	sdelay $0x4  }
0x107: {  	v2 =	vadd.f32 v3, v2;
	_ =	sdelay $0x1  }
0x108: {  	[tilespmem:v1+s1+$0xFFFFFF90 ss:$0x1] =	vst.idx.msk $0xffff, v2  }
0x109: {  	v2 =	vld [tilespmem:s1+$0x10]  }
0x10a: {  	v3 =	vld [tilespmem:s1+$0x2010];
	_ =	sdelay $0x4  }
0x10b: {  	v2 =	vadd.f32 v3, v2;
	_ =	sdelay $0x1  }
0x10c: {  	[tilespmem:v1+s1+$0xFFFFFFA0 ss:$0x1] =	vst.idx.msk $0xffff, v2  }
0x10d: {  	v2 =	vld [tilespmem:s1+$0x20]  }
0x10e: {  	v3 =	vld [tilespmem:s1+$0x2020];
	_ =	sdelay $0x4  }
0x10f: {  	v2 =	vadd.f32 v3, v2;
	_ =	sdelay $0x1  }
0x110: {  	[tilespmem:v1+s1+$0xFFFFFFB0 ss:$0x1] =	vst.idx.msk $0xffff, v2  }
0x111: {  	v2 =	vld [tilespmem:s1+$0x30]  }
0x112: {  	v3 =	vld [tilespmem:s1+$0x2030];
	_ =	sdelay $0x4  }
0x113: {  	v2 =	vadd.f32 v3, v2;
	_ =	sdelay $0x1  }
0x114: {  	[tilespmem:v1+s1+$0xFFFFFFC0 ss:$0x1] =	vst.idx.msk $0xffff, v2  }
0x115: {  	v2 =	vld [tilespmem:s1+$0x40]  }
0x116: {  	v3 =	vld [tilespmem:s1+$0x2040];
	_ =	sdelay $0x4  }
0x117: {  	v2 =	vadd.f32 v3, v2;
	_ =	sdelay $0x1  }
0x118: {  	[tilespmem:v1+s1+$0xFFFFFFD0 ss:$0x1] =	vst.idx.msk $0xffff, v2  }
0x119: {  	v2 =	vld [tilespmem:s1+$0x50]  }
0x11a: {  	v3 =	vld [tilespmem:s1+$0x2050];
	_ =	sdelay $0x4  }
0x11b: {  	v2 =	vadd.f32 v3, v2;
	_ =	sdelay $0x1  }
0x11c: {  	[tilespmem:v1+s1+$0xFFFFFFE0 ss:$0x1] =	vst.idx.msk $0xffff, v2  }
0x11d: {  	v2 =	vld [tilespmem:s1+$0x60]  }
0x11e: {  	v3 =	vld [tilespmem:s1+$0x2060];
	_ =	sdelay $0x2  }
.Ltmp2:
0x11f: {  	(pc) =	sbr.rel @p2 .LBB2_7-.Ltmp2, $3  }
0x120: {  	_ = 	snop  }
0x121: {  	v2 =	vadd.f32 v3, v2;
	_ =	sdelay $0x1  }
0x122: {  	[tilespmem:v1+s1+$0xFFFFFFF0 ss:$0x1] =	vst.idx.msk $0xffff, v2  }
0x123: {  	v2 =	vld [tilespmem:s1+$0x70]  }
0x124: {  	v3 =	vld [tilespmem:s1+$0x2070];
	_ =	sdelay $0x4  }
0x125: {  	v2 =	vadd.f32 v3, v2;
	_ =	sdelay $0x1  }
0x126: {  	[tilespmem:v1+s1+$0x0 ss:$0x1] =	vst.idx.msk $0xffff, v2  }
0x127: {  	_ =	swait.ge [sflag:s20], $0x2000  }
0x128: {  	[sflag:s20] =	ssyncset.done $0x0  }
0x129: {  	[sflag:s20] =	ssyncadd.s32 $0xFFFFE000  }
0x12a: {  	_ =	swait.ge [sflag:s21], $0x2000  }
0x12b: {  	[sflag:s21] =	ssyncset.done $0x0  }
0x12c: {  	s1 =	simm.s32 $0x0;
	[sflag:s21] =	ssyncadd.s32 $0xFFFFE000  }
0x12d: {  	v2 =	vld [tilespmem:s1+$0x4000]  }
0x12e: {  	v3 =	vld [tilespmem:s1+$0x6000]  }
0x12f: {  	s2 =	sadd.s32 $0x11A00, s3  }
0x130: {  	v1 =	vmov s2;
	_ =	sdelay $0x2  }
0x131: {  	v2 =	vadd.f32 v3, v2;
	_ =	sdelay $0x1  }
0x132: {  	[tilespmem:v1+s1+$0x0 ss:$0x1] =	vst.idx.msk $0xffff, v2  }
0x133: {  	v2 =	vld [tilespmem:s1+$0x4010]  }
0x134: {  	v3 =	vld [tilespmem:s1+$0x6010];
	_ =	sdelay $0x4  }
0x135: {  	v2 =	vadd.f32 v3, v2;
	_ =	sdelay $0x1  }
0x136: {  	[tilespmem:v1+s1+$0x10 ss:$0x1] =	vst.idx.msk $0xffff, v2  }
0x137: {  	v2 =	vld [tilespmem:s1+$0x4020]  }
0x138: {  	v3 =	vld [tilespmem:s1+$0x6020];
	_ =	sdelay $0x4  }
0x139: {  	v2 =	vadd.f32 v3, v2;
	_ =	sdelay $0x1  }
0x13a: {  	[tilespmem:v1+s1+$0x20 ss:$0x1] =	vst.idx.msk $0xffff, v2  }
0x13b: {  	v2 =	vld [tilespmem:s1+$0x4030]  }
0x13c: {  	v3 =	vld [tilespmem:s1+$0x6030];
	_ =	sdelay $0x4  }
0x13d: {  	v2 =	vadd.f32 v3, v2;
	_ =	sdelay $0x1  }
0x13e: {  	[tilespmem:v1+s1+$0x30 ss:$0x1] =	vst.idx.msk $0xffff, v2  }
0x13f: {  	v2 =	vld [tilespmem:s1+$0x4040]  }
0x140: {  	v3 =	vld [tilespmem:s1+$0x6040];
	_ =	sdelay $0x4  }
0x141: {  	v2 =	vadd.f32 v3, v2;
	_ =	sdelay $0x1  }
0x142: {  	[tilespmem:v1+s1+$0x40 ss:$0x1] =	vst.idx.msk $0xffff, v2  }
0x143: {  	v2 =	vld [tilespmem:s1+$0x4050]  }
0x144: {  	v3 =	vld [tilespmem:s1+$0x6050];
	_ =	sdelay $0x4  }
0x145: {  	v2 =	vadd.f32 v3, v2;
	_ =	sdelay $0x1  }
0x146: {  	[tilespmem:v1+s1+$0x50 ss:$0x1] =	vst.idx.msk $0xffff, v2  }
0x147: {  	v2 =	vld [tilespmem:s1+$0x4060]  }
0x148: {  	v3 =	vld [tilespmem:s1+$0x6060];
	_ =	sdelay $0x4  }
0x149: {  	v2 =	vadd.f32 v3, v2;
	_ =	sdelay $0x1  }
0x14a: {  	s2 =	simm.s32 $0x200;
	[tilespmem:v1+s1+$0x60 ss:$0x1] =	vst.idx.msk $0xffff, v2  }
.LBB2_9:
0x14b: {  	p2 =	sne.s32 s2, $0x7E00;
	v2 =	vld [tilespmem:s1+$0x4070];
	s3 =	smov.u32 s2;
	s2 =	sadd.s32 $0x200, s2  }
0x14c: {  	v3 =	vld [tilespmem:s1+$0x6070];
	_ =	sdelay $0x4  }
0x14d: {  	v2 =	vadd.f32 v3, v2;
	_ =	sdelay $0x1  }
0x14e: {  	[tilespmem:v1+s1+$0x70 ss:$0x1] =	vst.idx.msk $0xffff, v2;
	s1 =	sshra.s32 s3, $0x2  }
0x14f: {  	v2 =	vld [tilespmem:s1+$0x4000]  }
0x150: {  	v3 =	vld [tilespmem:s1+$0x6000];
	_ =	sdelay $0x4  }
0x151: {  	v2 =	vadd.f32 v3, v2;
	_ =	sdelay $0x1  }
0x152: {  	[tilespmem:v1+s1+$0x0 ss:$0x1] =	vst.idx.msk $0xffff, v2  }
0x153: {  	v2 =	vld [tilespmem:s1+$0x4010]  }
0x154: {  	v3 =	vld [tilespmem:s1+$0x6010];
	_ =	sdelay $0x4  }
0x155: {  	v2 =	vadd.f32 v3, v2;
	_ =	sdelay $0x1  }
0x156: {  	[tilespmem:v1+s1+$0x10 ss:$0x1] =	vst.idx.msk $0xffff, v2  }
0x157: {  	v2 =	vld [tilespmem:s1+$0x4020]  }
0x158: {  	v3 =	vld [tilespmem:s1+$0x6020];
	_ =	sdelay $0x4  }
0x159: {  	v2 =	vadd.f32 v3, v2;
	_ =	sdelay $0x1  }
0x15a: {  	[tilespmem:v1+s1+$0x20 ss:$0x1] =	vst.idx.msk $0xffff, v2  }
0x15b: {  	v2 =	vld [tilespmem:s1+$0x4030]  }
0x15c: {  	v3 =	vld [tilespmem:s1+$0x6030];
	_ =	sdelay $0x4  }
0x15d: {  	v2 =	vadd.f32 v3, v2;
	_ =	sdelay $0x1  }
0x15e: {  	[tilespmem:v1+s1+$0x30 ss:$0x1] =	vst.idx.msk $0xffff, v2  }
0x15f: {  	v2 =	vld [tilespmem:s1+$0x4040]  }
0x160: {  	v3 =	vld [tilespmem:s1+$0x6040];
	_ =	sdelay $0x4  }
0x161: {  	v2 =	vadd.f32 v3, v2;
	_ =	sdelay $0x1  }
0x162: {  	[tilespmem:v1+s1+$0x40 ss:$0x1] =	vst.idx.msk $0xffff, v2  }
0x163: {  	v2 =	vld [tilespmem:s1+$0x4050]  }
0x164: {  	v3 =	vld [tilespmem:s1+$0x6050];
	_ =	sdelay $0x4  }
0x165: {  	v2 =	vadd.f32 v3, v2;
	_ =	sdelay $0x1  }
0x166: {  	[tilespmem:v1+s1+$0x50 ss:$0x1] =	vst.idx.msk $0xffff, v2  }
0x167: {  	v2 =	vld [tilespmem:s1+$0x4060]  }
0x168: {  	v3 =	vld [tilespmem:s1+$0x6060];
	_ =	sdelay $0x2  }
.Ltmp3:
0x169: {  	(pc) =	sbr.rel @p2 .LBB2_9-.Ltmp3, $3  }
0x16a: {  	_ = 	snop  }
0x16b: {  	v2 =	vadd.f32 v3, v2;
	_ =	sdelay $0x1  }
0x16c: {  	[tilespmem:v1+s1+$0x60 ss:$0x1] =	vst.idx.msk $0xffff, v2  }
0x16d: {  	v2 =	vld [tilespmem:s1+$0x4070]  }
0x16e: {  	v3 =	vld [tilespmem:s1+$0x6070];
	_ =	sdelay $0x4  }
0x16f: {  	v2 =	vadd.f32 v3, v2;
	_ =	sdelay $0x1  }
0x170: {  	[tilespmem:v1+s1+$0x70 ss:$0x1] =	vst.idx.msk $0xffff, v2  }
0x171: {  	p0 =	por p0, !p1;
	s1 =	simm.s32 $0x0;
	_ =	strace $0x9000004D  }
0x172: {  	s1 =	sshll.u32 @p0 s12, $0xB;
	_ =	strace @p0 $0x8000004E  }
0x173: {  	s1 =	sand.u32 @p0 $0x1FFFF800, s1;
	s3 =	rddreg @p0 [dreg:$0x5]  }
0x174: {  	s2 =	sadd.s32 @p0 $0x7, s15;
	s8 =	simm.s32 @p0 $0x0;
	s3 =	sadd.s32 @p0 s3, s1  }
0x175: {  	[hbm4b:s3+s8] =	stream.linear.scatter @p0 [tilespmem:s24], [sflag:s2], $0x4000, $0x200038;
	[tilespmem:$0x1FA00] =	vst v63  }
0x176: {  	_ =	strace @p0 $0x9000004E  }
0x177: {  	_ =	strace @p0 $0x8000004F  }
0x178: {  	s3 =	rddreg @p0 [dreg:$0x6]  }
0x179: {  	s29 =	sadd.s32 @p0 $0x1, s29;
	s2 =	sadd.s32 @p0 $0x9, s11;
	s1 =	sadd.s32 @p0 s3, s1  }
0x17a: {  	[hbm4b:s1+s8] =	stream.linear.scatter @p0 [tilespmem:s13], [sflag:s2], $0x4000, $0x200038;
	[tilespmem:$0x1FA00] =	vst v63  }
0x17b: {  	s1 =	simm.s32 @p0 $0x1;
	_ =	strace @p0 $0x9000004F;
	p0 =	seq.s32 s16, $0x0  }
0x17c: {  	s2 =	sand.u32 @!p0 $0x1, s17  }
0x17d: {  	_ =	strace @!p0 $0x80000050;
	s2 =	sadd.s32 @!p0 $0x7, s2  }
0x17e: {  	_ =	swait.ge @!p0 [sflag:s2], $0x4000  }
0x17f: {  	[sflag:s2] =	ssyncset.done @!p0 $0x0  }
0x180: {  	[sflag:s2] =	ssyncadd.s32 @!p0 $0xFFFFC000  }
0x181: {  	s2 =	sand.u32 @!p0 $0x1, s25;
	_ =	strace @!p0 $0x90000050  }
0x182: {  	s2 =	sadd.s32 @!p0 $0x9, s2;
	_ =	strace @!p0 $0x80000051  }
0x183: {  	_ =	swait.ge @!p0 [sflag:s2], $0x4000  }
0x184: {  	s16 =	sadd.s32 $0x1, s16;
	s13 =	sadd.s32 @!p0 $0x1, s17;
	[sflag:s2] =	ssyncset.done @!p0 $0x0  }
0x185: {  	s13 =	smov.u32 @p0 s17;
	[sflag:s2] =	ssyncadd.s32 @!p0 $0xFFFFC000;
	s2 =	simm.s32 @!p0 $0x1  }
0x186: {  	_ =	strace @!p0 $0x90000051;
	s2 =	simm.s32 @p0 $0x0;
	p0 =	sne.s32 s16, $0x28  }
.Ltmp4:
0x187: {  	_ = 	snop;
	(pc) =	sbr.rel @p0 .LBB2_2-.Ltmp4, $3  }
0x188: {  	_ =	sdelay $0x1  }
0x189: {  	s31 =	sadd.s32 s31, s7;
	s28 =	sadd.s32 s28, s1  }
0x18a: {  	s0 =	sadd.s32 s0, s1;
	s30 =	sadd.s32 s30, s1;
	s25 =	sadd.s32 s25, s2  }
0x18b: {  	s0 =	sand.u32 $0x1, s13  }
0x18c: {  	_ =	strace $0x80000052;
	s0 =	sadd.s32 $0x7, s0  }
0x18d: {  	_ =	swait.ge [sflag:s0], $0x4000  }
0x18e: {  	s1 =	sand.u32 $0x1, s25;
	[sflag:s0] =	ssyncset.done $0x0  }
0x18f: {  	s29 =	sadd.s32 $0x9, s1;
	[sflag:s0] =	ssyncadd.s32 $0xFFFFC000  }
0x190: {  	_ =	swait.ge [sflag:s29], $0x4000  }
0x191: {  	s30 =	rddreg [dreg:$0xa]  }
0x192: {  	s31 =	rddreg [dreg:$0x9];
	s1 =	sadd.s32 $0x1, s30  }
0x193: {  	p0 =	sne.s32 s1, s31  }
.Ltmp5:
0x194: {  	_ = 	snop;
	(pc) =	sbr.rel @p0 .LBB2_1-.Ltmp5, $4  }
0x195: {  	_ = 	snop  }
0x196: {  	[sflag:s29] =	ssyncset.done $0x0  }
0x197: {  	[sflag:s29] =	ssyncadd.s32 $0xFFFFC000  }
0x198: {  	_ =	strace $0x90000052  }
0x199: {  	_ =	sfence.sel $0x180000  }
0x19a: {  	[bflag:$0x0] =	sbarrier.arrive $0xFFFF  }
0x19b: {  	_ =	strace $0x90000047  }
0x19c: {  	s0 =	stileid.u32;
	[bflag:$0x2] =	sbarrier.arrive $0xFFFF  }
0x19d: {  	p0 =	sne.s32 s0, $0x0;
	s0 =	rddreg [dreg:$0x3]  }
0x19e: {  	s0 =	sadd.s32 @!p0 $0x100000, s0  }
0x19f: {  	[sflag:s0] =	ssyncadd.tile.s32 @!p0 $0x1;
	_ =	shalt  }
.Lfunc_end2:
_tile_overlayer_lowered:
.L_overlay_start_2:
0x1a0: {  	(tag) =	ssettag $0x2  }
0x1a1: {  	s0 =	rddreg [dreg:$0x0];
	s2 =	stileid.u32  }
0x1a2: {  	s1 =	rddreg [dreg:$0x1];
	p0 =	sne.s32 s2, $0x0  }
0x1a3: {  	s3 =	rddreg [dreg:$0x2];
	[bflag:$0x3] =	sbarrier.arrive $0xFFFF;
	s2 =	simm.s32 @!p0 $0x1C03  }
0x1a4: {  	[timem:s3], [sflag:s2] =	dma.local @!p0 [hbm:s0], s1  }
0x1a5: {  	s0 =	simm.s32 @!p0 $0x3  }
0x1a6: {  	_ =	swait.ge @!p0 [sflag:s0], s1  }
0x1a7: {  	s1 =	ssub.s32 @!p0 $0x0, s1;
	[sflag:s0] =	ssyncset.done @!p0 $0x0  }
0x1a8: {  	[sflag:s0] =	ssyncadd.s32 @!p0 s1  }
0x1a9: {  	[bflag:$0x3] =	sbarrier.arrive $0xFFFF  }
0x1aa: {  	_ =	shalt  }

</sc_bundles>
